<compile_context>
chip_gen: v7x
topology: tpu7x:2x2x1
jax: 0.10.2.dev20260603
libtpu: 0.0.44.dev20260713+nightly
codegen_flags: <defaults>
</compile_context>

<pallas_src>
import functools

import jax
import jax.numpy as jnp
from jax import lax
from jax.experimental import pallas as pl
from jax.experimental.pallas import tpu as pltpu
from jax.experimental.pallas import tpu_sc as plsc

N = 10000
E = 320000
D = 128

NC = 2
NS = 16
NW = NC * NS
D2 = D // 2
ACHUNK = 125
NCHUNK = E // NW // ACHUNK
NCHA = E // NS // ACHUNK
NBUF = 4

DSEG = 624
DTAIL = N - NS * DSEG

@functools.cache
def _mesh():
    return plsc.VectorSubcoreMesh(
        core_axis_name="c", subcore_axis_name="s",
        num_cores=NC, num_subcores=NS)


def _zeros16():
    return jnp.zeros((16,), jnp.float32)


def _sc_deg_body(src_hbm, dst_hbm, od_hbm, id_hbm,
                 idxv, idxv2, onesv, zbuf, od_sh, id_sh, dsem, dsem2):
    c = lax.axis_index("c")
    s = lax.axis_index("s")
    w = c * NS + s

    @pl.loop(0, 40)
    def _zero_zbuf(i):
        zbuf[pl.ds(i * 16, 16)] = _zeros16()

    for j in range(128 // 16):
        onesv[pl.ds(j * 16, 16)] = jnp.ones((16,), jnp.float32)

    pltpu.sync_copy(zbuf.at[pl.ds(0, DSEG)], od_sh.at[pl.ds(s * DSEG, DSEG)])
    pltpu.sync_copy(zbuf.at[pl.ds(0, DSEG)], id_sh.at[pl.ds(s * DSEG, DSEG)])

    @pl.when(s == NS - 1)
    def _zero_tail():
        pltpu.sync_copy(zbuf.at[pl.ds(0, DTAIL)],
                        od_sh.at[pl.ds(NS * DSEG, DTAIL)])
        pltpu.sync_copy(zbuf.at[pl.ds(0, DTAIL)],
                        id_sh.at[pl.ds(NS * DSEG, DTAIL)])

    plsc.subcore_barrier()

    pltpu.sync_copy(src_hbm.at[s, pl.ds(c * NCHUNK, NCHUNK)], idxv)
    pltpu.sync_copy(dst_hbm.at[s, pl.ds(c * NCHUNK, NCHUNK)], idxv2)

    ones = onesv.at[pl.ds(0, ACHUNK)]

    @pl.loop(0, NCHUNK, step=8)
    def _scatter_deg(j):
        for b in range(8):
            pltpu.async_copy(ones, od_sh.at[idxv.at[j + b]], dsem, add=True)
            pltpu.async_copy(ones, id_sh.at[idxv2.at[j + b]], dsem2, add=True)
        for b in range(8):
            pltpu.make_async_copy(ones, od_sh.at[idxv.at[j + b]], dsem).wait()
            pltpu.make_async_copy(ones, id_sh.at[idxv2.at[j + b]],
                                  dsem2).wait()

    plsc.subcore_barrier()

    pltpu.sync_copy(od_sh.at[pl.ds(s * DSEG, DSEG)], zbuf.at[pl.ds(0, DSEG)])
    pltpu.sync_copy(zbuf.at[pl.ds(0, DSEG)],
                    od_hbm.at[pl.ds(c * N + s * DSEG, DSEG)])
    pltpu.sync_copy(id_sh.at[pl.ds(s * DSEG, DSEG)], zbuf.at[pl.ds(0, DSEG)])
    pltpu.sync_copy(zbuf.at[pl.ds(0, DSEG)],
                    id_hbm.at[pl.ds(c * N + s * DSEG, DSEG)])

    @pl.when(s == NS - 1)
    def _write_tail():
        pltpu.sync_copy(od_sh.at[pl.ds(NS * DSEG, DTAIL)],
                        zbuf.at[pl.ds(0, DTAIL)])
        pltpu.sync_copy(zbuf.at[pl.ds(0, DTAIL)],
                        od_hbm.at[pl.ds(c * N + NS * DSEG, DTAIL)])
        pltpu.sync_copy(id_sh.at[pl.ds(NS * DSEG, DTAIL)],
                        zbuf.at[pl.ds(0, DTAIL)])
        pltpu.sync_copy(zbuf.at[pl.ds(0, DTAIL)],
                        id_hbm.at[pl.ds(c * N + NS * DSEG, DTAIL)])


@functools.cache
def _sc_deg():
    return pl.kernel(
        _sc_deg_body,
        out_type=[
            jax.ShapeDtypeStruct((NC * N,), jnp.float32),
            jax.ShapeDtypeStruct((NC * N,), jnp.float32),
        ],
        mesh=_mesh(),
        scratch_types=[
            pltpu.VMEM((NCHUNK, ACHUNK), jnp.int32),
            pltpu.VMEM((NCHUNK, ACHUNK), jnp.int32),
            pltpu.VMEM((128,), jnp.float32),
            pltpu.VMEM((640,), jnp.float32),
            pltpu.VMEM_SHARED((N,), jnp.float32),
            pltpu.VMEM_SHARED((N,), jnp.float32),
            pltpu.SemaphoreType.DMA,
            pltpu.SemaphoreType.DMA,
        ],
    )


def _sc_agg_body(h_hbm, src2_hbm, dst_hbm, out_hbm,
                 srcv, dstv, buf0, buf1, buf2, buf3,
                 stg, stg2, agg_sh, gsem0, gsem1, gsem2, gsem3,
                 ssem0, ssem1, ssem2, ssem3, wsem):
    c = lax.axis_index("c")
    s = lax.axis_index("s")
    bufs = (buf0, buf1, buf2, buf3)
    gsems = (gsem0, gsem1, gsem2, gsem3)
    ssems = (ssem0, ssem1, ssem2, ssem3)

    pltpu.async_copy(src2_hbm.at[c, s], srcv, gsem0)
    pltpu.async_copy(dst_hbm.at[s], dstv, gsem1)

    @pl.loop(0, DSEG // 6)
    def _zero_stg(r):
        for j in range(D2 // 16):
            stg[r, pl.ds(j * 16, 16)] = _zeros16()

    @pl.loop(0, 6)
    def _zero_agg(k):
        pltpu.sync_copy(stg,
                        agg_sh.at[pl.ds(s * DSEG + k * (DSEG // 6), DSEG // 6)])

    @pl.when(s == NS - 1)
    def _zero_tail():
        pltpu.sync_copy(stg.at[pl.ds(0, DTAIL)],
                        agg_sh.at[pl.ds(NS * DSEG, DTAIL)])

    pltpu.make_async_copy(src2_hbm.at[c, s], srcv, gsem0).wait()
    pltpu.make_async_copy(dst_hbm.at[s], dstv, gsem1).wait()

    plsc.subcore_barrier()

    hc = h_hbm

    def start_gather(j, b):
        pltpu.async_copy(hc.at[srcv.at[j]], bufs[b], gsems[b])

    def wait_gather(j, b):
        pltpu.make_async_copy(hc.at[srcv.at[j]], bufs[b], gsems[b]).wait()

    def start_scatter(j, b):
        pltpu.async_copy(bufs[b], agg_sh.at[dstv.at[j]], ssems[b], add=True)

    def wait_scatter(j, b):
        pltpu.make_async_copy(bufs[b], agg_sh.at[dstv.at[j]],
                              ssems[b]).wait()

    for b in range(NBUF):
        start_gather(b, b)

    @pl.loop(0, NCHA - NBUF, step=NBUF)
    def _edge_loop(j):
        for b in range(NBUF):
            wait_gather(j + b, b)
            start_scatter(j + b, b)
        for b in range(NBUF):
            wait_scatter(j + b, b)
            start_gather(j + NBUF + b, b)

    for b in range(NBUF):
        wait_gather(NCHA - NBUF + b, b)
        start_scatter(NCHA - NBUF + b, b)
    for b in range(NBUF):
        wait_scatter(NCHA - NBUF + b, b)

    plsc.subcore_barrier()

    stgs = (stg, stg2)

    @pl.loop(0, 6, step=2)
    def _write_out(k):
        for b in range(2):
            r0 = s * DSEG + (k + b) * (DSEG // 6)
            pltpu.sync_copy(agg_sh.at[pl.ds(r0, DSEG // 6)], stgs[b])
            pltpu.async_copy(stgs[b],
                             out_hbm.at[pl.ds(r0, DSEG // 6),
                                        pl.ds(c * D2, D2)], wsem)
        for b in range(2):
            r0 = s * DSEG + (k + b) * (DSEG // 6)
            pltpu.make_async_copy(stgs[b],
                                  out_hbm.at[pl.ds(r0, DSEG // 6),
                                             pl.ds(c * D2, D2)], wsem).wait()

    @pl.when(s == NS - 1)
    def _write_tail():
        pltpu.sync_copy(agg_sh.at[pl.ds(NS * DSEG, DTAIL)],
                        stg.at[pl.ds(0, DTAIL)])
        pltpu.sync_copy(stg.at[pl.ds(0, DTAIL)],
                        out_hbm.at[pl.ds(NS * DSEG, DTAIL),
                                   pl.ds(c * D2, D2)])


@functools.cache
def _sc_agg():
    return pl.kernel(
        _sc_agg_body,
        out_type=jax.ShapeDtypeStruct((N, D), jnp.float32),
        mesh=_mesh(),
        compiler_params=pltpu.CompilerParams(use_tc_tiling_on_sc=False),
        scratch_types=[
            pltpu.VMEM((NCHA, ACHUNK), jnp.int32),
            pltpu.VMEM((NCHA, ACHUNK), jnp.int32),
            pltpu.VMEM((ACHUNK, D2), jnp.float32),
            pltpu.VMEM((ACHUNK, D2), jnp.float32),
            pltpu.VMEM((ACHUNK, D2), jnp.float32),
            pltpu.VMEM((ACHUNK, D2), jnp.float32),
            pltpu.VMEM((DSEG // 6, D2), jnp.float32),
            pltpu.VMEM((DSEG // 6, D2), jnp.float32),
            pltpu.VMEM_SHARED((N, D2), jnp.float32),
        ] + [pltpu.SemaphoreType.DMA] * 9,
    )


def _tc1_body(x_ref, w1_ref, od_ref, id_ref, h_ref, ns_ref, nd_ref):
    dpo = od_ref[...]
    dpi = id_ref[...]
    od = dpo[0] + dpo[1]
    ind = dpi[0] + dpi[1]
    ns = jnp.where(od > 0, lax.rsqrt(jnp.maximum(od, 1e-12)), 0.0)
    nd = jnp.where(ind > 0, lax.rsqrt(jnp.maximum(ind, 1e-12)), 0.0)
    ns_ref[...] = ns
    nd_ref[...] = nd
    xs = x_ref[...] * ns[:, None]
    h_ref[...] = jnp.dot(xs, w1_ref[...], preferred_element_type=jnp.float32)


_tc1 = pl.pallas_call(
    _tc1_body,
    out_shape=[
        jax.ShapeDtypeStruct((N, D), jnp.float32),
        jax.ShapeDtypeStruct((N,), jnp.float32),
        jax.ShapeDtypeStruct((N,), jnp.float32),
    ],
)


def _tc2_body(agg_ref, ns_ref, nd_ref, b1_ref, w2_ref, out_ref):
    a = agg_ref[...]
    h1 = jnp.maximum(a * nd_ref[...][:, None] + b1_ref[...], 0.0)
    out_ref[...] = jnp.dot(h1 * ns_ref[...][:, None], w2_ref[...],
                           preferred_element_type=jnp.float32)


_tc2 = pl.pallas_call(
    _tc2_body,
    out_shape=jax.ShapeDtypeStruct((N, D), jnp.float32),
)


def _tc3_body(agg_ref, nd_ref, b2_ref, out_ref):
    out_ref[...] = agg_ref[...] * nd_ref[...][:, None] + b2_ref[...]


_tc3 = pl.pallas_call(
    _tc3_body,
    out_shape=jax.ShapeDtypeStruct((N, D), jnp.float32),
)


def kernel(x, edge_index, W1, b1, W2, b2):
    ei = edge_index.astype(jnp.int32)
    src_a = ei[0].reshape(NS, NCHA, ACHUNK)
    dst_a = ei[1].reshape(NS, NCHA, ACHUNK)
    b1r = b1.reshape(1, D)
    b2r = b2.reshape(1, D)

    sc_deg = _sc_deg()
    sc_agg = _sc_agg()
    od_part, id_part = sc_deg(src_a, dst_a)
    src2 = jnp.stack([src_a * 2, src_a * 2 + 1])
    h1p, ns, nd = _tc1(x, W1, od_part.reshape(NC, N), id_part.reshape(NC, N))
    agg1 = sc_agg(h1p.reshape(2 * N, D2), src2, dst_a)
    h2p = _tc2(agg1, ns, nd, b1r, W2)
    agg2 = sc_agg(h2p.reshape(2 * N, D2), src2, dst_a)
    return _tc3(agg2, nd, b2r)

# --- scband reference (transcript-rebuilt; emitter-appended) ---
"""Pipeline reference for scband-gcn-12773232738508 (READ-ONLY COPY).

The authoritative reference and input builder live on the scoring server;
editing this copy changes nothing except your own understanding.
"""

import jax, jax.numpy as jnp
import numpy as np

N = 10000
E = 320000
D_IN = 128
D_HID = 128
D_OUT = 128


def setup_inputs(seed: int = 0) -> dict:
    key = jax.random.key(seed)
    k1, k2, k3, k4, k5, k6 = jax.random.split(key, 6)
    x = jax.random.normal(k1, (N, D_IN), dtype=jnp.float32)
    edge_index = jax.random.randint(k2, (2, E), 0, N)
    W1 = jax.random.normal(k3, (D_IN, D_HID), dtype=jnp.float32) / np.sqrt(D_IN)
    b1 = jnp.zeros((D_HID,), dtype=jnp.float32)
    W2 = jax.random.normal(k4, (D_HID, D_OUT), dtype=jnp.float32) / np.sqrt(D_HID)
    b2 = jnp.zeros((D_OUT,), dtype=jnp.float32)
    return {"x": x, "edge_index": edge_index, "W1": W1, "b1": b1, "W2": W2, "b2": b2}


def _graph_conv(h, src, dst, W, b, apply_act):
    # DGL GraphConv with norm='both', allow_zero_in_degree=True:
    # out = D_dst^{-1/2} A D_src^{-1/2} (h W) + b
    ones = jnp.ones((src.shape[0],), dtype=h.dtype)
    out_deg = jnp.zeros((N,), dtype=h.dtype).at[src].add(ones)
    in_deg = jnp.zeros((N,), dtype=h.dtype).at[dst].add(ones)
    norm_src = jnp.where(out_deg > 0, jax.lax.rsqrt(jnp.maximum(out_deg, 1e-12)), 0.0)
    norm_dst = jnp.where(in_deg > 0, jax.lax.rsqrt(jnp.maximum(in_deg, 1e-12)), 0.0)
    h = h * norm_src[:, None]
    h = h @ W
    msgs = jnp.take(h, src, axis=0)
    agg = jnp.zeros((N, W.shape[1]), dtype=h.dtype).at[dst].add(msgs)
    out = agg * norm_dst[:, None] + b
    if apply_act:
        out = jax.nn.relu(out)
    return out


def reference(x, edge_index, W1, b1, W2, b2):
    src = edge_index[0]
    dst = edge_index[1]
    h = _graph_conv(x, src, dst, W1, b1, apply_act=True)
    # dropout is identity in eval mode
    h = _graph_conv(h, src, dst, W2, b2, apply_act=False)
    return h

if __name__ == "__main__":
    import jax
    _d = setup_inputs()
    print(jax.jit(kernel)(*tuple(_d.values())))

</pallas_src>

<mosaic_0001>
#map = affine_map<(d0, d1) -> (0, 0)>
#map1 = affine_map<(d0, d1) -> (0, 0, 0, 0)>
#map2 = affine_map<(d0, d1) -> (0, 0, 0)>
module attributes {stable_mosaic.version = 14 : i64} {
  func.func @_sc_agg_body(%arg0: i32, %arg1: i32, %arg2: memref<20000x64xf32, #tpu.memory_space<hbm>>, %arg3: memref<2x16x160x125xi32, #tpu.memory_space<hbm>>, %arg4: memref<16x160x125xi32, #tpu.memory_space<hbm>>, %arg5: memref<10000x128xf32, #tpu.memory_space<hbm>>, %arg6: memref<160x125xi32, #tpu.memory_space<vmem>>, %arg7: memref<160x125xi32, #tpu.memory_space<vmem>>, %arg8: memref<125x64xf32, #tpu.memory_space<vmem>>, %arg9: memref<125x64xf32, #tpu.memory_space<vmem>>, %arg10: memref<125x64xf32, #tpu.memory_space<vmem>>, %arg11: memref<125x64xf32, #tpu.memory_space<vmem>>, %arg12: memref<104x64xf32, #tpu.memory_space<vmem>>, %arg13: memref<104x64xf32, #tpu.memory_space<vmem>>, %arg14: memref<10000x64xf32, #tpu.memory_space<vmem_shared>>, %arg15: memref<!tpu.dma_semaphore, #tpu.memory_space<semaphore_mem>>, %arg16: memref<!tpu.dma_semaphore, #tpu.memory_space<semaphore_mem>>, %arg17: memref<!tpu.dma_semaphore, #tpu.memory_space<semaphore_mem>>, %arg18: memref<!tpu.dma_semaphore, #tpu.memory_space<semaphore_mem>>, %arg19: memref<!tpu.dma_semaphore, #tpu.memory_space<semaphore_mem>>, %arg20: memref<!tpu.dma_semaphore, #tpu.memory_space<semaphore_mem>>, %arg21: memref<!tpu.dma_semaphore, #tpu.memory_space<semaphore_mem>>, %arg22: memref<!tpu.dma_semaphore, #tpu.memory_space<semaphore_mem>>, %arg23: memref<!tpu.dma_semaphore, #tpu.memory_space<semaphore_mem>>) attributes {dimension_semantics = [#tpu.dimension_semantics<core_parallel>, #tpu.dimension_semantics<subcore_parallel>], iteration_bounds = array<i64: 2, 16>, scalar_prefetch = 0 : i64, scratch_operands = 18 : i64, tpu.core_type = #tpu.core_type<sc_vector_subcore>, window_params = [{transform_indices = #map}, {transform_indices = #map1}, {transform_indices = #map2}, {transform_indices = #map}]} {
    %dma_start3A = arith.constant 0 : i32
    %dma_start3A_0 = arith.constant 0 : i32
    %dma_start3A_1 = tpu.memref_slice %arg3[%arg0, %arg1, %dma_start3A, %dma_start3A_0] : memref<2x16x160x125xi32, #tpu.memory_space<hbm>> -> memref<1x1x160x125xi32, #tpu.memory_space<hbm>>
    %dma_start3A_2 = tpu.memref_squeeze %dma_start3A_1 : memref<1x1x160x125xi32, #tpu.memory_space<hbm>> -> memref<160x125xi32, #tpu.memory_space<hbm>>
    %dma_start3A_3 = arith.constant 0 : i32
    %dma_start3A_4 = arith.constant 0 : i32
    %dma_start3A_5 = tpu.memref_slice %arg3[%arg0, %arg1, %dma_start3A_3, %dma_start3A_4] : memref<2x16x160x125xi32, #tpu.memory_space<hbm>> -> memref<1x1x160x125xi32, #tpu.memory_space<hbm>>
    %dma_start3A_6 = tpu.memref_squeeze %dma_start3A_5 : memref<1x1x160x125xi32, #tpu.memory_space<hbm>> -> memref<160x125xi32, #tpu.memory_space<hbm>>
    tpu.enqueue_dma source(%dma_start3A_6 : memref<160x125xi32, #tpu.memory_space<hbm>>) target(%arg6 : memref<160x125xi32, #tpu.memory_space<vmem>>) target_semaphore(%arg15 : memref<!tpu.dma_semaphore, #tpu.memory_space<semaphore_mem>>)
    %dma_start3A_7 = arith.constant 0 : i32
    %dma_start3A_8 = arith.constant 0 : i32
    %dma_start3A_9 = tpu.memref_slice %arg4[%arg1, %dma_start3A_7, %dma_start3A_8] : memref<16x160x125xi32, #tpu.memory_space<hbm>> -> memref<1x160x125xi32, #tpu.memory_space<hbm>>
    %dma_start3A_10 = tpu.memref_squeeze %dma_start3A_9 : memref<1x160x125xi32, #tpu.memory_space<hbm>> -> memref<160x125xi32, #tpu.memory_space<hbm>>
    %dma_start3A_11 = arith.constant 0 : i32
    %dma_start3A_12 = arith.constant 0 : i32
    %dma_start3A_13 = tpu.memref_slice %arg4[%arg1, %dma_start3A_11, %dma_start3A_12] : memref<16x160x125xi32, #tpu.memory_space<hbm>> -> memref<1x160x125xi32, #tpu.memory_space<hbm>>
    %dma_start3A_14 = tpu.memref_squeeze %dma_start3A_13 : memref<1x160x125xi32, #tpu.memory_space<hbm>> -> memref<160x125xi32, #tpu.memory_space<hbm>>
    tpu.enqueue_dma source(%dma_start3A_14 : memref<160x125xi32, #tpu.memory_space<hbm>>) target(%arg7 : memref<160x125xi32, #tpu.memory_space<vmem>>) target_semaphore(%arg16 : memref<!tpu.dma_semaphore, #tpu.memory_space<semaphore_mem>>)
    %scan3A = arith.constant 0 : i32
    %scan3A_15 = arith.constant 104 : i32
    %scan3A_16 = arith.addi %scan3A, %scan3A_15 : i32
    %scan3A_17 = arith.constant 1 : i32
    scf.for %scan3A_169 = %scan3A to %scan3A_16 step %scan3A_17  : i32 {
      %mul3A = arith.constant 1 : i32
      %mul3A_170 = arith.muli %scan3A_169, %mul3A : i32
      %add3A = arith.constant 0 : i32
      %add3A_171 = arith.addi %add3A, %mul3A_170 : i32
      %broadcast_in_dim3A = arith.constant 0.000000e+00 : f32
      %broadcast_in_dim3A_172 = vector.broadcast %broadcast_in_dim3A : f32 to vector<16xf32>
      %swap3A = arith.index_cast %add3A_171 : i32 to index
      %swap3A_173 = arith.constant 0 : index
      %swap3A_174 = tpu.vector_load %arg12[%swap3A, %swap3A_173] {strides = array<i32>} : memref<104x64xf32, #tpu.memory_space<vmem>>, vector<1x16xf32>,
      %swap3A_175 = vector.shape_cast %swap3A_174 : vector<1x16xf32> to vector<16xf32>
      %swap3A_176 = vector.shape_cast %broadcast_in_dim3A_172 : vector<16xf32> to vector<1x16xf32>
      tpu.vector_store %arg12[%swap3A, %swap3A_173], %swap3A_176 {strides = array<i32>} : memref<104x64xf32, #tpu.memory_space<vmem>>, vector<1x16xf32>,
      %broadcast_in_dim3A_177 = arith.constant 0.000000e+00 : f32
      %broadcast_in_dim3A_178 = vector.broadcast %broadcast_in_dim3A_177 : f32 to vector<16xf32>
      %swap3A_179 = arith.index_cast %add3A_171 : i32 to index
      %swap3A_180 = arith.constant 16 : index
      %swap3A_181 = tpu.vector_load %arg12[%swap3A_179, %swap3A_180] {strides = array<i32>} : memref<104x64xf32, #tpu.memory_space<vmem>>, vector<1x16xf32>,
      %swap3A_182 = vector.shape_cast %swap3A_181 : vector<1x16xf32> to vector<16xf32>
      %swap3A_183 = vector.shape_cast %broadcast_in_dim3A_178 : vector<16xf32> to vector<1x16xf32>
      tpu.vector_store %arg12[%swap3A_179, %swap3A_180], %swap3A_183 {strides = array<i32>} : memref<104x64xf32, #tpu.memory_space<vmem>>, vector<1x16xf32>,
      %broadcast_in_dim3A_184 = arith.constant 0.000000e+00 : f32
      %broadcast_in_dim3A_185 = vector.broadcast %broadcast_in_dim3A_184 : f32 to vector<16xf32>
      %swap3A_186 = arith.index_cast %add3A_171 : i32 to index
      %swap3A_187 = arith.constant 32 : index
      %swap3A_188 = tpu.vector_load %arg12[%swap3A_186, %swap3A_187] {strides = array<i32>} : memref<104x64xf32, #tpu.memory_space<vmem>>, vector<1x16xf32>,
      %swap3A_189 = vector.shape_cast %swap3A_188 : vector<1x16xf32> to vector<16xf32>
      %swap3A_190 = vector.shape_cast %broadcast_in_dim3A_185 : vector<16xf32> to vector<1x16xf32>
      tpu.vector_store %arg12[%swap3A_186, %swap3A_187], %swap3A_190 {strides = array<i32>} : memref<104x64xf32, #tpu.memory_space<vmem>>, vector<1x16xf32>,
      %broadcast_in_dim3A_191 = arith.constant 0.000000e+00 : f32
      %broadcast_in_dim3A_192 = vector.broadcast %broadcast_in_dim3A_191 : f32 to vector<16xf32>
      %swap3A_193 = arith.index_cast %add3A_171 : i32 to index
      %swap3A_194 = arith.constant 48 : index
      %swap3A_195 = tpu.vector_load %arg12[%swap3A_193, %swap3A_194] {strides = array<i32>} : memref<104x64xf32, #tpu.memory_space<vmem>>, vector<1x16xf32>,
      %swap3A_196 = vector.shape_cast %swap3A_195 : vector<1x16xf32> to vector<16xf32>
      %swap3A_197 = vector.shape_cast %broadcast_in_dim3A_192 : vector<16xf32> to vector<1x16xf32>
      tpu.vector_store %arg12[%swap3A_193, %swap3A_194], %swap3A_197 {strides = array<i32>} : memref<104x64xf32, #tpu.memory_space<vmem>>, vector<1x16xf32>,
    }
    %scan3A_18 = arith.constant 104 : i32
    %scan3A_19 = arith.constant 0 : i32
    %scan3A_20 = arith.constant 6 : i32
    %scan3A_21 = arith.addi %scan3A_19, %scan3A_20 : i32
    %scan3A_22 = arith.constant 1 : i32
    scf.for %scan3A_169 = %scan3A_19 to %scan3A_21 step %scan3A_22  : i32 {
      %mul3A = arith.constant 1 : i32
      %mul3A_170 = arith.muli %scan3A_169, %mul3A : i32
      %add3A = arith.constant 0 : i32
      %add3A_171 = arith.addi %add3A, %mul3A_170 : i32
      %mul3A_172 = arith.constant 624 : i32
      %mul3A_173 = arith.muli %arg1, %mul3A_172 : i32
      %mul3A_174 = arith.constant 104 : i32
      %mul3A_175 = arith.muli %add3A_171, %mul3A_174 : i32
      %add3A_176 = arith.addi %mul3A_173, %mul3A_175 : i32
      "tpu.region"() ({
        %run_scoped3A = tpu.sem_alloc : memref<!tpu.dma_semaphore, #tpu.memory_space<semaphore_mem>>
        %dma_start3A_177 = arith.constant 0 : i32
        %dma_start3A_178 = tpu.memref_slice %arg14[%add3A_176, %dma_start3A_177] : memref<10000x64xf32, #tpu.memory_space<vmem_shared>> -> memref<104x64xf32, #tpu.memory_space<vmem_shared>>
        %dma_start3A_179 = arith.constant 0 : i32
        %dma_start3A_180 = tpu.memref_slice %arg14[%add3A_176, %dma_start3A_179] : memref<10000x64xf32, #tpu.memory_space<vmem_shared>> -> memref<104x64xf32, #tpu.memory_space<vmem_shared>>
        tpu.enqueue_dma source(%arg12 : memref<104x64xf32, #tpu.memory_space<vmem>>) target(%dma_start3A_180 : memref<104x64xf32, #tpu.memory_space<vmem_shared>>) target_semaphore(%run_scoped3A : memref<!tpu.dma_semaphore, #tpu.memory_space<semaphore_mem>>)
        %dma_wait3A_181 = arith.constant 0 : i32
        %dma_wait3A_182 = tpu.memref_slice %arg14[%add3A_176, %dma_wait3A_181] : memref<10000x64xf32, #tpu.memory_space<vmem_shared>> -> memref<104x64xf32, #tpu.memory_space<vmem_shared>>
        %dma_wait3A_183 = arith.constant 0 : i32
        %dma_wait3A_184 = tpu.memref_slice %arg14[%add3A_176, %dma_wait3A_183] : memref<10000x64xf32, #tpu.memory_space<vmem_shared>> -> memref<104x64xf32, #tpu.memory_space<vmem_shared>>
        tpu.wait_dma2 semaphore(%run_scoped3A : memref<!tpu.dma_semaphore, #tpu.memory_space<semaphore_mem>>) src(%arg12 : memref<104x64xf32, #tpu.memory_space<vmem>>) dst(%dma_wait3A_184 : memref<104x64xf32, #tpu.memory_space<vmem_shared>>)
        tpu.yield
      }) : () -> ()
    }
    %scan3A_23 = arith.constant 6 : i32
    %eq3A = arith.constant 15 : i32
    %eq3A_24 = arith.cmpi eq, %arg1, %eq3A : i32
    %convert_element_type3A = arith.extui %eq3A_24 : i1 to i32
    %cond3A = arith.constant 0 : i32
    %cond3A_25 = arith.cmpi ne, %convert_element_type3A, %cond3A : i32
    scf.if %cond3A_25 {
      "tpu.region"() ({
        %run_scoped3A = tpu.sem_alloc : memref<!tpu.dma_semaphore, #tpu.memory_space<semaphore_mem>>
        %dma_start3A_169 = arith.constant 0 : i32
        %dma_start3A_170 = arith.constant 0 : i32
        %dma_start3A_171 = tpu.memref_slice %arg12[%dma_start3A_169, %dma_start3A_170] : memref<104x64xf32, #tpu.memory_space<vmem>> -> memref<16x64xf32, #tpu.memory_space<vmem>>
        %dma_start3A_172 = arith.constant 9984 : i32
        %dma_start3A_173 = arith.constant 0 : i32
        %dma_start3A_174 = tpu.memref_slice %arg14[%dma_start3A_172, %dma_start3A_173] : memref<10000x64xf32, #tpu.memory_space<vmem_shared>> -> memref<16x64xf32, #tpu.memory_space<vmem_shared>>
        %dma_start3A_175 = arith.constant 9984 : i32
        %dma_start3A_176 = arith.constant 0 : i32
        %dma_start3A_177 = tpu.memref_slice %arg14[%dma_start3A_175, %dma_start3A_176] : memref<10000x64xf32, #tpu.memory_space<vmem_shared>> -> memref<16x64xf32, #tpu.memory_space<vmem_shared>>
        %dma_start3A_178 = arith.constant 0 : i32
        %dma_start3A_179 = arith.constant 0 : i32
        %dma_start3A_180 = tpu.memref_slice %arg12[%dma_start3A_178, %dma_start3A_179] : memref<104x64xf32, #tpu.memory_space<vmem>> -> memref<16x64xf32, #tpu.memory_space<vmem>>
        tpu.enqueue_dma source(%dma_start3A_180 : memref<16x64xf32, #tpu.memory_space<vmem>>) target(%dma_start3A_177 : memref<16x64xf32, #tpu.memory_space<vmem_shared>>) target_semaphore(%run_scoped3A : memref<!tpu.dma_semaphore, #tpu.memory_space<semaphore_mem>>)
        %dma_wait3A_181 = arith.constant 0 : i32
        %dma_wait3A_182 = arith.constant 0 : i32
        %dma_wait3A_183 = tpu.memref_slice %arg12[%dma_wait3A_181, %dma_wait3A_182] : memref<104x64xf32, #tpu.memory_space<vmem>> -> memref<16x64xf32, #tpu.memory_space<vmem>>
        %dma_wait3A_184 = arith.constant 9984 : i32
        %dma_wait3A_185 = arith.constant 0 : i32
        %dma_wait3A_186 = tpu.memref_slice %arg14[%dma_wait3A_184, %dma_wait3A_185] : memref<10000x64xf32, #tpu.memory_space<vmem_shared>> -> memref<16x64xf32, #tpu.memory_space<vmem_shared>>
        %dma_wait3A_187 = arith.constant 9984 : i32
        %dma_wait3A_188 = arith.constant 0 : i32
        %dma_wait3A_189 = tpu.memref_slice %arg14[%dma_wait3A_187, %dma_wait3A_188] : memref<10000x64xf32, #tpu.memory_space<vmem_shared>> -> memref<16x64xf32, #tpu.memory_space<vmem_shared>>
        %dma_wait3A_190 = arith.constant 0 : i32
        %dma_wait3A_191 = arith.constant 0 : i32
        %dma_wait3A_192 = tpu.memref_slice %arg12[%dma_wait3A_190, %dma_wait3A_191] : memref<104x64xf32, #tpu.memory_space<vmem>> -> memref<16x64xf32, #tpu.memory_space<vmem>>
        tpu.wait_dma2 semaphore(%run_scoped3A : memref<!tpu.dma_semaphore, #tpu.memory_space<semaphore_mem>>) src(%dma_wait3A_192 : memref<16x64xf32, #tpu.memory_space<vmem>>) dst(%dma_wait3A_189 : memref<16x64xf32, #tpu.memory_space<vmem_shared>>)
        tpu.yield
      }) : () -> ()
    } else {
    }
    %dma_wait3A = arith.constant 0 : i32
    %dma_wait3A_26 = arith.constant 0 : i32
    %dma_wait3A_27 = tpu.memref_slice %arg3[%arg0, %arg1, %dma_wait3A, %dma_wait3A_26] : memref<2x16x160x125xi32, #tpu.memory_space<hbm>> -> memref<1x1x160x125xi32, #tpu.memory_space<hbm>>
    %dma_wait3A_28 = tpu.memref_squeeze %dma_wait3A_27 : memref<1x1x160x125xi32, #tpu.memory_space<hbm>> -> memref<160x125xi32, #tpu.memory_space<hbm>>
    %dma_wait3A_29 = arith.constant 0 : i32
    %dma_wait3A_30 = arith.constant 0 : i32
    %dma_wait3A_31 = tpu.memref_slice %arg3[%arg0, %arg1, %dma_wait3A_29, %dma_wait3A_30] : memref<2x16x160x125xi32, #tpu.memory_space<hbm>> -> memref<1x1x160x125xi32, #tpu.memory_space<hbm>>
    %dma_wait3A_32 = tpu.memref_squeeze %dma_wait3A_31 : memref<1x1x160x125xi32, #tpu.memory_space<hbm>> -> memref<160x125xi32, #tpu.memory_space<hbm>>
    tpu.wait_dma2 semaphore(%arg15 : memref<!tpu.dma_semaphore, #tpu.memory_space<semaphore_mem>>) src(%dma_wait3A_32 : memref<160x125xi32, #tpu.memory_space<hbm>>) dst(%arg6 : memref<160x125xi32, #tpu.memory_space<vmem>>)
    %dma_wait3A_33 = arith.constant 0 : i32
    %dma_wait3A_34 = arith.constant 0 : i32
    %dma_wait3A_35 = tpu.memref_slice %arg4[%arg1, %dma_wait3A_33, %dma_wait3A_34] : memref<16x160x125xi32, #tpu.memory_space<hbm>> -> memref<1x160x125xi32, #tpu.memory_space<hbm>>
    %dma_wait3A_36 = tpu.memref_squeeze %dma_wait3A_35 : memref<1x160x125xi32, #tpu.memory_space<hbm>> -> memref<160x125xi32, #tpu.memory_space<hbm>>
    %dma_wait3A_37 = arith.constant 0 : i32
    %dma_wait3A_38 = arith.constant 0 : i32
    %dma_wait3A_39 = tpu.memref_slice %arg4[%arg1, %dma_wait3A_37, %dma_wait3A_38] : memref<16x160x125xi32, #tpu.memory_space<hbm>> -> memref<1x160x125xi32, #tpu.memory_space<hbm>>
    %dma_wait3A_40 = tpu.memref_squeeze %dma_wait3A_39 : memref<1x160x125xi32, #tpu.memory_space<hbm>> -> memref<160x125xi32, #tpu.memory_space<hbm>>
    tpu.wait_dma2 semaphore(%arg16 : memref<!tpu.dma_semaphore, #tpu.memory_space<semaphore_mem>>) src(%dma_wait3A_40 : memref<160x125xi32, #tpu.memory_space<hbm>>) dst(%arg7 : memref<160x125xi32, #tpu.memory_space<vmem>>)
    %barrier3A = arith.constant 0 : index
    tpu.barrier barrier_id(%barrier3A)
    %dma_start3A_41 = arith.constant 0 : i32
    %dma_start3A_42 = arith.constant 0 : i32
    %dma_start3A_43 = tpu.memref_slice %arg6[%dma_start3A_41, %dma_start3A_42] : memref<160x125xi32, #tpu.memory_space<vmem>> -> memref<1x125xi32, #tpu.memory_space<vmem>>
    %dma_start3A_44 = tpu.memref_squeeze %dma_start3A_43 : memref<1x125xi32, #tpu.memory_space<vmem>> -> memref<125xi32, #tpu.memory_space<vmem>>
    %dma_start3A_45 = arith.constant 0 : i32
    %dma_start3A_46 = arith.constant 0 : i32
    %dma_start3A_47 = tpu.memref_slice %arg2[%dma_start3A_45, %dma_start3A_46] : memref<20000x64xf32, #tpu.memory_space<hbm>> -> memref<20000x64xf32, #tpu.memory_space<hbm>>
    tpu.enqueue_indirect_dma source(%dma_start3A_47 : memref<20000x64xf32, #tpu.memory_space<hbm>>) target(%arg8 : memref<125x64xf32, #tpu.memory_space<vmem>>) offsets(%dma_start3A_44 : memref<125xi32, #tpu.memory_space<vmem>>) semaphore(%arg15 : memref<!tpu.dma_semaphore, #tpu.memory_space<semaphore_mem>>)
    %dma_start3A_48 = arith.constant 1 : i32
    %dma_start3A_49 = arith.constant 0 : i32
    %dma_start3A_50 = tpu.memref_slice %arg6[%dma_start3A_48, %dma_start3A_49] : memref<160x125xi32, #tpu.memory_space<vmem>> -> memref<1x125xi32, #tpu.memory_space<vmem>>
    %dma_start3A_51 = tpu.memref_squeeze %dma_start3A_50 : memref<1x125xi32, #tpu.memory_space<vmem>> -> memref<125xi32, #tpu.memory_space<vmem>>
    %dma_start3A_52 = arith.constant 0 : i32
    %dma_start3A_53 = arith.constant 0 : i32
    %dma_start3A_54 = tpu.memref_slice %arg2[%dma_start3A_52, %dma_start3A_53] : memref<20000x64xf32, #tpu.memory_space<hbm>> -> memref<20000x64xf32, #tpu.memory_space<hbm>>
    tpu.enqueue_indirect_dma source(%dma_start3A_54 : memref<20000x64xf32, #tpu.memory_space<hbm>>) target(%arg9 : memref<125x64xf32, #tpu.memory_space<vmem>>) offsets(%dma_start3A_51 : memref<125xi32, #tpu.memory_space<vmem>>) semaphore(%arg16 : memref<!tpu.dma_semaphore, #tpu.memory_space<semaphore_mem>>)
    %dma_start3A_55 = arith.constant 2 : i32
    %dma_start3A_56 = arith.constant 0 : i32
    %dma_start3A_57 = tpu.memref_slice %arg6[%dma_start3A_55, %dma_start3A_56] : memref<160x125xi32, #tpu.memory_space<vmem>> -> memref<1x125xi32, #tpu.memory_space<vmem>>
    %dma_start3A_58 = tpu.memref_squeeze %dma_start3A_57 : memref<1x125xi32, #tpu.memory_space<vmem>> -> memref<125xi32, #tpu.memory_space<vmem>>
    %dma_start3A_59 = arith.constant 0 : i32
    %dma_start3A_60 = arith.constant 0 : i32
    %dma_start3A_61 = tpu.memref_slice %arg2[%dma_start3A_59, %dma_start3A_60] : memref<20000x64xf32, #tpu.memory_space<hbm>> -> memref<20000x64xf32, #tpu.memory_space<hbm>>
    tpu.enqueue_indirect_dma source(%dma_start3A_61 : memref<20000x64xf32, #tpu.memory_space<hbm>>) target(%arg10 : memref<125x64xf32, #tpu.memory_space<vmem>>) offsets(%dma_start3A_58 : memref<125xi32, #tpu.memory_space<vmem>>) semaphore(%arg17 : memref<!tpu.dma_semaphore, #tpu.memory_space<semaphore_mem>>)
    %dma_start3A_62 = arith.constant 3 : i32
    %dma_start3A_63 = arith.constant 0 : i32
    %dma_start3A_64 = tpu.memref_slice %arg6[%dma_start3A_62, %dma_start3A_63] : memref<160x125xi32, #tpu.memory_space<vmem>> -> memref<1x125xi32, #tpu.memory_space<vmem>>
    %dma_start3A_65 = tpu.memref_squeeze %dma_start3A_64 : memref<1x125xi32, #tpu.memory_space<vmem>> -> memref<125xi32, #tpu.memory_space<vmem>>
    %dma_start3A_66 = arith.constant 0 : i32
    %dma_start3A_67 = arith.constant 0 : i32
    %dma_start3A_68 = tpu.memref_slice %arg2[%dma_start3A_66, %dma_start3A_67] : memref<20000x64xf32, #tpu.memory_space<hbm>> -> memref<20000x64xf32, #tpu.memory_space<hbm>>
    tpu.enqueue_indirect_dma source(%dma_start3A_68 : memref<20000x64xf32, #tpu.memory_space<hbm>>) target(%arg11 : memref<125x64xf32, #tpu.memory_space<vmem>>) offsets(%dma_start3A_65 : memref<125xi32, #tpu.memory_space<vmem>>) semaphore(%arg18 : memref<!tpu.dma_semaphore, #tpu.memory_space<semaphore_mem>>)
    %scan3A_69 = arith.constant 0 : i32
    %scan3A_70 = arith.constant 39 : i32
    %scan3A_71 = arith.addi %scan3A_69, %scan3A_70 : i32
    %scan3A_72 = arith.constant 1 : i32
    scf.for %scan3A_169 = %scan3A_69 to %scan3A_71 step %scan3A_72  : i32 {
      %mul3A = arith.constant 4 : i32
      %mul3A_170 = arith.muli %scan3A_169, %mul3A : i32
      %add3A = arith.constant 0 : i32
      %add3A_171 = arith.addi %add3A, %mul3A_170 : i32
      %add3A_172 = arith.constant 0 : i32
      %add3A_173 = arith.addi %add3A_171, %add3A_172 : i32
      %dma_wait3A_174 = arith.constant 0 : i32
      %dma_wait3A_175 = tpu.memref_slice %arg6[%add3A_173, %dma_wait3A_174] : memref<160x125xi32, #tpu.memory_space<vmem>> -> memref<1x125xi32, #tpu.memory_space<vmem>>
      %dma_wait3A_176 = tpu.memref_squeeze %dma_wait3A_175 : memref<1x125xi32, #tpu.memory_space<vmem>> -> memref<125xi32, #tpu.memory_space<vmem>>
      %dma_wait3A_177 = arith.constant 0 : i32
      %dma_wait3A_178 = arith.constant 0 : i32
      %dma_wait3A_179 = tpu.memref_slice %arg2[%dma_wait3A_177, %dma_wait3A_178] : memref<20000x64xf32, #tpu.memory_space<hbm>> -> memref<20000x64xf32, #tpu.memory_space<hbm>>
      tpu.wait_indirect_dma semaphore(%arg15 : memref<!tpu.dma_semaphore, #tpu.memory_space<semaphore_mem>>) src(%dma_wait3A_179 : memref<20000x64xf32, #tpu.memory_space<hbm>>) dst(%arg8 : memref<125x64xf32, #tpu.memory_space<vmem>>)
      %add3A_180 = arith.constant 0 : i32
      %add3A_181 = arith.addi %add3A_171, %add3A_180 : i32
      %dma_start3A_182 = arith.constant 0 : i32
      %dma_start3A_183 = tpu.memref_slice %arg7[%add3A_181, %dma_start3A_182] : memref<160x125xi32, #tpu.memory_space<vmem>> -> memref<1x125xi32, #tpu.memory_space<vmem>>
      %dma_start3A_184 = tpu.memref_squeeze %dma_start3A_183 : memref<1x125xi32, #tpu.memory_space<vmem>> -> memref<125xi32, #tpu.memory_space<vmem>>
      %dma_start3A_185 = arith.constant 0 : i32
      %dma_start3A_186 = arith.constant 0 : i32
      %dma_start3A_187 = tpu.memref_slice %arg14[%dma_start3A_185, %dma_start3A_186] : memref<10000x64xf32, #tpu.memory_space<vmem_shared>> -> memref<10000x64xf32, #tpu.memory_space<vmem_shared>>
      tpu.enqueue_indirect_dma source(%arg8 : memref<125x64xf32, #tpu.memory_space<vmem>>) target(%dma_start3A_187 : memref<10000x64xf32, #tpu.memory_space<vmem_shared>>) offsets(%dma_start3A_184 : memref<125xi32, #tpu.memory_space<vmem>>) semaphore(%arg19 : memref<!tpu.dma_semaphore, #tpu.memory_space<semaphore_mem>>) {add = true}
      %add3A_188 = arith.constant 1 : i32
      %add3A_189 = arith.addi %add3A_171, %add3A_188 : i32
      %dma_wait3A_190 = arith.constant 0 : i32
      %dma_wait3A_191 = tpu.memref_slice %arg6[%add3A_189, %dma_wait3A_190] : memref<160x125xi32, #tpu.memory_space<vmem>> -> memref<1x125xi32, #tpu.memory_space<vmem>>
      %dma_wait3A_192 = tpu.memref_squeeze %dma_wait3A_191 : memref<1x125xi32, #tpu.memory_space<vmem>> -> memref<125xi32, #tpu.memory_space<vmem>>
      %dma_wait3A_193 = arith.constant 0 : i32
      %dma_wait3A_194 = arith.constant 0 : i32
      %dma_wait3A_195 = tpu.memref_slice %arg2[%dma_wait3A_193, %dma_wait3A_194] : memref<20000x64xf32, #tpu.memory_space<hbm>> -> memref<20000x64xf32, #tpu.memory_space<hbm>>
      tpu.wait_indirect_dma semaphore(%arg16 : memref<!tpu.dma_semaphore, #tpu.memory_space<semaphore_mem>>) src(%dma_wait3A_195 : memref<20000x64xf32, #tpu.memory_space<hbm>>) dst(%arg9 : memref<125x64xf32, #tpu.memory_space<vmem>>)
      %add3A_196 = arith.constant 1 : i32
      %add3A_197 = arith.addi %add3A_171, %add3A_196 : i32
      %dma_start3A_198 = arith.constant 0 : i32
      %dma_start3A_199 = tpu.memref_slice %arg7[%add3A_197, %dma_start3A_198] : memref<160x125xi32, #tpu.memory_space<vmem>> -> memref<1x125xi32, #tpu.memory_space<vmem>>
      %dma_start3A_200 = tpu.memref_squeeze %dma_start3A_199 : memref<1x125xi32, #tpu.memory_space<vmem>> -> memref<125xi32, #tpu.memory_space<vmem>>
      %dma_start3A_201 = arith.constant 0 : i32
      %dma_start3A_202 = arith.constant 0 : i32
      %dma_start3A_203 = tpu.memref_slice %arg14[%dma_start3A_201, %dma_start3A_202] : memref<10000x64xf32, #tpu.memory_space<vmem_shared>> -> memref<10000x64xf32, #tpu.memory_space<vmem_shared>>
      tpu.enqueue_indirect_dma source(%arg9 : memref<125x64xf32, #tpu.memory_space<vmem>>) target(%dma_start3A_203 : memref<10000x64xf32, #tpu.memory_space<vmem_shared>>) offsets(%dma_start3A_200 : memref<125xi32, #tpu.memory_space<vmem>>) semaphore(%arg20 : memref<!tpu.dma_semaphore, #tpu.memory_space<semaphore_mem>>) {add = true}
      %add3A_204 = arith.constant 2 : i32
      %add3A_205 = arith.addi %add3A_171, %add3A_204 : i32
      %dma_wait3A_206 = arith.constant 0 : i32
      %dma_wait3A_207 = tpu.memref_slice %arg6[%add3A_205, %dma_wait3A_206] : memref<160x125xi32, #tpu.memory_space<vmem>> -> memref<1x125xi32, #tpu.memory_space<vmem>>
      %dma_wait3A_208 = tpu.memref_squeeze %dma_wait3A_207 : memref<1x125xi32, #tpu.memory_space<vmem>> -> memref<125xi32, #tpu.memory_space<vmem>>
      %dma_wait3A_209 = arith.constant 0 : i32
      %dma_wait3A_210 = arith.constant 0 : i32
      %dma_wait3A_211 = tpu.memref_slice %arg2[%dma_wait3A_209, %dma_wait3A_210] : memref<20000x64xf32, #tpu.memory_space<hbm>> -> memref<20000x64xf32, #tpu.memory_space<hbm>>
      tpu.wait_indirect_dma semaphore(%arg17 : memref<!tpu.dma_semaphore, #tpu.memory_space<semaphore_mem>>) src(%dma_wait3A_211 : memref<20000x64xf32, #tpu.memory_space<hbm>>) dst(%arg10 : memref<125x64xf32, #tpu.memory_space<vmem>>)
      %add3A_212 = arith.constant 2 : i32
      %add3A_213 = arith.addi %add3A_171, %add3A_212 : i32
      %dma_start3A_214 = arith.constant 0 : i32
      %dma_start3A_215 = tpu.memref_slice %arg7[%add3A_213, %dma_start3A_214] : memref<160x125xi32, #tpu.memory_space<vmem>> -> memref<1x125xi32, #tpu.memory_space<vmem>>
      %dma_start3A_216 = tpu.memref_squeeze %dma_start3A_215 : memref<1x125xi32, #tpu.memory_space<vmem>> -> memref<125xi32, #tpu.memory_space<vmem>>
      %dma_start3A_217 = arith.constant 0 : i32
      %dma_start3A_218 = arith.constant 0 : i32
      %dma_start3A_219 = tpu.memref_slice %arg14[%dma_start3A_217, %dma_start3A_218] : memref<10000x64xf32, #tpu.memory_space<vmem_shared>> -> memref<10000x64xf32, #tpu.memory_space<vmem_shared>>
      tpu.enqueue_indirect_dma source(%arg10 : memref<125x64xf32, #tpu.memory_space<vmem>>) target(%dma_start3A_219 : memref<10000x64xf32, #tpu.memory_space<vmem_shared>>) offsets(%dma_start3A_216 : memref<125xi32, #tpu.memory_space<vmem>>) semaphore(%arg21 : memref<!tpu.dma_semaphore, #tpu.memory_space<semaphore_mem>>) {add = true}
      %add3A_220 = arith.constant 3 : i32
      %add3A_221 = arith.addi %add3A_171, %add3A_220 : i32
      %dma_wait3A_222 = arith.constant 0 : i32
      %dma_wait3A_223 = tpu.memref_slice %arg6[%add3A_221, %dma_wait3A_222] : memref<160x125xi32, #tpu.memory_space<vmem>> -> memref<1x125xi32, #tpu.memory_space<vmem>>
      %dma_wait3A_224 = tpu.memref_squeeze %dma_wait3A_223 : memref<1x125xi32, #tpu.memory_space<vmem>> -> memref<125xi32, #tpu.memory_space<vmem>>
      %dma_wait3A_225 = arith.constant 0 : i32
      %dma_wait3A_226 = arith.constant 0 : i32
      %dma_wait3A_227 = tpu.memref_slice %arg2[%dma_wait3A_225, %dma_wait3A_226] : memref<20000x64xf32, #tpu.memory_space<hbm>> -> memref<20000x64xf32, #tpu.memory_space<hbm>>
      tpu.wait_indirect_dma semaphore(%arg18 : memref<!tpu.dma_semaphore, #tpu.memory_space<semaphore_mem>>) src(%dma_wait3A_227 : memref<20000x64xf32, #tpu.memory_space<hbm>>) dst(%arg11 : memref<125x64xf32, #tpu.memory_space<vmem>>)
      %add3A_228 = arith.constant 3 : i32
      %add3A_229 = arith.addi %add3A_171, %add3A_228 : i32
      %dma_start3A_230 = arith.constant 0 : i32
      %dma_start3A_231 = tpu.memref_slice %arg7[%add3A_229, %dma_start3A_230] : memref<160x125xi32, #tpu.memory_space<vmem>> -> memref<1x125xi32, #tpu.memory_space<vmem>>
      %dma_start3A_232 = tpu.memref_squeeze %dma_start3A_231 : memref<1x125xi32, #tpu.memory_space<vmem>> -> memref<125xi32, #tpu.memory_space<vmem>>
      %dma_start3A_233 = arith.constant 0 : i32
      %dma_start3A_234 = arith.constant 0 : i32
      %dma_start3A_235 = tpu.memref_slice %arg14[%dma_start3A_233, %dma_start3A_234] : memref<10000x64xf32, #tpu.memory_space<vmem_shared>> -> memref<10000x64xf32, #tpu.memory_space<vmem_shared>>
      tpu.enqueue_indirect_dma source(%arg11 : memref<125x64xf32, #tpu.memory_space<vmem>>) target(%dma_start3A_235 : memref<10000x64xf32, #tpu.memory_space<vmem_shared>>) offsets(%dma_start3A_232 : memref<125xi32, #tpu.memory_space<vmem>>) semaphore(%arg22 : memref<!tpu.dma_semaphore, #tpu.memory_space<semaphore_mem>>) {add = true}
      %add3A_236 = arith.constant 0 : i32
      %add3A_237 = arith.addi %add3A_171, %add3A_236 : i32
      %dma_wait3A_238 = arith.constant 0 : i32
      %dma_wait3A_239 = tpu.memref_slice %arg7[%add3A_237, %dma_wait3A_238] : memref<160x125xi32, #tpu.memory_space<vmem>> -> memref<1x125xi32, #tpu.memory_space<vmem>>
      %dma_wait3A_240 = tpu.memref_squeeze %dma_wait3A_239 : memref<1x125xi32, #tpu.memory_space<vmem>> -> memref<125xi32, #tpu.memory_space<vmem>>
      %dma_wait3A_241 = arith.constant 0 : i32
      %dma_wait3A_242 = arith.constant 0 : i32
      %dma_wait3A_243 = tpu.memref_slice %arg14[%dma_wait3A_241, %dma_wait3A_242] : memref<10000x64xf32, #tpu.memory_space<vmem_shared>> -> memref<10000x64xf32, #tpu.memory_space<vmem_shared>>
      tpu.wait_indirect_dma semaphore(%arg19 : memref<!tpu.dma_semaphore, #tpu.memory_space<semaphore_mem>>) src(%arg8 : memref<125x64xf32, #tpu.memory_space<vmem>>) dst(%dma_wait3A_243 : memref<10000x64xf32, #tpu.memory_space<vmem_shared>>)
      %add3A_244 = arith.constant 4 : i32
      %add3A_245 = arith.addi %add3A_171, %add3A_244 : i32
      %add3A_246 = arith.constant 0 : i32
      %add3A_247 = arith.addi %add3A_245, %add3A_246 : i32
      %dma_start3A_248 = arith.constant 0 : i32
      %dma_start3A_249 = tpu.memref_slice %arg6[%add3A_247, %dma_start3A_248] : memref<160x125xi32, #tpu.memory_space<vmem>> -> memref<1x125xi32, #tpu.memory_space<vmem>>
      %dma_start3A_250 = tpu.memref_squeeze %dma_start3A_249 : memref<1x125xi32, #tpu.memory_space<vmem>> -> memref<125xi32, #tpu.memory_space<vmem>>
      %dma_start3A_251 = arith.constant 0 : i32
      %dma_start3A_252 = arith.constant 0 : i32
      %dma_start3A_253 = tpu.memref_slice %arg2[%dma_start3A_251, %dma_start3A_252] : memref<20000x64xf32, #tpu.memory_space<hbm>> -> memref<20000x64xf32, #tpu.memory_space<hbm>>
      tpu.enqueue_indirect_dma source(%dma_start3A_253 : memref<20000x64xf32, #tpu.memory_space<hbm>>) target(%arg8 : memref<125x64xf32, #tpu.memory_space<vmem>>) offsets(%dma_start3A_250 : memref<125xi32, #tpu.memory_space<vmem>>) semaphore(%arg15 : memref<!tpu.dma_semaphore, #tpu.memory_space<semaphore_mem>>)
      %add3A_254 = arith.constant 1 : i32
      %add3A_255 = arith.addi %add3A_171, %add3A_254 : i32
      %dma_wait3A_256 = arith.constant 0 : i32
      %dma_wait3A_257 = tpu.memref_slice %arg7[%add3A_255, %dma_wait3A_256] : memref<160x125xi32, #tpu.memory_space<vmem>> -> memref<1x125xi32, #tpu.memory_space<vmem>>
      %dma_wait3A_258 = tpu.memref_squeeze %dma_wait3A_257 : memref<1x125xi32, #tpu.memory_space<vmem>> -> memref<125xi32, #tpu.memory_space<vmem>>
      %dma_wait3A_259 = arith.constant 0 : i32
      %dma_wait3A_260 = arith.constant 0 : i32
      %dma_wait3A_261 = tpu.memref_slice %arg14[%dma_wait3A_259, %dma_wait3A_260] : memref<10000x64xf32, #tpu.memory_space<vmem_shared>> -> memref<10000x64xf32, #tpu.memory_space<vmem_shared>>
      tpu.wait_indirect_dma semaphore(%arg20 : memref<!tpu.dma_semaphore, #tpu.memory_space<semaphore_mem>>) src(%arg9 : memref<125x64xf32, #tpu.memory_space<vmem>>) dst(%dma_wait3A_261 : memref<10000x64xf32, #tpu.memory_space<vmem_shared>>)
      %add3A_262 = arith.constant 4 : i32
      %add3A_263 = arith.addi %add3A_171, %add3A_262 : i32
      %add3A_264 = arith.constant 1 : i32
      %add3A_265 = arith.addi %add3A_263, %add3A_264 : i32
      %dma_start3A_266 = arith.constant 0 : i32
      %dma_start3A_267 = tpu.memref_slice %arg6[%add3A_265, %dma_start3A_266] : memref<160x125xi32, #tpu.memory_space<vmem>> -> memref<1x125xi32, #tpu.memory_space<vmem>>
      %dma_start3A_268 = tpu.memref_squeeze %dma_start3A_267 : memref<1x125xi32, #tpu.memory_space<vmem>> -> memref<125xi32, #tpu.memory_space<vmem>>
      %dma_start3A_269 = arith.constant 0 : i32
      %dma_start3A_270 = arith.constant 0 : i32
      %dma_start3A_271 = tpu.memref_slice %arg2[%dma_start3A_269, %dma_start3A_270] : memref<20000x64xf32, #tpu.memory_space<hbm>> -> memref<20000x64xf32, #tpu.memory_space<hbm>>
      tpu.enqueue_indirect_dma source(%dma_start3A_271 : memref<20000x64xf32, #tpu.memory_space<hbm>>) target(%arg9 : memref<125x64xf32, #tpu.memory_space<vmem>>) offsets(%dma_start3A_268 : memref<125xi32, #tpu.memory_space<vmem>>) semaphore(%arg16 : memref<!tpu.dma_semaphore, #tpu.memory_space<semaphore_mem>>)
      %add3A_272 = arith.constant 2 : i32
      %add3A_273 = arith.addi %add3A_171, %add3A_272 : i32
      %dma_wait3A_274 = arith.constant 0 : i32
      %dma_wait3A_275 = tpu.memref_slice %arg7[%add3A_273, %dma_wait3A_274] : memref<160x125xi32, #tpu.memory_space<vmem>> -> memref<1x125xi32, #tpu.memory_space<vmem>>
      %dma_wait3A_276 = tpu.memref_squeeze %dma_wait3A_275 : memref<1x125xi32, #tpu.memory_space<vmem>> -> memref<125xi32, #tpu.memory_space<vmem>>
      %dma_wait3A_277 = arith.constant 0 : i32
      %dma_wait3A_278 = arith.constant 0 : i32
      %dma_wait3A_279 = tpu.memref_slice %arg14[%dma_wait3A_277, %dma_wait3A_278] : memref<10000x64xf32, #tpu.memory_space<vmem_shared>> -> memref<10000x64xf32, #tpu.memory_space<vmem_shared>>
      tpu.wait_indirect_dma semaphore(%arg21 : memref<!tpu.dma_semaphore, #tpu.memory_space<semaphore_mem>>) src(%arg10 : memref<125x64xf32, #tpu.memory_space<vmem>>) dst(%dma_wait3A_279 : memref<10000x64xf32, #tpu.memory_space<vmem_shared>>)
      %add3A_280 = arith.constant 4 : i32
      %add3A_281 = arith.addi %add3A_171, %add3A_280 : i32
      %add3A_282 = arith.constant 2 : i32
      %add3A_283 = arith.addi %add3A_281, %add3A_282 : i32
      %dma_start3A_284 = arith.constant 0 : i32
      %dma_start3A_285 = tpu.memref_slice %arg6[%add3A_283, %dma_start3A_284] : memref<160x125xi32, #tpu.memory_space<vmem>> -> memref<1x125xi32, #tpu.memory_space<vmem>>
      %dma_start3A_286 = tpu.memref_squeeze %dma_start3A_285 : memref<1x125xi32, #tpu.memory_space<vmem>> -> memref<125xi32, #tpu.memory_space<vmem>>
      %dma_start3A_287 = arith.constant 0 : i32
      %dma_start3A_288 = arith.constant 0 : i32
      %dma_start3A_289 = tpu.memref_slice %arg2[%dma_start3A_287, %dma_start3A_288] : memref<20000x64xf32, #tpu.memory_space<hbm>> -> memref<20000x64xf32, #tpu.memory_space<hbm>>
      tpu.enqueue_indirect_dma source(%dma_start3A_289 : memref<20000x64xf32, #tpu.memory_space<hbm>>) target(%arg10 : memref<125x64xf32, #tpu.memory_space<vmem>>) offsets(%dma_start3A_286 : memref<125xi32, #tpu.memory_space<vmem>>) semaphore(%arg17 : memref<!tpu.dma_semaphore, #tpu.memory_space<semaphore_mem>>)
      %add3A_290 = arith.constant 3 : i32
      %add3A_291 = arith.addi %add3A_171, %add3A_290 : i32
      %dma_wait3A_292 = arith.constant 0 : i32
      %dma_wait3A_293 = tpu.memref_slice %arg7[%add3A_291, %dma_wait3A_292] : memref<160x125xi32, #tpu.memory_space<vmem>> -> memref<1x125xi32, #tpu.memory_space<vmem>>
      %dma_wait3A_294 = tpu.memref_squeeze %dma_wait3A_293 : memref<1x125xi32, #tpu.memory_space<vmem>> -> memref<125xi32, #tpu.memory_space<vmem>>
      %dma_wait3A_295 = arith.constant 0 : i32
      %dma_wait3A_296 = arith.constant 0 : i32
      %dma_wait3A_297 = tpu.memref_slice %arg14[%dma_wait3A_295, %dma_wait3A_296] : memref<10000x64xf32, #tpu.memory_space<vmem_shared>> -> memref<10000x64xf32, #tpu.memory_space<vmem_shared>>
      tpu.wait_indirect_dma semaphore(%arg22 : memref<!tpu.dma_semaphore, #tpu.memory_space<semaphore_mem>>) src(%arg11 : memref<125x64xf32, #tpu.memory_space<vmem>>) dst(%dma_wait3A_297 : memref<10000x64xf32, #tpu.memory_space<vmem_shared>>)
      %add3A_298 = arith.constant 4 : i32
      %add3A_299 = arith.addi %add3A_171, %add3A_298 : i32
      %add3A_300 = arith.constant 3 : i32
      %add3A_301 = arith.addi %add3A_299, %add3A_300 : i32
      %dma_start3A_302 = arith.constant 0 : i32
      %dma_start3A_303 = tpu.memref_slice %arg6[%add3A_301, %dma_start3A_302] : memref<160x125xi32, #tpu.memory_space<vmem>> -> memref<1x125xi32, #tpu.memory_space<vmem>>
      %dma_start3A_304 = tpu.memref_squeeze %dma_start3A_303 : memref<1x125xi32, #tpu.memory_space<vmem>> -> memref<125xi32, #tpu.memory_space<vmem>>
      %dma_start3A_305 = arith.constant 0 : i32
      %dma_start3A_306 = arith.constant 0 : i32
      %dma_start3A_307 = tpu.memref_slice %arg2[%dma_start3A_305, %dma_start3A_306] : memref<20000x64xf32, #tpu.memory_space<hbm>> -> memref<20000x64xf32, #tpu.memory_space<hbm>>
      tpu.enqueue_indirect_dma source(%dma_start3A_307 : memref<20000x64xf32, #tpu.memory_space<hbm>>) target(%arg11 : memref<125x64xf32, #tpu.memory_space<vmem>>) offsets(%dma_start3A_304 : memref<125xi32, #tpu.memory_space<vmem>>) semaphore(%arg18 : memref<!tpu.dma_semaphore, #tpu.memory_space<semaphore_mem>>)
    }
    %scan3A_73 = arith.constant 39 : i32
    %dma_wait3A_74 = arith.constant 156 : i32
    %dma_wait3A_75 = arith.constant 0 : i32
    %dma_wait3A_76 = tpu.memref_slice %arg6[%dma_wait3A_74, %dma_wait3A_75] : memref<160x125xi32, #tpu.memory_space<vmem>> -> memref<1x125xi32, #tpu.memory_space<vmem>>
    %dma_wait3A_77 = tpu.memref_squeeze %dma_wait3A_76 : memref<1x125xi32, #tpu.memory_space<vmem>> -> memref<125xi32, #tpu.memory_space<vmem>>
    %dma_wait3A_78 = arith.constant 0 : i32
    %dma_wait3A_79 = arith.constant 0 : i32
    %dma_wait3A_80 = tpu.memref_slice %arg2[%dma_wait3A_78, %dma_wait3A_79] : memref<20000x64xf32, #tpu.memory_space<hbm>> -> memref<20000x64xf32, #tpu.memory_space<hbm>>
    tpu.wait_indirect_dma semaphore(%arg15 : memref<!tpu.dma_semaphore, #tpu.memory_space<semaphore_mem>>) src(%dma_wait3A_80 : memref<20000x64xf32, #tpu.memory_space<hbm>>) dst(%arg8 : memref<125x64xf32, #tpu.memory_space<vmem>>)
    %dma_start3A_81 = arith.constant 156 : i32
    %dma_start3A_82 = arith.constant 0 : i32
    %dma_start3A_83 = tpu.memref_slice %arg7[%dma_start3A_81, %dma_start3A_82] : memref<160x125xi32, #tpu.memory_space<vmem>> -> memref<1x125xi32, #tpu.memory_space<vmem>>
    %dma_start3A_84 = tpu.memref_squeeze %dma_start3A_83 : memref<1x125xi32, #tpu.memory_space<vmem>> -> memref<125xi32, #tpu.memory_space<vmem>>
    %dma_start3A_85 = arith.constant 0 : i32
    %dma_start3A_86 = arith.constant 0 : i32
    %dma_start3A_87 = tpu.memref_slice %arg14[%dma_start3A_85, %dma_start3A_86] : memref<10000x64xf32, #tpu.memory_space<vmem_shared>> -> memref<10000x64xf32, #tpu.memory_space<vmem_shared>>
    tpu.enqueue_indirect_dma source(%arg8 : memref<125x64xf32, #tpu.memory_space<vmem>>) target(%dma_start3A_87 : memref<10000x64xf32, #tpu.memory_space<vmem_shared>>) offsets(%dma_start3A_84 : memref<125xi32, #tpu.memory_space<vmem>>) semaphore(%arg19 : memref<!tpu.dma_semaphore, #tpu.memory_space<semaphore_mem>>) {add = true}
    %dma_wait3A_88 = arith.constant 157 : i32
    %dma_wait3A_89 = arith.constant 0 : i32
    %dma_wait3A_90 = tpu.memref_slice %arg6[%dma_wait3A_88, %dma_wait3A_89] : memref<160x125xi32, #tpu.memory_space<vmem>> -> memref<1x125xi32, #tpu.memory_space<vmem>>
    %dma_wait3A_91 = tpu.memref_squeeze %dma_wait3A_90 : memref<1x125xi32, #tpu.memory_space<vmem>> -> memref<125xi32, #tpu.memory_space<vmem>>
    %dma_wait3A_92 = arith.constant 0 : i32
    %dma_wait3A_93 = arith.constant 0 : i32
    %dma_wait3A_94 = tpu.memref_slice %arg2[%dma_wait3A_92, %dma_wait3A_93] : memref<20000x64xf32, #tpu.memory_space<hbm>> -> memref<20000x64xf32, #tpu.memory_space<hbm>>
    tpu.wait_indirect_dma semaphore(%arg16 : memref<!tpu.dma_semaphore, #tpu.memory_space<semaphore_mem>>) src(%dma_wait3A_94 : memref<20000x64xf32, #tpu.memory_space<hbm>>) dst(%arg9 : memref<125x64xf32, #tpu.memory_space<vmem>>)
    %dma_start3A_95 = arith.constant 157 : i32
    %dma_start3A_96 = arith.constant 0 : i32
    %dma_start3A_97 = tpu.memref_slice %arg7[%dma_start3A_95, %dma_start3A_96] : memref<160x125xi32, #tpu.memory_space<vmem>> -> memref<1x125xi32, #tpu.memory_space<vmem>>
    %dma_start3A_98 = tpu.memref_squeeze %dma_start3A_97 : memref<1x125xi32, #tpu.memory_space<vmem>> -> memref<125xi32, #tpu.memory_space<vmem>>
    %dma_start3A_99 = arith.constant 0 : i32
    %dma_start3A_100 = arith.constant 0 : i32
    %dma_start3A_101 = tpu.memref_slice %arg14[%dma_start3A_99, %dma_start3A_100] : memref<10000x64xf32, #tpu.memory_space<vmem_shared>> -> memref<10000x64xf32, #tpu.memory_space<vmem_shared>>
    tpu.enqueue_indirect_dma source(%arg9 : memref<125x64xf32, #tpu.memory_space<vmem>>) target(%dma_start3A_101 : memref<10000x64xf32, #tpu.memory_space<vmem_shared>>) offsets(%dma_start3A_98 : memref<125xi32, #tpu.memory_space<vmem>>) semaphore(%arg20 : memref<!tpu.dma_semaphore, #tpu.memory_space<semaphore_mem>>) {add = true}
    %dma_wait3A_102 = arith.constant 158 : i32
    %dma_wait3A_103 = arith.constant 0 : i32
    %dma_wait3A_104 = tpu.memref_slice %arg6[%dma_wait3A_102, %dma_wait3A_103] : memref<160x125xi32, #tpu.memory_space<vmem>> -> memref<1x125xi32, #tpu.memory_space<vmem>>
    %dma_wait3A_105 = tpu.memref_squeeze %dma_wait3A_104 : memref<1x125xi32, #tpu.memory_space<vmem>> -> memref<125xi32, #tpu.memory_space<vmem>>
    %dma_wait3A_106 = arith.constant 0 : i32
    %dma_wait3A_107 = arith.constant 0 : i32
    %dma_wait3A_108 = tpu.memref_slice %arg2[%dma_wait3A_106, %dma_wait3A_107] : memref<20000x64xf32, #tpu.memory_space<hbm>> -> memref<20000x64xf32, #tpu.memory_space<hbm>>
    tpu.wait_indirect_dma semaphore(%arg17 : memref<!tpu.dma_semaphore, #tpu.memory_space<semaphore_mem>>) src(%dma_wait3A_108 : memref<20000x64xf32, #tpu.memory_space<hbm>>) dst(%arg10 : memref<125x64xf32, #tpu.memory_space<vmem>>)
    %dma_start3A_109 = arith.constant 158 : i32
    %dma_start3A_110 = arith.constant 0 : i32
    %dma_start3A_111 = tpu.memref_slice %arg7[%dma_start3A_109, %dma_start3A_110] : memref<160x125xi32, #tpu.memory_space<vmem>> -> memref<1x125xi32, #tpu.memory_space<vmem>>
    %dma_start3A_112 = tpu.memref_squeeze %dma_start3A_111 : memref<1x125xi32, #tpu.memory_space<vmem>> -> memref<125xi32, #tpu.memory_space<vmem>>
    %dma_start3A_113 = arith.constant 0 : i32
    %dma_start3A_114 = arith.constant 0 : i32
    %dma_start3A_115 = tpu.memref_slice %arg14[%dma_start3A_113, %dma_start3A_114] : memref<10000x64xf32, #tpu.memory_space<vmem_shared>> -> memref<10000x64xf32, #tpu.memory_space<vmem_shared>>
    tpu.enqueue_indirect_dma source(%arg10 : memref<125x64xf32, #tpu.memory_space<vmem>>) target(%dma_start3A_115 : memref<10000x64xf32, #tpu.memory_space<vmem_shared>>) offsets(%dma_start3A_112 : memref<125xi32, #tpu.memory_space<vmem>>) semaphore(%arg21 : memref<!tpu.dma_semaphore, #tpu.memory_space<semaphore_mem>>) {add = true}
    %dma_wait3A_116 = arith.constant 159 : i32
    %dma_wait3A_117 = arith.constant 0 : i32
    %dma_wait3A_118 = tpu.memref_slice %arg6[%dma_wait3A_116, %dma_wait3A_117] : memref<160x125xi32, #tpu.memory_space<vmem>> -> memref<1x125xi32, #tpu.memory_space<vmem>>
    %dma_wait3A_119 = tpu.memref_squeeze %dma_wait3A_118 : memref<1x125xi32, #tpu.memory_space<vmem>> -> memref<125xi32, #tpu.memory_space<vmem>>
    %dma_wait3A_120 = arith.constant 0 : i32
    %dma_wait3A_121 = arith.constant 0 : i32
    %dma_wait3A_122 = tpu.memref_slice %arg2[%dma_wait3A_120, %dma_wait3A_121] : memref<20000x64xf32, #tpu.memory_space<hbm>> -> memref<20000x64xf32, #tpu.memory_space<hbm>>
    tpu.wait_indirect_dma semaphore(%arg18 : memref<!tpu.dma_semaphore, #tpu.memory_space<semaphore_mem>>) src(%dma_wait3A_122 : memref<20000x64xf32, #tpu.memory_space<hbm>>) dst(%arg11 : memref<125x64xf32, #tpu.memory_space<vmem>>)
    %dma_start3A_123 = arith.constant 159 : i32
    %dma_start3A_124 = arith.constant 0 : i32
    %dma_start3A_125 = tpu.memref_slice %arg7[%dma_start3A_123, %dma_start3A_124] : memref<160x125xi32, #tpu.memory_space<vmem>> -> memref<1x125xi32, #tpu.memory_space<vmem>>
    %dma_start3A_126 = tpu.memref_squeeze %dma_start3A_125 : memref<1x125xi32, #tpu.memory_space<vmem>> -> memref<125xi32, #tpu.memory_space<vmem>>
    %dma_start3A_127 = arith.constant 0 : i32
    %dma_start3A_128 = arith.constant 0 : i32
    %dma_start3A_129 = tpu.memref_slice %arg14[%dma_start3A_127, %dma_start3A_128] : memref<10000x64xf32, #tpu.memory_space<vmem_shared>> -> memref<10000x64xf32, #tpu.memory_space<vmem_shared>>
    tpu.enqueue_indirect_dma source(%arg11 : memref<125x64xf32, #tpu.memory_space<vmem>>) target(%dma_start3A_129 : memref<10000x64xf32, #tpu.memory_space<vmem_shared>>) offsets(%dma_start3A_126 : memref<125xi32, #tpu.memory_space<vmem>>) semaphore(%arg22 : memref<!tpu.dma_semaphore, #tpu.memory_space<semaphore_mem>>) {add = true}
    %dma_wait3A_130 = arith.constant 156 : i32
    %dma_wait3A_131 = arith.constant 0 : i32
    %dma_wait3A_132 = tpu.memref_slice %arg7[%dma_wait3A_130, %dma_wait3A_131] : memref<160x125xi32, #tpu.memory_space<vmem>> -> memref<1x125xi32, #tpu.memory_space<vmem>>
    %dma_wait3A_133 = tpu.memref_squeeze %dma_wait3A_132 : memref<1x125xi32, #tpu.memory_space<vmem>> -> memref<125xi32, #tpu.memory_space<vmem>>
    %dma_wait3A_134 = arith.constant 0 : i32
    %dma_wait3A_135 = arith.constant 0 : i32
    %dma_wait3A_136 = tpu.memref_slice %arg14[%dma_wait3A_134, %dma_wait3A_135] : memref<10000x64xf32, #tpu.memory_space<vmem_shared>> -> memref<10000x64xf32, #tpu.memory_space<vmem_shared>>
    tpu.wait_indirect_dma semaphore(%arg19 : memref<!tpu.dma_semaphore, #tpu.memory_space<semaphore_mem>>) src(%arg8 : memref<125x64xf32, #tpu.memory_space<vmem>>) dst(%dma_wait3A_136 : memref<10000x64xf32, #tpu.memory_space<vmem_shared>>)
    %dma_wait3A_137 = arith.constant 157 : i32
    %dma_wait3A_138 = arith.constant 0 : i32
    %dma_wait3A_139 = tpu.memref_slice %arg7[%dma_wait3A_137, %dma_wait3A_138] : memref<160x125xi32, #tpu.memory_space<vmem>> -> memref<1x125xi32, #tpu.memory_space<vmem>>
    %dma_wait3A_140 = tpu.memref_squeeze %dma_wait3A_139 : memref<1x125xi32, #tpu.memory_space<vmem>> -> memref<125xi32, #tpu.memory_space<vmem>>
    %dma_wait3A_141 = arith.constant 0 : i32
    %dma_wait3A_142 = arith.constant 0 : i32
    %dma_wait3A_143 = tpu.memref_slice %arg14[%dma_wait3A_141, %dma_wait3A_142] : memref<10000x64xf32, #tpu.memory_space<vmem_shared>> -> memref<10000x64xf32, #tpu.memory_space<vmem_shared>>
    tpu.wait_indirect_dma semaphore(%arg20 : memref<!tpu.dma_semaphore, #tpu.memory_space<semaphore_mem>>) src(%arg9 : memref<125x64xf32, #tpu.memory_space<vmem>>) dst(%dma_wait3A_143 : memref<10000x64xf32, #tpu.memory_space<vmem_shared>>)
    %dma_wait3A_144 = arith.constant 158 : i32
    %dma_wait3A_145 = arith.constant 0 : i32
    %dma_wait3A_146 = tpu.memref_slice %arg7[%dma_wait3A_144, %dma_wait3A_145] : memref<160x125xi32, #tpu.memory_space<vmem>> -> memref<1x125xi32, #tpu.memory_space<vmem>>
    %dma_wait3A_147 = tpu.memref_squeeze %dma_wait3A_146 : memref<1x125xi32, #tpu.memory_space<vmem>> -> memref<125xi32, #tpu.memory_space<vmem>>
    %dma_wait3A_148 = arith.constant 0 : i32
    %dma_wait3A_149 = arith.constant 0 : i32
    %dma_wait3A_150 = tpu.memref_slice %arg14[%dma_wait3A_148, %dma_wait3A_149] : memref<10000x64xf32, #tpu.memory_space<vmem_shared>> -> memref<10000x64xf32, #tpu.memory_space<vmem_shared>>
    tpu.wait_indirect_dma semaphore(%arg21 : memref<!tpu.dma_semaphore, #tpu.memory_space<semaphore_mem>>) src(%arg10 : memref<125x64xf32, #tpu.memory_space<vmem>>) dst(%dma_wait3A_150 : memref<10000x64xf32, #tpu.memory_space<vmem_shared>>)
    %dma_wait3A_151 = arith.constant 159 : i32
    %dma_wait3A_152 = arith.constant 0 : i32
    %dma_wait3A_153 = tpu.memref_slice %arg7[%dma_wait3A_151, %dma_wait3A_152] : memref<160x125xi32, #tpu.memory_space<vmem>> -> memref<1x125xi32, #tpu.memory_space<vmem>>
    %dma_wait3A_154 = tpu.memref_squeeze %dma_wait3A_153 : memref<1x125xi32, #tpu.memory_space<vmem>> -> memref<125xi32, #tpu.memory_space<vmem>>
    %dma_wait3A_155 = arith.constant 0 : i32
    %dma_wait3A_156 = arith.constant 0 : i32
    %dma_wait3A_157 = tpu.memref_slice %arg14[%dma_wait3A_155, %dma_wait3A_156] : memref<10000x64xf32, #tpu.memory_space<vmem_shared>> -> memref<10000x64xf32, #tpu.memory_space<vmem_shared>>
    tpu.wait_indirect_dma semaphore(%arg22 : memref<!tpu.dma_semaphore, #tpu.memory_space<semaphore_mem>>) src(%arg11 : memref<125x64xf32, #tpu.memory_space<vmem>>) dst(%dma_wait3A_157 : memref<10000x64xf32, #tpu.memory_space<vmem_shared>>)
    %barrier3A_158 = arith.constant 0 : index
    tpu.barrier barrier_id(%barrier3A_158)
    %scan3A_159 = arith.constant 0 : i32
    %scan3A_160 = arith.constant 3 : i32
    %scan3A_161 = arith.addi %scan3A_159, %scan3A_160 : i32
    %scan3A_162 = arith.constant 1 : i32
    scf.for %scan3A_169 = %scan3A_159 to %scan3A_161 step %scan3A_162  : i32 {
      %mul3A = arith.constant 2 : i32
      %mul3A_170 = arith.muli %scan3A_169, %mul3A : i32
      %add3A = arith.constant 0 : i32
      %add3A_171 = arith.addi %add3A, %mul3A_170 : i32
      %mul3A_172 = arith.constant 624 : i32
      %mul3A_173 = arith.muli %arg1, %mul3A_172 : i32
      %add3A_174 = arith.constant 0 : i32
      %add3A_175 = arith.addi %add3A_171, %add3A_174 : i32
      %mul3A_176 = arith.constant 104 : i32
      %mul3A_177 = arith.muli %add3A_175, %mul3A_176 : i32
      %add3A_178 = arith.addi %mul3A_173, %mul3A_177 : i32
      "tpu.region"() ({
        %run_scoped3A = tpu.sem_alloc : memref<!tpu.dma_semaphore, #tpu.memory_space<semaphore_mem>>
        %dma_start3A_216 = arith.constant 0 : i32
        %dma_start3A_217 = tpu.memref_slice %arg14[%add3A_178, %dma_start3A_216] : memref<10000x64xf32, #tpu.memory_space<vmem_shared>> -> memref<104x64xf32, #tpu.memory_space<vmem_shared>>
        %dma_start3A_218 = arith.constant 0 : i32
        %dma_start3A_219 = tpu.memref_slice %arg14[%add3A_178, %dma_start3A_218] : memref<10000x64xf32, #tpu.memory_space<vmem_shared>> -> memref<104x64xf32, #tpu.memory_space<vmem_shared>>
        tpu.enqueue_dma source(%dma_start3A_219 : memref<104x64xf32, #tpu.memory_space<vmem_shared>>) target(%arg12 : memref<104x64xf32, #tpu.memory_space<vmem>>) target_semaphore(%run_scoped3A : memref<!tpu.dma_semaphore, #tpu.memory_space<semaphore_mem>>)
        %dma_wait3A_220 = arith.constant 0 : i32
        %dma_wait3A_221 = tpu.memref_slice %arg14[%add3A_178, %dma_wait3A_220] : memref<10000x64xf32, #tpu.memory_space<vmem_shared>> -> memref<104x64xf32, #tpu.memory_space<vmem_shared>>
        %dma_wait3A_222 = arith.constant 0 : i32
        %dma_wait3A_223 = tpu.memref_slice %arg14[%add3A_178, %dma_wait3A_222] : memref<10000x64xf32, #tpu.memory_space<vmem_shared>> -> memref<104x64xf32, #tpu.memory_space<vmem_shared>>
        tpu.wait_dma2 semaphore(%run_scoped3A : memref<!tpu.dma_semaphore, #tpu.memory_space<semaphore_mem>>) src(%dma_wait3A_223 : memref<104x64xf32, #tpu.memory_space<vmem_shared>>) dst(%arg12 : memref<104x64xf32, #tpu.memory_space<vmem>>)
        tpu.yield
      }) : () -> ()
      %mul3A_179 = arith.constant 64 : i32
      %mul3A_180 = arith.muli %arg0, %mul3A_179 : i32
      %dma_start3A_181 = tpu.memref_slice %arg5[%add3A_178, %mul3A_180] : memref<10000x128xf32, #tpu.memory_space<hbm>> -> memref<104x64xf32, #tpu.memory_space<hbm>>
      %dma_start3A_182 = tpu.memref_slice %arg5[%add3A_178, %mul3A_180] : memref<10000x128xf32, #tpu.memory_space<hbm>> -> memref<104x64xf32, #tpu.memory_space<hbm>>
      tpu.enqueue_dma source(%arg12 : memref<104x64xf32, #tpu.memory_space<vmem>>) target(%dma_start3A_182 : memref<104x64xf32, #tpu.memory_space<hbm>>) target_semaphore(%arg23 : memref<!tpu.dma_semaphore, #tpu.memory_space<semaphore_mem>>)
      %mul3A_183 = arith.constant 624 : i32
      %mul3A_184 = arith.muli %arg1, %mul3A_183 : i32
      %add3A_185 = arith.constant 1 : i32
      %add3A_186 = arith.addi %add3A_171, %add3A_185 : i32
      %mul3A_187 = arith.constant 104 : i32
      %mul3A_188 = arith.muli %add3A_186, %mul3A_187 : i32
      %add3A_189 = arith.addi %mul3A_184, %mul3A_188 : i32
      "tpu.region"() ({
        %run_scoped3A = tpu.sem_alloc : memref<!tpu.dma_semaphore, #tpu.memory_space<semaphore_mem>>
        %dma_start3A_216 = arith.constant 0 : i32
        %dma_start3A_217 = tpu.memref_slice %arg14[%add3A_189, %dma_start3A_216] : memref<10000x64xf32, #tpu.memory_space<vmem_shared>> -> memref<104x64xf32, #tpu.memory_space<vmem_shared>>
        %dma_start3A_218 = arith.constant 0 : i32
        %dma_start3A_219 = tpu.memref_slice %arg14[%add3A_189, %dma_start3A_218] : memref<10000x64xf32, #tpu.memory_space<vmem_shared>> -> memref<104x64xf32, #tpu.memory_space<vmem_shared>>
        tpu.enqueue_dma source(%dma_start3A_219 : memref<104x64xf32, #tpu.memory_space<vmem_shared>>) target(%arg13 : memref<104x64xf32, #tpu.memory_space<vmem>>) target_semaphore(%run_scoped3A : memref<!tpu.dma_semaphore, #tpu.memory_space<semaphore_mem>>)
        %dma_wait3A_220 = arith.constant 0 : i32
        %dma_wait3A_221 = tpu.memref_slice %arg14[%add3A_189, %dma_wait3A_220] : memref<10000x64xf32, #tpu.memory_space<vmem_shared>> -> memref<104x64xf32, #tpu.memory_space<vmem_shared>>
        %dma_wait3A_222 = arith.constant 0 : i32
        %dma_wait3A_223 = tpu.memref_slice %arg14[%add3A_189, %dma_wait3A_222] : memref<10000x64xf32, #tpu.memory_space<vmem_shared>> -> memref<104x64xf32, #tpu.memory_space<vmem_shared>>
        tpu.wait_dma2 semaphore(%run_scoped3A : memref<!tpu.dma_semaphore, #tpu.memory_space<semaphore_mem>>) src(%dma_wait3A_223 : memref<104x64xf32, #tpu.memory_space<vmem_shared>>) dst(%arg13 : memref<104x64xf32, #tpu.memory_space<vmem>>)
        tpu.yield
      }) : () -> ()
      %mul3A_190 = arith.constant 64 : i32
      %mul3A_191 = arith.muli %arg0, %mul3A_190 : i32
      %dma_start3A_192 = tpu.memref_slice %arg5[%add3A_189, %mul3A_191] : memref<10000x128xf32, #tpu.memory_space<hbm>> -> memref<104x64xf32, #tpu.memory_space<hbm>>
      %dma_start3A_193 = tpu.memref_slice %arg5[%add3A_189, %mul3A_191] : memref<10000x128xf32, #tpu.memory_space<hbm>> -> memref<104x64xf32, #tpu.memory_space<hbm>>
      tpu.enqueue_dma source(%arg13 : memref<104x64xf32, #tpu.memory_space<vmem>>) target(%dma_start3A_193 : memref<104x64xf32, #tpu.memory_space<hbm>>) target_semaphore(%arg23 : memref<!tpu.dma_semaphore, #tpu.memory_space<semaphore_mem>>)
      %mul3A_194 = arith.constant 624 : i32
      %mul3A_195 = arith.muli %arg1, %mul3A_194 : i32
      %add3A_196 = arith.constant 0 : i32
      %add3A_197 = arith.addi %add3A_171, %add3A_196 : i32
      %mul3A_198 = arith.constant 104 : i32
      %mul3A_199 = arith.muli %add3A_197, %mul3A_198 : i32
      %add3A_200 = arith.addi %mul3A_195, %mul3A_199 : i32
      %mul3A_201 = arith.constant 64 : i32
      %mul3A_202 = arith.muli %arg0, %mul3A_201 : i32
      %dma_wait3A_203 = tpu.memref_slice %arg5[%add3A_200, %mul3A_202] : memref<10000x128xf32, #tpu.memory_space<hbm>> -> memref<104x64xf32, #tpu.memory_space<hbm>>
      %dma_wait3A_204 = tpu.memref_slice %arg5[%add3A_200, %mul3A_202] : memref<10000x128xf32, #tpu.memory_space<hbm>> -> memref<104x64xf32, #tpu.memory_space<hbm>>
      tpu.wait_dma2 semaphore(%arg23 : memref<!tpu.dma_semaphore, #tpu.memory_space<semaphore_mem>>) src(%arg12 : memref<104x64xf32, #tpu.memory_space<vmem>>) dst(%dma_wait3A_204 : memref<104x64xf32, #tpu.memory_space<hbm>>)
      %mul3A_205 = arith.constant 624 : i32
      %mul3A_206 = arith.muli %arg1, %mul3A_205 : i32
      %add3A_207 = arith.constant 1 : i32
      %add3A_208 = arith.addi %add3A_171, %add3A_207 : i32
      %mul3A_209 = arith.constant 104 : i32
      %mul3A_210 = arith.muli %add3A_208, %mul3A_209 : i32
      %add3A_211 = arith.addi %mul3A_206, %mul3A_210 : i32
      %mul3A_212 = arith.constant 64 : i32
      %mul3A_213 = arith.muli %arg0, %mul3A_212 : i32
      %dma_wait3A_214 = tpu.memref_slice %arg5[%add3A_211, %mul3A_213] : memref<10000x128xf32, #tpu.memory_space<hbm>> -> memref<104x64xf32, #tpu.memory_space<hbm>>
      %dma_wait3A_215 = tpu.memref_slice %arg5[%add3A_211, %mul3A_213] : memref<10000x128xf32, #tpu.memory_space<hbm>> -> memref<104x64xf32, #tpu.memory_space<hbm>>
      tpu.wait_dma2 semaphore(%arg23 : memref<!tpu.dma_semaphore, #tpu.memory_space<semaphore_mem>>) src(%arg13 : memref<104x64xf32, #tpu.memory_space<vmem>>) dst(%dma_wait3A_215 : memref<104x64xf32, #tpu.memory_space<hbm>>)
    }
    %scan3A_163 = arith.constant 3 : i32
    %eq3A_164 = arith.constant 15 : i32
    %eq3A_165 = arith.cmpi eq, %arg1, %eq3A_164 : i32
    %convert_element_type3A_166 = arith.extui %eq3A_165 : i1 to i32
    %cond3A_167 = arith.constant 0 : i32
    %cond3A_168 = arith.cmpi ne, %convert_element_type3A_166, %cond3A_167 : i32
    scf.if %cond3A_168 {
      "tpu.region"() ({
        %run_scoped3A = tpu.sem_alloc : memref<!tpu.dma_semaphore, #tpu.memory_space<semaphore_mem>>
        %dma_start3A_170 = arith.constant 0 : i32
        %dma_start3A_171 = arith.constant 0 : i32
        %dma_start3A_172 = tpu.memref_slice %arg12[%dma_start3A_170, %dma_start3A_171] : memref<104x64xf32, #tpu.memory_space<vmem>> -> memref<16x64xf32, #tpu.memory_space<vmem>>
        %dma_start3A_173 = arith.constant 9984 : i32
        %dma_start3A_174 = arith.constant 0 : i32
        %dma_start3A_175 = tpu.memref_slice %arg14[%dma_start3A_173, %dma_start3A_174] : memref<10000x64xf32, #tpu.memory_space<vmem_shared>> -> memref<16x64xf32, #tpu.memory_space<vmem_shared>>
        %dma_start3A_176 = arith.constant 0 : i32
        %dma_start3A_177 = arith.constant 0 : i32
        %dma_start3A_178 = tpu.memref_slice %arg12[%dma_start3A_176, %dma_start3A_177] : memref<104x64xf32, #tpu.memory_space<vmem>> -> memref<16x64xf32, #tpu.memory_space<vmem>>
        %dma_start3A_179 = arith.constant 9984 : i32
        %dma_start3A_180 = arith.constant 0 : i32
        %dma_start3A_181 = tpu.memref_slice %arg14[%dma_start3A_179, %dma_start3A_180] : memref<10000x64xf32, #tpu.memory_space<vmem_shared>> -> memref<16x64xf32, #tpu.memory_space<vmem_shared>>
        tpu.enqueue_dma source(%dma_start3A_181 : memref<16x64xf32, #tpu.memory_space<vmem_shared>>) target(%dma_start3A_178 : memref<16x64xf32, #tpu.memory_space<vmem>>) target_semaphore(%run_scoped3A : memref<!tpu.dma_semaphore, #tpu.memory_space<semaphore_mem>>)
        %dma_wait3A_182 = arith.constant 0 : i32
        %dma_wait3A_183 = arith.constant 0 : i32
        %dma_wait3A_184 = tpu.memref_slice %arg12[%dma_wait3A_182, %dma_wait3A_183] : memref<104x64xf32, #tpu.memory_space<vmem>> -> memref<16x64xf32, #tpu.memory_space<vmem>>
        %dma_wait3A_185 = arith.constant 9984 : i32
        %dma_wait3A_186 = arith.constant 0 : i32
        %dma_wait3A_187 = tpu.memref_slice %arg14[%dma_wait3A_185, %dma_wait3A_186] : memref<10000x64xf32, #tpu.memory_space<vmem_shared>> -> memref<16x64xf32, #tpu.memory_space<vmem_shared>>
        %dma_wait3A_188 = arith.constant 0 : i32
        %dma_wait3A_189 = arith.constant 0 : i32
        %dma_wait3A_190 = tpu.memref_slice %arg12[%dma_wait3A_188, %dma_wait3A_189] : memref<104x64xf32, #tpu.memory_space<vmem>> -> memref<16x64xf32, #tpu.memory_space<vmem>>
        %dma_wait3A_191 = arith.constant 9984 : i32
        %dma_wait3A_192 = arith.constant 0 : i32
        %dma_wait3A_193 = tpu.memref_slice %arg14[%dma_wait3A_191, %dma_wait3A_192] : memref<10000x64xf32, #tpu.memory_space<vmem_shared>> -> memref<16x64xf32, #tpu.memory_space<vmem_shared>>
        tpu.wait_dma2 semaphore(%run_scoped3A : memref<!tpu.dma_semaphore, #tpu.memory_space<semaphore_mem>>) src(%dma_wait3A_193 : memref<16x64xf32, #tpu.memory_space<vmem_shared>>) dst(%dma_wait3A_190 : memref<16x64xf32, #tpu.memory_space<vmem>>)
        tpu.yield
      }) : () -> ()
      %mul3A = arith.constant 64 : i32
      %mul3A_169 = arith.muli %arg0, %mul3A : i32
      "tpu.region"() ({
        %run_scoped3A = tpu.sem_alloc : memref<!tpu.dma_semaphore, #tpu.memory_space<semaphore_mem>>
        %dma_start3A_170 = arith.constant 0 : i32
        %dma_start3A_171 = arith.constant 0 : i32
        %dma_start3A_172 = tpu.memref_slice %arg12[%dma_start3A_170, %dma_start3A_171] : memref<104x64xf32, #tpu.memory_space<vmem>> -> memref<16x64xf32, #tpu.memory_space<vmem>>
        %dma_start3A_173 = arith.constant 9984 : i32
        %dma_start3A_174 = tpu.memref_slice %arg5[%dma_start3A_173, %mul3A_169] : memref<10000x128xf32, #tpu.memory_space<hbm>> -> memref<16x64xf32, #tpu.memory_space<hbm>>
        %dma_start3A_175 = arith.constant 9984 : i32
        %dma_start3A_176 = tpu.memref_slice %arg5[%dma_start3A_175, %mul3A_169] : memref<10000x128xf32, #tpu.memory_space<hbm>> -> memref<16x64xf32, #tpu.memory_space<hbm>>
        %dma_start3A_177 = arith.constant 0 : i32
        %dma_start3A_178 = arith.constant 0 : i32
        %dma_start3A_179 = tpu.memref_slice %arg12[%dma_start3A_177, %dma_start3A_178] : memref<104x64xf32, #tpu.memory_space<vmem>> -> memref<16x64xf32, #tpu.memory_space<vmem>>
        tpu.enqueue_dma source(%dma_start3A_179 : memref<16x64xf32, #tpu.memory_space<vmem>>) target(%dma_start3A_176 : memref<16x64xf32, #tpu.memory_space<hbm>>) target_semaphore(%run_scoped3A : memref<!tpu.dma_semaphore, #tpu.memory_space<semaphore_mem>>)
        %dma_wait3A_180 = arith.constant 0 : i32
        %dma_wait3A_181 = arith.constant 0 : i32
        %dma_wait3A_182 = tpu.memref_slice %arg12[%dma_wait3A_180, %dma_wait3A_181] : memref<104x64xf32, #tpu.memory_space<vmem>> -> memref<16x64xf32, #tpu.memory_space<vmem>>
        %dma_wait3A_183 = arith.constant 9984 : i32
        %dma_wait3A_184 = tpu.memref_slice %arg5[%dma_wait3A_183, %mul3A_169] : memref<10000x128xf32, #tpu.memory_space<hbm>> -> memref<16x64xf32, #tpu.memory_space<hbm>>
        %dma_wait3A_185 = arith.constant 9984 : i32
        %dma_wait3A_186 = tpu.memref_slice %arg5[%dma_wait3A_185, %mul3A_169] : memref<10000x128xf32, #tpu.memory_space<hbm>> -> memref<16x64xf32, #tpu.memory_space<hbm>>
        %dma_wait3A_187 = arith.constant 0 : i32
        %dma_wait3A_188 = arith.constant 0 : i32
        %dma_wait3A_189 = tpu.memref_slice %arg12[%dma_wait3A_187, %dma_wait3A_188] : memref<104x64xf32, #tpu.memory_space<vmem>> -> memref<16x64xf32, #tpu.memory_space<vmem>>
        tpu.wait_dma2 semaphore(%run_scoped3A : memref<!tpu.dma_semaphore, #tpu.memory_space<semaphore_mem>>) src(%dma_wait3A_189 : memref<16x64xf32, #tpu.memory_space<vmem>>) dst(%dma_wait3A_186 : memref<16x64xf32, #tpu.memory_space<hbm>>)
        tpu.yield
      }) : () -> ()
    } else {
    }
    return
  }
}

#map = affine_map<(d0, d1) -> (0, 0, 0)>
#map1 = affine_map<(d0, d1) -> (0)>
module attributes {stable_mosaic.version = 14 : i64} {
  func.func @_sc_deg_body(%arg0: i32, %arg1: i32, %arg2: memref<16x160x125xi32, #tpu.memory_space<hbm>>, %arg3: memref<16x160x125xi32, #tpu.memory_space<hbm>>, %arg4: memref<20000xf32, #tpu.memory_space<hbm>>, %arg5: memref<20000xf32, #tpu.memory_space<hbm>>, %arg6: memref<80x125xi32, #tpu.memory_space<vmem>>, %arg7: memref<80x125xi32, #tpu.memory_space<vmem>>, %arg8: memref<128xf32, #tpu.memory_space<vmem>>, %arg9: memref<640xf32, #tpu.memory_space<vmem>>, %arg10: memref<10000xf32, #tpu.memory_space<vmem_shared>>, %arg11: memref<10000xf32, #tpu.memory_space<vmem_shared>>, %arg12: memref<!tpu.dma_semaphore, #tpu.memory_space<semaphore_mem>>, %arg13: memref<!tpu.dma_semaphore, #tpu.memory_space<semaphore_mem>>) attributes {dimension_semantics = [#tpu.dimension_semantics<core_parallel>, #tpu.dimension_semantics<subcore_parallel>], iteration_bounds = array<i64: 2, 16>, scalar_prefetch = 0 : i64, scratch_operands = 8 : i64, tpu.core_type = #tpu.core_type<sc_vector_subcore>, window_params = [{transform_indices = #map}, {transform_indices = #map}, {transform_indices = #map1}, {transform_indices = #map1}]} {
    %mul3A = arith.constant 16 : i32
    %mul3A_0 = arith.muli %arg0, %mul3A : i32
    %add3A = arith.addi %mul3A_0, %arg1 : i32
    %scan3A = arith.constant 0 : i32
    %scan3A_1 = arith.constant 40 : i32
    %scan3A_2 = arith.addi %scan3A, %scan3A_1 : i32
    %scan3A_3 = arith.constant 1 : i32
    scf.for %scan3A_86 = %scan3A to %scan3A_2 step %scan3A_3  : i32 {
      %mul3A_87 = arith.constant 1 : i32
      %mul3A_88 = arith.muli %scan3A_86, %mul3A_87 : i32
      %add3A_89 = arith.constant 0 : i32
      %add3A_90 = arith.addi %add3A_89, %mul3A_88 : i32
      %broadcast_in_dim3A_91 = arith.constant 0.000000e+00 : f32
      %broadcast_in_dim3A_92 = vector.broadcast %broadcast_in_dim3A_91 : f32 to vector<16xf32>
      %mul3A_93 = arith.constant 16 : i32
      %mul3A_94 = arith.muli %add3A_90, %mul3A_93 : i32
      %swap3A_95 = arith.index_cast %mul3A_94 : i32 to index
      %swap3A_96 = tpu.vector_load %arg9[%swap3A_95] {strides = array<i32>} : memref<640xf32, #tpu.memory_space<vmem>>, vector<16xf32>,
      %swap3A_97 = vector.shape_cast %swap3A_96 : vector<16xf32> to vector<16xf32>
      %swap3A_98 = vector.shape_cast %broadcast_in_dim3A_92 : vector<16xf32> to vector<16xf32>
      tpu.vector_store %arg9[%swap3A_95], %swap3A_98 {strides = array<i32>} : memref<640xf32, #tpu.memory_space<vmem>>, vector<16xf32>,
    }
    %scan3A_4 = arith.constant 40 : i32
    %broadcast_in_dim3A = arith.constant 1.000000e+00 : f32
    %broadcast_in_dim3A_5 = vector.broadcast %broadcast_in_dim3A : f32 to vector<16xf32>
    %swap3A = arith.constant 0 : index
    %swap3A_6 = tpu.vector_load %arg8[%swap3A] {strides = array<i32>} : memref<128xf32, #tpu.memory_space<vmem>>, vector<16xf32>,
    %swap3A_7 = vector.shape_cast %swap3A_6 : vector<16xf32> to vector<16xf32>
    %swap3A_8 = vector.shape_cast %broadcast_in_dim3A_5 : vector<16xf32> to vector<16xf32>
    tpu.vector_store %arg8[%swap3A], %swap3A_8 {strides = array<i32>} : memref<128xf32, #tpu.memory_space<vmem>>, vector<16xf32>,
    %broadcast_in_dim3A_9 = arith.constant 1.000000e+00 : f32
    %broadcast_in_dim3A_10 = vector.broadcast %broadcast_in_dim3A_9 : f32 to vector<16xf32>
    %swap3A_11 = arith.constant 16 : index
    %swap3A_12 = tpu.vector_load %arg8[%swap3A_11] {strides = array<i32>} : memref<128xf32, #tpu.memory_space<vmem>>, vector<16xf32>,
    %swap3A_13 = vector.shape_cast %swap3A_12 : vector<16xf32> to vector<16xf32>
    %swap3A_14 = vector.shape_cast %broadcast_in_dim3A_10 : vector<16xf32> to vector<16xf32>
    tpu.vector_store %arg8[%swap3A_11], %swap3A_14 {strides = array<i32>} : memref<128xf32, #tpu.memory_space<vmem>>, vector<16xf32>,
    %broadcast_in_dim3A_15 = arith.constant 1.000000e+00 : f32
    %broadcast_in_dim3A_16 = vector.broadcast %broadcast_in_dim3A_15 : f32 to vector<16xf32>
    %swap3A_17 = arith.constant 32 : index
    %swap3A_18 = tpu.vector_load %arg8[%swap3A_17] {strides = array<i32>} : memref<128xf32, #tpu.memory_space<vmem>>, vector<16xf32>,
    %swap3A_19 = vector.shape_cast %swap3A_18 : vector<16xf32> to vector<16xf32>
    %swap3A_20 = vector.shape_cast %broadcast_in_dim3A_16 : vector<16xf32> to vector<16xf32>
    tpu.vector_store %arg8[%swap3A_17], %swap3A_20 {strides = array<i32>} : memref<128xf32, #tpu.memory_space<vmem>>, vector<16xf32>,
    %broadcast_in_dim3A_21 = arith.constant 1.000000e+00 : f32
    %broadcast_in_dim3A_22 = vector.broadcast %broadcast_in_dim3A_21 : f32 to vector<16xf32>
    %swap3A_23 = arith.constant 48 : index
    %swap3A_24 = tpu.vector_load %arg8[%swap3A_23] {strides = array<i32>} : memref<128xf32, #tpu.memory_space<vmem>>, vector<16xf32>,
    %swap3A_25 = vector.shape_cast %swap3A_24 : vector<16xf32> to vector<16xf32>
    %swap3A_26 = vector.shape_cast %broadcast_in_dim3A_22 : vector<16xf32> to vector<16xf32>
    tpu.vector_store %arg8[%swap3A_23], %swap3A_26 {strides = array<i32>} : memref<128xf32, #tpu.memory_space<vmem>>, vector<16xf32>,
    %broadcast_in_dim3A_27 = arith.constant 1.000000e+00 : f32
    %broadcast_in_dim3A_28 = vector.broadcast %broadcast_in_dim3A_27 : f32 to vector<16xf32>
    %swap3A_29 = arith.constant 64 : index
    %swap3A_30 = tpu.vector_load %arg8[%swap3A_29] {strides = array<i32>} : memref<128xf32, #tpu.memory_space<vmem>>, vector<16xf32>,
    %swap3A_31 = vector.shape_cast %swap3A_30 : vector<16xf32> to vector<16xf32>
    %swap3A_32 = vector.shape_cast %broadcast_in_dim3A_28 : vector<16xf32> to vector<16xf32>
    tpu.vector_store %arg8[%swap3A_29], %swap3A_32 {strides = array<i32>} : memref<128xf32, #tpu.memory_space<vmem>>, vector<16xf32>,
    %broadcast_in_dim3A_33 = arith.constant 1.000000e+00 : f32
    %broadcast_in_dim3A_34 = vector.broadcast %broadcast_in_dim3A_33 : f32 to vector<16xf32>
    %swap3A_35 = arith.constant 80 : index
    %swap3A_36 = tpu.vector_load %arg8[%swap3A_35] {strides = array<i32>} : memref<128xf32, #tpu.memory_space<vmem>>, vector<16xf32>,
    %swap3A_37 = vector.shape_cast %swap3A_36 : vector<16xf32> to vector<16xf32>
    %swap3A_38 = vector.shape_cast %broadcast_in_dim3A_34 : vector<16xf32> to vector<16xf32>
    tpu.vector_store %arg8[%swap3A_35], %swap3A_38 {strides = array<i32>} : memref<128xf32, #tpu.memory_space<vmem>>, vector<16xf32>,
    %broadcast_in_dim3A_39 = arith.constant 1.000000e+00 : f32
    %broadcast_in_dim3A_40 = vector.broadcast %broadcast_in_dim3A_39 : f32 to vector<16xf32>
    %swap3A_41 = arith.constant 96 : index
    %swap3A_42 = tpu.vector_load %arg8[%swap3A_41] {strides = array<i32>} : memref<128xf32, #tpu.memory_space<vmem>>, vector<16xf32>,
    %swap3A_43 = vector.shape_cast %swap3A_42 : vector<16xf32> to vector<16xf32>
    %swap3A_44 = vector.shape_cast %broadcast_in_dim3A_40 : vector<16xf32> to vector<16xf32>
    tpu.vector_store %arg8[%swap3A_41], %swap3A_44 {strides = array<i32>} : memref<128xf32, #tpu.memory_space<vmem>>, vector<16xf32>,
    %broadcast_in_dim3A_45 = arith.constant 1.000000e+00 : f32
    %broadcast_in_dim3A_46 = vector.broadcast %broadcast_in_dim3A_45 : f32 to vector<16xf32>
    %swap3A_47 = arith.constant 112 : index
    %swap3A_48 = tpu.vector_load %arg8[%swap3A_47] {strides = array<i32>} : memref<128xf32, #tpu.memory_space<vmem>>, vector<16xf32>,
    %swap3A_49 = vector.shape_cast %swap3A_48 : vector<16xf32> to vector<16xf32>
    %swap3A_50 = vector.shape_cast %broadcast_in_dim3A_46 : vector<16xf32> to vector<16xf32>
    tpu.vector_store %arg8[%swap3A_47], %swap3A_50 {strides = array<i32>} : memref<128xf32, #tpu.memory_space<vmem>>, vector<16xf32>,
    %mul3A_51 = arith.constant 624 : i32
    %mul3A_52 = arith.muli %arg1, %mul3A_51 : i32
    "tpu.region"() ({
      %run_scoped3A = tpu.sem_alloc : memref<!tpu.dma_semaphore, #tpu.memory_space<semaphore_mem>>
      %dma_start3A = arith.constant 0 : i32
      %dma_start3A_86 = tpu.memref_slice %arg9[%dma_start3A] : memref<640xf32, #tpu.memory_space<vmem>> -> memref<624xf32, #tpu.memory_space<vmem>>
      %dma_start3A_87 = tpu.memref_slice %arg10[%mul3A_52] : memref<10000xf32, #tpu.memory_space<vmem_shared>> -> memref<624xf32, #tpu.memory_space<vmem_shared>>
      %dma_start3A_88 = tpu.memref_slice %arg10[%mul3A_52] : memref<10000xf32, #tpu.memory_space<vmem_shared>> -> memref<624xf32, #tpu.memory_space<vmem_shared>>
      %dma_start3A_89 = arith.constant 0 : i32
      %dma_start3A_90 = tpu.memref_slice %arg9[%dma_start3A_89] : memref<640xf32, #tpu.memory_space<vmem>> -> memref<624xf32, #tpu.memory_space<vmem>>
      tpu.enqueue_dma source(%dma_start3A_90 : memref<624xf32, #tpu.memory_space<vmem>>) target(%dma_start3A_88 : memref<624xf32, #tpu.memory_space<vmem_shared>>) target_semaphore(%run_scoped3A : memref<!tpu.dma_semaphore, #tpu.memory_space<semaphore_mem>>)
      %dma_wait3A = arith.constant 0 : i32
      %dma_wait3A_91 = tpu.memref_slice %arg9[%dma_wait3A] : memref<640xf32, #tpu.memory_space<vmem>> -> memref<624xf32, #tpu.memory_space<vmem>>
      %dma_wait3A_92 = tpu.memref_slice %arg10[%mul3A_52] : memref<10000xf32, #tpu.memory_space<vmem_shared>> -> memref<624xf32, #tpu.memory_space<vmem_shared>>
      %dma_wait3A_93 = tpu.memref_slice %arg10[%mul3A_52] : memref<10000xf32, #tpu.memory_space<vmem_shared>> -> memref<624xf32, #tpu.memory_space<vmem_shared>>
      %dma_wait3A_94 = arith.constant 0 : i32
      %dma_wait3A_95 = tpu.memref_slice %arg9[%dma_wait3A_94] : memref<640xf32, #tpu.memory_space<vmem>> -> memref<624xf32, #tpu.memory_space<vmem>>
      tpu.wait_dma2 semaphore(%run_scoped3A : memref<!tpu.dma_semaphore, #tpu.memory_space<semaphore_mem>>) src(%dma_wait3A_95 : memref<624xf32, #tpu.memory_space<vmem>>) dst(%dma_wait3A_93 : memref<624xf32, #tpu.memory_space<vmem_shared>>)
      tpu.yield
    }) : () -> ()
    %mul3A_53 = arith.constant 624 : i32
    %mul3A_54 = arith.muli %arg1, %mul3A_53 : i32
    "tpu.region"() ({
      %run_scoped3A = tpu.sem_alloc : memref<!tpu.dma_semaphore, #tpu.memory_space<semaphore_mem>>
      %dma_start3A = arith.constant 0 : i32
      %dma_start3A_86 = tpu.memref_slice %arg9[%dma_start3A] : memref<640xf32, #tpu.memory_space<vmem>> -> memref<624xf32, #tpu.memory_space<vmem>>
      %dma_start3A_87 = tpu.memref_slice %arg11[%mul3A_54] : memref<10000xf32, #tpu.memory_space<vmem_shared>> -> memref<624xf32, #tpu.memory_space<vmem_shared>>
      %dma_start3A_88 = tpu.memref_slice %arg11[%mul3A_54] : memref<10000xf32, #tpu.memory_space<vmem_shared>> -> memref<624xf32, #tpu.memory_space<vmem_shared>>
      %dma_start3A_89 = arith.constant 0 : i32
      %dma_start3A_90 = tpu.memref_slice %arg9[%dma_start3A_89] : memref<640xf32, #tpu.memory_space<vmem>> -> memref<624xf32, #tpu.memory_space<vmem>>
      tpu.enqueue_dma source(%dma_start3A_90 : memref<624xf32, #tpu.memory_space<vmem>>) target(%dma_start3A_88 : memref<624xf32, #tpu.memory_space<vmem_shared>>) target_semaphore(%run_scoped3A : memref<!tpu.dma_semaphore, #tpu.memory_space<semaphore_mem>>)
      %dma_wait3A = arith.constant 0 : i32
      %dma_wait3A_91 = tpu.memref_slice %arg9[%dma_wait3A] : memref<640xf32, #tpu.memory_space<vmem>> -> memref<624xf32, #tpu.memory_space<vmem>>
      %dma_wait3A_92 = tpu.memref_slice %arg11[%mul3A_54] : memref<10000xf32, #tpu.memory_space<vmem_shared>> -> memref<624xf32, #tpu.memory_space<vmem_shared>>
      %dma_wait3A_93 = tpu.memref_slice %arg11[%mul3A_54] : memref<10000xf32, #tpu.memory_space<vmem_shared>> -> memref<624xf32, #tpu.memory_space<vmem_shared>>
      %dma_wait3A_94 = arith.constant 0 : i32
      %dma_wait3A_95 = tpu.memref_slice %arg9[%dma_wait3A_94] : memref<640xf32, #tpu.memory_space<vmem>> -> memref<624xf32, #tpu.memory_space<vmem>>
      tpu.wait_dma2 semaphore(%run_scoped3A : memref<!tpu.dma_semaphore, #tpu.memory_space<semaphore_mem>>) src(%dma_wait3A_95 : memref<624xf32, #tpu.memory_space<vmem>>) dst(%dma_wait3A_93 : memref<624xf32, #tpu.memory_space<vmem_shared>>)
      tpu.yield
    }) : () -> ()
    %eq3A = arith.constant 15 : i32
    %eq3A_55 = arith.cmpi eq, %arg1, %eq3A : i32
    %convert_element_type3A = arith.extui %eq3A_55 : i1 to i32
    %cond3A = arith.constant 0 : i32
    %cond3A_56 = arith.cmpi ne, %convert_element_type3A, %cond3A : i32
    scf.if %cond3A_56 {
      "tpu.region"() ({
        %run_scoped3A = tpu.sem_alloc : memref<!tpu.dma_semaphore, #tpu.memory_space<semaphore_mem>>
        %dma_start3A = arith.constant 0 : i32
        %dma_start3A_86 = tpu.memref_slice %arg9[%dma_start3A] : memref<640xf32, #tpu.memory_space<vmem>> -> memref<16xf32, #tpu.memory_space<vmem>>
        %dma_start3A_87 = arith.constant 9984 : i32
        %dma_start3A_88 = tpu.memref_slice %arg10[%dma_start3A_87] : memref<10000xf32, #tpu.memory_space<vmem_shared>> -> memref<16xf32, #tpu.memory_space<vmem_shared>>
        %dma_start3A_89 = arith.constant 9984 : i32
        %dma_start3A_90 = tpu.memref_slice %arg10[%dma_start3A_89] : memref<10000xf32, #tpu.memory_space<vmem_shared>> -> memref<16xf32, #tpu.memory_space<vmem_shared>>
        %dma_start3A_91 = arith.constant 0 : i32
        %dma_start3A_92 = tpu.memref_slice %arg9[%dma_start3A_91] : memref<640xf32, #tpu.memory_space<vmem>> -> memref<16xf32, #tpu.memory_space<vmem>>
        tpu.enqueue_dma source(%dma_start3A_92 : memref<16xf32, #tpu.memory_space<vmem>>) target(%dma_start3A_90 : memref<16xf32, #tpu.memory_space<vmem_shared>>) target_semaphore(%run_scoped3A : memref<!tpu.dma_semaphore, #tpu.memory_space<semaphore_mem>>)
        %dma_wait3A = arith.constant 0 : i32
        %dma_wait3A_93 = tpu.memref_slice %arg9[%dma_wait3A] : memref<640xf32, #tpu.memory_space<vmem>> -> memref<16xf32, #tpu.memory_space<vmem>>
        %dma_wait3A_94 = arith.constant 9984 : i32
        %dma_wait3A_95 = tpu.memref_slice %arg10[%dma_wait3A_94] : memref<10000xf32, #tpu.memory_space<vmem_shared>> -> memref<16xf32, #tpu.memory_space<vmem_shared>>
        %dma_wait3A_96 = arith.constant 9984 : i32
        %dma_wait3A_97 = tpu.memref_slice %arg10[%dma_wait3A_96] : memref<10000xf32, #tpu.memory_space<vmem_shared>> -> memref<16xf32, #tpu.memory_space<vmem_shared>>
        %dma_wait3A_98 = arith.constant 0 : i32
        %dma_wait3A_99 = tpu.memref_slice %arg9[%dma_wait3A_98] : memref<640xf32, #tpu.memory_space<vmem>> -> memref<16xf32, #tpu.memory_space<vmem>>
        tpu.wait_dma2 semaphore(%run_scoped3A : memref<!tpu.dma_semaphore, #tpu.memory_space<semaphore_mem>>) src(%dma_wait3A_99 : memref<16xf32, #tpu.memory_space<vmem>>) dst(%dma_wait3A_97 : memref<16xf32, #tpu.memory_space<vmem_shared>>)
        tpu.yield
      }) : () -> ()
      "tpu.region"() ({
        %run_scoped3A = tpu.sem_alloc : memref<!tpu.dma_semaphore, #tpu.memory_space<semaphore_mem>>
        %dma_start3A = arith.constant 0 : i32
        %dma_start3A_86 = tpu.memref_slice %arg9[%dma_start3A] : memref<640xf32, #tpu.memory_space<vmem>> -> memref<16xf32, #tpu.memory_space<vmem>>
        %dma_start3A_87 = arith.constant 9984 : i32
        %dma_start3A_88 = tpu.memref_slice %arg11[%dma_start3A_87] : memref<10000xf32, #tpu.memory_space<vmem_shared>> -> memref<16xf32, #tpu.memory_space<vmem_shared>>
        %dma_start3A_89 = arith.constant 9984 : i32
        %dma_start3A_90 = tpu.memref_slice %arg11[%dma_start3A_89] : memref<10000xf32, #tpu.memory_space<vmem_shared>> -> memref<16xf32, #tpu.memory_space<vmem_shared>>
        %dma_start3A_91 = arith.constant 0 : i32
        %dma_start3A_92 = tpu.memref_slice %arg9[%dma_start3A_91] : memref<640xf32, #tpu.memory_space<vmem>> -> memref<16xf32, #tpu.memory_space<vmem>>
        tpu.enqueue_dma source(%dma_start3A_92 : memref<16xf32, #tpu.memory_space<vmem>>) target(%dma_start3A_90 : memref<16xf32, #tpu.memory_space<vmem_shared>>) target_semaphore(%run_scoped3A : memref<!tpu.dma_semaphore, #tpu.memory_space<semaphore_mem>>)
        %dma_wait3A = arith.constant 0 : i32
        %dma_wait3A_93 = tpu.memref_slice %arg9[%dma_wait3A] : memref<640xf32, #tpu.memory_space<vmem>> -> memref<16xf32, #tpu.memory_space<vmem>>
        %dma_wait3A_94 = arith.constant 9984 : i32
        %dma_wait3A_95 = tpu.memref_slice %arg11[%dma_wait3A_94] : memref<10000xf32, #tpu.memory_space<vmem_shared>> -> memref<16xf32, #tpu.memory_space<vmem_shared>>
        %dma_wait3A_96 = arith.constant 9984 : i32
        %dma_wait3A_97 = tpu.memref_slice %arg11[%dma_wait3A_96] : memref<10000xf32, #tpu.memory_space<vmem_shared>> -> memref<16xf32, #tpu.memory_space<vmem_shared>>
        %dma_wait3A_98 = arith.constant 0 : i32
        %dma_wait3A_99 = tpu.memref_slice %arg9[%dma_wait3A_98] : memref<640xf32, #tpu.memory_space<vmem>> -> memref<16xf32, #tpu.memory_space<vmem>>
        tpu.wait_dma2 semaphore(%run_scoped3A : memref<!tpu.dma_semaphore, #tpu.memory_space<semaphore_mem>>) src(%dma_wait3A_99 : memref<16xf32, #tpu.memory_space<vmem>>) dst(%dma_wait3A_97 : memref<16xf32, #tpu.memory_space<vmem_shared>>)
        tpu.yield
      }) : () -> ()
    } else {
    }
    %barrier3A = arith.constant 0 : index
    tpu.barrier barrier_id(%barrier3A)
    %mul3A_57 = arith.constant 80 : i32
    %mul3A_58 = arith.muli %arg0, %mul3A_57 : i32
    "tpu.region"() ({
      %run_scoped3A = tpu.sem_alloc : memref<!tpu.dma_semaphore, #tpu.memory_space<semaphore_mem>>
      %dma_start3A = arith.constant 0 : i32
      %dma_start3A_86 = tpu.memref_slice %arg2[%arg1, %mul3A_58, %dma_start3A] : memref<16x160x125xi32, #tpu.memory_space<hbm>> -> memref<1x80x125xi32, #tpu.memory_space<hbm>>
      %dma_start3A_87 = tpu.memref_squeeze %dma_start3A_86 : memref<1x80x125xi32, #tpu.memory_space<hbm>> -> memref<80x125xi32, #tpu.memory_space<hbm>>
      %dma_start3A_88 = arith.constant 0 : i32
      %dma_start3A_89 = tpu.memref_slice %arg2[%arg1, %mul3A_58, %dma_start3A_88] : memref<16x160x125xi32, #tpu.memory_space<hbm>> -> memref<1x80x125xi32, #tpu.memory_space<hbm>>
      %dma_start3A_90 = tpu.memref_squeeze %dma_start3A_89 : memref<1x80x125xi32, #tpu.memory_space<hbm>> -> memref<80x125xi32, #tpu.memory_space<hbm>>
      tpu.enqueue_dma source(%dma_start3A_90 : memref<80x125xi32, #tpu.memory_space<hbm>>) target(%arg6 : memref<80x125xi32, #tpu.memory_space<vmem>>) target_semaphore(%run_scoped3A : memref<!tpu.dma_semaphore, #tpu.memory_space<semaphore_mem>>)
      %dma_wait3A = arith.constant 0 : i32
      %dma_wait3A_91 = tpu.memref_slice %arg2[%arg1, %mul3A_58, %dma_wait3A] : memref<16x160x125xi32, #tpu.memory_space<hbm>> -> memref<1x80x125xi32, #tpu.memory_space<hbm>>
      %dma_wait3A_92 = tpu.memref_squeeze %dma_wait3A_91 : memref<1x80x125xi32, #tpu.memory_space<hbm>> -> memref<80x125xi32, #tpu.memory_space<hbm>>
      %dma_wait3A_93 = arith.constant 0 : i32
      %dma_wait3A_94 = tpu.memref_slice %arg2[%arg1, %mul3A_58, %dma_wait3A_93] : memref<16x160x125xi32, #tpu.memory_space<hbm>> -> memref<1x80x125xi32, #tpu.memory_space<hbm>>
      %dma_wait3A_95 = tpu.memref_squeeze %dma_wait3A_94 : memref<1x80x125xi32, #tpu.memory_space<hbm>> -> memref<80x125xi32, #tpu.memory_space<hbm>>
      tpu.wait_dma2 semaphore(%run_scoped3A : memref<!tpu.dma_semaphore, #tpu.memory_space<semaphore_mem>>) src(%dma_wait3A_95 : memref<80x125xi32, #tpu.memory_space<hbm>>) dst(%arg6 : memref<80x125xi32, #tpu.memory_space<vmem>>)
      tpu.yield
    }) : () -> ()
    %mul3A_59 = arith.constant 80 : i32
    %mul3A_60 = arith.muli %arg0, %mul3A_59 : i32
    "tpu.region"() ({
      %run_scoped3A = tpu.sem_alloc : memref<!tpu.dma_semaphore, #tpu.memory_space<semaphore_mem>>
      %dma_start3A = arith.constant 0 : i32
      %dma_start3A_86 = tpu.memref_slice %arg3[%arg1, %mul3A_60, %dma_start3A] : memref<16x160x125xi32, #tpu.memory_space<hbm>> -> memref<1x80x125xi32, #tpu.memory_space<hbm>>
      %dma_start3A_87 = tpu.memref_squeeze %dma_start3A_86 : memref<1x80x125xi32, #tpu.memory_space<hbm>> -> memref<80x125xi32, #tpu.memory_space<hbm>>
      %dma_start3A_88 = arith.constant 0 : i32
      %dma_start3A_89 = tpu.memref_slice %arg3[%arg1, %mul3A_60, %dma_start3A_88] : memref<16x160x125xi32, #tpu.memory_space<hbm>> -> memref<1x80x125xi32, #tpu.memory_space<hbm>>
      %dma_start3A_90 = tpu.memref_squeeze %dma_start3A_89 : memref<1x80x125xi32, #tpu.memory_space<hbm>> -> memref<80x125xi32, #tpu.memory_space<hbm>>
      tpu.enqueue_dma source(%dma_start3A_90 : memref<80x125xi32, #tpu.memory_space<hbm>>) target(%arg7 : memref<80x125xi32, #tpu.memory_space<vmem>>) target_semaphore(%run_scoped3A : memref<!tpu.dma_semaphore, #tpu.memory_space<semaphore_mem>>)
      %dma_wait3A = arith.constant 0 : i32
      %dma_wait3A_91 = tpu.memref_slice %arg3[%arg1, %mul3A_60, %dma_wait3A] : memref<16x160x125xi32, #tpu.memory_space<hbm>> -> memref<1x80x125xi32, #tpu.memory_space<hbm>>
      %dma_wait3A_92 = tpu.memref_squeeze %dma_wait3A_91 : memref<1x80x125xi32, #tpu.memory_space<hbm>> -> memref<80x125xi32, #tpu.memory_space<hbm>>
      %dma_wait3A_93 = arith.constant 0 : i32
      %dma_wait3A_94 = tpu.memref_slice %arg3[%arg1, %mul3A_60, %dma_wait3A_93] : memref<16x160x125xi32, #tpu.memory_space<hbm>> -> memref<1x80x125xi32, #tpu.memory_space<hbm>>
      %dma_wait3A_95 = tpu.memref_squeeze %dma_wait3A_94 : memref<1x80x125xi32, #tpu.memory_space<hbm>> -> memref<80x125xi32, #tpu.memory_space<hbm>>
      tpu.wait_dma2 semaphore(%run_scoped3A : memref<!tpu.dma_semaphore, #tpu.memory_space<semaphore_mem>>) src(%dma_wait3A_95 : memref<80x125xi32, #tpu.memory_space<hbm>>) dst(%arg7 : memref<80x125xi32, #tpu.memory_space<vmem>>)
      tpu.yield
    }) : () -> ()
    %scan3A_61 = arith.constant 0 : i32
    %scan3A_62 = arith.constant 10 : i32
    %scan3A_63 = arith.addi %scan3A_61, %scan3A_62 : i32
    %scan3A_64 = arith.constant 1 : i32
    scf.for %scan3A_86 = %scan3A_61 to %scan3A_63 step %scan3A_64  : i32 {
      %mul3A_87 = arith.constant 8 : i32
      %mul3A_88 = arith.muli %scan3A_86, %mul3A_87 : i32
      %add3A_89 = arith.constant 0 : i32
      %add3A_90 = arith.addi %add3A_89, %mul3A_88 : i32
      %add3A_91 = arith.constant 0 : i32
      %add3A_92 = arith.addi %add3A_90, %add3A_91 : i32
      %dma_start3A = arith.constant 0 : i32
      %dma_start3A_93 = tpu.memref_slice %arg8[%dma_start3A] : memref<128xf32, #tpu.memory_space<vmem>> -> memref<125xf32, #tpu.memory_space<vmem>>
      %dma_start3A_94 = arith.constant 0 : i32
      %dma_start3A_95 = tpu.memref_slice %arg6[%add3A_92, %dma_start3A_94] : memref<80x125xi32, #tpu.memory_space<vmem>> -> memref<1x125xi32, #tpu.memory_space<vmem>>
      %dma_start3A_96 = tpu.memref_squeeze %dma_start3A_95 : memref<1x125xi32, #tpu.memory_space<vmem>> -> memref<125xi32, #tpu.memory_space<vmem>>
      %dma_start3A_97 = arith.constant 0 : i32
      %dma_start3A_98 = tpu.memref_slice %arg10[%dma_start3A_97] : memref<10000xf32, #tpu.memory_space<vmem_shared>> -> memref<10000xf32, #tpu.memory_space<vmem_shared>>
      tpu.enqueue_indirect_dma source(%dma_start3A_93 : memref<125xf32, #tpu.memory_space<vmem>>) target(%dma_start3A_98 : memref<10000xf32, #tpu.memory_space<vmem_shared>>) offsets(%dma_start3A_96 : memref<125xi32, #tpu.memory_space<vmem>>) semaphore(%arg12 : memref<!tpu.dma_semaphore, #tpu.memory_space<semaphore_mem>>) {add = true}
      %add3A_99 = arith.constant 0 : i32
      %add3A_100 = arith.addi %add3A_90, %add3A_99 : i32
      %dma_start3A_101 = arith.constant 0 : i32
      %dma_start3A_102 = tpu.memref_slice %arg8[%dma_start3A_101] : memref<128xf32, #tpu.memory_space<vmem>> -> memref<125xf32, #tpu.memory_space<vmem>>
      %dma_start3A_103 = arith.constant 0 : i32
      %dma_start3A_104 = tpu.memref_slice %arg7[%add3A_100, %dma_start3A_103] : memref<80x125xi32, #tpu.memory_space<vmem>> -> memref<1x125xi32, #tpu.memory_space<vmem>>
      %dma_start3A_105 = tpu.memref_squeeze %dma_start3A_104 : memref<1x125xi32, #tpu.memory_space<vmem>> -> memref<125xi32, #tpu.memory_space<vmem>>
      %dma_start3A_106 = arith.constant 0 : i32
      %dma_start3A_107 = tpu.memref_slice %arg11[%dma_start3A_106] : memref<10000xf32, #tpu.memory_space<vmem_shared>> -> memref<10000xf32, #tpu.memory_space<vmem_shared>>
      tpu.enqueue_indirect_dma source(%dma_start3A_102 : memref<125xf32, #tpu.memory_space<vmem>>) target(%dma_start3A_107 : memref<10000xf32, #tpu.memory_space<vmem_shared>>) offsets(%dma_start3A_105 : memref<125xi32, #tpu.memory_space<vmem>>) semaphore(%arg13 : memref<!tpu.dma_semaphore, #tpu.memory_space<semaphore_mem>>) {add = true}
      %add3A_108 = arith.constant 1 : i32
      %add3A_109 = arith.addi %add3A_90, %add3A_108 : i32
      %dma_start3A_110 = arith.constant 0 : i32
      %dma_start3A_111 = tpu.memref_slice %arg8[%dma_start3A_110] : memref<128xf32, #tpu.memory_space<vmem>> -> memref<125xf32, #tpu.memory_space<vmem>>
      %dma_start3A_112 = arith.constant 0 : i32
      %dma_start3A_113 = tpu.memref_slice %arg6[%add3A_109, %dma_start3A_112] : memref<80x125xi32, #tpu.memory_space<vmem>> -> memref<1x125xi32, #tpu.memory_space<vmem>>
      %dma_start3A_114 = tpu.memref_squeeze %dma_start3A_113 : memref<1x125xi32, #tpu.memory_space<vmem>> -> memref<125xi32, #tpu.memory_space<vmem>>
      %dma_start3A_115 = arith.constant 0 : i32
      %dma_start3A_116 = tpu.memref_slice %arg10[%dma_start3A_115] : memref<10000xf32, #tpu.memory_space<vmem_shared>> -> memref<10000xf32, #tpu.memory_space<vmem_shared>>
      tpu.enqueue_indirect_dma source(%dma_start3A_111 : memref<125xf32, #tpu.memory_space<vmem>>) target(%dma_start3A_116 : memref<10000xf32, #tpu.memory_space<vmem_shared>>) offsets(%dma_start3A_114 : memref<125xi32, #tpu.memory_space<vmem>>) semaphore(%arg12 : memref<!tpu.dma_semaphore, #tpu.memory_space<semaphore_mem>>) {add = true}
      %add3A_117 = arith.constant 1 : i32
      %add3A_118 = arith.addi %add3A_90, %add3A_117 : i32
      %dma_start3A_119 = arith.constant 0 : i32
      %dma_start3A_120 = tpu.memref_slice %arg8[%dma_start3A_119] : memref<128xf32, #tpu.memory_space<vmem>> -> memref<125xf32, #tpu.memory_space<vmem>>
      %dma_start3A_121 = arith.constant 0 : i32
      %dma_start3A_122 = tpu.memref_slice %arg7[%add3A_118, %dma_start3A_121] : memref<80x125xi32, #tpu.memory_space<vmem>> -> memref<1x125xi32, #tpu.memory_space<vmem>>
      %dma_start3A_123 = tpu.memref_squeeze %dma_start3A_122 : memref<1x125xi32, #tpu.memory_space<vmem>> -> memref<125xi32, #tpu.memory_space<vmem>>
      %dma_start3A_124 = arith.constant 0 : i32
      %dma_start3A_125 = tpu.memref_slice %arg11[%dma_start3A_124] : memref<10000xf32, #tpu.memory_space<vmem_shared>> -> memref<10000xf32, #tpu.memory_space<vmem_shared>>
      tpu.enqueue_indirect_dma source(%dma_start3A_120 : memref<125xf32, #tpu.memory_space<vmem>>) target(%dma_start3A_125 : memref<10000xf32, #tpu.memory_space<vmem_shared>>) offsets(%dma_start3A_123 : memref<125xi32, #tpu.memory_space<vmem>>) semaphore(%arg13 : memref<!tpu.dma_semaphore, #tpu.memory_space<semaphore_mem>>) {add = true}
      %add3A_126 = arith.constant 2 : i32
      %add3A_127 = arith.addi %add3A_90, %add3A_126 : i32
      %dma_start3A_128 = arith.constant 0 : i32
      %dma_start3A_129 = tpu.memref_slice %arg8[%dma_start3A_128] : memref<128xf32, #tpu.memory_space<vmem>> -> memref<125xf32, #tpu.memory_space<vmem>>
      %dma_start3A_130 = arith.constant 0 : i32
      %dma_start3A_131 = tpu.memref_slice %arg6[%add3A_127, %dma_start3A_130] : memref<80x125xi32, #tpu.memory_space<vmem>> -> memref<1x125xi32, #tpu.memory_space<vmem>>
      %dma_start3A_132 = tpu.memref_squeeze %dma_start3A_131 : memref<1x125xi32, #tpu.memory_space<vmem>> -> memref<125xi32, #tpu.memory_space<vmem>>
      %dma_start3A_133 = arith.constant 0 : i32
      %dma_start3A_134 = tpu.memref_slice %arg10[%dma_start3A_133] : memref<10000xf32, #tpu.memory_space<vmem_shared>> -> memref<10000xf32, #tpu.memory_space<vmem_shared>>
      tpu.enqueue_indirect_dma source(%dma_start3A_129 : memref<125xf32, #tpu.memory_space<vmem>>) target(%dma_start3A_134 : memref<10000xf32, #tpu.memory_space<vmem_shared>>) offsets(%dma_start3A_132 : memref<125xi32, #tpu.memory_space<vmem>>) semaphore(%arg12 : memref<!tpu.dma_semaphore, #tpu.memory_space<semaphore_mem>>) {add = true}
      %add3A_135 = arith.constant 2 : i32
      %add3A_136 = arith.addi %add3A_90, %add3A_135 : i32
      %dma_start3A_137 = arith.constant 0 : i32
      %dma_start3A_138 = tpu.memref_slice %arg8[%dma_start3A_137] : memref<128xf32, #tpu.memory_space<vmem>> -> memref<125xf32, #tpu.memory_space<vmem>>
      %dma_start3A_139 = arith.constant 0 : i32
      %dma_start3A_140 = tpu.memref_slice %arg7[%add3A_136, %dma_start3A_139] : memref<80x125xi32, #tpu.memory_space<vmem>> -> memref<1x125xi32, #tpu.memory_space<vmem>>
      %dma_start3A_141 = tpu.memref_squeeze %dma_start3A_140 : memref<1x125xi32, #tpu.memory_space<vmem>> -> memref<125xi32, #tpu.memory_space<vmem>>
      %dma_start3A_142 = arith.constant 0 : i32
      %dma_start3A_143 = tpu.memref_slice %arg11[%dma_start3A_142] : memref<10000xf32, #tpu.memory_space<vmem_shared>> -> memref<10000xf32, #tpu.memory_space<vmem_shared>>
      tpu.enqueue_indirect_dma source(%dma_start3A_138 : memref<125xf32, #tpu.memory_space<vmem>>) target(%dma_start3A_143 : memref<10000xf32, #tpu.memory_space<vmem_shared>>) offsets(%dma_start3A_141 : memref<125xi32, #tpu.memory_space<vmem>>) semaphore(%arg13 : memref<!tpu.dma_semaphore, #tpu.memory_space<semaphore_mem>>) {add = true}
      %add3A_144 = arith.constant 3 : i32
      %add3A_145 = arith.addi %add3A_90, %add3A_144 : i32
      %dma_start3A_146 = arith.constant 0 : i32
      %dma_start3A_147 = tpu.memref_slice %arg8[%dma_start3A_146] : memref<128xf32, #tpu.memory_space<vmem>> -> memref<125xf32, #tpu.memory_space<vmem>>
      %dma_start3A_148 = arith.constant 0 : i32
      %dma_start3A_149 = tpu.memref_slice %arg6[%add3A_145, %dma_start3A_148] : memref<80x125xi32, #tpu.memory_space<vmem>> -> memref<1x125xi32, #tpu.memory_space<vmem>>
      %dma_start3A_150 = tpu.memref_squeeze %dma_start3A_149 : memref<1x125xi32, #tpu.memory_space<vmem>> -> memref<125xi32, #tpu.memory_space<vmem>>
      %dma_start3A_151 = arith.constant 0 : i32
      %dma_start3A_152 = tpu.memref_slice %arg10[%dma_start3A_151] : memref<10000xf32, #tpu.memory_space<vmem_shared>> -> memref<10000xf32, #tpu.memory_space<vmem_shared>>
      tpu.enqueue_indirect_dma source(%dma_start3A_147 : memref<125xf32, #tpu.memory_space<vmem>>) target(%dma_start3A_152 : memref<10000xf32, #tpu.memory_space<vmem_shared>>) offsets(%dma_start3A_150 : memref<125xi32, #tpu.memory_space<vmem>>) semaphore(%arg12 : memref<!tpu.dma_semaphore, #tpu.memory_space<semaphore_mem>>) {add = true}
      %add3A_153 = arith.constant 3 : i32
      %add3A_154 = arith.addi %add3A_90, %add3A_153 : i32
      %dma_start3A_155 = arith.constant 0 : i32
      %dma_start3A_156 = tpu.memref_slice %arg8[%dma_start3A_155] : memref<128xf32, #tpu.memory_space<vmem>> -> memref<125xf32, #tpu.memory_space<vmem>>
      %dma_start3A_157 = arith.constant 0 : i32
      %dma_start3A_158 = tpu.memref_slice %arg7[%add3A_154, %dma_start3A_157] : memref<80x125xi32, #tpu.memory_space<vmem>> -> memref<1x125xi32, #tpu.memory_space<vmem>>
      %dma_start3A_159 = tpu.memref_squeeze %dma_start3A_158 : memref<1x125xi32, #tpu.memory_space<vmem>> -> memref<125xi32, #tpu.memory_space<vmem>>
      %dma_start3A_160 = arith.constant 0 : i32
      %dma_start3A_161 = tpu.memref_slice %arg11[%dma_start3A_160] : memref<10000xf32, #tpu.memory_space<vmem_shared>> -> memref<10000xf32, #tpu.memory_space<vmem_shared>>
      tpu.enqueue_indirect_dma source(%dma_start3A_156 : memref<125xf32, #tpu.memory_space<vmem>>) target(%dma_start3A_161 : memref<10000xf32, #tpu.memory_space<vmem_shared>>) offsets(%dma_start3A_159 : memref<125xi32, #tpu.memory_space<vmem>>) semaphore(%arg13 : memref<!tpu.dma_semaphore, #tpu.memory_space<semaphore_mem>>) {add = true}
      %add3A_162 = arith.constant 4 : i32
      %add3A_163 = arith.addi %add3A_90, %add3A_162 : i32
      %dma_start3A_164 = arith.constant 0 : i32
      %dma_start3A_165 = tpu.memref_slice %arg8[%dma_start3A_164] : memref<128xf32, #tpu.memory_space<vmem>> -> memref<125xf32, #tpu.memory_space<vmem>>
      %dma_start3A_166 = arith.constant 0 : i32
      %dma_start3A_167 = tpu.memref_slice %arg6[%add3A_163, %dma_start3A_166] : memref<80x125xi32, #tpu.memory_space<vmem>> -> memref<1x125xi32, #tpu.memory_space<vmem>>
      %dma_start3A_168 = tpu.memref_squeeze %dma_start3A_167 : memref<1x125xi32, #tpu.memory_space<vmem>> -> memref<125xi32, #tpu.memory_space<vmem>>
      %dma_start3A_169 = arith.constant 0 : i32
      %dma_start3A_170 = tpu.memref_slice %arg10[%dma_start3A_169] : memref<10000xf32, #tpu.memory_space<vmem_shared>> -> memref<10000xf32, #tpu.memory_space<vmem_shared>>
      tpu.enqueue_indirect_dma source(%dma_start3A_165 : memref<125xf32, #tpu.memory_space<vmem>>) target(%dma_start3A_170 : memref<10000xf32, #tpu.memory_space<vmem_shared>>) offsets(%dma_start3A_168 : memref<125xi32, #tpu.memory_space<vmem>>) semaphore(%arg12 : memref<!tpu.dma_semaphore, #tpu.memory_space<semaphore_mem>>) {add = true}
      %add3A_171 = arith.constant 4 : i32
      %add3A_172 = arith.addi %add3A_90, %add3A_171 : i32
      %dma_start3A_173 = arith.constant 0 : i32
      %dma_start3A_174 = tpu.memref_slice %arg8[%dma_start3A_173] : memref<128xf32, #tpu.memory_space<vmem>> -> memref<125xf32, #tpu.memory_space<vmem>>
      %dma_start3A_175 = arith.constant 0 : i32
      %dma_start3A_176 = tpu.memref_slice %arg7[%add3A_172, %dma_start3A_175] : memref<80x125xi32, #tpu.memory_space<vmem>> -> memref<1x125xi32, #tpu.memory_space<vmem>>
      %dma_start3A_177 = tpu.memref_squeeze %dma_start3A_176 : memref<1x125xi32, #tpu.memory_space<vmem>> -> memref<125xi32, #tpu.memory_space<vmem>>
      %dma_start3A_178 = arith.constant 0 : i32
      %dma_start3A_179 = tpu.memref_slice %arg11[%dma_start3A_178] : memref<10000xf32, #tpu.memory_space<vmem_shared>> -> memref<10000xf32, #tpu.memory_space<vmem_shared>>
      tpu.enqueue_indirect_dma source(%dma_start3A_174 : memref<125xf32, #tpu.memory_space<vmem>>) target(%dma_start3A_179 : memref<10000xf32, #tpu.memory_space<vmem_shared>>) offsets(%dma_start3A_177 : memref<125xi32, #tpu.memory_space<vmem>>) semaphore(%arg13 : memref<!tpu.dma_semaphore, #tpu.memory_space<semaphore_mem>>) {add = true}
      %add3A_180 = arith.constant 5 : i32
      %add3A_181 = arith.addi %add3A_90, %add3A_180 : i32
      %dma_start3A_182 = arith.constant 0 : i32
      %dma_start3A_183 = tpu.memref_slice %arg8[%dma_start3A_182] : memref<128xf32, #tpu.memory_space<vmem>> -> memref<125xf32, #tpu.memory_space<vmem>>
      %dma_start3A_184 = arith.constant 0 : i32
      %dma_start3A_185 = tpu.memref_slice %arg6[%add3A_181, %dma_start3A_184] : memref<80x125xi32, #tpu.memory_space<vmem>> -> memref<1x125xi32, #tpu.memory_space<vmem>>
      %dma_start3A_186 = tpu.memref_squeeze %dma_start3A_185 : memref<1x125xi32, #tpu.memory_space<vmem>> -> memref<125xi32, #tpu.memory_space<vmem>>
      %dma_start3A_187 = arith.constant 0 : i32
      %dma_start3A_188 = tpu.memref_slice %arg10[%dma_start3A_187] : memref<10000xf32, #tpu.memory_space<vmem_shared>> -> memref<10000xf32, #tpu.memory_space<vmem_shared>>
      tpu.enqueue_indirect_dma source(%dma_start3A_183 : memref<125xf32, #tpu.memory_space<vmem>>) target(%dma_start3A_188 : memref<10000xf32, #tpu.memory_space<vmem_shared>>) offsets(%dma_start3A_186 : memref<125xi32, #tpu.memory_space<vmem>>) semaphore(%arg12 : memref<!tpu.dma_semaphore, #tpu.memory_space<semaphore_mem>>) {add = true}
      %add3A_189 = arith.constant 5 : i32
      %add3A_190 = arith.addi %add3A_90, %add3A_189 : i32
      %dma_start3A_191 = arith.constant 0 : i32
      %dma_start3A_192 = tpu.memref_slice %arg8[%dma_start3A_191] : memref<128xf32, #tpu.memory_space<vmem>> -> memref<125xf32, #tpu.memory_space<vmem>>
      %dma_start3A_193 = arith.constant 0 : i32
      %dma_start3A_194 = tpu.memref_slice %arg7[%add3A_190, %dma_start3A_193] : memref<80x125xi32, #tpu.memory_space<vmem>> -> memref<1x125xi32, #tpu.memory_space<vmem>>
      %dma_start3A_195 = tpu.memref_squeeze %dma_start3A_194 : memref<1x125xi32, #tpu.memory_space<vmem>> -> memref<125xi32, #tpu.memory_space<vmem>>
      %dma_start3A_196 = arith.constant 0 : i32
      %dma_start3A_197 = tpu.memref_slice %arg11[%dma_start3A_196] : memref<10000xf32, #tpu.memory_space<vmem_shared>> -> memref<10000xf32, #tpu.memory_space<vmem_shared>>
      tpu.enqueue_indirect_dma source(%dma_start3A_192 : memref<125xf32, #tpu.memory_space<vmem>>) target(%dma_start3A_197 : memref<10000xf32, #tpu.memory_space<vmem_shared>>) offsets(%dma_start3A_195 : memref<125xi32, #tpu.memory_space<vmem>>) semaphore(%arg13 : memref<!tpu.dma_semaphore, #tpu.memory_space<semaphore_mem>>) {add = true}
      %add3A_198 = arith.constant 6 : i32
      %add3A_199 = arith.addi %add3A_90, %add3A_198 : i32
      %dma_start3A_200 = arith.constant 0 : i32
      %dma_start3A_201 = tpu.memref_slice %arg8[%dma_start3A_200] : memref<128xf32, #tpu.memory_space<vmem>> -> memref<125xf32, #tpu.memory_space<vmem>>
      %dma_start3A_202 = arith.constant 0 : i32
      %dma_start3A_203 = tpu.memref_slice %arg6[%add3A_199, %dma_start3A_202] : memref<80x125xi32, #tpu.memory_space<vmem>> -> memref<1x125xi32, #tpu.memory_space<vmem>>
      %dma_start3A_204 = tpu.memref_squeeze %dma_start3A_203 : memref<1x125xi32, #tpu.memory_space<vmem>> -> memref<125xi32, #tpu.memory_space<vmem>>
      %dma_start3A_205 = arith.constant 0 : i32
      %dma_start3A_206 = tpu.memref_slice %arg10[%dma_start3A_205] : memref<10000xf32, #tpu.memory_space<vmem_shared>> -> memref<10000xf32, #tpu.memory_space<vmem_shared>>
      tpu.enqueue_indirect_dma source(%dma_start3A_201 : memref<125xf32, #tpu.memory_space<vmem>>) target(%dma_start3A_206 : memref<10000xf32, #tpu.memory_space<vmem_shared>>) offsets(%dma_start3A_204 : memref<125xi32, #tpu.memory_space<vmem>>) semaphore(%arg12 : memref<!tpu.dma_semaphore, #tpu.memory_space<semaphore_mem>>) {add = true}
      %add3A_207 = arith.constant 6 : i32
      %add3A_208 = arith.addi %add3A_90, %add3A_207 : i32
      %dma_start3A_209 = arith.constant 0 : i32
      %dma_start3A_210 = tpu.memref_slice %arg8[%dma_start3A_209] : memref<128xf32, #tpu.memory_space<vmem>> -> memref<125xf32, #tpu.memory_space<vmem>>
      %dma_start3A_211 = arith.constant 0 : i32
      %dma_start3A_212 = tpu.memref_slice %arg7[%add3A_208, %dma_start3A_211] : memref<80x125xi32, #tpu.memory_space<vmem>> -> memref<1x125xi32, #tpu.memory_space<vmem>>
      %dma_start3A_213 = tpu.memref_squeeze %dma_start3A_212 : memref<1x125xi32, #tpu.memory_space<vmem>> -> memref<125xi32, #tpu.memory_space<vmem>>
      %dma_start3A_214 = arith.constant 0 : i32
      %dma_start3A_215 = tpu.memref_slice %arg11[%dma_start3A_214] : memref<10000xf32, #tpu.memory_space<vmem_shared>> -> memref<10000xf32, #tpu.memory_space<vmem_shared>>
      tpu.enqueue_indirect_dma source(%dma_start3A_210 : memref<125xf32, #tpu.memory_space<vmem>>) target(%dma_start3A_215 : memref<10000xf32, #tpu.memory_space<vmem_shared>>) offsets(%dma_start3A_213 : memref<125xi32, #tpu.memory_space<vmem>>) semaphore(%arg13 : memref<!tpu.dma_semaphore, #tpu.memory_space<semaphore_mem>>) {add = true}
      %add3A_216 = arith.constant 7 : i32
      %add3A_217 = arith.addi %add3A_90, %add3A_216 : i32
      %dma_start3A_218 = arith.constant 0 : i32
      %dma_start3A_219 = tpu.memref_slice %arg8[%dma_start3A_218] : memref<128xf32, #tpu.memory_space<vmem>> -> memref<125xf32, #tpu.memory_space<vmem>>
      %dma_start3A_220 = arith.constant 0 : i32
      %dma_start3A_221 = tpu.memref_slice %arg6[%add3A_217, %dma_start3A_220] : memref<80x125xi32, #tpu.memory_space<vmem>> -> memref<1x125xi32, #tpu.memory_space<vmem>>
      %dma_start3A_222 = tpu.memref_squeeze %dma_start3A_221 : memref<1x125xi32, #tpu.memory_space<vmem>> -> memref<125xi32, #tpu.memory_space<vmem>>
      %dma_start3A_223 = arith.constant 0 : i32
      %dma_start3A_224 = tpu.memref_slice %arg10[%dma_start3A_223] : memref<10000xf32, #tpu.memory_space<vmem_shared>> -> memref<10000xf32, #tpu.memory_space<vmem_shared>>
      tpu.enqueue_indirect_dma source(%dma_start3A_219 : memref<125xf32, #tpu.memory_space<vmem>>) target(%dma_start3A_224 : memref<10000xf32, #tpu.memory_space<vmem_shared>>) offsets(%dma_start3A_222 : memref<125xi32, #tpu.memory_space<vmem>>) semaphore(%arg12 : memref<!tpu.dma_semaphore, #tpu.memory_space<semaphore_mem>>) {add = true}
      %add3A_225 = arith.constant 7 : i32
      %add3A_226 = arith.addi %add3A_90, %add3A_225 : i32
      %dma_start3A_227 = arith.constant 0 : i32
      %dma_start3A_228 = tpu.memref_slice %arg8[%dma_start3A_227] : memref<128xf32, #tpu.memory_space<vmem>> -> memref<125xf32, #tpu.memory_space<vmem>>
      %dma_start3A_229 = arith.constant 0 : i32
      %dma_start3A_230 = tpu.memref_slice %arg7[%add3A_226, %dma_start3A_229] : memref<80x125xi32, #tpu.memory_space<vmem>> -> memref<1x125xi32, #tpu.memory_space<vmem>>
      %dma_start3A_231 = tpu.memref_squeeze %dma_start3A_230 : memref<1x125xi32, #tpu.memory_space<vmem>> -> memref<125xi32, #tpu.memory_space<vmem>>
      %dma_start3A_232 = arith.constant 0 : i32
      %dma_start3A_233 = tpu.memref_slice %arg11[%dma_start3A_232] : memref<10000xf32, #tpu.memory_space<vmem_shared>> -> memref<10000xf32, #tpu.memory_space<vmem_shared>>
      tpu.enqueue_indirect_dma source(%dma_start3A_228 : memref<125xf32, #tpu.memory_space<vmem>>) target(%dma_start3A_233 : memref<10000xf32, #tpu.memory_space<vmem_shared>>) offsets(%dma_start3A_231 : memref<125xi32, #tpu.memory_space<vmem>>) semaphore(%arg13 : memref<!tpu.dma_semaphore, #tpu.memory_space<semaphore_mem>>) {add = true}
      %add3A_234 = arith.constant 0 : i32
      %add3A_235 = arith.addi %add3A_90, %add3A_234 : i32
      %dma_wait3A = arith.constant 0 : i32
      %dma_wait3A_236 = tpu.memref_slice %arg8[%dma_wait3A] : memref<128xf32, #tpu.memory_space<vmem>> -> memref<125xf32, #tpu.memory_space<vmem>>
      %dma_wait3A_237 = arith.constant 0 : i32
      %dma_wait3A_238 = tpu.memref_slice %arg6[%add3A_235, %dma_wait3A_237] : memref<80x125xi32, #tpu.memory_space<vmem>> -> memref<1x125xi32, #tpu.memory_space<vmem>>
      %dma_wait3A_239 = tpu.memref_squeeze %dma_wait3A_238 : memref<1x125xi32, #tpu.memory_space<vmem>> -> memref<125xi32, #tpu.memory_space<vmem>>
      %dma_wait3A_240 = arith.constant 0 : i32
      %dma_wait3A_241 = tpu.memref_slice %arg10[%dma_wait3A_240] : memref<10000xf32, #tpu.memory_space<vmem_shared>> -> memref<10000xf32, #tpu.memory_space<vmem_shared>>
      tpu.wait_indirect_dma semaphore(%arg12 : memref<!tpu.dma_semaphore, #tpu.memory_space<semaphore_mem>>) src(%dma_wait3A_236 : memref<125xf32, #tpu.memory_space<vmem>>) dst(%dma_wait3A_241 : memref<10000xf32, #tpu.memory_space<vmem_shared>>)
      %add3A_242 = arith.constant 0 : i32
      %add3A_243 = arith.addi %add3A_90, %add3A_242 : i32
      %dma_wait3A_244 = arith.constant 0 : i32
      %dma_wait3A_245 = tpu.memref_slice %arg8[%dma_wait3A_244] : memref<128xf32, #tpu.memory_space<vmem>> -> memref<125xf32, #tpu.memory_space<vmem>>
      %dma_wait3A_246 = arith.constant 0 : i32
      %dma_wait3A_247 = tpu.memref_slice %arg7[%add3A_243, %dma_wait3A_246] : memref<80x125xi32, #tpu.memory_space<vmem>> -> memref<1x125xi32, #tpu.memory_space<vmem>>
      %dma_wait3A_248 = tpu.memref_squeeze %dma_wait3A_247 : memref<1x125xi32, #tpu.memory_space<vmem>> -> memref<125xi32, #tpu.memory_space<vmem>>
      %dma_wait3A_249 = arith.constant 0 : i32
      %dma_wait3A_250 = tpu.memref_slice %arg11[%dma_wait3A_249] : memref<10000xf32, #tpu.memory_space<vmem_shared>> -> memref<10000xf32, #tpu.memory_space<vmem_shared>>
      tpu.wait_indirect_dma semaphore(%arg13 : memref<!tpu.dma_semaphore, #tpu.memory_space<semaphore_mem>>) src(%dma_wait3A_245 : memref<125xf32, #tpu.memory_space<vmem>>) dst(%dma_wait3A_250 : memref<10000xf32, #tpu.memory_space<vmem_shared>>)
      %add3A_251 = arith.constant 1 : i32
      %add3A_252 = arith.addi %add3A_90, %add3A_251 : i32
      %dma_wait3A_253 = arith.constant 0 : i32
      %dma_wait3A_254 = tpu.memref_slice %arg8[%dma_wait3A_253] : memref<128xf32, #tpu.memory_space<vmem>> -> memref<125xf32, #tpu.memory_space<vmem>>
      %dma_wait3A_255 = arith.constant 0 : i32
      %dma_wait3A_256 = tpu.memref_slice %arg6[%add3A_252, %dma_wait3A_255] : memref<80x125xi32, #tpu.memory_space<vmem>> -> memref<1x125xi32, #tpu.memory_space<vmem>>
      %dma_wait3A_257 = tpu.memref_squeeze %dma_wait3A_256 : memref<1x125xi32, #tpu.memory_space<vmem>> -> memref<125xi32, #tpu.memory_space<vmem>>
      %dma_wait3A_258 = arith.constant 0 : i32
      %dma_wait3A_259 = tpu.memref_slice %arg10[%dma_wait3A_258] : memref<10000xf32, #tpu.memory_space<vmem_shared>> -> memref<10000xf32, #tpu.memory_space<vmem_shared>>
      tpu.wait_indirect_dma semaphore(%arg12 : memref<!tpu.dma_semaphore, #tpu.memory_space<semaphore_mem>>) src(%dma_wait3A_254 : memref<125xf32, #tpu.memory_space<vmem>>) dst(%dma_wait3A_259 : memref<10000xf32, #tpu.memory_space<vmem_shared>>)
      %add3A_260 = arith.constant 1 : i32
      %add3A_261 = arith.addi %add3A_90, %add3A_260 : i32
      %dma_wait3A_262 = arith.constant 0 : i32
      %dma_wait3A_263 = tpu.memref_slice %arg8[%dma_wait3A_262] : memref<128xf32, #tpu.memory_space<vmem>> -> memref<125xf32, #tpu.memory_space<vmem>>
      %dma_wait3A_264 = arith.constant 0 : i32
      %dma_wait3A_265 = tpu.memref_slice %arg7[%add3A_261, %dma_wait3A_264] : memref<80x125xi32, #tpu.memory_space<vmem>> -> memref<1x125xi32, #tpu.memory_space<vmem>>
      %dma_wait3A_266 = tpu.memref_squeeze %dma_wait3A_265 : memref<1x125xi32, #tpu.memory_space<vmem>> -> memref<125xi32, #tpu.memory_space<vmem>>
      %dma_wait3A_267 = arith.constant 0 : i32
      %dma_wait3A_268 = tpu.memref_slice %arg11[%dma_wait3A_267] : memref<10000xf32, #tpu.memory_space<vmem_shared>> -> memref<10000xf32, #tpu.memory_space<vmem_shared>>
      tpu.wait_indirect_dma semaphore(%arg13 : memref<!tpu.dma_semaphore, #tpu.memory_space<semaphore_mem>>) src(%dma_wait3A_263 : memref<125xf32, #tpu.memory_space<vmem>>) dst(%dma_wait3A_268 : memref<10000xf32, #tpu.memory_space<vmem_shared>>)
      %add3A_269 = arith.constant 2 : i32
      %add3A_270 = arith.addi %add3A_90, %add3A_269 : i32
      %dma_wait3A_271 = arith.constant 0 : i32
      %dma_wait3A_272 = tpu.memref_slice %arg8[%dma_wait3A_271] : memref<128xf32, #tpu.memory_space<vmem>> -> memref<125xf32, #tpu.memory_space<vmem>>
      %dma_wait3A_273 = arith.constant 0 : i32
      %dma_wait3A_274 = tpu.memref_slice %arg6[%add3A_270, %dma_wait3A_273] : memref<80x125xi32, #tpu.memory_space<vmem>> -> memref<1x125xi32, #tpu.memory_space<vmem>>
      %dma_wait3A_275 = tpu.memref_squeeze %dma_wait3A_274 : memref<1x125xi32, #tpu.memory_space<vmem>> -> memref<125xi32, #tpu.memory_space<vmem>>
      %dma_wait3A_276 = arith.constant 0 : i32
      %dma_wait3A_277 = tpu.memref_slice %arg10[%dma_wait3A_276] : memref<10000xf32, #tpu.memory_space<vmem_shared>> -> memref<10000xf32, #tpu.memory_space<vmem_shared>>
      tpu.wait_indirect_dma semaphore(%arg12 : memref<!tpu.dma_semaphore, #tpu.memory_space<semaphore_mem>>) src(%dma_wait3A_272 : memref<125xf32, #tpu.memory_space<vmem>>) dst(%dma_wait3A_277 : memref<10000xf32, #tpu.memory_space<vmem_shared>>)
      %add3A_278 = arith.constant 2 : i32
      %add3A_279 = arith.addi %add3A_90, %add3A_278 : i32
      %dma_wait3A_280 = arith.constant 0 : i32
      %dma_wait3A_281 = tpu.memref_slice %arg8[%dma_wait3A_280] : memref<128xf32, #tpu.memory_space<vmem>> -> memref<125xf32, #tpu.memory_space<vmem>>
      %dma_wait3A_282 = arith.constant 0 : i32
      %dma_wait3A_283 = tpu.memref_slice %arg7[%add3A_279, %dma_wait3A_282] : memref<80x125xi32, #tpu.memory_space<vmem>> -> memref<1x125xi32, #tpu.memory_space<vmem>>
      %dma_wait3A_284 = tpu.memref_squeeze %dma_wait3A_283 : memref<1x125xi32, #tpu.memory_space<vmem>> -> memref<125xi32, #tpu.memory_space<vmem>>
      %dma_wait3A_285 = arith.constant 0 : i32
      %dma_wait3A_286 = tpu.memref_slice %arg11[%dma_wait3A_285] : memref<10000xf32, #tpu.memory_space<vmem_shared>> -> memref<10000xf32, #tpu.memory_space<vmem_shared>>
      tpu.wait_indirect_dma semaphore(%arg13 : memref<!tpu.dma_semaphore, #tpu.memory_space<semaphore_mem>>) src(%dma_wait3A_281 : memref<125xf32, #tpu.memory_space<vmem>>) dst(%dma_wait3A_286 : memref<10000xf32, #tpu.memory_space<vmem_shared>>)
      %add3A_287 = arith.constant 3 : i32
      %add3A_288 = arith.addi %add3A_90, %add3A_287 : i32
      %dma_wait3A_289 = arith.constant 0 : i32
      %dma_wait3A_290 = tpu.memref_slice %arg8[%dma_wait3A_289] : memref<128xf32, #tpu.memory_space<vmem>> -> memref<125xf32, #tpu.memory_space<vmem>>
      %dma_wait3A_291 = arith.constant 0 : i32
      %dma_wait3A_292 = tpu.memref_slice %arg6[%add3A_288, %dma_wait3A_291] : memref<80x125xi32, #tpu.memory_space<vmem>> -> memref<1x125xi32, #tpu.memory_space<vmem>>
      %dma_wait3A_293 = tpu.memref_squeeze %dma_wait3A_292 : memref<1x125xi32, #tpu.memory_space<vmem>> -> memref<125xi32, #tpu.memory_space<vmem>>
      %dma_wait3A_294 = arith.constant 0 : i32
      %dma_wait3A_295 = tpu.memref_slice %arg10[%dma_wait3A_294] : memref<10000xf32, #tpu.memory_space<vmem_shared>> -> memref<10000xf32, #tpu.memory_space<vmem_shared>>
      tpu.wait_indirect_dma semaphore(%arg12 : memref<!tpu.dma_semaphore, #tpu.memory_space<semaphore_mem>>) src(%dma_wait3A_290 : memref<125xf32, #tpu.memory_space<vmem>>) dst(%dma_wait3A_295 : memref<10000xf32, #tpu.memory_space<vmem_shared>>)
      %add3A_296 = arith.constant 3 : i32
      %add3A_297 = arith.addi %add3A_90, %add3A_296 : i32
      %dma_wait3A_298 = arith.constant 0 : i32
      %dma_wait3A_299 = tpu.memref_slice %arg8[%dma_wait3A_298] : memref<128xf32, #tpu.memory_space<vmem>> -> memref<125xf32, #tpu.memory_space<vmem>>
      %dma_wait3A_300 = arith.constant 0 : i32
      %dma_wait3A_301 = tpu.memref_slice %arg7[%add3A_297, %dma_wait3A_300] : memref<80x125xi32, #tpu.memory_space<vmem>> -> memref<1x125xi32, #tpu.memory_space<vmem>>
      %dma_wait3A_302 = tpu.memref_squeeze %dma_wait3A_301 : memref<1x125xi32, #tpu.memory_space<vmem>> -> memref<125xi32, #tpu.memory_space<vmem>>
      %dma_wait3A_303 = arith.constant 0 : i32
      %dma_wait3A_304 = tpu.memref_slice %arg11[%dma_wait3A_303] : memref<10000xf32, #tpu.memory_space<vmem_shared>> -> memref<10000xf32, #tpu.memory_space<vmem_shared>>
      tpu.wait_indirect_dma semaphore(%arg13 : memref<!tpu.dma_semaphore, #tpu.memory_space<semaphore_mem>>) src(%dma_wait3A_299 : memref<125xf32, #tpu.memory_space<vmem>>) dst(%dma_wait3A_304 : memref<10000xf32, #tpu.memory_space<vmem_shared>>)
      %add3A_305 = arith.constant 4 : i32
      %add3A_306 = arith.addi %add3A_90, %add3A_305 : i32
      %dma_wait3A_307 = arith.constant 0 : i32
      %dma_wait3A_308 = tpu.memref_slice %arg8[%dma_wait3A_307] : memref<128xf32, #tpu.memory_space<vmem>> -> memref<125xf32, #tpu.memory_space<vmem>>
      %dma_wait3A_309 = arith.constant 0 : i32
      %dma_wait3A_310 = tpu.memref_slice %arg6[%add3A_306, %dma_wait3A_309] : memref<80x125xi32, #tpu.memory_space<vmem>> -> memref<1x125xi32, #tpu.memory_space<vmem>>
      %dma_wait3A_311 = tpu.memref_squeeze %dma_wait3A_310 : memref<1x125xi32, #tpu.memory_space<vmem>> -> memref<125xi32, #tpu.memory_space<vmem>>
      %dma_wait3A_312 = arith.constant 0 : i32
      %dma_wait3A_313 = tpu.memref_slice %arg10[%dma_wait3A_312] : memref<10000xf32, #tpu.memory_space<vmem_shared>> -> memref<10000xf32, #tpu.memory_space<vmem_shared>>
      tpu.wait_indirect_dma semaphore(%arg12 : memref<!tpu.dma_semaphore, #tpu.memory_space<semaphore_mem>>) src(%dma_wait3A_308 : memref<125xf32, #tpu.memory_space<vmem>>) dst(%dma_wait3A_313 : memref<10000xf32, #tpu.memory_space<vmem_shared>>)
      %add3A_314 = arith.constant 4 : i32
      %add3A_315 = arith.addi %add3A_90, %add3A_314 : i32
      %dma_wait3A_316 = arith.constant 0 : i32
      %dma_wait3A_317 = tpu.memref_slice %arg8[%dma_wait3A_316] : memref<128xf32, #tpu.memory_space<vmem>> -> memref<125xf32, #tpu.memory_space<vmem>>
      %dma_wait3A_318 = arith.constant 0 : i32
      %dma_wait3A_319 = tpu.memref_slice %arg7[%add3A_315, %dma_wait3A_318] : memref<80x125xi32, #tpu.memory_space<vmem>> -> memref<1x125xi32, #tpu.memory_space<vmem>>
      %dma_wait3A_320 = tpu.memref_squeeze %dma_wait3A_319 : memref<1x125xi32, #tpu.memory_space<vmem>> -> memref<125xi32, #tpu.memory_space<vmem>>
      %dma_wait3A_321 = arith.constant 0 : i32
      %dma_wait3A_322 = tpu.memref_slice %arg11[%dma_wait3A_321] : memref<10000xf32, #tpu.memory_space<vmem_shared>> -> memref<10000xf32, #tpu.memory_space<vmem_shared>>
      tpu.wait_indirect_dma semaphore(%arg13 : memref<!tpu.dma_semaphore, #tpu.memory_space<semaphore_mem>>) src(%dma_wait3A_317 : memref<125xf32, #tpu.memory_space<vmem>>) dst(%dma_wait3A_322 : memref<10000xf32, #tpu.memory_space<vmem_shared>>)
      %add3A_323 = arith.constant 5 : i32
      %add3A_324 = arith.addi %add3A_90, %add3A_323 : i32
      %dma_wait3A_325 = arith.constant 0 : i32
      %dma_wait3A_326 = tpu.memref_slice %arg8[%dma_wait3A_325] : memref<128xf32, #tpu.memory_space<vmem>> -> memref<125xf32, #tpu.memory_space<vmem>>
      %dma_wait3A_327 = arith.constant 0 : i32
      %dma_wait3A_328 = tpu.memref_slice %arg6[%add3A_324, %dma_wait3A_327] : memref<80x125xi32, #tpu.memory_space<vmem>> -> memref<1x125xi32, #tpu.memory_space<vmem>>
      %dma_wait3A_329 = tpu.memref_squeeze %dma_wait3A_328 : memref<1x125xi32, #tpu.memory_space<vmem>> -> memref<125xi32, #tpu.memory_space<vmem>>
      %dma_wait3A_330 = arith.constant 0 : i32
      %dma_wait3A_331 = tpu.memref_slice %arg10[%dma_wait3A_330] : memref<10000xf32, #tpu.memory_space<vmem_shared>> -> memref<10000xf32, #tpu.memory_space<vmem_shared>>
      tpu.wait_indirect_dma semaphore(%arg12 : memref<!tpu.dma_semaphore, #tpu.memory_space<semaphore_mem>>) src(%dma_wait3A_326 : memref<125xf32, #tpu.memory_space<vmem>>) dst(%dma_wait3A_331 : memref<10000xf32, #tpu.memory_space<vmem_shared>>)
      %add3A_332 = arith.constant 5 : i32
      %add3A_333 = arith.addi %add3A_90, %add3A_332 : i32
      %dma_wait3A_334 = arith.constant 0 : i32
      %dma_wait3A_335 = tpu.memref_slice %arg8[%dma_wait3A_334] : memref<128xf32, #tpu.memory_space<vmem>> -> memref<125xf32, #tpu.memory_space<vmem>>
      %dma_wait3A_336 = arith.constant 0 : i32
      %dma_wait3A_337 = tpu.memref_slice %arg7[%add3A_333, %dma_wait3A_336] : memref<80x125xi32, #tpu.memory_space<vmem>> -> memref<1x125xi32, #tpu.memory_space<vmem>>
      %dma_wait3A_338 = tpu.memref_squeeze %dma_wait3A_337 : memref<1x125xi32, #tpu.memory_space<vmem>> -> memref<125xi32, #tpu.memory_space<vmem>>
      %dma_wait3A_339 = arith.constant 0 : i32
      %dma_wait3A_340 = tpu.memref_slice %arg11[%dma_wait3A_339] : memref<10000xf32, #tpu.memory_space<vmem_shared>> -> memref<10000xf32, #tpu.memory_space<vmem_shared>>
      tpu.wait_indirect_dma semaphore(%arg13 : memref<!tpu.dma_semaphore, #tpu.memory_space<semaphore_mem>>) src(%dma_wait3A_335 : memref<125xf32, #tpu.memory_space<vmem>>) dst(%dma_wait3A_340 : memref<10000xf32, #tpu.memory_space<vmem_shared>>)
      %add3A_341 = arith.constant 6 : i32
      %add3A_342 = arith.addi %add3A_90, %add3A_341 : i32
      %dma_wait3A_343 = arith.constant 0 : i32
      %dma_wait3A_344 = tpu.memref_slice %arg8[%dma_wait3A_343] : memref<128xf32, #tpu.memory_space<vmem>> -> memref<125xf32, #tpu.memory_space<vmem>>
      %dma_wait3A_345 = arith.constant 0 : i32
      %dma_wait3A_346 = tpu.memref_slice %arg6[%add3A_342, %dma_wait3A_345] : memref<80x125xi32, #tpu.memory_space<vmem>> -> memref<1x125xi32, #tpu.memory_space<vmem>>
      %dma_wait3A_347 = tpu.memref_squeeze %dma_wait3A_346 : memref<1x125xi32, #tpu.memory_space<vmem>> -> memref<125xi32, #tpu.memory_space<vmem>>
      %dma_wait3A_348 = arith.constant 0 : i32
      %dma_wait3A_349 = tpu.memref_slice %arg10[%dma_wait3A_348] : memref<10000xf32, #tpu.memory_space<vmem_shared>> -> memref<10000xf32, #tpu.memory_space<vmem_shared>>
      tpu.wait_indirect_dma semaphore(%arg12 : memref<!tpu.dma_semaphore, #tpu.memory_space<semaphore_mem>>) src(%dma_wait3A_344 : memref<125xf32, #tpu.memory_space<vmem>>) dst(%dma_wait3A_349 : memref<10000xf32, #tpu.memory_space<vmem_shared>>)
      %add3A_350 = arith.constant 6 : i32
      %add3A_351 = arith.addi %add3A_90, %add3A_350 : i32
      %dma_wait3A_352 = arith.constant 0 : i32
      %dma_wait3A_353 = tpu.memref_slice %arg8[%dma_wait3A_352] : memref<128xf32, #tpu.memory_space<vmem>> -> memref<125xf32, #tpu.memory_space<vmem>>
      %dma_wait3A_354 = arith.constant 0 : i32
      %dma_wait3A_355 = tpu.memref_slice %arg7[%add3A_351, %dma_wait3A_354] : memref<80x125xi32, #tpu.memory_space<vmem>> -> memref<1x125xi32, #tpu.memory_space<vmem>>
      %dma_wait3A_356 = tpu.memref_squeeze %dma_wait3A_355 : memref<1x125xi32, #tpu.memory_space<vmem>> -> memref<125xi32, #tpu.memory_space<vmem>>
      %dma_wait3A_357 = arith.constant 0 : i32
      %dma_wait3A_358 = tpu.memref_slice %arg11[%dma_wait3A_357] : memref<10000xf32, #tpu.memory_space<vmem_shared>> -> memref<10000xf32, #tpu.memory_space<vmem_shared>>
      tpu.wait_indirect_dma semaphore(%arg13 : memref<!tpu.dma_semaphore, #tpu.memory_space<semaphore_mem>>) src(%dma_wait3A_353 : memref<125xf32, #tpu.memory_space<vmem>>) dst(%dma_wait3A_358 : memref<10000xf32, #tpu.memory_space<vmem_shared>>)
      %add3A_359 = arith.constant 7 : i32
      %add3A_360 = arith.addi %add3A_90, %add3A_359 : i32
      %dma_wait3A_361 = arith.constant 0 : i32
      %dma_wait3A_362 = tpu.memref_slice %arg8[%dma_wait3A_361] : memref<128xf32, #tpu.memory_space<vmem>> -> memref<125xf32, #tpu.memory_space<vmem>>
      %dma_wait3A_363 = arith.constant 0 : i32
      %dma_wait3A_364 = tpu.memref_slice %arg6[%add3A_360, %dma_wait3A_363] : memref<80x125xi32, #tpu.memory_space<vmem>> -> memref<1x125xi32, #tpu.memory_space<vmem>>
      %dma_wait3A_365 = tpu.memref_squeeze %dma_wait3A_364 : memref<1x125xi32, #tpu.memory_space<vmem>> -> memref<125xi32, #tpu.memory_space<vmem>>
      %dma_wait3A_366 = arith.constant 0 : i32
      %dma_wait3A_367 = tpu.memref_slice %arg10[%dma_wait3A_366] : memref<10000xf32, #tpu.memory_space<vmem_shared>> -> memref<10000xf32, #tpu.memory_space<vmem_shared>>
      tpu.wait_indirect_dma semaphore(%arg12 : memref<!tpu.dma_semaphore, #tpu.memory_space<semaphore_mem>>) src(%dma_wait3A_362 : memref<125xf32, #tpu.memory_space<vmem>>) dst(%dma_wait3A_367 : memref<10000xf32, #tpu.memory_space<vmem_shared>>)
      %add3A_368 = arith.constant 7 : i32
      %add3A_369 = arith.addi %add3A_90, %add3A_368 : i32
      %dma_wait3A_370 = arith.constant 0 : i32
      %dma_wait3A_371 = tpu.memref_slice %arg8[%dma_wait3A_370] : memref<128xf32, #tpu.memory_space<vmem>> -> memref<125xf32, #tpu.memory_space<vmem>>
      %dma_wait3A_372 = arith.constant 0 : i32
      %dma_wait3A_373 = tpu.memref_slice %arg7[%add3A_369, %dma_wait3A_372] : memref<80x125xi32, #tpu.memory_space<vmem>> -> memref<1x125xi32, #tpu.memory_space<vmem>>
      %dma_wait3A_374 = tpu.memref_squeeze %dma_wait3A_373 : memref<1x125xi32, #tpu.memory_space<vmem>> -> memref<125xi32, #tpu.memory_space<vmem>>
      %dma_wait3A_375 = arith.constant 0 : i32
      %dma_wait3A_376 = tpu.memref_slice %arg11[%dma_wait3A_375] : memref<10000xf32, #tpu.memory_space<vmem_shared>> -> memref<10000xf32, #tpu.memory_space<vmem_shared>>
      tpu.wait_indirect_dma semaphore(%arg13 : memref<!tpu.dma_semaphore, #tpu.memory_space<semaphore_mem>>) src(%dma_wait3A_371 : memref<125xf32, #tpu.memory_space<vmem>>) dst(%dma_wait3A_376 : memref<10000xf32, #tpu.memory_space<vmem_shared>>)
    }
    %scan3A_65 = arith.constant 10 : i32
    %barrier3A_66 = arith.constant 0 : index
    tpu.barrier barrier_id(%barrier3A_66)
    %mul3A_67 = arith.constant 624 : i32
    %mul3A_68 = arith.muli %arg1, %mul3A_67 : i32
    "tpu.region"() ({
      %run_scoped3A = tpu.sem_alloc : memref<!tpu.dma_semaphore, #tpu.memory_space<semaphore_mem>>
      %dma_start3A = arith.constant 0 : i32
      %dma_start3A_86 = tpu.memref_slice %arg9[%dma_start3A] : memref<640xf32, #tpu.memory_space<vmem>> -> memref<624xf32, #tpu.memory_space<vmem>>
      %dma_start3A_87 = tpu.memref_slice %arg10[%mul3A_68] : memref<10000xf32, #tpu.memory_space<vmem_shared>> -> memref<624xf32, #tpu.memory_space<vmem_shared>>
      %dma_start3A_88 = arith.constant 0 : i32
      %dma_start3A_89 = tpu.memref_slice %arg9[%dma_start3A_88] : memref<640xf32, #tpu.memory_space<vmem>> -> memref<624xf32, #tpu.memory_space<vmem>>
      %dma_start3A_90 = tpu.memref_slice %arg10[%mul3A_68] : memref<10000xf32, #tpu.memory_space<vmem_shared>> -> memref<624xf32, #tpu.memory_space<vmem_shared>>
      tpu.enqueue_dma source(%dma_start3A_90 : memref<624xf32, #tpu.memory_space<vmem_shared>>) target(%dma_start3A_89 : memref<624xf32, #tpu.memory_space<vmem>>) target_semaphore(%run_scoped3A : memref<!tpu.dma_semaphore, #tpu.memory_space<semaphore_mem>>)
      %dma_wait3A = arith.constant 0 : i32
      %dma_wait3A_91 = tpu.memref_slice %arg9[%dma_wait3A] : memref<640xf32, #tpu.memory_space<vmem>> -> memref<624xf32, #tpu.memory_space<vmem>>
      %dma_wait3A_92 = tpu.memref_slice %arg10[%mul3A_68] : memref<10000xf32, #tpu.memory_space<vmem_shared>> -> memref<624xf32, #tpu.memory_space<vmem_shared>>
      %dma_wait3A_93 = arith.constant 0 : i32
      %dma_wait3A_94 = tpu.memref_slice %arg9[%dma_wait3A_93] : memref<640xf32, #tpu.memory_space<vmem>> -> memref<624xf32, #tpu.memory_space<vmem>>
      %dma_wait3A_95 = tpu.memref_slice %arg10[%mul3A_68] : memref<10000xf32, #tpu.memory_space<vmem_shared>> -> memref<624xf32, #tpu.memory_space<vmem_shared>>
      tpu.wait_dma2 semaphore(%run_scoped3A : memref<!tpu.dma_semaphore, #tpu.memory_space<semaphore_mem>>) src(%dma_wait3A_95 : memref<624xf32, #tpu.memory_space<vmem_shared>>) dst(%dma_wait3A_94 : memref<624xf32, #tpu.memory_space<vmem>>)
      tpu.yield
    }) : () -> ()
    %mul3A_69 = arith.constant 10000 : i32
    %mul3A_70 = arith.muli %arg0, %mul3A_69 : i32
    %mul3A_71 = arith.constant 624 : i32
    %mul3A_72 = arith.muli %arg1, %mul3A_71 : i32
    %add3A_73 = arith.addi %mul3A_70, %mul3A_72 : i32
    "tpu.region"() ({
      %run_scoped3A = tpu.sem_alloc : memref<!tpu.dma_semaphore, #tpu.memory_space<semaphore_mem>>
      %dma_start3A = arith.constant 0 : i32
      %dma_start3A_86 = tpu.memref_slice %arg9[%dma_start3A] : memref<640xf32, #tpu.memory_space<vmem>> -> memref<624xf32, #tpu.memory_space<vmem>>
      %dma_start3A_87 = tpu.memref_slice %arg4[%add3A_73] : memref<20000xf32, #tpu.memory_space<hbm>> -> memref<624xf32, #tpu.memory_space<hbm>>
      %dma_start3A_88 = tpu.memref_slice %arg4[%add3A_73] : memref<20000xf32, #tpu.memory_space<hbm>> -> memref<624xf32, #tpu.memory_space<hbm>>
      %dma_start3A_89 = arith.constant 0 : i32
      %dma_start3A_90 = tpu.memref_slice %arg9[%dma_start3A_89] : memref<640xf32, #tpu.memory_space<vmem>> -> memref<624xf32, #tpu.memory_space<vmem>>
      tpu.enqueue_dma source(%dma_start3A_90 : memref<624xf32, #tpu.memory_space<vmem>>) target(%dma_start3A_88 : memref<624xf32, #tpu.memory_space<hbm>>) target_semaphore(%run_scoped3A : memref<!tpu.dma_semaphore, #tpu.memory_space<semaphore_mem>>)
      %dma_wait3A = arith.constant 0 : i32
      %dma_wait3A_91 = tpu.memref_slice %arg9[%dma_wait3A] : memref<640xf32, #tpu.memory_space<vmem>> -> memref<624xf32, #tpu.memory_space<vmem>>
      %dma_wait3A_92 = tpu.memref_slice %arg4[%add3A_73] : memref<20000xf32, #tpu.memory_space<hbm>> -> memref<624xf32, #tpu.memory_space<hbm>>
      %dma_wait3A_93 = tpu.memref_slice %arg4[%add3A_73] : memref<20000xf32, #tpu.memory_space<hbm>> -> memref<624xf32, #tpu.memory_space<hbm>>
      %dma_wait3A_94 = arith.constant 0 : i32
      %dma_wait3A_95 = tpu.memref_slice %arg9[%dma_wait3A_94] : memref<640xf32, #tpu.memory_space<vmem>> -> memref<624xf32, #tpu.memory_space<vmem>>
      tpu.wait_dma2 semaphore(%run_scoped3A : memref<!tpu.dma_semaphore, #tpu.memory_space<semaphore_mem>>) src(%dma_wait3A_95 : memref<624xf32, #tpu.memory_space<vmem>>) dst(%dma_wait3A_93 : memref<624xf32, #tpu.memory_space<hbm>>)
      tpu.yield
    }) : () -> ()
    %mul3A_74 = arith.constant 624 : i32
    %mul3A_75 = arith.muli %arg1, %mul3A_74 : i32
    "tpu.region"() ({
      %run_scoped3A = tpu.sem_alloc : memref<!tpu.dma_semaphore, #tpu.memory_space<semaphore_mem>>
      %dma_start3A = arith.constant 0 : i32
      %dma_start3A_86 = tpu.memref_slice %arg9[%dma_start3A] : memref<640xf32, #tpu.memory_space<vmem>> -> memref<624xf32, #tpu.memory_space<vmem>>
      %dma_start3A_87 = tpu.memref_slice %arg11[%mul3A_75] : memref<10000xf32, #tpu.memory_space<vmem_shared>> -> memref<624xf32, #tpu.memory_space<vmem_shared>>
      %dma_start3A_88 = arith.constant 0 : i32
      %dma_start3A_89 = tpu.memref_slice %arg9[%dma_start3A_88] : memref<640xf32, #tpu.memory_space<vmem>> -> memref<624xf32, #tpu.memory_space<vmem>>
      %dma_start3A_90 = tpu.memref_slice %arg11[%mul3A_75] : memref<10000xf32, #tpu.memory_space<vmem_shared>> -> memref<624xf32, #tpu.memory_space<vmem_shared>>
      tpu.enqueue_dma source(%dma_start3A_90 : memref<624xf32, #tpu.memory_space<vmem_shared>>) target(%dma_start3A_89 : memref<624xf32, #tpu.memory_space<vmem>>) target_semaphore(%run_scoped3A : memref<!tpu.dma_semaphore, #tpu.memory_space<semaphore_mem>>)
      %dma_wait3A = arith.constant 0 : i32
      %dma_wait3A_91 = tpu.memref_slice %arg9[%dma_wait3A] : memref<640xf32, #tpu.memory_space<vmem>> -> memref<624xf32, #tpu.memory_space<vmem>>
      %dma_wait3A_92 = tpu.memref_slice %arg11[%mul3A_75] : memref<10000xf32, #tpu.memory_space<vmem_shared>> -> memref<624xf32, #tpu.memory_space<vmem_shared>>
      %dma_wait3A_93 = arith.constant 0 : i32
      %dma_wait3A_94 = tpu.memref_slice %arg9[%dma_wait3A_93] : memref<640xf32, #tpu.memory_space<vmem>> -> memref<624xf32, #tpu.memory_space<vmem>>
      %dma_wait3A_95 = tpu.memref_slice %arg11[%mul3A_75] : memref<10000xf32, #tpu.memory_space<vmem_shared>> -> memref<624xf32, #tpu.memory_space<vmem_shared>>
      tpu.wait_dma2 semaphore(%run_scoped3A : memref<!tpu.dma_semaphore, #tpu.memory_space<semaphore_mem>>) src(%dma_wait3A_95 : memref<624xf32, #tpu.memory_space<vmem_shared>>) dst(%dma_wait3A_94 : memref<624xf32, #tpu.memory_space<vmem>>)
      tpu.yield
    }) : () -> ()
    %mul3A_76 = arith.constant 10000 : i32
    %mul3A_77 = arith.muli %arg0, %mul3A_76 : i32
    %mul3A_78 = arith.constant 624 : i32
    %mul3A_79 = arith.muli %arg1, %mul3A_78 : i32
    %add3A_80 = arith.addi %mul3A_77, %mul3A_79 : i32
    "tpu.region"() ({
      %run_scoped3A = tpu.sem_alloc : memref<!tpu.dma_semaphore, #tpu.memory_space<semaphore_mem>>
      %dma_start3A = arith.constant 0 : i32
      %dma_start3A_86 = tpu.memref_slice %arg9[%dma_start3A] : memref<640xf32, #tpu.memory_space<vmem>> -> memref<624xf32, #tpu.memory_space<vmem>>
      %dma_start3A_87 = tpu.memref_slice %arg5[%add3A_80] : memref<20000xf32, #tpu.memory_space<hbm>> -> memref<624xf32, #tpu.memory_space<hbm>>
      %dma_start3A_88 = tpu.memref_slice %arg5[%add3A_80] : memref<20000xf32, #tpu.memory_space<hbm>> -> memref<624xf32, #tpu.memory_space<hbm>>
      %dma_start3A_89 = arith.constant 0 : i32
      %dma_start3A_90 = tpu.memref_slice %arg9[%dma_start3A_89] : memref<640xf32, #tpu.memory_space<vmem>> -> memref<624xf32, #tpu.memory_space<vmem>>
      tpu.enqueue_dma source(%dma_start3A_90 : memref<624xf32, #tpu.memory_space<vmem>>) target(%dma_start3A_88 : memref<624xf32, #tpu.memory_space<hbm>>) target_semaphore(%run_scoped3A : memref<!tpu.dma_semaphore, #tpu.memory_space<semaphore_mem>>)
      %dma_wait3A = arith.constant 0 : i32
      %dma_wait3A_91 = tpu.memref_slice %arg9[%dma_wait3A] : memref<640xf32, #tpu.memory_space<vmem>> -> memref<624xf32, #tpu.memory_space<vmem>>
      %dma_wait3A_92 = tpu.memref_slice %arg5[%add3A_80] : memref<20000xf32, #tpu.memory_space<hbm>> -> memref<624xf32, #tpu.memory_space<hbm>>
      %dma_wait3A_93 = tpu.memref_slice %arg5[%add3A_80] : memref<20000xf32, #tpu.memory_space<hbm>> -> memref<624xf32, #tpu.memory_space<hbm>>
      %dma_wait3A_94 = arith.constant 0 : i32
      %dma_wait3A_95 = tpu.memref_slice %arg9[%dma_wait3A_94] : memref<640xf32, #tpu.memory_space<vmem>> -> memref<624xf32, #tpu.memory_space<vmem>>
      tpu.wait_dma2 semaphore(%run_scoped3A : memref<!tpu.dma_semaphore, #tpu.memory_space<semaphore_mem>>) src(%dma_wait3A_95 : memref<624xf32, #tpu.memory_space<vmem>>) dst(%dma_wait3A_93 : memref<624xf32, #tpu.memory_space<hbm>>)
      tpu.yield
    }) : () -> ()
    %eq3A_81 = arith.constant 15 : i32
    %eq3A_82 = arith.cmpi eq, %arg1, %eq3A_81 : i32
    %convert_element_type3A_83 = arith.extui %eq3A_82 : i1 to i32
    %cond3A_84 = arith.constant 0 : i32
    %cond3A_85 = arith.cmpi ne, %convert_element_type3A_83, %cond3A_84 : i32
    scf.if %cond3A_85 {
      "tpu.region"() ({
        %run_scoped3A = tpu.sem_alloc : memref<!tpu.dma_semaphore, #tpu.memory_space<semaphore_mem>>
        %dma_start3A = arith.constant 0 : i32
        %dma_start3A_94 = tpu.memref_slice %arg9[%dma_start3A] : memref<640xf32, #tpu.memory_space<vmem>> -> memref<16xf32, #tpu.memory_space<vmem>>
        %dma_start3A_95 = arith.constant 9984 : i32
        %dma_start3A_96 = tpu.memref_slice %arg10[%dma_start3A_95] : memref<10000xf32, #tpu.memory_space<vmem_shared>> -> memref<16xf32, #tpu.memory_space<vmem_shared>>
        %dma_start3A_97 = arith.constant 0 : i32
        %dma_start3A_98 = tpu.memref_slice %arg9[%dma_start3A_97] : memref<640xf32, #tpu.memory_space<vmem>> -> memref<16xf32, #tpu.memory_space<vmem>>
        %dma_start3A_99 = arith.constant 9984 : i32
        %dma_start3A_100 = tpu.memref_slice %arg10[%dma_start3A_99] : memref<10000xf32, #tpu.memory_space<vmem_shared>> -> memref<16xf32, #tpu.memory_space<vmem_shared>>
        tpu.enqueue_dma source(%dma_start3A_100 : memref<16xf32, #tpu.memory_space<vmem_shared>>) target(%dma_start3A_98 : memref<16xf32, #tpu.memory_space<vmem>>) target_semaphore(%run_scoped3A : memref<!tpu.dma_semaphore, #tpu.memory_space<semaphore_mem>>)
        %dma_wait3A = arith.constant 0 : i32
        %dma_wait3A_101 = tpu.memref_slice %arg9[%dma_wait3A] : memref<640xf32, #tpu.memory_space<vmem>> -> memref<16xf32, #tpu.memory_space<vmem>>
        %dma_wait3A_102 = arith.constant 9984 : i32
        %dma_wait3A_103 = tpu.memref_slice %arg10[%dma_wait3A_102] : memref<10000xf32, #tpu.memory_space<vmem_shared>> -> memref<16xf32, #tpu.memory_space<vmem_shared>>
        %dma_wait3A_104 = arith.constant 0 : i32
        %dma_wait3A_105 = tpu.memref_slice %arg9[%dma_wait3A_104] : memref<640xf32, #tpu.memory_space<vmem>> -> memref<16xf32, #tpu.memory_space<vmem>>
        %dma_wait3A_106 = arith.constant 9984 : i32
        %dma_wait3A_107 = tpu.memref_slice %arg10[%dma_wait3A_106] : memref<10000xf32, #tpu.memory_space<vmem_shared>> -> memref<16xf32, #tpu.memory_space<vmem_shared>>
        tpu.wait_dma2 semaphore(%run_scoped3A : memref<!tpu.dma_semaphore, #tpu.memory_space<semaphore_mem>>) src(%dma_wait3A_107 : memref<16xf32, #tpu.memory_space<vmem_shared>>) dst(%dma_wait3A_105 : memref<16xf32, #tpu.memory_space<vmem>>)
        tpu.yield
      }) : () -> ()
      %mul3A_86 = arith.constant 10000 : i32
      %mul3A_87 = arith.muli %arg0, %mul3A_86 : i32
      %add3A_88 = arith.constant 9984 : i32
      %add3A_89 = arith.addi %mul3A_87, %add3A_88 : i32
      "tpu.region"() ({
        %run_scoped3A = tpu.sem_alloc : memref<!tpu.dma_semaphore, #tpu.memory_space<semaphore_mem>>
        %dma_start3A = arith.constant 0 : i32
        %dma_start3A_94 = tpu.memref_slice %arg9[%dma_start3A] : memref<640xf32, #tpu.memory_space<vmem>> -> memref<16xf32, #tpu.memory_space<vmem>>
        %dma_start3A_95 = tpu.memref_slice %arg4[%add3A_89] : memref<20000xf32, #tpu.memory_space<hbm>> -> memref<16xf32, #tpu.memory_space<hbm>>
        %dma_start3A_96 = tpu.memref_slice %arg4[%add3A_89] : memref<20000xf32, #tpu.memory_space<hbm>> -> memref<16xf32, #tpu.memory_space<hbm>>
        %dma_start3A_97 = arith.constant 0 : i32
        %dma_start3A_98 = tpu.memref_slice %arg9[%dma_start3A_97] : memref<640xf32, #tpu.memory_space<vmem>> -> memref<16xf32, #tpu.memory_space<vmem>>
        tpu.enqueue_dma source(%dma_start3A_98 : memref<16xf32, #tpu.memory_space<vmem>>) target(%dma_start3A_96 : memref<16xf32, #tpu.memory_space<hbm>>) target_semaphore(%run_scoped3A : memref<!tpu.dma_semaphore, #tpu.memory_space<semaphore_mem>>)
        %dma_wait3A = arith.constant 0 : i32
        %dma_wait3A_99 = tpu.memref_slice %arg9[%dma_wait3A] : memref<640xf32, #tpu.memory_space<vmem>> -> memref<16xf32, #tpu.memory_space<vmem>>
        %dma_wait3A_100 = tpu.memref_slice %arg4[%add3A_89] : memref<20000xf32, #tpu.memory_space<hbm>> -> memref<16xf32, #tpu.memory_space<hbm>>
        %dma_wait3A_101 = tpu.memref_slice %arg4[%add3A_89] : memref<20000xf32, #tpu.memory_space<hbm>> -> memref<16xf32, #tpu.memory_space<hbm>>
        %dma_wait3A_102 = arith.constant 0 : i32
        %dma_wait3A_103 = tpu.memref_slice %arg9[%dma_wait3A_102] : memref<640xf32, #tpu.memory_space<vmem>> -> memref<16xf32, #tpu.memory_space<vmem>>
        tpu.wait_dma2 semaphore(%run_scoped3A : memref<!tpu.dma_semaphore, #tpu.memory_space<semaphore_mem>>) src(%dma_wait3A_103 : memref<16xf32, #tpu.memory_space<vmem>>) dst(%dma_wait3A_101 : memref<16xf32, #tpu.memory_space<hbm>>)
        tpu.yield
      }) : () -> ()
      "tpu.region"() ({
        %run_scoped3A = tpu.sem_alloc : memref<!tpu.dma_semaphore, #tpu.memory_space<semaphore_mem>>
        %dma_start3A = arith.constant 0 : i32
        %dma_start3A_94 = tpu.memref_slice %arg9[%dma_start3A] : memref<640xf32, #tpu.memory_space<vmem>> -> memref<16xf32, #tpu.memory_space<vmem>>
        %dma_start3A_95 = arith.constant 9984 : i32
        %dma_start3A_96 = tpu.memref_slice %arg11[%dma_start3A_95] : memref<10000xf32, #tpu.memory_space<vmem_shared>> -> memref<16xf32, #tpu.memory_space<vmem_shared>>
        %dma_start3A_97 = arith.constant 0 : i32
        %dma_start3A_98 = tpu.memref_slice %arg9[%dma_start3A_97] : memref<640xf32, #tpu.memory_space<vmem>> -> memref<16xf32, #tpu.memory_space<vmem>>
        %dma_start3A_99 = arith.constant 9984 : i32
        %dma_start3A_100 = tpu.memref_slice %arg11[%dma_start3A_99] : memref<10000xf32, #tpu.memory_space<vmem_shared>> -> memref<16xf32, #tpu.memory_space<vmem_shared>>
        tpu.enqueue_dma source(%dma_start3A_100 : memref<16xf32, #tpu.memory_space<vmem_shared>>) target(%dma_start3A_98 : memref<16xf32, #tpu.memory_space<vmem>>) target_semaphore(%run_scoped3A : memref<!tpu.dma_semaphore, #tpu.memory_space<semaphore_mem>>)
        %dma_wait3A = arith.constant 0 : i32
        %dma_wait3A_101 = tpu.memref_slice %arg9[%dma_wait3A] : memref<640xf32, #tpu.memory_space<vmem>> -> memref<16xf32, #tpu.memory_space<vmem>>
        %dma_wait3A_102 = arith.constant 9984 : i32
        %dma_wait3A_103 = tpu.memref_slice %arg11[%dma_wait3A_102] : memref<10000xf32, #tpu.memory_space<vmem_shared>> -> memref<16xf32, #tpu.memory_space<vmem_shared>>
        %dma_wait3A_104 = arith.constant 0 : i32
        %dma_wait3A_105 = tpu.memref_slice %arg9[%dma_wait3A_104] : memref<640xf32, #tpu.memory_space<vmem>> -> memref<16xf32, #tpu.memory_space<vmem>>
        %dma_wait3A_106 = arith.constant 9984 : i32
        %dma_wait3A_107 = tpu.memref_slice %arg11[%dma_wait3A_106] : memref<10000xf32, #tpu.memory_space<vmem_shared>> -> memref<16xf32, #tpu.memory_space<vmem_shared>>
        tpu.wait_dma2 semaphore(%run_scoped3A : memref<!tpu.dma_semaphore, #tpu.memory_space<semaphore_mem>>) src(%dma_wait3A_107 : memref<16xf32, #tpu.memory_space<vmem_shared>>) dst(%dma_wait3A_105 : memref<16xf32, #tpu.memory_space<vmem>>)
        tpu.yield
      }) : () -> ()
      %mul3A_90 = arith.constant 10000 : i32
      %mul3A_91 = arith.muli %arg0, %mul3A_90 : i32
      %add3A_92 = arith.constant 9984 : i32
      %add3A_93 = arith.addi %mul3A_91, %add3A_92 : i32
      "tpu.region"() ({
        %run_scoped3A = tpu.sem_alloc : memref<!tpu.dma_semaphore, #tpu.memory_space<semaphore_mem>>
        %dma_start3A = arith.constant 0 : i32
        %dma_start3A_94 = tpu.memref_slice %arg9[%dma_start3A] : memref<640xf32, #tpu.memory_space<vmem>> -> memref<16xf32, #tpu.memory_space<vmem>>
        %dma_start3A_95 = tpu.memref_slice %arg5[%add3A_93] : memref<20000xf32, #tpu.memory_space<hbm>> -> memref<16xf32, #tpu.memory_space<hbm>>
        %dma_start3A_96 = tpu.memref_slice %arg5[%add3A_93] : memref<20000xf32, #tpu.memory_space<hbm>> -> memref<16xf32, #tpu.memory_space<hbm>>
        %dma_start3A_97 = arith.constant 0 : i32
        %dma_start3A_98 = tpu.memref_slice %arg9[%dma_start3A_97] : memref<640xf32, #tpu.memory_space<vmem>> -> memref<16xf32, #tpu.memory_space<vmem>>
        tpu.enqueue_dma source(%dma_start3A_98 : memref<16xf32, #tpu.memory_space<vmem>>) target(%dma_start3A_96 : memref<16xf32, #tpu.memory_space<hbm>>) target_semaphore(%run_scoped3A : memref<!tpu.dma_semaphore, #tpu.memory_space<semaphore_mem>>)
        %dma_wait3A = arith.constant 0 : i32
        %dma_wait3A_99 = tpu.memref_slice %arg9[%dma_wait3A] : memref<640xf32, #tpu.memory_space<vmem>> -> memref<16xf32, #tpu.memory_space<vmem>>
        %dma_wait3A_100 = tpu.memref_slice %arg5[%add3A_93] : memref<20000xf32, #tpu.memory_space<hbm>> -> memref<16xf32, #tpu.memory_space<hbm>>
        %dma_wait3A_101 = tpu.memref_slice %arg5[%add3A_93] : memref<20000xf32, #tpu.memory_space<hbm>> -> memref<16xf32, #tpu.memory_space<hbm>>
        %dma_wait3A_102 = arith.constant 0 : i32
        %dma_wait3A_103 = tpu.memref_slice %arg9[%dma_wait3A_102] : memref<640xf32, #tpu.memory_space<vmem>> -> memref<16xf32, #tpu.memory_space<vmem>>
        tpu.wait_dma2 semaphore(%run_scoped3A : memref<!tpu.dma_semaphore, #tpu.memory_space<semaphore_mem>>) src(%dma_wait3A_103 : memref<16xf32, #tpu.memory_space<vmem>>) dst(%dma_wait3A_101 : memref<16xf32, #tpu.memory_space<hbm>>)
        tpu.yield
      }) : () -> ()
    } else {
    }
    return
  }
}

#map = affine_map<(d0, d1) -> (0, 0)>
#map1 = affine_map<(d0, d1) -> (0, 0, 0, 0)>
#map2 = affine_map<(d0, d1) -> (0, 0, 0)>
module attributes {stable_mosaic.version = 14 : i64} {
  func.func @_sc_agg_body(%arg0: i32, %arg1: i32, %arg2: memref<20000x64xf32, #tpu.memory_space<hbm>>, %arg3: memref<2x16x160x125xi32, #tpu.memory_space<hbm>>, %arg4: memref<16x160x125xi32, #tpu.memory_space<hbm>>, %arg5: memref<10000x128xf32, #tpu.memory_space<hbm>>, %arg6: memref<160x125xi32, #tpu.memory_space<vmem>>, %arg7: memref<160x125xi32, #tpu.memory_space<vmem>>, %arg8: memref<125x64xf32, #tpu.memory_space<vmem>>, %arg9: memref<125x64xf32, #tpu.memory_space<vmem>>, %arg10: memref<125x64xf32, #tpu.memory_space<vmem>>, %arg11: memref<125x64xf32, #tpu.memory_space<vmem>>, %arg12: memref<104x64xf32, #tpu.memory_space<vmem>>, %arg13: memref<104x64xf32, #tpu.memory_space<vmem>>, %arg14: memref<10000x64xf32, #tpu.memory_space<vmem_shared>>, %arg15: memref<!tpu.dma_semaphore, #tpu.memory_space<semaphore_mem>>, %arg16: memref<!tpu.dma_semaphore, #tpu.memory_space<semaphore_mem>>, %arg17: memref<!tpu.dma_semaphore, #tpu.memory_space<semaphore_mem>>, %arg18: memref<!tpu.dma_semaphore, #tpu.memory_space<semaphore_mem>>, %arg19: memref<!tpu.dma_semaphore, #tpu.memory_space<semaphore_mem>>, %arg20: memref<!tpu.dma_semaphore, #tpu.memory_space<semaphore_mem>>, %arg21: memref<!tpu.dma_semaphore, #tpu.memory_space<semaphore_mem>>, %arg22: memref<!tpu.dma_semaphore, #tpu.memory_space<semaphore_mem>>, %arg23: memref<!tpu.dma_semaphore, #tpu.memory_space<semaphore_mem>>) attributes {dimension_semantics = [#tpu.dimension_semantics<core_parallel>, #tpu.dimension_semantics<subcore_parallel>], iteration_bounds = array<i64: 2, 16>, scalar_prefetch = 0 : i64, scratch_operands = 18 : i64, tpu.core_type = #tpu.core_type<sc_vector_subcore>, window_params = [{transform_indices = #map}, {transform_indices = #map1}, {transform_indices = #map2}, {transform_indices = #map}]} {
    %dma_start3A = arith.constant 0 : i32
    %dma_start3A_0 = arith.constant 0 : i32
    %dma_start3A_1 = tpu.memref_slice %arg3[%arg0, %arg1, %dma_start3A, %dma_start3A_0] : memref<2x16x160x125xi32, #tpu.memory_space<hbm>> -> memref<1x1x160x125xi32, #tpu.memory_space<hbm>>
    %dma_start3A_2 = tpu.memref_squeeze %dma_start3A_1 : memref<1x1x160x125xi32, #tpu.memory_space<hbm>> -> memref<160x125xi32, #tpu.memory_space<hbm>>
    %dma_start3A_3 = arith.constant 0 : i32
    %dma_start3A_4 = arith.constant 0 : i32
    %dma_start3A_5 = tpu.memref_slice %arg3[%arg0, %arg1, %dma_start3A_3, %dma_start3A_4] : memref<2x16x160x125xi32, #tpu.memory_space<hbm>> -> memref<1x1x160x125xi32, #tpu.memory_space<hbm>>
    %dma_start3A_6 = tpu.memref_squeeze %dma_start3A_5 : memref<1x1x160x125xi32, #tpu.memory_space<hbm>> -> memref<160x125xi32, #tpu.memory_space<hbm>>
    tpu.enqueue_dma source(%dma_start3A_6 : memref<160x125xi32, #tpu.memory_space<hbm>>) target(%arg6 : memref<160x125xi32, #tpu.memory_space<vmem>>) target_semaphore(%arg15 : memref<!tpu.dma_semaphore, #tpu.memory_space<semaphore_mem>>)
    %dma_start3A_7 = arith.constant 0 : i32
    %dma_start3A_8 = arith.constant 0 : i32
    %dma_start3A_9 = tpu.memref_slice %arg4[%arg1, %dma_start3A_7, %dma_start3A_8] : memref<16x160x125xi32, #tpu.memory_space<hbm>> -> memref<1x160x125xi32, #tpu.memory_space<hbm>>
    %dma_start3A_10 = tpu.memref_squeeze %dma_start3A_9 : memref<1x160x125xi32, #tpu.memory_space<hbm>> -> memref<160x125xi32, #tpu.memory_space<hbm>>
    %dma_start3A_11 = arith.constant 0 : i32
    %dma_start3A_12 = arith.constant 0 : i32
    %dma_start3A_13 = tpu.memref_slice %arg4[%arg1, %dma_start3A_11, %dma_start3A_12] : memref<16x160x125xi32, #tpu.memory_space<hbm>> -> memref<1x160x125xi32, #tpu.memory_space<hbm>>
    %dma_start3A_14 = tpu.memref_squeeze %dma_start3A_13 : memref<1x160x125xi32, #tpu.memory_space<hbm>> -> memref<160x125xi32, #tpu.memory_space<hbm>>
    tpu.enqueue_dma source(%dma_start3A_14 : memref<160x125xi32, #tpu.memory_space<hbm>>) target(%arg7 : memref<160x125xi32, #tpu.memory_space<vmem>>) target_semaphore(%arg16 : memref<!tpu.dma_semaphore, #tpu.memory_space<semaphore_mem>>)
    %scan3A = arith.constant 0 : i32
    %scan3A_15 = arith.constant 104 : i32
    %scan3A_16 = arith.addi %scan3A, %scan3A_15 : i32
    %scan3A_17 = arith.constant 1 : i32
    scf.for %scan3A_169 = %scan3A to %scan3A_16 step %scan3A_17  : i32 {
      %mul3A = arith.constant 1 : i32
      %mul3A_170 = arith.muli %scan3A_169, %mul3A : i32
      %add3A = arith.constant 0 : i32
      %add3A_171 = arith.addi %add3A, %mul3A_170 : i32
      %broadcast_in_dim3A = arith.constant 0.000000e+00 : f32
      %broadcast_in_dim3A_172 = vector.broadcast %broadcast_in_dim3A : f32 to vector<16xf32>
      %swap3A = arith.index_cast %add3A_171 : i32 to index
      %swap3A_173 = arith.constant 0 : index
      %swap3A_174 = tpu.vector_load %arg12[%swap3A, %swap3A_173] {strides = array<i32>} : memref<104x64xf32, #tpu.memory_space<vmem>>, vector<1x16xf32>,
      %swap3A_175 = vector.shape_cast %swap3A_174 : vector<1x16xf32> to vector<16xf32>
      %swap3A_176 = vector.shape_cast %broadcast_in_dim3A_172 : vector<16xf32> to vector<1x16xf32>
      tpu.vector_store %arg12[%swap3A, %swap3A_173], %swap3A_176 {strides = array<i32>} : memref<104x64xf32, #tpu.memory_space<vmem>>, vector<1x16xf32>,
      %broadcast_in_dim3A_177 = arith.constant 0.000000e+00 : f32
      %broadcast_in_dim3A_178 = vector.broadcast %broadcast_in_dim3A_177 : f32 to vector<16xf32>
      %swap3A_179 = arith.index_cast %add3A_171 : i32 to index
      %swap3A_180 = arith.constant 16 : index
      %swap3A_181 = tpu.vector_load %arg12[%swap3A_179, %swap3A_180] {strides = array<i32>} : memref<104x64xf32, #tpu.memory_space<vmem>>, vector<1x16xf32>,
      %swap3A_182 = vector.shape_cast %swap3A_181 : vector<1x16xf32> to vector<16xf32>
      %swap3A_183 = vector.shape_cast %broadcast_in_dim3A_178 : vector<16xf32> to vector<1x16xf32>
      tpu.vector_store %arg12[%swap3A_179, %swap3A_180], %swap3A_183 {strides = array<i32>} : memref<104x64xf32, #tpu.memory_space<vmem>>, vector<1x16xf32>,
      %broadcast_in_dim3A_184 = arith.constant 0.000000e+00 : f32
      %broadcast_in_dim3A_185 = vector.broadcast %broadcast_in_dim3A_184 : f32 to vector<16xf32>
      %swap3A_186 = arith.index_cast %add3A_171 : i32 to index
      %swap3A_187 = arith.constant 32 : index
      %swap3A_188 = tpu.vector_load %arg12[%swap3A_186, %swap3A_187] {strides = array<i32>} : memref<104x64xf32, #tpu.memory_space<vmem>>, vector<1x16xf32>,
      %swap3A_189 = vector.shape_cast %swap3A_188 : vector<1x16xf32> to vector<16xf32>
      %swap3A_190 = vector.shape_cast %broadcast_in_dim3A_185 : vector<16xf32> to vector<1x16xf32>
      tpu.vector_store %arg12[%swap3A_186, %swap3A_187], %swap3A_190 {strides = array<i32>} : memref<104x64xf32, #tpu.memory_space<vmem>>, vector<1x16xf32>,
      %broadcast_in_dim3A_191 = arith.constant 0.000000e+00 : f32
      %broadcast_in_dim3A_192 = vector.broadcast %broadcast_in_dim3A_191 : f32 to vector<16xf32>
      %swap3A_193 = arith.index_cast %add3A_171 : i32 to index
      %swap3A_194 = arith.constant 48 : index
      %swap3A_195 = tpu.vector_load %arg12[%swap3A_193, %swap3A_194] {strides = array<i32>} : memref<104x64xf32, #tpu.memory_space<vmem>>, vector<1x16xf32>,
      %swap3A_196 = vector.shape_cast %swap3A_195 : vector<1x16xf32> to vector<16xf32>
      %swap3A_197 = vector.shape_cast %broadcast_in_dim3A_192 : vector<16xf32> to vector<1x16xf32>
      tpu.vector_store %arg12[%swap3A_193, %swap3A_194], %swap3A_197 {strides = array<i32>} : memref<104x64xf32, #tpu.memory_space<vmem>>, vector<1x16xf32>,
    }
    %scan3A_18 = arith.constant 104 : i32
    %scan3A_19 = arith.constant 0 : i32
    %scan3A_20 = arith.constant 6 : i32
    %scan3A_21 = arith.addi %scan3A_19, %scan3A_20 : i32
    %scan3A_22 = arith.constant 1 : i32
    scf.for %scan3A_169 = %scan3A_19 to %scan3A_21 step %scan3A_22  : i32 {
      %mul3A = arith.constant 1 : i32
      %mul3A_170 = arith.muli %scan3A_169, %mul3A : i32
      %add3A = arith.constant 0 : i32
      %add3A_171 = arith.addi %add3A, %mul3A_170 : i32
      %mul3A_172 = arith.constant 624 : i32
      %mul3A_173 = arith.muli %arg1, %mul3A_172 : i32
      %mul3A_174 = arith.constant 104 : i32
      %mul3A_175 = arith.muli %add3A_171, %mul3A_174 : i32
      %add3A_176 = arith.addi %mul3A_173, %mul3A_175 : i32
      "tpu.region"() ({
        %run_scoped3A = tpu.sem_alloc : memref<!tpu.dma_semaphore, #tpu.memory_space<semaphore_mem>>
        %dma_start3A_177 = arith.constant 0 : i32
        %dma_start3A_178 = tpu.memref_slice %arg14[%add3A_176, %dma_start3A_177] : memref<10000x64xf32, #tpu.memory_space<vmem_shared>> -> memref<104x64xf32, #tpu.memory_space<vmem_shared>>
        %dma_start3A_179 = arith.constant 0 : i32
        %dma_start3A_180 = tpu.memref_slice %arg14[%add3A_176, %dma_start3A_179] : memref<10000x64xf32, #tpu.memory_space<vmem_shared>> -> memref<104x64xf32, #tpu.memory_space<vmem_shared>>
        tpu.enqueue_dma source(%arg12 : memref<104x64xf32, #tpu.memory_space<vmem>>) target(%dma_start3A_180 : memref<104x64xf32, #tpu.memory_space<vmem_shared>>) target_semaphore(%run_scoped3A : memref<!tpu.dma_semaphore, #tpu.memory_space<semaphore_mem>>)
        %dma_wait3A_181 = arith.constant 0 : i32
        %dma_wait3A_182 = tpu.memref_slice %arg14[%add3A_176, %dma_wait3A_181] : memref<10000x64xf32, #tpu.memory_space<vmem_shared>> -> memref<104x64xf32, #tpu.memory_space<vmem_shared>>
        %dma_wait3A_183 = arith.constant 0 : i32
        %dma_wait3A_184 = tpu.memref_slice %arg14[%add3A_176, %dma_wait3A_183] : memref<10000x64xf32, #tpu.memory_space<vmem_shared>> -> memref<104x64xf32, #tpu.memory_space<vmem_shared>>
        tpu.wait_dma2 semaphore(%run_scoped3A : memref<!tpu.dma_semaphore, #tpu.memory_space<semaphore_mem>>) src(%arg12 : memref<104x64xf32, #tpu.memory_space<vmem>>) dst(%dma_wait3A_184 : memref<104x64xf32, #tpu.memory_space<vmem_shared>>)
        tpu.yield
      }) : () -> ()
    }
    %scan3A_23 = arith.constant 6 : i32
    %eq3A = arith.constant 15 : i32
    %eq3A_24 = arith.cmpi eq, %arg1, %eq3A : i32
    %convert_element_type3A = arith.extui %eq3A_24 : i1 to i32
    %cond3A = arith.constant 0 : i32
    %cond3A_25 = arith.cmpi ne, %convert_element_type3A, %cond3A : i32
    scf.if %cond3A_25 {
      "tpu.region"() ({
        %run_scoped3A = tpu.sem_alloc : memref<!tpu.dma_semaphore, #tpu.memory_space<semaphore_mem>>
        %dma_start3A_169 = arith.constant 0 : i32
        %dma_start3A_170 = arith.constant 0 : i32
        %dma_start3A_171 = tpu.memref_slice %arg12[%dma_start3A_169, %dma_start3A_170] : memref<104x64xf32, #tpu.memory_space<vmem>> -> memref<16x64xf32, #tpu.memory_space<vmem>>
        %dma_start3A_172 = arith.constant 9984 : i32
        %dma_start3A_173 = arith.constant 0 : i32
        %dma_start3A_174 = tpu.memref_slice %arg14[%dma_start3A_172, %dma_start3A_173] : memref<10000x64xf32, #tpu.memory_space<vmem_shared>> -> memref<16x64xf32, #tpu.memory_space<vmem_shared>>
        %dma_start3A_175 = arith.constant 9984 : i32
        %dma_start3A_176 = arith.constant 0 : i32
        %dma_start3A_177 = tpu.memref_slice %arg14[%dma_start3A_175, %dma_start3A_176] : memref<10000x64xf32, #tpu.memory_space<vmem_shared>> -> memref<16x64xf32, #tpu.memory_space<vmem_shared>>
        %dma_start3A_178 = arith.constant 0 : i32
        %dma_start3A_179 = arith.constant 0 : i32
        %dma_start3A_180 = tpu.memref_slice %arg12[%dma_start3A_178, %dma_start3A_179] : memref<104x64xf32, #tpu.memory_space<vmem>> -> memref<16x64xf32, #tpu.memory_space<vmem>>
        tpu.enqueue_dma source(%dma_start3A_180 : memref<16x64xf32, #tpu.memory_space<vmem>>) target(%dma_start3A_177 : memref<16x64xf32, #tpu.memory_space<vmem_shared>>) target_semaphore(%run_scoped3A : memref<!tpu.dma_semaphore, #tpu.memory_space<semaphore_mem>>)
        %dma_wait3A_181 = arith.constant 0 : i32
        %dma_wait3A_182 = arith.constant 0 : i32
        %dma_wait3A_183 = tpu.memref_slice %arg12[%dma_wait3A_181, %dma_wait3A_182] : memref<104x64xf32, #tpu.memory_space<vmem>> -> memref<16x64xf32, #tpu.memory_space<vmem>>
        %dma_wait3A_184 = arith.constant 9984 : i32
        %dma_wait3A_185 = arith.constant 0 : i32
        %dma_wait3A_186 = tpu.memref_slice %arg14[%dma_wait3A_184, %dma_wait3A_185] : memref<10000x64xf32, #tpu.memory_space<vmem_shared>> -> memref<16x64xf32, #tpu.memory_space<vmem_shared>>
        %dma_wait3A_187 = arith.constant 9984 : i32
        %dma_wait3A_188 = arith.constant 0 : i32
        %dma_wait3A_189 = tpu.memref_slice %arg14[%dma_wait3A_187, %dma_wait3A_188] : memref<10000x64xf32, #tpu.memory_space<vmem_shared>> -> memref<16x64xf32, #tpu.memory_space<vmem_shared>>
        %dma_wait3A_190 = arith.constant 0 : i32
        %dma_wait3A_191 = arith.constant 0 : i32
        %dma_wait3A_192 = tpu.memref_slice %arg12[%dma_wait3A_190, %dma_wait3A_191] : memref<104x64xf32, #tpu.memory_space<vmem>> -> memref<16x64xf32, #tpu.memory_space<vmem>>
        tpu.wait_dma2 semaphore(%run_scoped3A : memref<!tpu.dma_semaphore, #tpu.memory_space<semaphore_mem>>) src(%dma_wait3A_192 : memref<16x64xf32, #tpu.memory_space<vmem>>) dst(%dma_wait3A_189 : memref<16x64xf32, #tpu.memory_space<vmem_shared>>)
        tpu.yield
      }) : () -> ()
    } else {
    }
    %dma_wait3A = arith.constant 0 : i32
    %dma_wait3A_26 = arith.constant 0 : i32
    %dma_wait3A_27 = tpu.memref_slice %arg3[%arg0, %arg1, %dma_wait3A, %dma_wait3A_26] : memref<2x16x160x125xi32, #tpu.memory_space<hbm>> -> memref<1x1x160x125xi32, #tpu.memory_space<hbm>>
    %dma_wait3A_28 = tpu.memref_squeeze %dma_wait3A_27 : memref<1x1x160x125xi32, #tpu.memory_space<hbm>> -> memref<160x125xi32, #tpu.memory_space<hbm>>
    %dma_wait3A_29 = arith.constant 0 : i32
    %dma_wait3A_30 = arith.constant 0 : i32
    %dma_wait3A_31 = tpu.memref_slice %arg3[%arg0, %arg1, %dma_wait3A_29, %dma_wait3A_30] : memref<2x16x160x125xi32, #tpu.memory_space<hbm>> -> memref<1x1x160x125xi32, #tpu.memory_space<hbm>>
    %dma_wait3A_32 = tpu.memref_squeeze %dma_wait3A_31 : memref<1x1x160x125xi32, #tpu.memory_space<hbm>> -> memref<160x125xi32, #tpu.memory_space<hbm>>
    tpu.wait_dma2 semaphore(%arg15 : memref<!tpu.dma_semaphore, #tpu.memory_space<semaphore_mem>>) src(%dma_wait3A_32 : memref<160x125xi32, #tpu.memory_space<hbm>>) dst(%arg6 : memref<160x125xi32, #tpu.memory_space<vmem>>)
    %dma_wait3A_33 = arith.constant 0 : i32
    %dma_wait3A_34 = arith.constant 0 : i32
    %dma_wait3A_35 = tpu.memref_slice %arg4[%arg1, %dma_wait3A_33, %dma_wait3A_34] : memref<16x160x125xi32, #tpu.memory_space<hbm>> -> memref<1x160x125xi32, #tpu.memory_space<hbm>>
    %dma_wait3A_36 = tpu.memref_squeeze %dma_wait3A_35 : memref<1x160x125xi32, #tpu.memory_space<hbm>> -> memref<160x125xi32, #tpu.memory_space<hbm>>
    %dma_wait3A_37 = arith.constant 0 : i32
    %dma_wait3A_38 = arith.constant 0 : i32
    %dma_wait3A_39 = tpu.memref_slice %arg4[%arg1, %dma_wait3A_37, %dma_wait3A_38] : memref<16x160x125xi32, #tpu.memory_space<hbm>> -> memref<1x160x125xi32, #tpu.memory_space<hbm>>
    %dma_wait3A_40 = tpu.memref_squeeze %dma_wait3A_39 : memref<1x160x125xi32, #tpu.memory_space<hbm>> -> memref<160x125xi32, #tpu.memory_space<hbm>>
    tpu.wait_dma2 semaphore(%arg16 : memref<!tpu.dma_semaphore, #tpu.memory_space<semaphore_mem>>) src(%dma_wait3A_40 : memref<160x125xi32, #tpu.memory_space<hbm>>) dst(%arg7 : memref<160x125xi32, #tpu.memory_space<vmem>>)
    %barrier3A = arith.constant 0 : index
    tpu.barrier barrier_id(%barrier3A)
    %dma_start3A_41 = arith.constant 0 : i32
    %dma_start3A_42 = arith.constant 0 : i32
    %dma_start3A_43 = tpu.memref_slice %arg6[%dma_start3A_41, %dma_start3A_42] : memref<160x125xi32, #tpu.memory_space<vmem>> -> memref<1x125xi32, #tpu.memory_space<vmem>>
    %dma_start3A_44 = tpu.memref_squeeze %dma_start3A_43 : memref<1x125xi32, #tpu.memory_space<vmem>> -> memref<125xi32, #tpu.memory_space<vmem>>
    %dma_start3A_45 = arith.constant 0 : i32
    %dma_start3A_46 = arith.constant 0 : i32
    %dma_start3A_47 = tpu.memref_slice %arg2[%dma_start3A_45, %dma_start3A_46] : memref<20000x64xf32, #tpu.memory_space<hbm>> -> memref<20000x64xf32, #tpu.memory_space<hbm>>
    tpu.enqueue_indirect_dma source(%dma_start3A_47 : memref<20000x64xf32, #tpu.memory_space<hbm>>) target(%arg8 : memref<125x64xf32, #tpu.memory_space<vmem>>) offsets(%dma_start3A_44 : memref<125xi32, #tpu.memory_space<vmem>>) semaphore(%arg15 : memref<!tpu.dma_semaphore, #tpu.memory_space<semaphore_mem>>)
    %dma_start3A_48 = arith.constant 1 : i32
    %dma_start3A_49 = arith.constant 0 : i32
    %dma_start3A_50 = tpu.memref_slice %arg6[%dma_start3A_48, %dma_start3A_49] : memref<160x125xi32, #tpu.memory_space<vmem>> -> memref<1x125xi32, #tpu.memory_space<vmem>>
    %dma_start3A_51 = tpu.memref_squeeze %dma_start3A_50 : memref<1x125xi32, #tpu.memory_space<vmem>> -> memref<125xi32, #tpu.memory_space<vmem>>
    %dma_start3A_52 = arith.constant 0 : i32
    %dma_start3A_53 = arith.constant 0 : i32
    %dma_start3A_54 = tpu.memref_slice %arg2[%dma_start3A_52, %dma_start3A_53] : memref<20000x64xf32, #tpu.memory_space<hbm>> -> memref<20000x64xf32, #tpu.memory_space<hbm>>
    tpu.enqueue_indirect_dma source(%dma_start3A_54 : memref<20000x64xf32, #tpu.memory_space<hbm>>) target(%arg9 : memref<125x64xf32, #tpu.memory_space<vmem>>) offsets(%dma_start3A_51 : memref<125xi32, #tpu.memory_space<vmem>>) semaphore(%arg16 : memref<!tpu.dma_semaphore, #tpu.memory_space<semaphore_mem>>)
    %dma_start3A_55 = arith.constant 2 : i32
    %dma_start3A_56 = arith.constant 0 : i32
    %dma_start3A_57 = tpu.memref_slice %arg6[%dma_start3A_55, %dma_start3A_56] : memref<160x125xi32, #tpu.memory_space<vmem>> -> memref<1x125xi32, #tpu.memory_space<vmem>>
    %dma_start3A_58 = tpu.memref_squeeze %dma_start3A_57 : memref<1x125xi32, #tpu.memory_space<vmem>> -> memref<125xi32, #tpu.memory_space<vmem>>
    %dma_start3A_59 = arith.constant 0 : i32
    %dma_start3A_60 = arith.constant 0 : i32
    %dma_start3A_61 = tpu.memref_slice %arg2[%dma_start3A_59, %dma_start3A_60] : memref<20000x64xf32, #tpu.memory_space<hbm>> -> memref<20000x64xf32, #tpu.memory_space<hbm>>
    tpu.enqueue_indirect_dma source(%dma_start3A_61 : memref<20000x64xf32, #tpu.memory_space<hbm>>) target(%arg10 : memref<125x64xf32, #tpu.memory_space<vmem>>) offsets(%dma_start3A_58 : memref<125xi32, #tpu.memory_space<vmem>>) semaphore(%arg17 : memref<!tpu.dma_semaphore, #tpu.memory_space<semaphore_mem>>)
    %dma_start3A_62 = arith.constant 3 : i32
    %dma_start3A_63 = arith.constant 0 : i32
    %dma_start3A_64 = tpu.memref_slice %arg6[%dma_start3A_62, %dma_start3A_63] : memref<160x125xi32, #tpu.memory_space<vmem>> -> memref<1x125xi32, #tpu.memory_space<vmem>>
    %dma_start3A_65 = tpu.memref_squeeze %dma_start3A_64 : memref<1x125xi32, #tpu.memory_space<vmem>> -> memref<125xi32, #tpu.memory_space<vmem>>
    %dma_start3A_66 = arith.constant 0 : i32
    %dma_start3A_67 = arith.constant 0 : i32
    %dma_start3A_68 = tpu.memref_slice %arg2[%dma_start3A_66, %dma_start3A_67] : memref<20000x64xf32, #tpu.memory_space<hbm>> -> memref<20000x64xf32, #tpu.memory_space<hbm>>
    tpu.enqueue_indirect_dma source(%dma_start3A_68 : memref<20000x64xf32, #tpu.memory_space<hbm>>) target(%arg11 : memref<125x64xf32, #tpu.memory_space<vmem>>) offsets(%dma_start3A_65 : memref<125xi32, #tpu.memory_space<vmem>>) semaphore(%arg18 : memref<!tpu.dma_semaphore, #tpu.memory_space<semaphore_mem>>)
    %scan3A_69 = arith.constant 0 : i32
    %scan3A_70 = arith.constant 39 : i32
    %scan3A_71 = arith.addi %scan3A_69, %scan3A_70 : i32
    %scan3A_72 = arith.constant 1 : i32
    scf.for %scan3A_169 = %scan3A_69 to %scan3A_71 step %scan3A_72  : i32 {
      %mul3A = arith.constant 4 : i32
      %mul3A_170 = arith.muli %scan3A_169, %mul3A : i32
      %add3A = arith.constant 0 : i32
      %add3A_171 = arith.addi %add3A, %mul3A_170 : i32
      %add3A_172 = arith.constant 0 : i32
      %add3A_173 = arith.addi %add3A_171, %add3A_172 : i32
      %dma_wait3A_174 = arith.constant 0 : i32
      %dma_wait3A_175 = tpu.memref_slice %arg6[%add3A_173, %dma_wait3A_174] : memref<160x125xi32, #tpu.memory_space<vmem>> -> memref<1x125xi32, #tpu.memory_space<vmem>>
      %dma_wait3A_176 = tpu.memref_squeeze %dma_wait3A_175 : memref<1x125xi32, #tpu.memory_space<vmem>> -> memref<125xi32, #tpu.memory_space<vmem>>
      %dma_wait3A_177 = arith.constant 0 : i32
      %dma_wait3A_178 = arith.constant 0 : i32
      %dma_wait3A_179 = tpu.memref_slice %arg2[%dma_wait3A_177, %dma_wait3A_178] : memref<20000x64xf32, #tpu.memory_space<hbm>> -> memref<20000x64xf32, #tpu.memory_space<hbm>>
      tpu.wait_indirect_dma semaphore(%arg15 : memref<!tpu.dma_semaphore, #tpu.memory_space<semaphore_mem>>) src(%dma_wait3A_179 : memref<20000x64xf32, #tpu.memory_space<hbm>>) dst(%arg8 : memref<125x64xf32, #tpu.memory_space<vmem>>)
      %add3A_180 = arith.constant 0 : i32
      %add3A_181 = arith.addi %add3A_171, %add3A_180 : i32
      %dma_start3A_182 = arith.constant 0 : i32
      %dma_start3A_183 = tpu.memref_slice %arg7[%add3A_181, %dma_start3A_182] : memref<160x125xi32, #tpu.memory_space<vmem>> -> memref<1x125xi32, #tpu.memory_space<vmem>>
      %dma_start3A_184 = tpu.memref_squeeze %dma_start3A_183 : memref<1x125xi32, #tpu.memory_space<vmem>> -> memref<125xi32, #tpu.memory_space<vmem>>
      %dma_start3A_185 = arith.constant 0 : i32
      %dma_start3A_186 = arith.constant 0 : i32
      %dma_start3A_187 = tpu.memref_slice %arg14[%dma_start3A_185, %dma_start3A_186] : memref<10000x64xf32, #tpu.memory_space<vmem_shared>> -> memref<10000x64xf32, #tpu.memory_space<vmem_shared>>
      tpu.enqueue_indirect_dma source(%arg8 : memref<125x64xf32, #tpu.memory_space<vmem>>) target(%dma_start3A_187 : memref<10000x64xf32, #tpu.memory_space<vmem_shared>>) offsets(%dma_start3A_184 : memref<125xi32, #tpu.memory_space<vmem>>) semaphore(%arg19 : memref<!tpu.dma_semaphore, #tpu.memory_space<semaphore_mem>>) {add = true}
      %add3A_188 = arith.constant 1 : i32
      %add3A_189 = arith.addi %add3A_171, %add3A_188 : i32
      %dma_wait3A_190 = arith.constant 0 : i32
      %dma_wait3A_191 = tpu.memref_slice %arg6[%add3A_189, %dma_wait3A_190] : memref<160x125xi32, #tpu.memory_space<vmem>> -> memref<1x125xi32, #tpu.memory_space<vmem>>
      %dma_wait3A_192 = tpu.memref_squeeze %dma_wait3A_191 : memref<1x125xi32, #tpu.memory_space<vmem>> -> memref<125xi32, #tpu.memory_space<vmem>>
      %dma_wait3A_193 = arith.constant 0 : i32
      %dma_wait3A_194 = arith.constant 0 : i32
      %dma_wait3A_195 = tpu.memref_slice %arg2[%dma_wait3A_193, %dma_wait3A_194] : memref<20000x64xf32, #tpu.memory_space<hbm>> -> memref<20000x64xf32, #tpu.memory_space<hbm>>
      tpu.wait_indirect_dma semaphore(%arg16 : memref<!tpu.dma_semaphore, #tpu.memory_space<semaphore_mem>>) src(%dma_wait3A_195 : memref<20000x64xf32, #tpu.memory_space<hbm>>) dst(%arg9 : memref<125x64xf32, #tpu.memory_space<vmem>>)
      %add3A_196 = arith.constant 1 : i32
      %add3A_197 = arith.addi %add3A_171, %add3A_196 : i32
      %dma_start3A_198 = arith.constant 0 : i32
      %dma_start3A_199 = tpu.memref_slice %arg7[%add3A_197, %dma_start3A_198] : memref<160x125xi32, #tpu.memory_space<vmem>> -> memref<1x125xi32, #tpu.memory_space<vmem>>
      %dma_start3A_200 = tpu.memref_squeeze %dma_start3A_199 : memref<1x125xi32, #tpu.memory_space<vmem>> -> memref<125xi32, #tpu.memory_space<vmem>>
      %dma_start3A_201 = arith.constant 0 : i32
      %dma_start3A_202 = arith.constant 0 : i32
      %dma_start3A_203 = tpu.memref_slice %arg14[%dma_start3A_201, %dma_start3A_202] : memref<10000x64xf32, #tpu.memory_space<vmem_shared>> -> memref<10000x64xf32, #tpu.memory_space<vmem_shared>>
      tpu.enqueue_indirect_dma source(%arg9 : memref<125x64xf32, #tpu.memory_space<vmem>>) target(%dma_start3A_203 : memref<10000x64xf32, #tpu.memory_space<vmem_shared>>) offsets(%dma_start3A_200 : memref<125xi32, #tpu.memory_space<vmem>>) semaphore(%arg20 : memref<!tpu.dma_semaphore, #tpu.memory_space<semaphore_mem>>) {add = true}
      %add3A_204 = arith.constant 2 : i32
      %add3A_205 = arith.addi %add3A_171, %add3A_204 : i32
      %dma_wait3A_206 = arith.constant 0 : i32
      %dma_wait3A_207 = tpu.memref_slice %arg6[%add3A_205, %dma_wait3A_206] : memref<160x125xi32, #tpu.memory_space<vmem>> -> memref<1x125xi32, #tpu.memory_space<vmem>>
      %dma_wait3A_208 = tpu.memref_squeeze %dma_wait3A_207 : memref<1x125xi32, #tpu.memory_space<vmem>> -> memref<125xi32, #tpu.memory_space<vmem>>
      %dma_wait3A_209 = arith.constant 0 : i32
      %dma_wait3A_210 = arith.constant 0 : i32
      %dma_wait3A_211 = tpu.memref_slice %arg2[%dma_wait3A_209, %dma_wait3A_210] : memref<20000x64xf32, #tpu.memory_space<hbm>> -> memref<20000x64xf32, #tpu.memory_space<hbm>>
      tpu.wait_indirect_dma semaphore(%arg17 : memref<!tpu.dma_semaphore, #tpu.memory_space<semaphore_mem>>) src(%dma_wait3A_211 : memref<20000x64xf32, #tpu.memory_space<hbm>>) dst(%arg10 : memref<125x64xf32, #tpu.memory_space<vmem>>)
      %add3A_212 = arith.constant 2 : i32
      %add3A_213 = arith.addi %add3A_171, %add3A_212 : i32
      %dma_start3A_214 = arith.constant 0 : i32
      %dma_start3A_215 = tpu.memref_slice %arg7[%add3A_213, %dma_start3A_214] : memref<160x125xi32, #tpu.memory_space<vmem>> -> memref<1x125xi32, #tpu.memory_space<vmem>>
      %dma_start3A_216 = tpu.memref_squeeze %dma_start3A_215 : memref<1x125xi32, #tpu.memory_space<vmem>> -> memref<125xi32, #tpu.memory_space<vmem>>
      %dma_start3A_217 = arith.constant 0 : i32
      %dma_start3A_218 = arith.constant 0 : i32
      %dma_start3A_219 = tpu.memref_slice %arg14[%dma_start3A_217, %dma_start3A_218] : memref<10000x64xf32, #tpu.memory_space<vmem_shared>> -> memref<10000x64xf32, #tpu.memory_space<vmem_shared>>
      tpu.enqueue_indirect_dma source(%arg10 : memref<125x64xf32, #tpu.memory_space<vmem>>) target(%dma_start3A_219 : memref<10000x64xf32, #tpu.memory_space<vmem_shared>>) offsets(%dma_start3A_216 : memref<125xi32, #tpu.memory_space<vmem>>) semaphore(%arg21 : memref<!tpu.dma_semaphore, #tpu.memory_space<semaphore_mem>>) {add = true}
      %add3A_220 = arith.constant 3 : i32
      %add3A_221 = arith.addi %add3A_171, %add3A_220 : i32
      %dma_wait3A_222 = arith.constant 0 : i32
      %dma_wait3A_223 = tpu.memref_slice %arg6[%add3A_221, %dma_wait3A_222] : memref<160x125xi32, #tpu.memory_space<vmem>> -> memref<1x125xi32, #tpu.memory_space<vmem>>
      %dma_wait3A_224 = tpu.memref_squeeze %dma_wait3A_223 : memref<1x125xi32, #tpu.memory_space<vmem>> -> memref<125xi32, #tpu.memory_space<vmem>>
      %dma_wait3A_225 = arith.constant 0 : i32
      %dma_wait3A_226 = arith.constant 0 : i32
      %dma_wait3A_227 = tpu.memref_slice %arg2[%dma_wait3A_225, %dma_wait3A_226] : memref<20000x64xf32, #tpu.memory_space<hbm>> -> memref<20000x64xf32, #tpu.memory_space<hbm>>
      tpu.wait_indirect_dma semaphore(%arg18 : memref<!tpu.dma_semaphore, #tpu.memory_space<semaphore_mem>>) src(%dma_wait3A_227 : memref<20000x64xf32, #tpu.memory_space<hbm>>) dst(%arg11 : memref<125x64xf32, #tpu.memory_space<vmem>>)
      %add3A_228 = arith.constant 3 : i32
      %add3A_229 = arith.addi %add3A_171, %add3A_228 : i32
      %dma_start3A_230 = arith.constant 0 : i32
      %dma_start3A_231 = tpu.memref_slice %arg7[%add3A_229, %dma_start3A_230] : memref<160x125xi32, #tpu.memory_space<vmem>> -> memref<1x125xi32, #tpu.memory_space<vmem>>
      %dma_start3A_232 = tpu.memref_squeeze %dma_start3A_231 : memref<1x125xi32, #tpu.memory_space<vmem>> -> memref<125xi32, #tpu.memory_space<vmem>>
      %dma_start3A_233 = arith.constant 0 : i32
      %dma_start3A_234 = arith.constant 0 : i32
      %dma_start3A_235 = tpu.memref_slice %arg14[%dma_start3A_233, %dma_start3A_234] : memref<10000x64xf32, #tpu.memory_space<vmem_shared>> -> memref<10000x64xf32, #tpu.memory_space<vmem_shared>>
      tpu.enqueue_indirect_dma source(%arg11 : memref<125x64xf32, #tpu.memory_space<vmem>>) target(%dma_start3A_235 : memref<10000x64xf32, #tpu.memory_space<vmem_shared>>) offsets(%dma_start3A_232 : memref<125xi32, #tpu.memory_space<vmem>>) semaphore(%arg22 : memref<!tpu.dma_semaphore, #tpu.memory_space<semaphore_mem>>) {add = true}
      %add3A_236 = arith.constant 0 : i32
      %add3A_237 = arith.addi %add3A_171, %add3A_236 : i32
      %dma_wait3A_238 = arith.constant 0 : i32
      %dma_wait3A_239 = tpu.memref_slice %arg7[%add3A_237, %dma_wait3A_238] : memref<160x125xi32, #tpu.memory_space<vmem>> -> memref<1x125xi32, #tpu.memory_space<vmem>>
      %dma_wait3A_240 = tpu.memref_squeeze %dma_wait3A_239 : memref<1x125xi32, #tpu.memory_space<vmem>> -> memref<125xi32, #tpu.memory_space<vmem>>
      %dma_wait3A_241 = arith.constant 0 : i32
      %dma_wait3A_242 = arith.constant 0 : i32
      %dma_wait3A_243 = tpu.memref_slice %arg14[%dma_wait3A_241, %dma_wait3A_242] : memref<10000x64xf32, #tpu.memory_space<vmem_shared>> -> memref<10000x64xf32, #tpu.memory_space<vmem_shared>>
      tpu.wait_indirect_dma semaphore(%arg19 : memref<!tpu.dma_semaphore, #tpu.memory_space<semaphore_mem>>) src(%arg8 : memref<125x64xf32, #tpu.memory_space<vmem>>) dst(%dma_wait3A_243 : memref<10000x64xf32, #tpu.memory_space<vmem_shared>>)
      %add3A_244 = arith.constant 4 : i32
      %add3A_245 = arith.addi %add3A_171, %add3A_244 : i32
      %add3A_246 = arith.constant 0 : i32
      %add3A_247 = arith.addi %add3A_245, %add3A_246 : i32
      %dma_start3A_248 = arith.constant 0 : i32
      %dma_start3A_249 = tpu.memref_slice %arg6[%add3A_247, %dma_start3A_248] : memref<160x125xi32, #tpu.memory_space<vmem>> -> memref<1x125xi32, #tpu.memory_space<vmem>>
      %dma_start3A_250 = tpu.memref_squeeze %dma_start3A_249 : memref<1x125xi32, #tpu.memory_space<vmem>> -> memref<125xi32, #tpu.memory_space<vmem>>
      %dma_start3A_251 = arith.constant 0 : i32
      %dma_start3A_252 = arith.constant 0 : i32
      %dma_start3A_253 = tpu.memref_slice %arg2[%dma_start3A_251, %dma_start3A_252] : memref<20000x64xf32, #tpu.memory_space<hbm>> -> memref<20000x64xf32, #tpu.memory_space<hbm>>
      tpu.enqueue_indirect_dma source(%dma_start3A_253 : memref<20000x64xf32, #tpu.memory_space<hbm>>) target(%arg8 : memref<125x64xf32, #tpu.memory_space<vmem>>) offsets(%dma_start3A_250 : memref<125xi32, #tpu.memory_space<vmem>>) semaphore(%arg15 : memref<!tpu.dma_semaphore, #tpu.memory_space<semaphore_mem>>)
      %add3A_254 = arith.constant 1 : i32
      %add3A_255 = arith.addi %add3A_171, %add3A_254 : i32
      %dma_wait3A_256 = arith.constant 0 : i32
      %dma_wait3A_257 = tpu.memref_slice %arg7[%add3A_255, %dma_wait3A_256] : memref<160x125xi32, #tpu.memory_space<vmem>> -> memref<1x125xi32, #tpu.memory_space<vmem>>
      %dma_wait3A_258 = tpu.memref_squeeze %dma_wait3A_257 : memref<1x125xi32, #tpu.memory_space<vmem>> -> memref<125xi32, #tpu.memory_space<vmem>>
      %dma_wait3A_259 = arith.constant 0 : i32
      %dma_wait3A_260 = arith.constant 0 : i32
      %dma_wait3A_261 = tpu.memref_slice %arg14[%dma_wait3A_259, %dma_wait3A_260] : memref<10000x64xf32, #tpu.memory_space<vmem_shared>> -> memref<10000x64xf32, #tpu.memory_space<vmem_shared>>
      tpu.wait_indirect_dma semaphore(%arg20 : memref<!tpu.dma_semaphore, #tpu.memory_space<semaphore_mem>>) src(%arg9 : memref<125x64xf32, #tpu.memory_space<vmem>>) dst(%dma_wait3A_261 : memref<10000x64xf32, #tpu.memory_space<vmem_shared>>)
      %add3A_262 = arith.constant 4 : i32
      %add3A_263 = arith.addi %add3A_171, %add3A_262 : i32
      %add3A_264 = arith.constant 1 : i32
      %add3A_265 = arith.addi %add3A_263, %add3A_264 : i32
      %dma_start3A_266 = arith.constant 0 : i32
      %dma_start3A_267 = tpu.memref_slice %arg6[%add3A_265, %dma_start3A_266] : memref<160x125xi32, #tpu.memory_space<vmem>> -> memref<1x125xi32, #tpu.memory_space<vmem>>
      %dma_start3A_268 = tpu.memref_squeeze %dma_start3A_267 : memref<1x125xi32, #tpu.memory_space<vmem>> -> memref<125xi32, #tpu.memory_space<vmem>>
      %dma_start3A_269 = arith.constant 0 : i32
      %dma_start3A_270 = arith.constant 0 : i32
      %dma_start3A_271 = tpu.memref_slice %arg2[%dma_start3A_269, %dma_start3A_270] : memref<20000x64xf32, #tpu.memory_space<hbm>> -> memref<20000x64xf32, #tpu.memory_space<hbm>>
      tpu.enqueue_indirect_dma source(%dma_start3A_271 : memref<20000x64xf32, #tpu.memory_space<hbm>>) target(%arg9 : memref<125x64xf32, #tpu.memory_space<vmem>>) offsets(%dma_start3A_268 : memref<125xi32, #tpu.memory_space<vmem>>) semaphore(%arg16 : memref<!tpu.dma_semaphore, #tpu.memory_space<semaphore_mem>>)
      %add3A_272 = arith.constant 2 : i32
      %add3A_273 = arith.addi %add3A_171, %add3A_272 : i32
      %dma_wait3A_274 = arith.constant 0 : i32
      %dma_wait3A_275 = tpu.memref_slice %arg7[%add3A_273, %dma_wait3A_274] : memref<160x125xi32, #tpu.memory_space<vmem>> -> memref<1x125xi32, #tpu.memory_space<vmem>>
      %dma_wait3A_276 = tpu.memref_squeeze %dma_wait3A_275 : memref<1x125xi32, #tpu.memory_space<vmem>> -> memref<125xi32, #tpu.memory_space<vmem>>
      %dma_wait3A_277 = arith.constant 0 : i32
      %dma_wait3A_278 = arith.constant 0 : i32
      %dma_wait3A_279 = tpu.memref_slice %arg14[%dma_wait3A_277, %dma_wait3A_278] : memref<10000x64xf32, #tpu.memory_space<vmem_shared>> -> memref<10000x64xf32, #tpu.memory_space<vmem_shared>>
      tpu.wait_indirect_dma semaphore(%arg21 : memref<!tpu.dma_semaphore, #tpu.memory_space<semaphore_mem>>) src(%arg10 : memref<125x64xf32, #tpu.memory_space<vmem>>) dst(%dma_wait3A_279 : memref<10000x64xf32, #tpu.memory_space<vmem_shared>>)
      %add3A_280 = arith.constant 4 : i32
      %add3A_281 = arith.addi %add3A_171, %add3A_280 : i32
      %add3A_282 = arith.constant 2 : i32
      %add3A_283 = arith.addi %add3A_281, %add3A_282 : i32
      %dma_start3A_284 = arith.constant 0 : i32
      %dma_start3A_285 = tpu.memref_slice %arg6[%add3A_283, %dma_start3A_284] : memref<160x125xi32, #tpu.memory_space<vmem>> -> memref<1x125xi32, #tpu.memory_space<vmem>>
      %dma_start3A_286 = tpu.memref_squeeze %dma_start3A_285 : memref<1x125xi32, #tpu.memory_space<vmem>> -> memref<125xi32, #tpu.memory_space<vmem>>
      %dma_start3A_287 = arith.constant 0 : i32
      %dma_start3A_288 = arith.constant 0 : i32
      %dma_start3A_289 = tpu.memref_slice %arg2[%dma_start3A_287, %dma_start3A_288] : memref<20000x64xf32, #tpu.memory_space<hbm>> -> memref<20000x64xf32, #tpu.memory_space<hbm>>
      tpu.enqueue_indirect_dma source(%dma_start3A_289 : memref<20000x64xf32, #tpu.memory_space<hbm>>) target(%arg10 : memref<125x64xf32, #tpu.memory_space<vmem>>) offsets(%dma_start3A_286 : memref<125xi32, #tpu.memory_space<vmem>>) semaphore(%arg17 : memref<!tpu.dma_semaphore, #tpu.memory_space<semaphore_mem>>)
      %add3A_290 = arith.constant 3 : i32
      %add3A_291 = arith.addi %add3A_171, %add3A_290 : i32
      %dma_wait3A_292 = arith.constant 0 : i32
      %dma_wait3A_293 = tpu.memref_slice %arg7[%add3A_291, %dma_wait3A_292] : memref<160x125xi32, #tpu.memory_space<vmem>> -> memref<1x125xi32, #tpu.memory_space<vmem>>
      %dma_wait3A_294 = tpu.memref_squeeze %dma_wait3A_293 : memref<1x125xi32, #tpu.memory_space<vmem>> -> memref<125xi32, #tpu.memory_space<vmem>>
      %dma_wait3A_295 = arith.constant 0 : i32
      %dma_wait3A_296 = arith.constant 0 : i32
      %dma_wait3A_297 = tpu.memref_slice %arg14[%dma_wait3A_295, %dma_wait3A_296] : memref<10000x64xf32, #tpu.memory_space<vmem_shared>> -> memref<10000x64xf32, #tpu.memory_space<vmem_shared>>
      tpu.wait_indirect_dma semaphore(%arg22 : memref<!tpu.dma_semaphore, #tpu.memory_space<semaphore_mem>>) src(%arg11 : memref<125x64xf32, #tpu.memory_space<vmem>>) dst(%dma_wait3A_297 : memref<10000x64xf32, #tpu.memory_space<vmem_shared>>)
      %add3A_298 = arith.constant 4 : i32
      %add3A_299 = arith.addi %add3A_171, %add3A_298 : i32
      %add3A_300 = arith.constant 3 : i32
      %add3A_301 = arith.addi %add3A_299, %add3A_300 : i32
      %dma_start3A_302 = arith.constant 0 : i32
      %dma_start3A_303 = tpu.memref_slice %arg6[%add3A_301, %dma_start3A_302] : memref<160x125xi32, #tpu.memory_space<vmem>> -> memref<1x125xi32, #tpu.memory_space<vmem>>
      %dma_start3A_304 = tpu.memref_squeeze %dma_start3A_303 : memref<1x125xi32, #tpu.memory_space<vmem>> -> memref<125xi32, #tpu.memory_space<vmem>>
      %dma_start3A_305 = arith.constant 0 : i32
      %dma_start3A_306 = arith.constant 0 : i32
      %dma_start3A_307 = tpu.memref_slice %arg2[%dma_start3A_305, %dma_start3A_306] : memref<20000x64xf32, #tpu.memory_space<hbm>> -> memref<20000x64xf32, #tpu.memory_space<hbm>>
      tpu.enqueue_indirect_dma source(%dma_start3A_307 : memref<20000x64xf32, #tpu.memory_space<hbm>>) target(%arg11 : memref<125x64xf32, #tpu.memory_space<vmem>>) offsets(%dma_start3A_304 : memref<125xi32, #tpu.memory_space<vmem>>) semaphore(%arg18 : memref<!tpu.dma_semaphore, #tpu.memory_space<semaphore_mem>>)
    }
    %scan3A_73 = arith.constant 39 : i32
    %dma_wait3A_74 = arith.constant 156 : i32
    %dma_wait3A_75 = arith.constant 0 : i32
    %dma_wait3A_76 = tpu.memref_slice %arg6[%dma_wait3A_74, %dma_wait3A_75] : memref<160x125xi32, #tpu.memory_space<vmem>> -> memref<1x125xi32, #tpu.memory_space<vmem>>
    %dma_wait3A_77 = tpu.memref_squeeze %dma_wait3A_76 : memref<1x125xi32, #tpu.memory_space<vmem>> -> memref<125xi32, #tpu.memory_space<vmem>>
    %dma_wait3A_78 = arith.constant 0 : i32
    %dma_wait3A_79 = arith.constant 0 : i32
    %dma_wait3A_80 = tpu.memref_slice %arg2[%dma_wait3A_78, %dma_wait3A_79] : memref<20000x64xf32, #tpu.memory_space<hbm>> -> memref<20000x64xf32, #tpu.memory_space<hbm>>
    tpu.wait_indirect_dma semaphore(%arg15 : memref<!tpu.dma_semaphore, #tpu.memory_space<semaphore_mem>>) src(%dma_wait3A_80 : memref<20000x64xf32, #tpu.memory_space<hbm>>) dst(%arg8 : memref<125x64xf32, #tpu.memory_space<vmem>>)
    %dma_start3A_81 = arith.constant 156 : i32
    %dma_start3A_82 = arith.constant 0 : i32
    %dma_start3A_83 = tpu.memref_slice %arg7[%dma_start3A_81, %dma_start3A_82] : memref<160x125xi32, #tpu.memory_space<vmem>> -> memref<1x125xi32, #tpu.memory_space<vmem>>
    %dma_start3A_84 = tpu.memref_squeeze %dma_start3A_83 : memref<1x125xi32, #tpu.memory_space<vmem>> -> memref<125xi32, #tpu.memory_space<vmem>>
    %dma_start3A_85 = arith.constant 0 : i32
    %dma_start3A_86 = arith.constant 0 : i32
    %dma_start3A_87 = tpu.memref_slice %arg14[%dma_start3A_85, %dma_start3A_86] : memref<10000x64xf32, #tpu.memory_space<vmem_shared>> -> memref<10000x64xf32, #tpu.memory_space<vmem_shared>>
    tpu.enqueue_indirect_dma source(%arg8 : memref<125x64xf32, #tpu.memory_space<vmem>>) target(%dma_start3A_87 : memref<10000x64xf32, #tpu.memory_space<vmem_shared>>) offsets(%dma_start3A_84 : memref<125xi32, #tpu.memory_space<vmem>>) semaphore(%arg19 : memref<!tpu.dma_semaphore, #tpu.memory_space<semaphore_mem>>) {add = true}
    %dma_wait3A_88 = arith.constant 157 : i32
    %dma_wait3A_89 = arith.constant 0 : i32
    %dma_wait3A_90 = tpu.memref_slice %arg6[%dma_wait3A_88, %dma_wait3A_89] : memref<160x125xi32, #tpu.memory_space<vmem>> -> memref<1x125xi32, #tpu.memory_space<vmem>>
    %dma_wait3A_91 = tpu.memref_squeeze %dma_wait3A_90 : memref<1x125xi32, #tpu.memory_space<vmem>> -> memref<125xi32, #tpu.memory_space<vmem>>
    %dma_wait3A_92 = arith.constant 0 : i32
    %dma_wait3A_93 = arith.constant 0 : i32
    %dma_wait3A_94 = tpu.memref_slice %arg2[%dma_wait3A_92, %dma_wait3A_93] : memref<20000x64xf32, #tpu.memory_space<hbm>> -> memref<20000x64xf32, #tpu.memory_space<hbm>>
    tpu.wait_indirect_dma semaphore(%arg16 : memref<!tpu.dma_semaphore, #tpu.memory_space<semaphore_mem>>) src(%dma_wait3A_94 : memref<20000x64xf32, #tpu.memory_space<hbm>>) dst(%arg9 : memref<125x64xf32, #tpu.memory_space<vmem>>)
    %dma_start3A_95 = arith.constant 157 : i32
    %dma_start3A_96 = arith.constant 0 : i32
    %dma_start3A_97 = tpu.memref_slice %arg7[%dma_start3A_95, %dma_start3A_96] : memref<160x125xi32, #tpu.memory_space<vmem>> -> memref<1x125xi32, #tpu.memory_space<vmem>>
    %dma_start3A_98 = tpu.memref_squeeze %dma_start3A_97 : memref<1x125xi32, #tpu.memory_space<vmem>> -> memref<125xi32, #tpu.memory_space<vmem>>
    %dma_start3A_99 = arith.constant 0 : i32
    %dma_start3A_100 = arith.constant 0 : i32
    %dma_start3A_101 = tpu.memref_slice %arg14[%dma_start3A_99, %dma_start3A_100] : memref<10000x64xf32, #tpu.memory_space<vmem_shared>> -> memref<10000x64xf32, #tpu.memory_space<vmem_shared>>
    tpu.enqueue_indirect_dma source(%arg9 : memref<125x64xf32, #tpu.memory_space<vmem>>) target(%dma_start3A_101 : memref<10000x64xf32, #tpu.memory_space<vmem_shared>>) offsets(%dma_start3A_98 : memref<125xi32, #tpu.memory_space<vmem>>) semaphore(%arg20 : memref<!tpu.dma_semaphore, #tpu.memory_space<semaphore_mem>>) {add = true}
    %dma_wait3A_102 = arith.constant 158 : i32
    %dma_wait3A_103 = arith.constant 0 : i32
    %dma_wait3A_104 = tpu.memref_slice %arg6[%dma_wait3A_102, %dma_wait3A_103] : memref<160x125xi32, #tpu.memory_space<vmem>> -> memref<1x125xi32, #tpu.memory_space<vmem>>
    %dma_wait3A_105 = tpu.memref_squeeze %dma_wait3A_104 : memref<1x125xi32, #tpu.memory_space<vmem>> -> memref<125xi32, #tpu.memory_space<vmem>>
    %dma_wait3A_106 = arith.constant 0 : i32
    %dma_wait3A_107 = arith.constant 0 : i32
    %dma_wait3A_108 = tpu.memref_slice %arg2[%dma_wait3A_106, %dma_wait3A_107] : memref<20000x64xf32, #tpu.memory_space<hbm>> -> memref<20000x64xf32, #tpu.memory_space<hbm>>
    tpu.wait_indirect_dma semaphore(%arg17 : memref<!tpu.dma_semaphore, #tpu.memory_space<semaphore_mem>>) src(%dma_wait3A_108 : memref<20000x64xf32, #tpu.memory_space<hbm>>) dst(%arg10 : memref<125x64xf32, #tpu.memory_space<vmem>>)
    %dma_start3A_109 = arith.constant 158 : i32
    %dma_start3A_110 = arith.constant 0 : i32
    %dma_start3A_111 = tpu.memref_slice %arg7[%dma_start3A_109, %dma_start3A_110] : memref<160x125xi32, #tpu.memory_space<vmem>> -> memref<1x125xi32, #tpu.memory_space<vmem>>
    %dma_start3A_112 = tpu.memref_squeeze %dma_start3A_111 : memref<1x125xi32, #tpu.memory_space<vmem>> -> memref<125xi32, #tpu.memory_space<vmem>>
    %dma_start3A_113 = arith.constant 0 : i32
    %dma_start3A_114 = arith.constant 0 : i32
    %dma_start3A_115 = tpu.memref_slice %arg14[%dma_start3A_113, %dma_start3A_114] : memref<10000x64xf32, #tpu.memory_space<vmem_shared>> -> memref<10000x64xf32, #tpu.memory_space<vmem_shared>>
    tpu.enqueue_indirect_dma source(%arg10 : memref<125x64xf32, #tpu.memory_space<vmem>>) target(%dma_start3A_115 : memref<10000x64xf32, #tpu.memory_space<vmem_shared>>) offsets(%dma_start3A_112 : memref<125xi32, #tpu.memory_space<vmem>>) semaphore(%arg21 : memref<!tpu.dma_semaphore, #tpu.memory_space<semaphore_mem>>) {add = true}
    %dma_wait3A_116 = arith.constant 159 : i32
    %dma_wait3A_117 = arith.constant 0 : i32
    %dma_wait3A_118 = tpu.memref_slice %arg6[%dma_wait3A_116, %dma_wait3A_117] : memref<160x125xi32, #tpu.memory_space<vmem>> -> memref<1x125xi32, #tpu.memory_space<vmem>>
    %dma_wait3A_119 = tpu.memref_squeeze %dma_wait3A_118 : memref<1x125xi32, #tpu.memory_space<vmem>> -> memref<125xi32, #tpu.memory_space<vmem>>
    %dma_wait3A_120 = arith.constant 0 : i32
    %dma_wait3A_121 = arith.constant 0 : i32
    %dma_wait3A_122 = tpu.memref_slice %arg2[%dma_wait3A_120, %dma_wait3A_121] : memref<20000x64xf32, #tpu.memory_space<hbm>> -> memref<20000x64xf32, #tpu.memory_space<hbm>>
    tpu.wait_indirect_dma semaphore(%arg18 : memref<!tpu.dma_semaphore, #tpu.memory_space<semaphore_mem>>) src(%dma_wait3A_122 : memref<20000x64xf32, #tpu.memory_space<hbm>>) dst(%arg11 : memref<125x64xf32, #tpu.memory_space<vmem>>)
    %dma_start3A_123 = arith.constant 159 : i32
    %dma_start3A_124 = arith.constant 0 : i32
    %dma_start3A_125 = tpu.memref_slice %arg7[%dma_start3A_123, %dma_start3A_124] : memref<160x125xi32, #tpu.memory_space<vmem>> -> memref<1x125xi32, #tpu.memory_space<vmem>>
    %dma_start3A_126 = tpu.memref_squeeze %dma_start3A_125 : memref<1x125xi32, #tpu.memory_space<vmem>> -> memref<125xi32, #tpu.memory_space<vmem>>
    %dma_start3A_127 = arith.constant 0 : i32
    %dma_start3A_128 = arith.constant 0 : i32
    %dma_start3A_129 = tpu.memref_slice %arg14[%dma_start3A_127, %dma_start3A_128] : memref<10000x64xf32, #tpu.memory_space<vmem_shared>> -> memref<10000x64xf32, #tpu.memory_space<vmem_shared>>
    tpu.enqueue_indirect_dma source(%arg11 : memref<125x64xf32, #tpu.memory_space<vmem>>) target(%dma_start3A_129 : memref<10000x64xf32, #tpu.memory_space<vmem_shared>>) offsets(%dma_start3A_126 : memref<125xi32, #tpu.memory_space<vmem>>) semaphore(%arg22 : memref<!tpu.dma_semaphore, #tpu.memory_space<semaphore_mem>>) {add = true}
    %dma_wait3A_130 = arith.constant 156 : i32
    %dma_wait3A_131 = arith.constant 0 : i32
    %dma_wait3A_132 = tpu.memref_slice %arg7[%dma_wait3A_130, %dma_wait3A_131] : memref<160x125xi32, #tpu.memory_space<vmem>> -> memref<1x125xi32, #tpu.memory_space<vmem>>
    %dma_wait3A_133 = tpu.memref_squeeze %dma_wait3A_132 : memref<1x125xi32, #tpu.memory_space<vmem>> -> memref<125xi32, #tpu.memory_space<vmem>>
    %dma_wait3A_134 = arith.constant 0 : i32
    %dma_wait3A_135 = arith.constant 0 : i32
    %dma_wait3A_136 = tpu.memref_slice %arg14[%dma_wait3A_134, %dma_wait3A_135] : memref<10000x64xf32, #tpu.memory_space<vmem_shared>> -> memref<10000x64xf32, #tpu.memory_space<vmem_shared>>
    tpu.wait_indirect_dma semaphore(%arg19 : memref<!tpu.dma_semaphore, #tpu.memory_space<semaphore_mem>>) src(%arg8 : memref<125x64xf32, #tpu.memory_space<vmem>>) dst(%dma_wait3A_136 : memref<10000x64xf32, #tpu.memory_space<vmem_shared>>)
    %dma_wait3A_137 = arith.constant 157 : i32
    %dma_wait3A_138 = arith.constant 0 : i32
    %dma_wait3A_139 = tpu.memref_slice %arg7[%dma_wait3A_137, %dma_wait3A_138] : memref<160x125xi32, #tpu.memory_space<vmem>> -> memref<1x125xi32, #tpu.memory_space<vmem>>
    %dma_wait3A_140 = tpu.memref_squeeze %dma_wait3A_139 : memref<1x125xi32, #tpu.memory_space<vmem>> -> memref<125xi32, #tpu.memory_space<vmem>>
    %dma_wait3A_141 = arith.constant 0 : i32
    %dma_wait3A_142 = arith.constant 0 : i32
    %dma_wait3A_143 = tpu.memref_slice %arg14[%dma_wait3A_141, %dma_wait3A_142] : memref<10000x64xf32, #tpu.memory_space<vmem_shared>> -> memref<10000x64xf32, #tpu.memory_space<vmem_shared>>
    tpu.wait_indirect_dma semaphore(%arg20 : memref<!tpu.dma_semaphore, #tpu.memory_space<semaphore_mem>>) src(%arg9 : memref<125x64xf32, #tpu.memory_space<vmem>>) dst(%dma_wait3A_143 : memref<10000x64xf32, #tpu.memory_space<vmem_shared>>)
    %dma_wait3A_144 = arith.constant 158 : i32
    %dma_wait3A_145 = arith.constant 0 : i32
    %dma_wait3A_146 = tpu.memref_slice %arg7[%dma_wait3A_144, %dma_wait3A_145] : memref<160x125xi32, #tpu.memory_space<vmem>> -> memref<1x125xi32, #tpu.memory_space<vmem>>
    %dma_wait3A_147 = tpu.memref_squeeze %dma_wait3A_146 : memref<1x125xi32, #tpu.memory_space<vmem>> -> memref<125xi32, #tpu.memory_space<vmem>>
    %dma_wait3A_148 = arith.constant 0 : i32
    %dma_wait3A_149 = arith.constant 0 : i32
    %dma_wait3A_150 = tpu.memref_slice %arg14[%dma_wait3A_148, %dma_wait3A_149] : memref<10000x64xf32, #tpu.memory_space<vmem_shared>> -> memref<10000x64xf32, #tpu.memory_space<vmem_shared>>
    tpu.wait_indirect_dma semaphore(%arg21 : memref<!tpu.dma_semaphore, #tpu.memory_space<semaphore_mem>>) src(%arg10 : memref<125x64xf32, #tpu.memory_space<vmem>>) dst(%dma_wait3A_150 : memref<10000x64xf32, #tpu.memory_space<vmem_shared>>)
    %dma_wait3A_151 = arith.constant 159 : i32
    %dma_wait3A_152 = arith.constant 0 : i32
    %dma_wait3A_153 = tpu.memref_slice %arg7[%dma_wait3A_151, %dma_wait3A_152] : memref<160x125xi32, #tpu.memory_space<vmem>> -> memref<1x125xi32, #tpu.memory_space<vmem>>
    %dma_wait3A_154 = tpu.memref_squeeze %dma_wait3A_153 : memref<1x125xi32, #tpu.memory_space<vmem>> -> memref<125xi32, #tpu.memory_space<vmem>>
    %dma_wait3A_155 = arith.constant 0 : i32
    %dma_wait3A_156 = arith.constant 0 : i32
    %dma_wait3A_157 = tpu.memref_slice %arg14[%dma_wait3A_155, %dma_wait3A_156] : memref<10000x64xf32, #tpu.memory_space<vmem_shared>> -> memref<10000x64xf32, #tpu.memory_space<vmem_shared>>
    tpu.wait_indirect_dma semaphore(%arg22 : memref<!tpu.dma_semaphore, #tpu.memory_space<semaphore_mem>>) src(%arg11 : memref<125x64xf32, #tpu.memory_space<vmem>>) dst(%dma_wait3A_157 : memref<10000x64xf32, #tpu.memory_space<vmem_shared>>)
    %barrier3A_158 = arith.constant 0 : index
    tpu.barrier barrier_id(%barrier3A_158)
    %scan3A_159 = arith.constant 0 : i32
    %scan3A_160 = arith.constant 3 : i32
    %scan3A_161 = arith.addi %scan3A_159, %scan3A_160 : i32
    %scan3A_162 = arith.constant 1 : i32
    scf.for %scan3A_169 = %scan3A_159 to %scan3A_161 step %scan3A_162  : i32 {
      %mul3A = arith.constant 2 : i32
      %mul3A_170 = arith.muli %scan3A_169, %mul3A : i32
      %add3A = arith.constant 0 : i32
      %add3A_171 = arith.addi %add3A, %mul3A_170 : i32
      %mul3A_172 = arith.constant 624 : i32
      %mul3A_173 = arith.muli %arg1, %mul3A_172 : i32
      %add3A_174 = arith.constant 0 : i32
      %add3A_175 = arith.addi %add3A_171, %add3A_174 : i32
      %mul3A_176 = arith.constant 104 : i32
      %mul3A_177 = arith.muli %add3A_175, %mul3A_176 : i32
      %add3A_178 = arith.addi %mul3A_173, %mul3A_177 : i32
      "tpu.region"() ({
        %run_scoped3A = tpu.sem_alloc : memref<!tpu.dma_semaphore, #tpu.memory_space<semaphore_mem>>
        %dma_start3A_216 = arith.constant 0 : i32
        %dma_start3A_217 = tpu.memref_slice %arg14[%add3A_178, %dma_start3A_216] : memref<10000x64xf32, #tpu.memory_space<vmem_shared>> -> memref<104x64xf32, #tpu.memory_space<vmem_shared>>
        %dma_start3A_218 = arith.constant 0 : i32
        %dma_start3A_219 = tpu.memref_slice %arg14[%add3A_178, %dma_start3A_218] : memref<10000x64xf32, #tpu.memory_space<vmem_shared>> -> memref<104x64xf32, #tpu.memory_space<vmem_shared>>
        tpu.enqueue_dma source(%dma_start3A_219 : memref<104x64xf32, #tpu.memory_space<vmem_shared>>) target(%arg12 : memref<104x64xf32, #tpu.memory_space<vmem>>) target_semaphore(%run_scoped3A : memref<!tpu.dma_semaphore, #tpu.memory_space<semaphore_mem>>)
        %dma_wait3A_220 = arith.constant 0 : i32
        %dma_wait3A_221 = tpu.memref_slice %arg14[%add3A_178, %dma_wait3A_220] : memref<10000x64xf32, #tpu.memory_space<vmem_shared>> -> memref<104x64xf32, #tpu.memory_space<vmem_shared>>
        %dma_wait3A_222 = arith.constant 0 : i32
        %dma_wait3A_223 = tpu.memref_slice %arg14[%add3A_178, %dma_wait3A_222] : memref<10000x64xf32, #tpu.memory_space<vmem_shared>> -> memref<104x64xf32, #tpu.memory_space<vmem_shared>>
        tpu.wait_dma2 semaphore(%run_scoped3A : memref<!tpu.dma_semaphore, #tpu.memory_space<semaphore_mem>>) src(%dma_wait3A_223 : memref<104x64xf32, #tpu.memory_space<vmem_shared>>) dst(%arg12 : memref<104x64xf32, #tpu.memory_space<vmem>>)
        tpu.yield
      }) : () -> ()
      %mul3A_179 = arith.constant 64 : i32
      %mul3A_180 = arith.muli %arg0, %mul3A_179 : i32
      %dma_start3A_181 = tpu.memref_slice %arg5[%add3A_178, %mul3A_180] : memref<10000x128xf32, #tpu.memory_space<hbm>> -> memref<104x64xf32, #tpu.memory_space<hbm>>
      %dma_start3A_182 = tpu.memref_slice %arg5[%add3A_178, %mul3A_180] : memref<10000x128xf32, #tpu.memory_space<hbm>> -> memref<104x64xf32, #tpu.memory_space<hbm>>
      tpu.enqueue_dma source(%arg12 : memref<104x64xf32, #tpu.memory_space<vmem>>) target(%dma_start3A_182 : memref<104x64xf32, #tpu.memory_space<hbm>>) target_semaphore(%arg23 : memref<!tpu.dma_semaphore, #tpu.memory_space<semaphore_mem>>)
      %mul3A_183 = arith.constant 624 : i32
      %mul3A_184 = arith.muli %arg1, %mul3A_183 : i32
      %add3A_185 = arith.constant 1 : i32
      %add3A_186 = arith.addi %add3A_171, %add3A_185 : i32
      %mul3A_187 = arith.constant 104 : i32
      %mul3A_188 = arith.muli %add3A_186, %mul3A_187 : i32
      %add3A_189 = arith.addi %mul3A_184, %mul3A_188 : i32
      "tpu.region"() ({
        %run_scoped3A = tpu.sem_alloc : memref<!tpu.dma_semaphore, #tpu.memory_space<semaphore_mem>>
        %dma_start3A_216 = arith.constant 0 : i32
        %dma_start3A_217 = tpu.memref_slice %arg14[%add3A_189, %dma_start3A_216] : memref<10000x64xf32, #tpu.memory_space<vmem_shared>> -> memref<104x64xf32, #tpu.memory_space<vmem_shared>>
        %dma_start3A_218 = arith.constant 0 : i32
        %dma_start3A_219 = tpu.memref_slice %arg14[%add3A_189, %dma_start3A_218] : memref<10000x64xf32, #tpu.memory_space<vmem_shared>> -> memref<104x64xf32, #tpu.memory_space<vmem_shared>>
        tpu.enqueue_dma source(%dma_start3A_219 : memref<104x64xf32, #tpu.memory_space<vmem_shared>>) target(%arg13 : memref<104x64xf32, #tpu.memory_space<vmem>>) target_semaphore(%run_scoped3A : memref<!tpu.dma_semaphore, #tpu.memory_space<semaphore_mem>>)
        %dma_wait3A_220 = arith.constant 0 : i32
        %dma_wait3A_221 = tpu.memref_slice %arg14[%add3A_189, %dma_wait3A_220] : memref<10000x64xf32, #tpu.memory_space<vmem_shared>> -> memref<104x64xf32, #tpu.memory_space<vmem_shared>>
        %dma_wait3A_222 = arith.constant 0 : i32
        %dma_wait3A_223 = tpu.memref_slice %arg14[%add3A_189, %dma_wait3A_222] : memref<10000x64xf32, #tpu.memory_space<vmem_shared>> -> memref<104x64xf32, #tpu.memory_space<vmem_shared>>
        tpu.wait_dma2 semaphore(%run_scoped3A : memref<!tpu.dma_semaphore, #tpu.memory_space<semaphore_mem>>) src(%dma_wait3A_223 : memref<104x64xf32, #tpu.memory_space<vmem_shared>>) dst(%arg13 : memref<104x64xf32, #tpu.memory_space<vmem>>)
        tpu.yield
      }) : () -> ()
      %mul3A_190 = arith.constant 64 : i32
      %mul3A_191 = arith.muli %arg0, %mul3A_190 : i32
      %dma_start3A_192 = tpu.memref_slice %arg5[%add3A_189, %mul3A_191] : memref<10000x128xf32, #tpu.memory_space<hbm>> -> memref<104x64xf32, #tpu.memory_space<hbm>>
      %dma_start3A_193 = tpu.memref_slice %arg5[%add3A_189, %mul3A_191] : memref<10000x128xf32, #tpu.memory_space<hbm>> -> memref<104x64xf32, #tpu.memory_space<hbm>>
      tpu.enqueue_dma source(%arg13 : memref<104x64xf32, #tpu.memory_space<vmem>>) target(%dma_start3A_193 : memref<104x64xf32, #tpu.memory_space<hbm>>) target_semaphore(%arg23 : memref<!tpu.dma_semaphore, #tpu.memory_space<semaphore_mem>>)
      %mul3A_194 = arith.constant 624 : i32
      %mul3A_195 = arith.muli %arg1, %mul3A_194 : i32
      %add3A_196 = arith.constant 0 : i32
      %add3A_197 = arith.addi %add3A_171, %add3A_196 : i32
      %mul3A_198 = arith.constant 104 : i32
      %mul3A_199 = arith.muli %add3A_197, %mul3A_198 : i32
      %add3A_200 = arith.addi %mul3A_195, %mul3A_199 : i32
      %mul3A_201 = arith.constant 64 : i32
      %mul3A_202 = arith.muli %arg0, %mul3A_201 : i32
      %dma_wait3A_203 = tpu.memref_slice %arg5[%add3A_200, %mul3A_202] : memref<10000x128xf32, #tpu.memory_space<hbm>> -> memref<104x64xf32, #tpu.memory_space<hbm>>
      %dma_wait3A_204 = tpu.memref_slice %arg5[%add3A_200, %mul3A_202] : memref<10000x128xf32, #tpu.memory_space<hbm>> -> memref<104x64xf32, #tpu.memory_space<hbm>>
      tpu.wait_dma2 semaphore(%arg23 : memref<!tpu.dma_semaphore, #tpu.memory_space<semaphore_mem>>) src(%arg12 : memref<104x64xf32, #tpu.memory_space<vmem>>) dst(%dma_wait3A_204 : memref<104x64xf32, #tpu.memory_space<hbm>>)
      %mul3A_205 = arith.constant 624 : i32
      %mul3A_206 = arith.muli %arg1, %mul3A_205 : i32
      %add3A_207 = arith.constant 1 : i32
      %add3A_208 = arith.addi %add3A_171, %add3A_207 : i32
      %mul3A_209 = arith.constant 104 : i32
      %mul3A_210 = arith.muli %add3A_208, %mul3A_209 : i32
      %add3A_211 = arith.addi %mul3A_206, %mul3A_210 : i32
      %mul3A_212 = arith.constant 64 : i32
      %mul3A_213 = arith.muli %arg0, %mul3A_212 : i32
      %dma_wait3A_214 = tpu.memref_slice %arg5[%add3A_211, %mul3A_213] : memref<10000x128xf32, #tpu.memory_space<hbm>> -> memref<104x64xf32, #tpu.memory_space<hbm>>
      %dma_wait3A_215 = tpu.memref_slice %arg5[%add3A_211, %mul3A_213] : memref<10000x128xf32, #tpu.memory_space<hbm>> -> memref<104x64xf32, #tpu.memory_space<hbm>>
      tpu.wait_dma2 semaphore(%arg23 : memref<!tpu.dma_semaphore, #tpu.memory_space<semaphore_mem>>) src(%arg13 : memref<104x64xf32, #tpu.memory_space<vmem>>) dst(%dma_wait3A_215 : memref<104x64xf32, #tpu.memory_space<hbm>>)
    }
    %scan3A_163 = arith.constant 3 : i32
    %eq3A_164 = arith.constant 15 : i32
    %eq3A_165 = arith.cmpi eq, %arg1, %eq3A_164 : i32
    %convert_element_type3A_166 = arith.extui %eq3A_165 : i1 to i32
    %cond3A_167 = arith.constant 0 : i32
    %cond3A_168 = arith.cmpi ne, %convert_element_type3A_166, %cond3A_167 : i32
    scf.if %cond3A_168 {
      "tpu.region"() ({
        %run_scoped3A = tpu.sem_alloc : memref<!tpu.dma_semaphore, #tpu.memory_space<semaphore_mem>>
        %dma_start3A_170 = arith.constant 0 : i32
        %dma_start3A_171 = arith.constant 0 : i32
        %dma_start3A_172 = tpu.memref_slice %arg12[%dma_start3A_170, %dma_start3A_171] : memref<104x64xf32, #tpu.memory_space<vmem>> -> memref<16x64xf32, #tpu.memory_space<vmem>>
        %dma_start3A_173 = arith.constant 9984 : i32
        %dma_start3A_174 = arith.constant 0 : i32
        %dma_start3A_175 = tpu.memref_slice %arg14[%dma_start3A_173, %dma_start3A_174] : memref<10000x64xf32, #tpu.memory_space<vmem_shared>> -> memref<16x64xf32, #tpu.memory_space<vmem_shared>>
        %dma_start3A_176 = arith.constant 0 : i32
        %dma_start3A_177 = arith.constant 0 : i32
        %dma_start3A_178 = tpu.memref_slice %arg12[%dma_start3A_176, %dma_start3A_177] : memref<104x64xf32, #tpu.memory_space<vmem>> -> memref<16x64xf32, #tpu.memory_space<vmem>>
        %dma_start3A_179 = arith.constant 9984 : i32
        %dma_start3A_180 = arith.constant 0 : i32
        %dma_start3A_181 = tpu.memref_slice %arg14[%dma_start3A_179, %dma_start3A_180] : memref<10000x64xf32, #tpu.memory_space<vmem_shared>> -> memref<16x64xf32, #tpu.memory_space<vmem_shared>>
        tpu.enqueue_dma source(%dma_start3A_181 : memref<16x64xf32, #tpu.memory_space<vmem_shared>>) target(%dma_start3A_178 : memref<16x64xf32, #tpu.memory_space<vmem>>) target_semaphore(%run_scoped3A : memref<!tpu.dma_semaphore, #tpu.memory_space<semaphore_mem>>)
        %dma_wait3A_182 = arith.constant 0 : i32
        %dma_wait3A_183 = arith.constant 0 : i32
        %dma_wait3A_184 = tpu.memref_slice %arg12[%dma_wait3A_182, %dma_wait3A_183] : memref<104x64xf32, #tpu.memory_space<vmem>> -> memref<16x64xf32, #tpu.memory_space<vmem>>
        %dma_wait3A_185 = arith.constant 9984 : i32
        %dma_wait3A_186 = arith.constant 0 : i32
        %dma_wait3A_187 = tpu.memref_slice %arg14[%dma_wait3A_185, %dma_wait3A_186] : memref<10000x64xf32, #tpu.memory_space<vmem_shared>> -> memref<16x64xf32, #tpu.memory_space<vmem_shared>>
        %dma_wait3A_188 = arith.constant 0 : i32
        %dma_wait3A_189 = arith.constant 0 : i32
        %dma_wait3A_190 = tpu.memref_slice %arg12[%dma_wait3A_188, %dma_wait3A_189] : memref<104x64xf32, #tpu.memory_space<vmem>> -> memref<16x64xf32, #tpu.memory_space<vmem>>
        %dma_wait3A_191 = arith.constant 9984 : i32
        %dma_wait3A_192 = arith.constant 0 : i32
        %dma_wait3A_193 = tpu.memref_slice %arg14[%dma_wait3A_191, %dma_wait3A_192] : memref<10000x64xf32, #tpu.memory_space<vmem_shared>> -> memref<16x64xf32, #tpu.memory_space<vmem_shared>>
        tpu.wait_dma2 semaphore(%run_scoped3A : memref<!tpu.dma_semaphore, #tpu.memory_space<semaphore_mem>>) src(%dma_wait3A_193 : memref<16x64xf32, #tpu.memory_space<vmem_shared>>) dst(%dma_wait3A_190 : memref<16x64xf32, #tpu.memory_space<vmem>>)
        tpu.yield
      }) : () -> ()
      %mul3A = arith.constant 64 : i32
      %mul3A_169 = arith.muli %arg0, %mul3A : i32
      "tpu.region"() ({
        %run_scoped3A = tpu.sem_alloc : memref<!tpu.dma_semaphore, #tpu.memory_space<semaphore_mem>>
        %dma_start3A_170 = arith.constant 0 : i32
        %dma_start3A_171 = arith.constant 0 : i32
        %dma_start3A_172 = tpu.memref_slice %arg12[%dma_start3A_170, %dma_start3A_171] : memref<104x64xf32, #tpu.memory_space<vmem>> -> memref<16x64xf32, #tpu.memory_space<vmem>>
        %dma_start3A_173 = arith.constant 9984 : i32
        %dma_start3A_174 = tpu.memref_slice %arg5[%dma_start3A_173, %mul3A_169] : memref<10000x128xf32, #tpu.memory_space<hbm>> -> memref<16x64xf32, #tpu.memory_space<hbm>>
        %dma_start3A_175 = arith.constant 9984 : i32
        %dma_start3A_176 = tpu.memref_slice %arg5[%dma_start3A_175, %mul3A_169] : memref<10000x128xf32, #tpu.memory_space<hbm>> -> memref<16x64xf32, #tpu.memory_space<hbm>>
        %dma_start3A_177 = arith.constant 0 : i32
        %dma_start3A_178 = arith.constant 0 : i32
        %dma_start3A_179 = tpu.memref_slice %arg12[%dma_start3A_177, %dma_start3A_178] : memref<104x64xf32, #tpu.memory_space<vmem>> -> memref<16x64xf32, #tpu.memory_space<vmem>>
        tpu.enqueue_dma source(%dma_start3A_179 : memref<16x64xf32, #tpu.memory_space<vmem>>) target(%dma_start3A_176 : memref<16x64xf32, #tpu.memory_space<hbm>>) target_semaphore(%run_scoped3A : memref<!tpu.dma_semaphore, #tpu.memory_space<semaphore_mem>>)
        %dma_wait3A_180 = arith.constant 0 : i32
        %dma_wait3A_181 = arith.constant 0 : i32
        %dma_wait3A_182 = tpu.memref_slice %arg12[%dma_wait3A_180, %dma_wait3A_181] : memref<104x64xf32, #tpu.memory_space<vmem>> -> memref<16x64xf32, #tpu.memory_space<vmem>>
        %dma_wait3A_183 = arith.constant 9984 : i32
        %dma_wait3A_184 = tpu.memref_slice %arg5[%dma_wait3A_183, %mul3A_169] : memref<10000x128xf32, #tpu.memory_space<hbm>> -> memref<16x64xf32, #tpu.memory_space<hbm>>
        %dma_wait3A_185 = arith.constant 9984 : i32
        %dma_wait3A_186 = tpu.memref_slice %arg5[%dma_wait3A_185, %mul3A_169] : memref<10000x128xf32, #tpu.memory_space<hbm>> -> memref<16x64xf32, #tpu.memory_space<hbm>>
        %dma_wait3A_187 = arith.constant 0 : i32
        %dma_wait3A_188 = arith.constant 0 : i32
        %dma_wait3A_189 = tpu.memref_slice %arg12[%dma_wait3A_187, %dma_wait3A_188] : memref<104x64xf32, #tpu.memory_space<vmem>> -> memref<16x64xf32, #tpu.memory_space<vmem>>
        tpu.wait_dma2 semaphore(%run_scoped3A : memref<!tpu.dma_semaphore, #tpu.memory_space<semaphore_mem>>) src(%dma_wait3A_189 : memref<16x64xf32, #tpu.memory_space<vmem>>) dst(%dma_wait3A_186 : memref<16x64xf32, #tpu.memory_space<hbm>>)
        tpu.yield
      }) : () -> ()
    } else {
    }
    return
  }
}

module attributes {stable_mosaic.version = 14 : i64} {
  func.func @_tc1_body(%arg0: memref<10000x128xf32, #tpu.memory_space<vmem>>, %arg1: memref<128x128xf32, #tpu.memory_space<vmem>>, %arg2: memref<2x10000xf32, #tpu.memory_space<vmem>>, %arg3: memref<2x10000xf32, #tpu.memory_space<vmem>>, %arg4: memref<10000x128xf32, #tpu.memory_space<vmem>>, %arg5: memref<10000xf32, #tpu.memory_space<vmem>>, %arg6: memref<10000xf32, #tpu.memory_space<vmem>>) attributes {dimension_semantics = [], scalar_prefetch = 0 : i64, scratch_operands = 0 : i64, tpu.core_type = #tpu.core_type<tc>} {
    %get3A = arith.constant 0 : index
    %get3A_0 = arith.constant 0 : index
    %get3A_1 = vector.load %arg2[%get3A, %get3A_0] : memref<2x10000xf32, #tpu.memory_space<vmem>>, vector<2x10000xf32>
    %get3A_2 = arith.constant 0 : index
    %get3A_3 = arith.constant 0 : index
    %get3A_4 = vector.load %arg3[%get3A_2, %get3A_3] : memref<2x10000xf32, #tpu.memory_space<vmem>>, vector<2x10000xf32>
    %slice3A = vector.extract_strided_slice %get3A_1 {offsets = [0, 0], sizes = [1, 10000], strides = [1, 1]} : vector<2x10000xf32> to vector<1x10000xf32>
    %squeeze3A = vector.shape_cast %slice3A : vector<1x10000xf32> to vector<10000xf32>
    %slice3A_5 = vector.extract_strided_slice %get3A_1 {offsets = [1, 0], sizes = [1, 10000], strides = [1, 1]} : vector<2x10000xf32> to vector<1x10000xf32>
    %squeeze3A_6 = vector.shape_cast %slice3A_5 : vector<1x10000xf32> to vector<10000xf32>
    %add3A = arith.addf %squeeze3A, %squeeze3A_6 : vector<10000xf32>
    %slice3A_7 = vector.extract_strided_slice %get3A_4 {offsets = [0, 0], sizes = [1, 10000], strides = [1, 1]} : vector<2x10000xf32> to vector<1x10000xf32>
    %squeeze3A_8 = vector.shape_cast %slice3A_7 : vector<1x10000xf32> to vector<10000xf32>
    %slice3A_9 = vector.extract_strided_slice %get3A_4 {offsets = [1, 0], sizes = [1, 10000], strides = [1, 1]} : vector<2x10000xf32> to vector<1x10000xf32>
    %squeeze3A_10 = vector.shape_cast %slice3A_9 : vector<1x10000xf32> to vector<10000xf32>
    %add3A_11 = arith.addf %squeeze3A_8, %squeeze3A_10 : vector<10000xf32>
    %gt3A = arith.constant 0.000000e+00 : f32
    %gt3A_12 = vector.broadcast %gt3A : f32 to vector<10000xf32>
    %gt3A_13 = arith.cmpf ogt, %add3A, %gt3A_12 : vector<10000xf32>
    %max3A = arith.constant 9.99999996E-13 : f32
    %max3A_14 = vector.broadcast %max3A : f32 to vector<10000xf32>
    %max3A_15 = arith.maximumf %add3A, %max3A_14 : vector<10000xf32>
    %rsqrt3A = math.rsqrt %max3A_15 : vector<10000xf32>
    %jit3A = arith.constant 0.000000e+00 : f32
    %broadcast_in_dim3A = vector.broadcast %jit3A : f32 to vector<10000xf32>
    %select_n3A = arith.select %gt3A_13, %rsqrt3A, %broadcast_in_dim3A : vector<10000xi1>, vector<10000xf32>
    %gt3A_16 = arith.constant 0.000000e+00 : f32
    %gt3A_17 = vector.broadcast %gt3A_16 : f32 to vector<10000xf32>
    %gt3A_18 = arith.cmpf ogt, %add3A_11, %gt3A_17 : vector<10000xf32>
    %max3A_19 = arith.constant 9.99999996E-13 : f32
    %max3A_20 = vector.broadcast %max3A_19 : f32 to vector<10000xf32>
    %max3A_21 = arith.maximumf %add3A_11, %max3A_20 : vector<10000xf32>
    %rsqrt3A_22 = math.rsqrt %max3A_21 : vector<10000xf32>
    %jit3A_23 = arith.constant 0.000000e+00 : f32
    %broadcast_in_dim3A_24 = vector.broadcast %jit3A_23 : f32 to vector<10000xf32>
    %select_n3A_25 = arith.select %gt3A_18, %rsqrt3A_22, %broadcast_in_dim3A_24 : vector<10000xi1>, vector<10000xf32>
    %swap3A = arith.constant 0 : index
    %swap3A_26 = vector.load %arg5[%swap3A] : memref<10000xf32, #tpu.memory_space<vmem>>, vector<10000xf32>
    tpu.vector_store %arg5[%swap3A], %select_n3A {strides = array<i32>} : memref<10000xf32, #tpu.memory_space<vmem>>, vector<10000xf32>,
    %swap3A_27 = arith.constant 0 : index
    %swap3A_28 = vector.load %arg6[%swap3A_27] : memref<10000xf32, #tpu.memory_space<vmem>>, vector<10000xf32>
    tpu.vector_store %arg6[%swap3A_27], %select_n3A_25 {strides = array<i32>} : memref<10000xf32, #tpu.memory_space<vmem>>, vector<10000xf32>,
    %get3A_29 = arith.constant 0 : index
    %get3A_30 = arith.constant 0 : index
    %get3A_31 = vector.load %arg0[%get3A_29, %get3A_30] : memref<10000x128xf32, #tpu.memory_space<vmem>>, vector<10000x128xf32>
    %broadcast_in_dim3A_32 = vector.shape_cast %select_n3A : vector<10000xf32> to vector<10000x1xf32>
    %mul3A = vector.broadcast %broadcast_in_dim3A_32 : vector<10000x1xf32> to vector<10000x128xf32>
    %mul3A_33 = arith.mulf %get3A_31, %mul3A : vector<10000x128xf32>
    %get3A_34 = arith.constant 0 : index
    %get3A_35 = arith.constant 0 : index
    %get3A_36 = vector.load %arg1[%get3A_34, %get3A_35] : memref<128x128xf32, #tpu.memory_space<vmem>>, vector<128x128xf32>
    %dot_general3A = arith.constant dense<0.000000e+00> : vector<10000x128xf32>
    %dot_general3A_37 = tpu.matmul %mul3A_33, %get3A_36, %dot_general3A {dimension_numbers = #tpu.dot_dimension_numbers<[1], [0], [0], [1], [0, 0, 1, 1], [], []>, transpose_lhs_hint = false} : vector<10000x128xf32>, vector<128x128xf32>, vector<10000x128xf32> -> vector<10000x128xf32>
    %swap3A_38 = arith.constant 0 : index
    %swap3A_39 = arith.constant 0 : index
    %swap3A_40 = vector.load %arg4[%swap3A_38, %swap3A_39] : memref<10000x128xf32, #tpu.memory_space<vmem>>, vector<10000x128xf32>
    tpu.vector_store %arg4[%swap3A_38, %swap3A_39], %dot_general3A_37 {strides = array<i32>} : memref<10000x128xf32, #tpu.memory_space<vmem>>, vector<10000x128xf32>,
    return
  }
}

module attributes {stable_mosaic.version = 14 : i64} {
  func.func @_tc2_body(%arg0: memref<10000x128xf32, #tpu.memory_space<vmem>>, %arg1: memref<10000xf32, #tpu.memory_space<vmem>>, %arg2: memref<10000xf32, #tpu.memory_space<vmem>>, %arg3: memref<1x128xf32, #tpu.memory_space<vmem>>, %arg4: memref<128x128xf32, #tpu.memory_space<vmem>>, %arg5: memref<10000x128xf32, #tpu.memory_space<vmem>>) attributes {dimension_semantics = [], scalar_prefetch = 0 : i64, scratch_operands = 0 : i64, tpu.core_type = #tpu.core_type<tc>} {
    %get3A = arith.constant 0 : index
    %get3A_0 = arith.constant 0 : index
    %get3A_1 = vector.load %arg0[%get3A, %get3A_0] : memref<10000x128xf32, #tpu.memory_space<vmem>>, vector<10000x128xf32>
    %get3A_2 = arith.constant 0 : index
    %get3A_3 = vector.load %arg2[%get3A_2] : memref<10000xf32, #tpu.memory_space<vmem>>, vector<10000xf32>
    %broadcast_in_dim3A = vector.shape_cast %get3A_3 : vector<10000xf32> to vector<10000x1xf32>
    %mul3A = vector.broadcast %broadcast_in_dim3A : vector<10000x1xf32> to vector<10000x128xf32>
    %mul3A_4 = arith.mulf %get3A_1, %mul3A : vector<10000x128xf32>
    %get3A_5 = arith.constant 0 : index
    %get3A_6 = arith.constant 0 : index
    %get3A_7 = vector.load %arg3[%get3A_5, %get3A_6] : memref<1x128xf32, #tpu.memory_space<vmem>>, vector<1x128xf32>
    %add3A = vector.broadcast %get3A_7 : vector<1x128xf32> to vector<10000x128xf32>
    %add3A_8 = arith.addf %mul3A_4, %add3A : vector<10000x128xf32>
    %max3A = arith.constant 0.000000e+00 : f32
    %max3A_9 = vector.broadcast %max3A : f32 to vector<10000x128xf32>
    %max3A_10 = arith.maximumf %add3A_8, %max3A_9 : vector<10000x128xf32>
    %get3A_11 = arith.constant 0 : index
    %get3A_12 = vector.load %arg1[%get3A_11] : memref<10000xf32, #tpu.memory_space<vmem>>, vector<10000xf32>
    %broadcast_in_dim3A_13 = vector.shape_cast %get3A_12 : vector<10000xf32> to vector<10000x1xf32>
    %mul3A_14 = vector.broadcast %broadcast_in_dim3A_13 : vector<10000x1xf32> to vector<10000x128xf32>
    %mul3A_15 = arith.mulf %max3A_10, %mul3A_14 : vector<10000x128xf32>
    %get3A_16 = arith.constant 0 : index
    %get3A_17 = arith.constant 0 : index
    %get3A_18 = vector.load %arg4[%get3A_16, %get3A_17] : memref<128x128xf32, #tpu.memory_space<vmem>>, vector<128x128xf32>
    %dot_general3A = arith.constant dense<0.000000e+00> : vector<10000x128xf32>
    %dot_general3A_19 = tpu.matmul %mul3A_15, %get3A_18, %dot_general3A {dimension_numbers = #tpu.dot_dimension_numbers<[1], [0], [0], [1], [0, 0, 1, 1], [], []>, transpose_lhs_hint = false} : vector<10000x128xf32>, vector<128x128xf32>, vector<10000x128xf32> -> vector<10000x128xf32>
    %swap3A = arith.constant 0 : index
    %swap3A_20 = arith.constant 0 : index
    %swap3A_21 = vector.load %arg5[%swap3A, %swap3A_20] : memref<10000x128xf32, #tpu.memory_space<vmem>>, vector<10000x128xf32>
    tpu.vector_store %arg5[%swap3A, %swap3A_20], %dot_general3A_19 {strides = array<i32>} : memref<10000x128xf32, #tpu.memory_space<vmem>>, vector<10000x128xf32>,
    return
  }
}

module attributes {stable_mosaic.version = 14 : i64} {
  func.func @_tc3_body(%arg0: memref<10000x128xf32, #tpu.memory_space<vmem>>, %arg1: memref<10000xf32, #tpu.memory_space<vmem>>, %arg2: memref<1x128xf32, #tpu.memory_space<vmem>>, %arg3: memref<10000x128xf32, #tpu.memory_space<vmem>>) attributes {dimension_semantics = [], scalar_prefetch = 0 : i64, scratch_operands = 0 : i64, tpu.core_type = #tpu.core_type<tc>} {
    %get3A = arith.constant 0 : index
    %get3A_0 = arith.constant 0 : index
    %get3A_1 = vector.load %arg0[%get3A, %get3A_0] : memref<10000x128xf32, #tpu.memory_space<vmem>>, vector<10000x128xf32>
    %get3A_2 = arith.constant 0 : index
    %get3A_3 = vector.load %arg1[%get3A_2] : memref<10000xf32, #tpu.memory_space<vmem>>, vector<10000xf32>
    %broadcast_in_dim3A = vector.shape_cast %get3A_3 : vector<10000xf32> to vector<10000x1xf32>
    %mul3A = vector.broadcast %broadcast_in_dim3A : vector<10000x1xf32> to vector<10000x128xf32>
    %mul3A_4 = arith.mulf %get3A_1, %mul3A : vector<10000x128xf32>
    %get3A_5 = arith.constant 0 : index
    %get3A_6 = arith.constant 0 : index
    %get3A_7 = vector.load %arg2[%get3A_5, %get3A_6] : memref<1x128xf32, #tpu.memory_space<vmem>>, vector<1x128xf32>
    %add3A = vector.broadcast %get3A_7 : vector<1x128xf32> to vector<10000x128xf32>
    %add3A_8 = arith.addf %mul3A_4, %add3A : vector<10000x128xf32>
    %swap3A = arith.constant 0 : index
    %swap3A_9 = arith.constant 0 : index
    %swap3A_10 = vector.load %arg3[%swap3A, %swap3A_9] : memref<10000x128xf32, #tpu.memory_space<vmem>>, vector<10000x128xf32>
    tpu.vector_store %arg3[%swap3A, %swap3A_9], %add3A_8 {strides = array<i32>} : memref<10000x128xf32, #tpu.memory_space<vmem>>, vector<10000x128xf32>,
    return
  }
}

</mosaic_0001>

<sc_bundles>
// kernel: kernel.11.cloned.1.call-start
scs
__scs_entry_jumppad:
0x0: {  	(pc) =	sbr.rel $0x88, $3  }
0x1: {  	(tag) =	ssettag $0x0;
	lr =	simm.s32 $0x1  }
0x2: {  	[smem:$0x3F9B] =	sst lr;
	_ =	strace $0xD0000000  }
0x3: {  	_ = 	snop  }
0x4: {  	_ = 	snop  }
0x5: {  	_ = 	snop  }
0x6: {  	_ = 	snop  }
0x7: {  	_ = 	snop  }
__scs_overlays_trampoline_lowered:
0x8: {  	[smem:$0x3FAA] =	sst s0  }
0x9: {  	[smem:$0x3FAB] =	sst s1  }
0xa: {  	[smem:$0x3FAC] =	sst s2  }
0xb: {  	[smem:$0x3FAD] =	sst s3  }
0xc: {  	[smem:$0x3FAE] =	sst s4  }
0xd: {  	[smem:$0x3FAF] =	sst s5  }
0xe: {  	[smem:$0x3FB0] =	sst s6  }
0xf: {  	[smem:$0x3FB1] =	sst s7  }
0x10: {  	[smem:$0x3FB2] =	sst s8  }
0x11: {  	[smem:$0x3FB3] =	sst s9;
	s0 =	simm.s32 @!p0 $0x0  }
0x12: {  	s1 =	sld [smem:$0x3F99];
	s0 =	simm.s32 @p0 $0x1  }
0x13: {  	[smem:$0x3FB4] =	sst s0;
	s0 =	simm.s32 @!p1 $0x0  }
0x14: {  	s2 =	sld [smem:$0x3F98];
	s0 =	simm.s32 @p1 $0x1  }
0x15: {  	[smem:$0x3FB5] =	sst s0;
	s0 =	simm.s32 @!p2 $0x0  }
0x16: {  	s3 =	sld [smem:$0x3FDB];
	s0 =	simm.s32 @p2 $0x1  }
0x17: {  	s4 =	simm.s32 $0x1BF5;
	[smem:$0x3FB7] =	sst s0  }
0x18: {  	s0 =	sld [smem:$0x3F9A];
	_ =	swait.ge [sflag:s4], $0x0  }
0x19: {  	s7 =	sld [smem:$0x3F9B]  }
0x1a: {  	s8 =	sadd.s32 $0xFFFFE003, lr  }
0x1b: {  	s9 =	sadd.s32 $0xFFFFFEF7, lr;
	s5 =	simm.s32 $0xFFFFFFFF;
	p2 =	slt.u32 s8, $0xFFFFF086  }
0x1c: {  	p1 =	slt.u32 s9, $0xF7A;
	s5 =	simm.s32 @!p2 $0x0  }
0x1d: {  	s5 =	simm.s32 @p1 $0x1;
	p0 =	seq.s32 s7, s2  }
0x1e: {  	s7 =	smul.u32 @!p0 $0xF7A, s2;
	p2 =	seq.s32 @!p0 s5, $0x0  }
0x1f: {  	s9 =	smul.u32 $0xF7A, s1;
	s8 =	simm.s32 @!p0 $0x1BF5;
	p2 =	por !p2, p0  }
0x20: {  	[sflag:s8] =	ssyncset.s32 @!p0 $0xFFFFF086;
	s6 =	sadd.s32 @!p0 s3, s7;
	s7 =	simm.s32 @!p0 $0x108  }
0x21: {  	s3 =	sadd.s32 s3, s9;
	s6 =	sadd.s32 @!p0 $0x88, s6;
	s7 =	simm.s32 @p2 $0x1082  }
0x22: {  	[simem:s7], [sflag:s8] =	dma.local @!p0 [hbm:s6], $0xF7A  }
0x23: {  	s9 =	sor.u32 $0xD0000000, s2;
	s6 =	simm.s32 $0x108;
	_ =	swait.ge @!p0 [sflag:s8], $0x0  }
0x24: {  	s3 =	sadd.s32 $0x88, s3;
	s6 =	simm.s32 @!p1 $0x1082;
	[sflag:s4] =	ssyncset.s32 $0xFFFFF086  }
0x25: {  	[simem:s6], [sflag:s4] =	dma.local [hbm:s3], $0xF7A  }
0x26: {  	[smem:$0x3F9B] =	sst s1;
	(tag) =	ssettag s2;
	_ =	strace s9  }
0x27: {  	s1 =	sld [smem:$0x3FAB]  }
0x28: {  	s2 =	sld [smem:$0x3FAC]  }
0x29: {  	s4 =	sld [smem:$0x3FAE]  }
0x2a: {  	p0 =	seq.s32 s5, $0x0;
	s5 =	sld [smem:$0x3FAF]  }
0x2b: {  	s6 =	sld [smem:$0x3FB0]  }
0x2c: {  	s7 =	sld [smem:$0x3FB1]  }
0x2d: {  	s3 =	simm.s32 $0x108;
	s8 =	sld [smem:$0x3FB2]  }
0x2e: {  	s3 =	simm.s32 @!p0 $0x1082;
	s9 =	sld [smem:$0x3FB3]  }
0x2f: {  	lr =	sadd.s32 s0, s3;
	s0 =	sld [smem:$0x3FAA]  }
0x30: {  	s3 =	sld [smem:$0x3FAD]  }
0x31: {  	[smem:$0x3FB6] =	sst s10  }
0x32: {  	s10 =	sld [smem:$0x3FB4];
	_ =	sdelay $0x3  }
0x33: {  	p0 =	seq.s32 s10, $0x1;
	s10 =	sld [smem:$0x3FB6];
	_ =	sdelay $0x3  }
0x34: {  	[smem:$0x3FB6] =	sst s10  }
0x35: {  	s10 =	sld [smem:$0x3FB5];
	_ =	sdelay $0x3  }
0x36: {  	p1 =	seq.s32 s10, $0x1;
	s10 =	sld [smem:$0x3FB6];
	_ =	sdelay $0x3  }
0x37: {  	[smem:$0x3FB6] =	sst s10  }
0x38: {  	s10 =	sld [smem:$0x3FB7]  }
0x39: {  	_ = 	snop;
	(pc) =	sbr.ind lr, $3  }
0x3a: {  	_ = 	snop  }
0x3b: {  	_ = 	snop  }
0x3c: {  	p2 =	seq.s32 s10, $0x1;
	s10 =	sld [smem:$0x3FB6]  }
0x3d: {  	_ =	shalt  }
0x3e: {  	_ =	shalt  }
0x3f: {  	_ =	shalt  }
0x40: {  	_ =	shalt  }
0x41: {  	_ =	shalt  }
0x42: {  	_ =	shalt  }
0x43: {  	_ =	shalt  }
0x44: {  	_ =	shalt  }
0x45: {  	_ =	shalt  }
0x46: {  	_ =	shalt  }
0x47: {  	_ =	shalt  }
0x48: {  	_ =	shalt  }
0x49: {  	_ =	shalt  }
0x4a: {  	_ =	shalt  }
0x4b: {  	_ =	shalt  }
0x4c: {  	_ =	shalt  }
0x4d: {  	_ =	shalt  }
0x4e: {  	_ =	shalt  }
0x4f: {  	_ =	shalt  }
0x50: {  	_ =	shalt  }
0x51: {  	_ =	shalt  }
0x52: {  	_ =	shalt  }
0x53: {  	_ =	shalt  }
0x54: {  	_ =	shalt  }
0x55: {  	_ =	shalt  }
0x56: {  	_ =	shalt  }
0x57: {  	_ =	shalt  }
0x58: {  	_ =	shalt  }
0x59: {  	_ =	shalt  }
0x5a: {  	_ =	shalt  }
0x5b: {  	_ =	shalt  }
0x5c: {  	_ =	shalt  }
0x5d: {  	_ =	shalt  }
0x5e: {  	_ =	shalt  }
0x5f: {  	_ =	shalt  }
0x60: {  	_ =	shalt  }
0x61: {  	_ =	shalt  }
0x62: {  	_ =	shalt  }
0x63: {  	_ =	shalt  }
0x64: {  	_ =	shalt  }
0x65: {  	_ =	shalt  }
0x66: {  	_ =	shalt  }
0x67: {  	_ =	shalt  }
0x68: {  	_ =	shalt  }
0x69: {  	_ =	shalt  }
0x6a: {  	_ =	shalt  }
0x6b: {  	_ =	shalt  }
0x6c: {  	_ =	shalt  }
0x6d: {  	_ =	shalt  }
0x6e: {  	_ =	shalt  }
0x6f: {  	_ =	shalt  }
0x70: {  	_ =	shalt  }
0x71: {  	_ =	shalt  }
0x72: {  	_ =	shalt  }
0x73: {  	_ =	shalt  }
0x74: {  	_ =	shalt  }
0x75: {  	_ =	shalt  }
0x76: {  	_ =	shalt  }
0x77: {  	_ =	shalt  }
0x78: {  	_ =	shalt  }
0x79: {  	_ =	shalt  }
0x7a: {  	_ =	shalt  }
0x7b: {  	_ =	shalt  }
0x7c: {  	_ =	shalt  }
0x7d: {  	_ =	shalt  }
0x7e: {  	_ =	shalt  }
0x7f: {  	_ =	shalt  }
0x80: {  	_ =	shalt  }
0x81: {  	_ =	shalt  }
0x82: {  	_ =	shalt  }
0x83: {  	_ =	shalt  }
0x84: {  	_ =	shalt  }
0x85: {  	_ =	shalt  }
0x86: {  	_ =	shalt  }
0x87: {  	_ =	shalt  }
.Lfunc_end0:
.L_simem_size_0:
called_computation.1_lowered:
.L_overlay_start_0:
0x88: {  	s2 =	sld [smem:$0x3FD9]  }
0x89: {  	s3 =	sld [smem:$0x3FFE];
	_ =	sdelay $0x1  }
0x8a: {  	s1 =	srdreg.scid  }
0x8b: {  	s0 =	sand.u32 $0x1, s1  }
0x8c: {  	s17 =	sshll.u32 s0, $0xA;
	s2 =	sadd.s32 s3, s2  }
0x8d: {  	s2 =	sadd.s32 s2, s17  }
0x8e: {  	[smem:$0x3FC2] =	sst s2  }
0x8f: {  	_ = 	snop  }
0x90: {  	s2 =	sld [smem:$0x3FD0];
	(tm) =	ssettm $0x1  }
0x91: {  	s18 =	sld [smem:$0x3FFB];
	_ =	sdelay $0x3  }
0x92: {  	_ =	strace s18  }
0x93: {  	s3 =	sld [smem:$0x3FFC];
	_ =	sdelay $0x3  }
0x94: {  	_ =	strace s3  }
0x95: {  	s3 =	sld [smem:$0x3FFD];
	_ =	sdelay $0x3  }
0x96: {  	_ =	strace s3  }
0x97: {  	_ =	strace $0x8FFFFFFF  }
0x98: {  	s19 =	sld [smem:$0x3FDB];
	_ =	sdelay $0x1  }
0x99: {  	s4 =	simm.s32 $_scs_section_size  }
0x9a: {  	s5 =	simm.s32 $_size__tile_overlayer_lowered;
	s6 =	simm.s32 $_tile_overlayer_lowered  }
0x9b: {  	s22 =	simm.s32 $0x1BFF;
	s21 =	sshll.u32 s6, $0x1;
	s3 =	sadd.s32 s4, s19  }
0x9c: {  	s7 =	simm.s32 $0x0;
	s20 =	sshll.u32 s5, $0x1;
	s5 =	sadd.s32 s21, s3  }
0x9d: {  	[timem:s7], [sflag:s22] =	dma.local [hbm:s5], s20  }
0x9e: {  	_ =	swait.ge [sflag:s22], s20  }
0x9f: {  	s4 =	ssub.s32 $0x0, s20;
	[sflag:s22] =	ssyncset.done $0x0  }
0xa0: {  	[sflag:s22] =	ssyncadd.s32 s4;
	_ =	sdelay $0x1  }
0xa1: {  	s23 =	simm.s32 $0x1B8B  }
0xa2: {  	_ =	swait.ge [sflag:s23], $0x1  }
0xa3: {  	[sflag:s23] =	ssyncset.done $0x0  }
0xa4: {  	s25 =	simm.s32 $0x1B8E;
	s24 =	sld [smem:$0x3FFE];
	[sflag:s23] =	ssyncadd.s32 $0xFFFFFFFF  }
0xa5: {  	s26 =	simm.s32 $execute0_lowered;
	[smem:$0x3FD2] =	sst s25  }
0xa6: {  	s5 =	sshll.u32 s26, $0x1;
	_ =	strace $0x80000049;
	[dreg:$0x1] =	wrdreg $0xFFFFFFFF  }
0xa7: {  	s28 =	simm.s32 $_size_execute0_lowered;
	s3 =	sadd.s32 s3, s5;
	[dreg:$0x0] =	wrdreg $0x0  }
0xa8: {  	s5 =	sshll.u32 s28, $0x1;
	[dreg:$0x2] =	wrdreg s3  }
0xa9: {  	[dreg:$0x3] =	wrdreg s5  }
0xaa: {  	[dreg:$0x4] =	wrdreg $0xC0  }
0xab: {  	_ =	task [dreg:s7], $0x5FFFF  }
0xac: {  	[dreg:$0x1] =	wrdreg $0xFFFFFFFF  }
0xad: {  	[dreg:$0x0] =	wrdreg $0x60  }
0xae: {  	[dreg:$0x2] =	wrdreg s2  }
0xaf: {  	[dreg:$0x3] =	wrdreg s24  }
0xb0: {  	[dreg:$0x4] =	wrdreg $0x151000  }
0xb1: {  	[dreg:$0x5] =	wrdreg $0x9  }
0xb2: {  	_ =	task.clear_ibuf [dreg:s7], $0x6FFFF;
	_ =	strace $0x90000049  }
0xb3: {  	s29 =	simm.s32 $0x9;
	_ =	strace $0x8000004B  }
0xb4: {  	_ =	swait.ge [sflag:s29], $0x1  }
0xb5: {  	[sflag:s29] =	ssyncadd.s32 $0xFFFFFFFF  }
0xb6: {  	_ =	strace $0x9000004B  }
0xb7: {  	_ =	sfence  }
0xb8: {  	s30 =	sld [smem:$0x0];
	_ =	sdelay $0x2  }
0xb9: {  	s31 =	sshll.u32 s1, $0xD;
	s1 =	sshrl.u32 s1, $0x2  }
0xba: {  	s3 =	sand.u32 $0x4000, s31;
	s1 =	sadd.s32 s1, s30  }
0xbb: {  	s0 =	sor.u32 s3, s0;
	s1 =	sshll.u32 s1, $0x11  }
0xbc: {  	s0 =	sor.u32 s1, s0  }
0xbd: {  	s0 =	sadd.s32 $0x8F2B, s0  }
0xbe: {  	[sflag:s0] =	ssyncadd.remote.s32 $0x1  }
0xbf: {  	_ =	sfence.sel $0xFFFF  }
0xc0: {  	[dreg:$0x0] =	wrdreg $0xFFFFFFFF;
	(pc) =	sbr.abs _section_cstart, $3  }
0xc1: {  	[dreg:$0x1] =	wrdreg $0xFFFFFFFF  }
0xc2: {  	_ =	task.clear_ibuf [dreg:s7], $0x2FFFF;
	_ =	strace $0x9FFFFFFF  }
0xc3: {  	(tm) =	ssettm $0x7FFFFFFF  }
tec
execute0_lowered:
.L_overlay_start_1:
0x0: {  	(tag) =	ssettag $0x1  }
0x1: {  	s1 =	rddreg [dreg:$0x0];
	s0 =	srdreg.scid  }
0x2: {  	s16 =	stileid.u32;
	s2 =	rddreg [dreg:$0x1]  }
0x3: {  	s3 =	rddreg [dreg:$0x2];
	s6 =	simm.s32 $0x0;
	s28 =	simm.s32 $0x1  }
0x4: {  	s29 =	simm.s32 $0x2;
	s30 =	simm.s32 $0x7D;
	s4 =	smul.u32 $0x5000, s16  }
0x5: {  	s31 =	simm.s32 $0xA000;
	s0 =	sand.u32 $0x1, s0;
	s8 =	smul.u32 $0x27000, s16  }
0x6: {  	[smem:$0x7FF] =	sst s6;
	s18 =	sadd.s32 $0x9C000, s3;
	s15 =	smul.u32 $0x13800, s16  }
0x7: {  	p0 =	sne.s32 s16, $0xF;
	s5 =	smul.u32 $0x50000, s0;
	_ =	strace $0x8000004A  }
0x8: {  	s17 =	ssub.s32 $0x2, s0;
	[dreg:$0x7] =	wrdreg s18;
	s19 =	sshll.u32 s0, $0x3  }
0x9: {  	s0 =	sshll.u32 s0, $0x6;
	s7 =	sshrl.u32 s17, $0x1;
	s21 =	sshrl.u32 s8, $0x2  }
0xa: {  	s8 =	sor.u32 s0, s15;
	s5 =	sadd.s32 s4, s5;
	s6 =	ssub.s32 s17, s7  }
0xb: {  	s4 =	sshrl.u32 s4, $0x3;
	s10 =	sadd.s32 s21, s3;
	s20 =	smax.u32 s6, $0x1  }
0xc: {  	s5 =	sshrl.u32 s5, $0x3;
	s26 =	sadd.s32 $0x4E00, s10;
	[dreg:$0x8] =	wrdreg s20  }
0xd: {  	s4 =	sadd.s32 s4, s2;
	s15 =	sadd.s32 $0x8200, s10;
	[dreg:$0x9] =	wrdreg s26  }
0xe: {  	s5 =	sadd.s32 s5, s2;
	s4 =	sadd.s32 $0xD200, s4;
	[dreg:$0xa] =	wrdreg s15  }
0xf: {  	s2 =	sadd.s32 $0x2B200, s2;
	[dreg:$0x5] =	wrdreg s4;
	s4 =	smul.u32 $0x270, s16  }
0x10: {  	s15 =	simm.s32 $0x8;
	s5 =	sadd.s32 $0x17200, s5;
	s16 =	simm.s32 $0x40  }
0x11: {  	[dreg:$0x4] =	wrdreg s5;
	s5 =	sadd.s32 s19, s2;
	s9 =	sadd.s32 $0x68, s4  }
0x12: {  	s5 =	sadd.s32 $0x27000, s5;
	s23 =	sadd.s32 $0xD0, s4;
	s13 =	sadd.s32 $0x1A0, s4  }
0x13: {  	s19 =	sadd.s32 $0x138, s4;
	s4 =	sadd.s32 $0x208, s4;
	[dreg:$0x6] =	wrdreg s5  }
0x14: {  	s22 =	sshll.u32 s9, $0x6;
	s24 =	sshll.u32 s23, $0x6;
	s25 =	sshll.u32 s13, $0x6  }
0x15: {  	s5 =	sshrl.u32 s8, $0x3;
	s17 =	sshll.u32 s9, $0x7;
	s6 =	sshll.u32 s23, $0x7  }
0x16: {  	s21 =	sshll.u32 s19, $0x6;
	s23 =	sshll.u32 s19, $0x7;
	s8 =	simm.s32 $0x5  }
0x17: {  	s9 =	simm.s32 $0x6;
	s19 =	simm.s32 $0x0;
	s11 =	sadd.s32 s22, s3  }
0x18: {  	s12 =	sadd.s32 s24, s3;
	s14 =	sadd.s32 s25, s3;
	s5 =	sadd.s32 s2, s5  }
0x19: {  	s18 =	sor.u32 s0, s17;
	s6 =	sor.u32 s0, s6;
	s22 =	sadd.s32 s21, s3  }
0x1a: {  	s24 =	sshll.u32 s13, $0x7;
	s25 =	sshll.u32 s4, $0x7;
	s4 =	sshll.u32 s4, $0x6  }
0x1b: {  	s13 =	simm.s32 $0x7;
	s17 =	simm.s32 $0x13700;
	[dreg:$0xb] =	wrdreg s5  }
0x1c: {  	s5 =	sshrl.u32 s18, $0x3;
	s20 =	sshrl.u32 s6, $0x3;
	[dreg:$0xe] =	wrdreg s22  }
0x1d: {  	s6 =	sor.u32 s0, s24;
	s4 =	sadd.s32 s4, s3;
	s24 =	simm.s32 $0xDE80  }
0x1e: {  	s18 =	simm.s32 $0x9;
	s5 =	sadd.s32 s2, s5;
	[dreg:$0x11] =	wrdreg s4  }
0x1f: {  	s26 =	sshrl.u32 s6, $0x3;
	[dreg:$0xc] =	wrdreg s5;
	s5 =	sadd.s32 s2, s20  }
0x20: {  	s4 =	simm.s32 $0xFDC0;
	[dreg:$0xd] =	wrdreg s5;
	s5 =	sor.u32 s0, s23  }
0x21: {  	s6 =	simm.s32 $0x4;
	s0 =	sor.u32 s0, s25;
	s5 =	sshrl.u32 s5, $0x3  }
0x22: {  	s25 =	simm.s32 $0x11D00;
	s0 =	sshrl.u32 s0, $0x3;
	s5 =	sadd.s32 s2, s5  }
0x23: {  	s0 =	sadd.s32 s2, s0;
	[dreg:$0xf] =	wrdreg s5;
	s5 =	sadd.s32 s2, s26  }
0x24: {  	[dreg:$0x12] =	wrdreg s0;
	s26 =	simm.s32 $0xA;
	s2 =	simm.s32 $0x80  }
0x25: {  	v0 =	vimm.f32 $0.0e+00;
	s0 =	simm.s32 $0xBF40;
	[dreg:$0x10] =	wrdreg s5;
	s5 =	simm.s32 $0x3  }
.LBB2_1:
0x26: {  	s20 =	simm.s32 $0x0;
	s21 =	rddreg [dreg:$0x4]  }
0x27: {  	[tilespmem:s20], [sflag:$0x1] =	stream.linear.gather [hbm4b:s21+s20], $0x5000, $0x38;
	[tilespmem:$0x1ED40] =	vst v63  }
0x28: {  	s23 =	rddreg [dreg:$0x5];
	s7 =	simm.s32 $0x5000  }
0x29: {  	[tilespmem:s7], [sflag:$0x2] =	stream.linear.gather [hbm4b:s23+s20], $0x5000, $0x38;
	[tilespmem:$0x1ED40] =	vst v63  }
0x2a: {  	s21 =	simm.s32 $0x100;
	s20 =	simm.s32 $0x0  }
.LBB2_2:
0x2b: {  	p1 =	sne.s32 s21, $0x6700;
	[tilespmem:s20+$0x11D30] =	vst v0;
	s22 =	smov.u32 s21;
	s21 =	sadd.s32 $0x100, s21  }
.Ltmp0:
0x2c: {  	[tilespmem:s20+$0x11D20] =	vst v0;
	(pc) =	sbr.rel @p1 .LBB2_2-.Ltmp0, $3  }
0x2d: {  	[tilespmem:s20+$0x11D00] =	vst v0  }
0x2e: {  	[tilespmem:s20+$0x11D10] =	vst v0;
	_ =	sdelay $0x1  }
0x2f: {  	s20 =	sshra.s32 s22, $0x2  }
0x30: {  	[tilespmem:s20+$0x11D30] =	vst v0  }
0x31: {  	[tilespmem:s20+$0x11D20] =	vst v0  }
0x32: {  	[tilespmem:s20+$0x11D00] =	vst v0  }
0x33: {  	[tilespmem:s20+$0x11D10] =	vst v0  }
0x34: {  	[spmem:s10] =	stream.linear.scatter [tilespmem:s25], [sflag:$0xA], $0x1A00, $0x38;
	[tilespmem:$0x1ED40] =	vst v63  }
0x35: {  	_ =	swait.ge [sflag:s26], $0x1A00  }
0x36: {  	[sflag:s26] =	ssyncset.done $0x0  }
0x37: {  	[sflag:s26] =	ssyncadd.s32 $0xFFFFE600  }
0x38: {  	[spmem:s11] =	stream.linear.scatter [tilespmem:s25], [sflag:$0xA], $0x1A00, $0x38;
	[tilespmem:$0x1ED40] =	vst v63  }
0x39: {  	_ =	swait.ge [sflag:s26], $0x1A00  }
0x3a: {  	[sflag:s26] =	ssyncset.done $0x0  }
0x3b: {  	[sflag:s26] =	ssyncadd.s32 $0xFFFFE600  }
0x3c: {  	[spmem:s12] =	stream.linear.scatter [tilespmem:s25], [sflag:$0xA], $0x1A00, $0x38;
	[tilespmem:$0x1ED40] =	vst v63  }
0x3d: {  	_ =	swait.ge [sflag:s26], $0x1A00  }
0x3e: {  	[sflag:s26] =	ssyncset.done $0x0  }
0x3f: {  	s7 =	rddreg [dreg:$0x9];
	[sflag:s26] =	ssyncadd.s32 $0xFFFFE600  }
0x40: {  	[spmem:s7] =	stream.linear.scatter [tilespmem:s25], [sflag:$0xA], $0x1A00, $0x38;
	[tilespmem:$0x1ED40] =	vst v63  }
0x41: {  	_ =	swait.ge [sflag:s26], $0x1A00  }
0x42: {  	[sflag:s26] =	ssyncset.done $0x0  }
0x43: {  	[sflag:s26] =	ssyncadd.s32 $0xFFFFE600  }
0x44: {  	[spmem:s14] =	stream.linear.scatter [tilespmem:s25], [sflag:$0xA], $0x1A00, $0x38;
	[tilespmem:$0x1ED40] =	vst v63  }
0x45: {  	_ =	swait.ge [sflag:s26], $0x1A00  }
0x46: {  	[sflag:s26] =	ssyncset.done $0x0  }
0x47: {  	s21 =	rddreg [dreg:$0xa];
	[sflag:s26] =	ssyncadd.s32 $0xFFFFE600  }
0x48: {  	[spmem:s21] =	stream.linear.scatter [tilespmem:s25], [sflag:$0xA], $0x1A00, $0x38;
	[tilespmem:$0x1ED40] =	vst v63  }
0x49: {  	_ =	swait.ge [sflag:s26], $0x1A00  }
0x4a: {  	[sflag:s26] =	ssyncset.done $0x0  }
0x4b: {  	s20 =	simm.s32 @!p0 $0x11D00;
	s7 =	rddreg [dreg:$0x7];
	[sflag:s26] =	ssyncadd.s32 $0xFFFFE600  }
0x4c: {  	[spmem:s7] =	stream.linear.scatter @!p0 [tilespmem:s20], [sflag:$0xA], $0x400, $0x38;
	[tilespmem:$0x1ED40] =	vst v63  }
0x4d: {  	s20 =	simm.s32 @!p0 $0xA  }
0x4e: {  	_ =	swait.ge @!p0 [sflag:s20], $0x400  }
0x4f: {  	[sflag:s20] =	ssyncset.done @!p0 $0x0  }
0x50: {  	[sflag:s20] =	ssyncadd.s32 @!p0 $0xFFFFFC00  }
0x51: {  	_ =	swait.ge [sflag:s28], $0x5000  }
0x52: {  	[sflag:s28] =	ssyncset.done $0x0  }
0x53: {  	[sflag:s28] =	ssyncadd.s32 $0xFFFFB000  }
0x54: {  	_ =	swait.ge [sflag:s29], $0x5000  }
0x55: {  	[sflag:s29] =	ssyncset.done $0x0  }
0x56: {  	[sflag:s29] =	ssyncadd.s32 $0xFFFFB000  }
0x57: {  	s22 =	simm.s32 $0x0;
	[bflag:$0x0] =	sbarrier.arrive $0xFFFF  }
0x58: {  	[tilespmem:s31], [sflag:$0x1] =	stream.indirect.gather [hbm4b:s1+s30], $0x40, s22, s30, $0xb8;
	[tilespmem:$0x1ED40] =	vst v63  }
0x59: {  	_ = 	snop  }
0x5a: {  	[tilespmem:s0], [sflag:$0x2] =	stream.indirect.gather [hbm4b:s1+s30], $0x40, s2, s30, $0xb8;
	[tilespmem:$0x1ED40] =	vst v63  }
0x5b: {  	s23 =	simm.s32 $0x100  }
0x5c: {  	[tilespmem:s24], [sflag:$0x3] =	stream.indirect.gather [hbm4b:s1+s30], $0x40, s23, s30, $0xb8;
	[tilespmem:$0x1ED40] =	vst v63  }
0x5d: {  	s20 =	simm.s32 $0x180  }
0x5e: {  	[tilespmem:s4], [sflag:$0x4] =	stream.indirect.gather [hbm4b:s1+s30], $0x40, s20, s30, $0xb8;
	[tilespmem:$0x1ED40] =	vst v63  }
0x5f: {  	_ =	swait.ge [sflag:s28], $0x1F40  }
0x60: {  	[sflag:s28] =	ssyncset.done $0x0  }
0x61: {  	s21 =	simm.s32 $0x5000;
	[sflag:s28] =	ssyncadd.s32 $0xFFFFE0C0  }
0x62: {  	[spmem:s3] =	stream.indirect.scatter.add.f32 [tilespmem:s31], [sflag:$0x5], $0x40, s21, s30, $0xb8;
	[tilespmem:$0x1ED40] =	vst v63  }
0x63: {  	_ =	swait.ge [sflag:s29], $0x1F40  }
0x64: {  	[sflag:s29] =	ssyncset.done $0x0  }
0x65: {  	s22 =	simm.s32 $0x5080;
	[sflag:s29] =	ssyncadd.s32 $0xFFFFE0C0  }
0x66: {  	[spmem:s3] =	stream.indirect.scatter.add.f32 [tilespmem:s0], [sflag:$0x6], $0x40, s22, s30, $0xb8;
	[tilespmem:$0x1ED40] =	vst v63  }
0x67: {  	_ =	swait.ge [sflag:s5], $0x1F40  }
0x68: {  	[sflag:s5] =	ssyncset.done $0x0  }
0x69: {  	s23 =	simm.s32 $0x5100;
	[sflag:s5] =	ssyncadd.s32 $0xFFFFE0C0  }
0x6a: {  	[spmem:s3] =	stream.indirect.scatter.add.f32 [tilespmem:s24], [sflag:$0x7], $0x40, s23, s30, $0xb8;
	[tilespmem:$0x1ED40] =	vst v63  }
0x6b: {  	_ =	swait.ge [sflag:s6], $0x1F40  }
0x6c: {  	[sflag:s6] =	ssyncset.done $0x0  }
0x6d: {  	s7 =	simm.s32 $0x5180;
	[sflag:s6] =	ssyncadd.s32 $0xFFFFE0C0  }
0x6e: {  	[spmem:s3] =	stream.indirect.scatter.add.f32 [tilespmem:s4], [sflag:$0x8], $0x40, s7, s30, $0xb8;
	[tilespmem:$0x1ED40] =	vst v63  }
0x6f: {  	_ =	swait.ge [sflag:s8], $0x1F40  }
0x70: {  	[sflag:s8] =	ssyncset.done $0x0  }
0x71: {  	s21 =	simm.s32 $0x200;
	[sflag:s8] =	ssyncadd.s32 $0xFFFFE0C0  }
0x72: {  	[tilespmem:s31], [sflag:$0x1] =	stream.indirect.gather [hbm4b:s1+s30], $0x40, s21, s30, $0xb8;
	[tilespmem:$0x1ED40] =	vst v63  }
0x73: {  	_ =	swait.ge [sflag:s9], $0x1F40  }
0x74: {  	[sflag:s9] =	ssyncset.done $0x0  }
0x75: {  	s22 =	simm.s32 $0x280;
	[sflag:s9] =	ssyncadd.s32 $0xFFFFE0C0  }
0x76: {  	[tilespmem:s0], [sflag:$0x2] =	stream.indirect.gather [hbm4b:s1+s30], $0x40, s22, s30, $0xb8;
	[tilespmem:$0x1ED40] =	vst v63  }
0x77: {  	_ =	swait.ge [sflag:s13], $0x1F40  }
0x78: {  	[sflag:s13] =	ssyncset.done $0x0  }
0x79: {  	s23 =	simm.s32 $0x300;
	[sflag:s13] =	ssyncadd.s32 $0xFFFFE0C0  }
0x7a: {  	[tilespmem:s24], [sflag:$0x3] =	stream.indirect.gather [hbm4b:s1+s30], $0x40, s23, s30, $0xb8;
	[tilespmem:$0x1ED40] =	vst v63  }
0x7b: {  	_ =	swait.ge [sflag:s15], $0x1F40  }
0x7c: {  	[sflag:s15] =	ssyncset.done $0x0  }
0x7d: {  	s20 =	simm.s32 $0x800;
	s21 =	simm.s32 $0x380;
	[sflag:s15] =	ssyncadd.s32 $0xFFFFE0C0  }
.LBB2_4:
0x7e: {  	[tilespmem:s4], [sflag:$0x4] =	stream.indirect.gather [hbm4b:s1+s30], $0x40, s21, s30, $0xb8;
	[tilespmem:$0x1ED40] =	vst v63  }
0x7f: {  	s21 =	smov.u32 s20  }
0x80: {  	p1 =	sne.s32 s20, $0x13000;
	s20 =	sadd.s32 $0x800, s20;
	_ =	swait.ge [sflag:s28], $0x1F40  }
0x81: {  	s21 =	sshra.s32 s21, $0x2;
	[sflag:s28] =	ssyncset.done $0x0  }
0x82: {  	s22 =	sadd.s32 $0x5000, s21;
	[sflag:s28] =	ssyncadd.s32 $0xFFFFE0C0  }
0x83: {  	[spmem:s3] =	stream.indirect.scatter.add.f32 [tilespmem:s31], [sflag:$0x5], $0x40, s22, s30, $0xb8;
	[tilespmem:$0x1ED40] =	vst v63  }
0x84: {  	_ =	swait.ge [sflag:s29], $0x1F40  }
0x85: {  	[sflag:s29] =	ssyncset.done $0x0  }
0x86: {  	s22 =	sadd.s32 $0x5080, s21;
	[sflag:s29] =	ssyncadd.s32 $0xFFFFE0C0  }
0x87: {  	[spmem:s3] =	stream.indirect.scatter.add.f32 [tilespmem:s0], [sflag:$0x6], $0x40, s22, s30, $0xb8;
	[tilespmem:$0x1ED40] =	vst v63  }
0x88: {  	_ =	swait.ge [sflag:s5], $0x1F40  }
0x89: {  	[sflag:s5] =	ssyncset.done $0x0  }
0x8a: {  	s22 =	sadd.s32 $0x5100, s21;
	[sflag:s5] =	ssyncadd.s32 $0xFFFFE0C0  }
0x8b: {  	[spmem:s3] =	stream.indirect.scatter.add.f32 [tilespmem:s24], [sflag:$0x7], $0x40, s22, s30, $0xb8;
	[tilespmem:$0x1ED40] =	vst v63  }
0x8c: {  	_ =	swait.ge [sflag:s6], $0x1F40  }
0x8d: {  	[sflag:s6] =	ssyncset.done $0x0  }
0x8e: {  	s22 =	sadd.s32 $0x5180, s21;
	[sflag:s6] =	ssyncadd.s32 $0xFFFFE0C0  }
0x8f: {  	[spmem:s3] =	stream.indirect.scatter.add.f32 [tilespmem:s4], [sflag:$0x8], $0x40, s22, s30, $0xb8;
	[tilespmem:$0x1ED40] =	vst v63  }
0x90: {  	_ =	swait.ge [sflag:s8], $0x1F40  }
0x91: {  	[sflag:s8] =	ssyncset.done $0x0  }
0x92: {  	s22 =	sadd.s32 $0x200, s21;
	[sflag:s8] =	ssyncadd.s32 $0xFFFFE0C0  }
0x93: {  	[tilespmem:s31], [sflag:$0x1] =	stream.indirect.gather [hbm4b:s1+s30], $0x40, s22, s30, $0xb8;
	[tilespmem:$0x1ED40] =	vst v63  }
0x94: {  	_ =	swait.ge [sflag:s9], $0x1F40  }
0x95: {  	[sflag:s9] =	ssyncset.done $0x0  }
0x96: {  	s22 =	sadd.s32 $0x280, s21;
	[sflag:s9] =	ssyncadd.s32 $0xFFFFE0C0  }
0x97: {  	[tilespmem:s0], [sflag:$0x2] =	stream.indirect.gather [hbm4b:s1+s30], $0x40, s22, s30, $0xb8;
	[tilespmem:$0x1ED40] =	vst v63  }
0x98: {  	_ =	swait.ge [sflag:s13], $0x1F40  }
0x99: {  	[sflag:s13] =	ssyncset.done $0x0  }
.Ltmp1:
0x9a: {  	s22 =	sadd.s32 $0x300, s21;
	[sflag:s13] =	ssyncadd.s32 $0xFFFFE0C0;
	(pc) =	sbr.rel @p1 .LBB2_4-.Ltmp1, $4  }
0x9b: {  	[tilespmem:s24], [sflag:$0x3] =	stream.indirect.gather [hbm4b:s1+s30], $0x40, s22, s30, $0xb8;
	[tilespmem:$0x1ED40] =	vst v63  }
0x9c: {  	_ =	swait.ge [sflag:s15], $0x1F40  }
0x9d: {  	[sflag:s15] =	ssyncset.done $0x0  }
0x9e: {  	s21 =	sadd.s32 $0x380, s21;
	[sflag:s15] =	ssyncadd.s32 $0xFFFFE0C0  }
0x9f: {  	[tilespmem:s4], [sflag:$0x4] =	stream.indirect.gather [hbm4b:s1+s30], $0x40, s21, s30, $0xb8;
	[tilespmem:$0x1ED40] =	vst v63  }
0xa0: {  	_ =	swait.ge [sflag:s28], $0x1F40  }
0xa1: {  	[sflag:s28] =	ssyncset.done $0x0  }
0xa2: {  	s7 =	simm.s32 $0x9E00;
	[sflag:s28] =	ssyncadd.s32 $0xFFFFE0C0  }
0xa3: {  	[spmem:s3] =	stream.indirect.scatter.add.f32 [tilespmem:s31], [sflag:$0x5], $0x40, s7, s30, $0xb8;
	[tilespmem:$0x1ED40] =	vst v63  }
0xa4: {  	_ =	swait.ge [sflag:s29], $0x1F40  }
0xa5: {  	[sflag:s29] =	ssyncset.done $0x0  }
0xa6: {  	s20 =	simm.s32 $0x9E80;
	[sflag:s29] =	ssyncadd.s32 $0xFFFFE0C0  }
0xa7: {  	[spmem:s3] =	stream.indirect.scatter.add.f32 [tilespmem:s0], [sflag:$0x6], $0x40, s20, s30, $0xb8;
	[tilespmem:$0x1ED40] =	vst v63  }
0xa8: {  	_ =	swait.ge [sflag:s5], $0x1F40  }
0xa9: {  	[sflag:s5] =	ssyncset.done $0x0  }
0xaa: {  	s21 =	simm.s32 $0x9F00;
	[sflag:s5] =	ssyncadd.s32 $0xFFFFE0C0  }
0xab: {  	[spmem:s3] =	stream.indirect.scatter.add.f32 [tilespmem:s24], [sflag:$0x7], $0x40, s21, s30, $0xb8;
	[tilespmem:$0x1ED40] =	vst v63  }
0xac: {  	_ =	swait.ge [sflag:s6], $0x1F40  }
0xad: {  	[sflag:s6] =	ssyncset.done $0x0  }
0xae: {  	s22 =	simm.s32 $0x9F80;
	[sflag:s6] =	ssyncadd.s32 $0xFFFFE0C0  }
0xaf: {  	[spmem:s3] =	stream.indirect.scatter.add.f32 [tilespmem:s4], [sflag:$0x8], $0x40, s22, s30, $0xb8;
	[tilespmem:$0x1ED40] =	vst v63  }
0xb0: {  	_ =	swait.ge [sflag:s8], $0x1F40  }
0xb1: {  	[sflag:s8] =	ssyncset.done $0x0  }
0xb2: {  	[sflag:s8] =	ssyncadd.s32 $0xFFFFE0C0  }
0xb3: {  	_ =	swait.ge [sflag:s9], $0x1F40  }
0xb4: {  	[sflag:s9] =	ssyncset.done $0x0  }
0xb5: {  	[sflag:s9] =	ssyncadd.s32 $0xFFFFE0C0  }
0xb6: {  	_ =	swait.ge [sflag:s13], $0x1F40  }
0xb7: {  	[sflag:s13] =	ssyncset.done $0x0  }
0xb8: {  	[sflag:s13] =	ssyncadd.s32 $0xFFFFE0C0  }
0xb9: {  	_ =	swait.ge [sflag:s15], $0x1F40  }
0xba: {  	[sflag:s15] =	ssyncset.done $0x0  }
0xbb: {  	[sflag:s15] =	ssyncadd.s32 $0xFFFFE0C0  }
0xbc: {  	[bflag:$0x0] =	sbarrier.arrive $0xFFFF  }
0xbd: {  	[tilespmem:s25], [sflag:$0xA] =	stream.linear.gather [spmem:s10], $0x1A00, $0x38;
	[tilespmem:$0x1ED40] =	vst v63  }
0xbe: {  	_ =	swait.ge [sflag:s26], $0x1A00  }
0xbf: {  	[sflag:s26] =	ssyncset.done $0x0  }
0xc0: {  	s23 =	rddreg [dreg:$0xb];
	[sflag:s26] =	ssyncadd.s32 $0xFFFFE600  }
0xc1: {  	[hbm4b:s23+s16] =	stream.strided.scatter [tilespmem:s25], [sflag:$0x9], $0x1A00, s2, s16, $0x38;
	[tilespmem:$0x1ED40] =	vst v63  }
0xc2: {  	_ = 	snop  }
0xc3: {  	[tilespmem:s17], [sflag:$0xA] =	stream.linear.gather [spmem:s11], $0x1A00, $0x38;
	[tilespmem:$0x1ED40] =	vst v63  }
0xc4: {  	_ =	swait.ge [sflag:s26], $0x1A00  }
0xc5: {  	[sflag:s26] =	ssyncset.done $0x0  }
0xc6: {  	s20 =	rddreg [dreg:$0xc];
	[sflag:s26] =	ssyncadd.s32 $0xFFFFE600  }
0xc7: {  	[hbm4b:s20+s16] =	stream.strided.scatter [tilespmem:s17], [sflag:$0x9], $0x1A00, s2, s16, $0x38;
	[tilespmem:$0x1ED40] =	vst v63  }
0xc8: {  	_ =	swait.ge [sflag:s18], $0x1A00  }
0xc9: {  	[sflag:s18] =	ssyncset.done $0x0  }
0xca: {  	[sflag:s18] =	ssyncadd.s32 $0xFFFFE600  }
0xcb: {  	_ =	swait.ge [sflag:s18], $0x1A00  }
0xcc: {  	[sflag:s18] =	ssyncset.done $0x0  }
0xcd: {  	[sflag:s18] =	ssyncadd.s32 $0xFFFFE600  }
0xce: {  	[tilespmem:s25], [sflag:$0xA] =	stream.linear.gather [spmem:s12], $0x1A00, $0x38;
	[tilespmem:$0x1ED40] =	vst v63  }
0xcf: {  	_ =	swait.ge [sflag:s26], $0x1A00  }
0xd0: {  	[sflag:s26] =	ssyncset.done $0x0  }
0xd1: {  	s21 =	rddreg [dreg:$0xd];
	[sflag:s26] =	ssyncadd.s32 $0xFFFFE600  }
0xd2: {  	[hbm4b:s21+s16] =	stream.strided.scatter [tilespmem:s25], [sflag:$0x9], $0x1A00, s2, s16, $0x38;
	[tilespmem:$0x1ED40] =	vst v63  }
0xd3: {  	s22 =	rddreg [dreg:$0xe]  }
0xd4: {  	[tilespmem:s17], [sflag:$0xA] =	stream.linear.gather [spmem:s22], $0x1A00, $0x38;
	[tilespmem:$0x1ED40] =	vst v63  }
0xd5: {  	_ =	swait.ge [sflag:s26], $0x1A00  }
0xd6: {  	[sflag:s26] =	ssyncset.done $0x0  }
0xd7: {  	s23 =	rddreg [dreg:$0xf];
	[sflag:s26] =	ssyncadd.s32 $0xFFFFE600  }
0xd8: {  	[hbm4b:s23+s16] =	stream.strided.scatter [tilespmem:s17], [sflag:$0x9], $0x1A00, s2, s16, $0x38;
	[tilespmem:$0x1ED40] =	vst v63  }
0xd9: {  	_ =	swait.ge [sflag:s18], $0x1A00  }
0xda: {  	[sflag:s18] =	ssyncset.done $0x0  }
0xdb: {  	[sflag:s18] =	ssyncadd.s32 $0xFFFFE600  }
0xdc: {  	_ =	swait.ge [sflag:s18], $0x1A00  }
0xdd: {  	[sflag:s18] =	ssyncset.done $0x0  }
0xde: {  	[sflag:s18] =	ssyncadd.s32 $0xFFFFE600  }
0xdf: {  	[tilespmem:s25], [sflag:$0xA] =	stream.linear.gather [spmem:s14], $0x1A00, $0x38;
	[tilespmem:$0x1ED40] =	vst v63  }
0xe0: {  	_ =	swait.ge [sflag:s26], $0x1A00  }
0xe1: {  	[sflag:s26] =	ssyncset.done $0x0  }
0xe2: {  	s20 =	rddreg [dreg:$0x10];
	[sflag:s26] =	ssyncadd.s32 $0xFFFFE600  }
0xe3: {  	[hbm4b:s20+s16] =	stream.strided.scatter [tilespmem:s25], [sflag:$0x9], $0x1A00, s2, s16, $0x38;
	[tilespmem:$0x1ED40] =	vst v63  }
0xe4: {  	s21 =	rddreg [dreg:$0x11]  }
0xe5: {  	[tilespmem:s17], [sflag:$0xA] =	stream.linear.gather [spmem:s21], $0x1A00, $0x38;
	[tilespmem:$0x1ED40] =	vst v63  }
0xe6: {  	_ =	swait.ge [sflag:s26], $0x1A00  }
0xe7: {  	[sflag:s26] =	ssyncset.done $0x0  }
0xe8: {  	s22 =	rddreg [dreg:$0x12];
	[sflag:s26] =	ssyncadd.s32 $0xFFFFE600  }
0xe9: {  	[hbm4b:s22+s16] =	stream.strided.scatter [tilespmem:s17], [sflag:$0x9], $0x1A00, s2, s16, $0x38;
	[tilespmem:$0x1ED40] =	vst v63  }
0xea: {  	_ =	swait.ge [sflag:s18], $0x1A00  }
0xeb: {  	[sflag:s18] =	ssyncset.done $0x0  }
0xec: {  	[sflag:s18] =	ssyncadd.s32 $0xFFFFE600  }
0xed: {  	_ =	swait.ge [sflag:s18], $0x1A00  }
0xee: {  	s20 =	simm.s32 @!p0 $0x11D00;
	[sflag:s18] =	ssyncset.done $0x0  }
0xef: {  	s21 =	simm.s32 @!p0 $0xA;
	s7 =	rddreg [dreg:$0x7];
	[sflag:s18] =	ssyncadd.s32 $0xFFFFE600  }
0xf0: {  	[tilespmem:s20], [sflag:$0xA] =	stream.linear.gather @!p0 [spmem:s7], $0x400, $0x38;
	[tilespmem:$0x1ED40] =	vst v63  }
0xf1: {  	_ =	swait.ge @!p0 [sflag:s21], $0x400  }
0xf2: {  	s23 =	simm.s32 @!p0 $0x80;
	[sflag:s21] =	ssyncset.done @!p0 $0x0  }
0xf3: {  	s22 =	simm.s32 @!p0 $0x40;
	s7 =	rddreg [dreg:$0x6];
	[sflag:s21] =	ssyncadd.s32 @!p0 $0xFFFFFC00  }
0xf4: {  	[hbm4b:s7+s22] =	stream.strided.scatter @!p0 [tilespmem:s20], [sflag:$0xA], $0x400, s23, s22, $0x38;
	[tilespmem:$0x1ED40] =	vst v63  }
0xf5: {  	_ =	swait.ge @!p0 [sflag:s21], $0x400  }
0xf6: {  	s19 =	sadd.s32 $0x1, s19;
	s23 =	rddreg [dreg:$0x8]  }
0xf7: {  	p1 =	sne.s32 s19, s23  }
.Ltmp2:
0xf8: {  	_ = 	snop;
	(pc) =	sbr.rel @p1 .LBB2_1-.Ltmp2, $3  }
0xf9: {  	_ =	sdelay $0x1  }
0xfa: {  	[sflag:s21] =	ssyncset.done @!p0 $0x0  }
0xfb: {  	[sflag:s21] =	ssyncadd.s32 @!p0 $0xFFFFFC00  }
0xfc: {  	_ =	sfence.sel $0x180000  }
0xfd: {  	[bflag:$0x0] =	sbarrier.arrive $0xFFFF  }
0xfe: {  	_ =	strace $0x9000004A  }
0xff: {  	s0 =	stileid.u32;
	[bflag:$0x2] =	sbarrier.arrive $0xFFFF  }
0x100: {  	p0 =	sne.s32 s0, $0x0;
	s0 =	rddreg [dreg:$0x3]  }
0x101: {  	s0 =	sadd.s32 @!p0 $0x100000, s0  }
0x102: {  	[sflag:s0] =	ssyncadd.tile.s32 @!p0 $0x1;
	_ =	shalt  }
.Lfunc_end2:
_tile_overlayer_lowered:
.L_overlay_start_2:
0x103: {  	(tag) =	ssettag $0x2  }
0x104: {  	s0 =	rddreg [dreg:$0x0];
	s2 =	stileid.u32  }
0x105: {  	s1 =	rddreg [dreg:$0x1];
	p0 =	sne.s32 s2, $0x0  }
0x106: {  	s3 =	rddreg [dreg:$0x2];
	[bflag:$0x3] =	sbarrier.arrive $0xFFFF;
	s2 =	simm.s32 @!p0 $0x1C0A  }
0x107: {  	[timem:s3], [sflag:s2] =	dma.local @!p0 [hbm:s0], s1  }
0x108: {  	s0 =	simm.s32 @!p0 $0xA  }
0x109: {  	_ =	swait.ge @!p0 [sflag:s0], s1  }
0x10a: {  	s1 =	ssub.s32 @!p0 $0x0, s1;
	[sflag:s0] =	ssyncset.done @!p0 $0x0  }
0x10b: {  	[sflag:s0] =	ssyncadd.s32 @!p0 s1  }
0x10c: {  	[bflag:$0x3] =	sbarrier.arrive $0xFFFF  }
0x10d: {  	_ =	shalt  }

// kernel: kernel.14.cloned.1.call-start
scs
__scs_entry_jumppad:
0x0: {  	(pc) =	sbr.rel $0x88, $3  }
0x1: {  	(tag) =	ssettag $0x0;
	lr =	simm.s32 $0x1  }
0x2: {  	[smem:$0x3F9B] =	sst lr;
	_ =	strace $0xD0000000  }
0x3: {  	_ = 	snop  }
0x4: {  	_ = 	snop  }
0x5: {  	_ = 	snop  }
0x6: {  	_ = 	snop  }
0x7: {  	_ = 	snop  }
__scs_overlays_trampoline_lowered:
0x8: {  	[smem:$0x3FAA] =	sst s0  }
0x9: {  	[smem:$0x3FAB] =	sst s1  }
0xa: {  	[smem:$0x3FAC] =	sst s2  }
0xb: {  	[smem:$0x3FAD] =	sst s3  }
0xc: {  	[smem:$0x3FAE] =	sst s4  }
0xd: {  	[smem:$0x3FAF] =	sst s5  }
0xe: {  	[smem:$0x3FB0] =	sst s6  }
0xf: {  	[smem:$0x3FB1] =	sst s7  }
0x10: {  	[smem:$0x3FB2] =	sst s8  }
0x11: {  	[smem:$0x3FB3] =	sst s9;
	s0 =	simm.s32 @!p0 $0x0  }
0x12: {  	s1 =	sld [smem:$0x3F99];
	s0 =	simm.s32 @p0 $0x1  }
0x13: {  	[smem:$0x3FB4] =	sst s0;
	s0 =	simm.s32 @!p1 $0x0  }
0x14: {  	s2 =	sld [smem:$0x3F98];
	s0 =	simm.s32 @p1 $0x1  }
0x15: {  	[smem:$0x3FB5] =	sst s0;
	s0 =	simm.s32 @!p2 $0x0  }
0x16: {  	s3 =	sld [smem:$0x3FDB];
	s0 =	simm.s32 @p2 $0x1  }
0x17: {  	s4 =	simm.s32 $0x1BF5;
	[smem:$0x3FB7] =	sst s0  }
0x18: {  	s0 =	sld [smem:$0x3F9A];
	_ =	swait.ge [sflag:s4], $0x0  }
0x19: {  	s7 =	sld [smem:$0x3F9B]  }
0x1a: {  	s8 =	sadd.s32 $0xFFFFE003, lr  }
0x1b: {  	s9 =	sadd.s32 $0xFFFFFEF7, lr;
	s5 =	simm.s32 $0xFFFFFFFF;
	p2 =	slt.u32 s8, $0xFFFFF086  }
0x1c: {  	p1 =	slt.u32 s9, $0xF7A;
	s5 =	simm.s32 @!p2 $0x0  }
0x1d: {  	s5 =	simm.s32 @p1 $0x1;
	p0 =	seq.s32 s7, s2  }
0x1e: {  	s7 =	smul.u32 @!p0 $0xF7A, s2;
	p2 =	seq.s32 @!p0 s5, $0x0  }
0x1f: {  	s9 =	smul.u32 $0xF7A, s1;
	s8 =	simm.s32 @!p0 $0x1BF5;
	p2 =	por !p2, p0  }
0x20: {  	[sflag:s8] =	ssyncset.s32 @!p0 $0xFFFFF086;
	s6 =	sadd.s32 @!p0 s3, s7;
	s7 =	simm.s32 @!p0 $0x108  }
0x21: {  	s3 =	sadd.s32 s3, s9;
	s6 =	sadd.s32 @!p0 $0x88, s6;
	s7 =	simm.s32 @p2 $0x1082  }
0x22: {  	[simem:s7], [sflag:s8] =	dma.local @!p0 [hbm:s6], $0xF7A  }
0x23: {  	s9 =	sor.u32 $0xD0000000, s2;
	s6 =	simm.s32 $0x108;
	_ =	swait.ge @!p0 [sflag:s8], $0x0  }
0x24: {  	s3 =	sadd.s32 $0x88, s3;
	s6 =	simm.s32 @!p1 $0x1082;
	[sflag:s4] =	ssyncset.s32 $0xFFFFF086  }
0x25: {  	[simem:s6], [sflag:s4] =	dma.local [hbm:s3], $0xF7A  }
0x26: {  	[smem:$0x3F9B] =	sst s1;
	(tag) =	ssettag s2;
	_ =	strace s9  }
0x27: {  	s1 =	sld [smem:$0x3FAB]  }
0x28: {  	s2 =	sld [smem:$0x3FAC]  }
0x29: {  	s4 =	sld [smem:$0x3FAE]  }
0x2a: {  	p0 =	seq.s32 s5, $0x0;
	s5 =	sld [smem:$0x3FAF]  }
0x2b: {  	s6 =	sld [smem:$0x3FB0]  }
0x2c: {  	s7 =	sld [smem:$0x3FB1]  }
0x2d: {  	s3 =	simm.s32 $0x108;
	s8 =	sld [smem:$0x3FB2]  }
0x2e: {  	s3 =	simm.s32 @!p0 $0x1082;
	s9 =	sld [smem:$0x3FB3]  }
0x2f: {  	lr =	sadd.s32 s0, s3;
	s0 =	sld [smem:$0x3FAA]  }
0x30: {  	s3 =	sld [smem:$0x3FAD]  }
0x31: {  	[smem:$0x3FB6] =	sst s10  }
0x32: {  	s10 =	sld [smem:$0x3FB4];
	_ =	sdelay $0x3  }
0x33: {  	p0 =	seq.s32 s10, $0x1;
	s10 =	sld [smem:$0x3FB6];
	_ =	sdelay $0x3  }
0x34: {  	[smem:$0x3FB6] =	sst s10  }
0x35: {  	s10 =	sld [smem:$0x3FB5];
	_ =	sdelay $0x3  }
0x36: {  	p1 =	seq.s32 s10, $0x1;
	s10 =	sld [smem:$0x3FB6];
	_ =	sdelay $0x3  }
0x37: {  	[smem:$0x3FB6] =	sst s10  }
0x38: {  	s10 =	sld [smem:$0x3FB7]  }
0x39: {  	_ = 	snop;
	(pc) =	sbr.ind lr, $3  }
0x3a: {  	_ = 	snop  }
0x3b: {  	_ = 	snop  }
0x3c: {  	p2 =	seq.s32 s10, $0x1;
	s10 =	sld [smem:$0x3FB6]  }
0x3d: {  	_ =	shalt  }
0x3e: {  	_ =	shalt  }
0x3f: {  	_ =	shalt  }
0x40: {  	_ =	shalt  }
0x41: {  	_ =	shalt  }
0x42: {  	_ =	shalt  }
0x43: {  	_ =	shalt  }
0x44: {  	_ =	shalt  }
0x45: {  	_ =	shalt  }
0x46: {  	_ =	shalt  }
0x47: {  	_ =	shalt  }
0x48: {  	_ =	shalt  }
0x49: {  	_ =	shalt  }
0x4a: {  	_ =	shalt  }
0x4b: {  	_ =	shalt  }
0x4c: {  	_ =	shalt  }
0x4d: {  	_ =	shalt  }
0x4e: {  	_ =	shalt  }
0x4f: {  	_ =	shalt  }
0x50: {  	_ =	shalt  }
0x51: {  	_ =	shalt  }
0x52: {  	_ =	shalt  }
0x53: {  	_ =	shalt  }
0x54: {  	_ =	shalt  }
0x55: {  	_ =	shalt  }
0x56: {  	_ =	shalt  }
0x57: {  	_ =	shalt  }
0x58: {  	_ =	shalt  }
0x59: {  	_ =	shalt  }
0x5a: {  	_ =	shalt  }
0x5b: {  	_ =	shalt  }
0x5c: {  	_ =	shalt  }
0x5d: {  	_ =	shalt  }
0x5e: {  	_ =	shalt  }
0x5f: {  	_ =	shalt  }
0x60: {  	_ =	shalt  }
0x61: {  	_ =	shalt  }
0x62: {  	_ =	shalt  }
0x63: {  	_ =	shalt  }
0x64: {  	_ =	shalt  }
0x65: {  	_ =	shalt  }
0x66: {  	_ =	shalt  }
0x67: {  	_ =	shalt  }
0x68: {  	_ =	shalt  }
0x69: {  	_ =	shalt  }
0x6a: {  	_ =	shalt  }
0x6b: {  	_ =	shalt  }
0x6c: {  	_ =	shalt  }
0x6d: {  	_ =	shalt  }
0x6e: {  	_ =	shalt  }
0x6f: {  	_ =	shalt  }
0x70: {  	_ =	shalt  }
0x71: {  	_ =	shalt  }
0x72: {  	_ =	shalt  }
0x73: {  	_ =	shalt  }
0x74: {  	_ =	shalt  }
0x75: {  	_ =	shalt  }
0x76: {  	_ =	shalt  }
0x77: {  	_ =	shalt  }
0x78: {  	_ =	shalt  }
0x79: {  	_ =	shalt  }
0x7a: {  	_ =	shalt  }
0x7b: {  	_ =	shalt  }
0x7c: {  	_ =	shalt  }
0x7d: {  	_ =	shalt  }
0x7e: {  	_ =	shalt  }
0x7f: {  	_ =	shalt  }
0x80: {  	_ =	shalt  }
0x81: {  	_ =	shalt  }
0x82: {  	_ =	shalt  }
0x83: {  	_ =	shalt  }
0x84: {  	_ =	shalt  }
0x85: {  	_ =	shalt  }
0x86: {  	_ =	shalt  }
0x87: {  	_ =	shalt  }
.Lfunc_end0:
.L_simem_size_0:
called_computation.2_lowered:
.L_overlay_start_0:
0x88: {  	s2 =	sld [smem:$0x3FD9]  }
0x89: {  	s3 =	sld [smem:$0x3FFE];
	_ =	sdelay $0x1  }
0x8a: {  	s1 =	srdreg.scid  }
0x8b: {  	s0 =	sand.u32 $0x1, s1  }
0x8c: {  	s17 =	sshll.u32 s0, $0xA;
	s2 =	sadd.s32 s3, s2  }
0x8d: {  	s2 =	sadd.s32 s2, s17  }
0x8e: {  	[smem:$0x3FC2] =	sst s2  }
0x8f: {  	_ = 	snop  }
0x90: {  	s2 =	sld [smem:$0x3FD0];
	(tm) =	ssettm $0x1  }
0x91: {  	s18 =	sld [smem:$0x3FFB];
	_ =	sdelay $0x3  }
0x92: {  	_ =	strace s18  }
0x93: {  	s3 =	sld [smem:$0x3FFC];
	_ =	sdelay $0x3  }
0x94: {  	_ =	strace s3  }
0x95: {  	s3 =	sld [smem:$0x3FFD];
	_ =	sdelay $0x3  }
0x96: {  	_ =	strace s3  }
0x97: {  	_ =	strace $0x8FFFFFFF  }
0x98: {  	s19 =	sld [smem:$0x3FDB];
	_ =	sdelay $0x1  }
0x99: {  	s4 =	simm.s32 $_scs_section_size  }
0x9a: {  	s5 =	simm.s32 $_size__tile_overlayer_lowered;
	s6 =	simm.s32 $_tile_overlayer_lowered  }
0x9b: {  	s22 =	simm.s32 $0x1BFF;
	s21 =	sshll.u32 s6, $0x1;
	s3 =	sadd.s32 s4, s19  }
0x9c: {  	s7 =	simm.s32 $0x0;
	s20 =	sshll.u32 s5, $0x1;
	s5 =	sadd.s32 s21, s3  }
0x9d: {  	[timem:s7], [sflag:s22] =	dma.local [hbm:s5], s20  }
0x9e: {  	_ =	swait.ge [sflag:s22], s20  }
0x9f: {  	s4 =	ssub.s32 $0x0, s20;
	[sflag:s22] =	ssyncset.done $0x0  }
0xa0: {  	[sflag:s22] =	ssyncadd.s32 s4;
	_ =	sdelay $0x1  }
0xa1: {  	s23 =	simm.s32 $0x1B8B  }
0xa2: {  	_ =	swait.ge [sflag:s23], $0x1  }
0xa3: {  	[sflag:s23] =	ssyncset.done $0x0  }
0xa4: {  	s25 =	simm.s32 $0x1B8E;
	s24 =	sld [smem:$0x3FFE];
	[sflag:s23] =	ssyncadd.s32 $0xFFFFFFFF  }
0xa5: {  	s26 =	simm.s32 $execute0_lowered;
	[smem:$0x3FD2] =	sst s25  }
0xa6: {  	s5 =	sshll.u32 s26, $0x1;
	_ =	strace $0x8000004C;
	[dreg:$0x1] =	wrdreg $0xFFFFFFFF  }
0xa7: {  	s28 =	simm.s32 $_size_execute0_lowered;
	s3 =	sadd.s32 s3, s5;
	[dreg:$0x0] =	wrdreg $0x0  }
0xa8: {  	s5 =	sshll.u32 s28, $0x1;
	[dreg:$0x2] =	wrdreg s3  }
0xa9: {  	[dreg:$0x3] =	wrdreg s5  }
0xaa: {  	[dreg:$0x4] =	wrdreg $0xC0  }
0xab: {  	_ =	task [dreg:s7], $0x5FFFF  }
0xac: {  	[dreg:$0x1] =	wrdreg $0xFFFFFFFF  }
0xad: {  	[dreg:$0x0] =	wrdreg $0x60  }
0xae: {  	[dreg:$0x2] =	wrdreg s2  }
0xaf: {  	[dreg:$0x3] =	wrdreg s24  }
0xb0: {  	[dreg:$0x4] =	wrdreg $0x151000  }
0xb1: {  	[dreg:$0x5] =	wrdreg $0x9  }
0xb2: {  	_ =	task.clear_ibuf [dreg:s7], $0x6FFFF;
	_ =	strace $0x9000004C  }
0xb3: {  	s29 =	simm.s32 $0x9;
	_ =	strace $0x8000004E  }
0xb4: {  	_ =	swait.ge [sflag:s29], $0x1  }
0xb5: {  	[sflag:s29] =	ssyncadd.s32 $0xFFFFFFFF  }
0xb6: {  	_ =	strace $0x9000004E  }
0xb7: {  	_ =	sfence  }
0xb8: {  	s30 =	sld [smem:$0x0];
	_ =	sdelay $0x2  }
0xb9: {  	s31 =	sshll.u32 s1, $0xD;
	s1 =	sshrl.u32 s1, $0x2  }
0xba: {  	s3 =	sand.u32 $0x4000, s31;
	s1 =	sadd.s32 s1, s30  }
0xbb: {  	s0 =	sor.u32 s3, s0;
	s1 =	sshll.u32 s1, $0x11  }
0xbc: {  	s0 =	sor.u32 s1, s0  }
0xbd: {  	s0 =	sadd.s32 $0x8F2B, s0  }
0xbe: {  	[sflag:s0] =	ssyncadd.remote.s32 $0x1  }
0xbf: {  	_ =	sfence.sel $0xFFFF  }
0xc0: {  	[dreg:$0x0] =	wrdreg $0xFFFFFFFF;
	(pc) =	sbr.abs _section_cstart, $3  }
0xc1: {  	[dreg:$0x1] =	wrdreg $0xFFFFFFFF  }
0xc2: {  	_ =	task.clear_ibuf [dreg:s7], $0x2FFFF;
	_ =	strace $0x9FFFFFFF  }
0xc3: {  	(tm) =	ssettm $0x7FFFFFFF  }
tec
execute0_lowered:
.L_overlay_start_1:
0x0: {  	(tag) =	ssettag $0x1  }
0x1: {  	s1 =	rddreg [dreg:$0x0];
	s0 =	srdreg.scid  }
0x2: {  	s16 =	stileid.u32;
	s2 =	rddreg [dreg:$0x1]  }
0x3: {  	s3 =	rddreg [dreg:$0x2];
	s6 =	simm.s32 $0x0;
	s28 =	simm.s32 $0x1  }
0x4: {  	s29 =	simm.s32 $0x2;
	s30 =	simm.s32 $0x7D;
	s4 =	smul.u32 $0x5000, s16  }
0x5: {  	s31 =	simm.s32 $0xA000;
	s0 =	sand.u32 $0x1, s0;
	s8 =	smul.u32 $0x27000, s16  }
0x6: {  	[smem:$0x7FF] =	sst s6;
	s18 =	sadd.s32 $0x9C000, s3;
	s15 =	smul.u32 $0x13800, s16  }
0x7: {  	p0 =	sne.s32 s16, $0xF;
	s5 =	smul.u32 $0x50000, s0;
	_ =	strace $0x8000004D  }
0x8: {  	s17 =	ssub.s32 $0x2, s0;
	[dreg:$0x7] =	wrdreg s18;
	s19 =	sshll.u32 s0, $0x3  }
0x9: {  	s0 =	sshll.u32 s0, $0x6;
	s7 =	sshrl.u32 s17, $0x1;
	s21 =	sshrl.u32 s8, $0x2  }
0xa: {  	s8 =	sor.u32 s0, s15;
	s5 =	sadd.s32 s4, s5;
	s6 =	ssub.s32 s17, s7  }
0xb: {  	s4 =	sshrl.u32 s4, $0x3;
	s10 =	sadd.s32 s21, s3;
	s20 =	smax.u32 s6, $0x1  }
0xc: {  	s5 =	sshrl.u32 s5, $0x3;
	s26 =	sadd.s32 $0x4E00, s10;
	[dreg:$0x8] =	wrdreg s20  }
0xd: {  	s4 =	sadd.s32 s4, s2;
	s15 =	sadd.s32 $0x8200, s10;
	[dreg:$0x9] =	wrdreg s26  }
0xe: {  	s5 =	sadd.s32 s5, s2;
	s4 =	sadd.s32 $0xD200, s4;
	[dreg:$0xa] =	wrdreg s15  }
0xf: {  	s2 =	sadd.s32 $0x2B200, s2;
	[dreg:$0x5] =	wrdreg s4;
	s4 =	smul.u32 $0x270, s16  }
0x10: {  	s15 =	simm.s32 $0x8;
	s5 =	sadd.s32 $0x17200, s5;
	s16 =	simm.s32 $0x40  }
0x11: {  	[dreg:$0x4] =	wrdreg s5;
	s5 =	sadd.s32 s19, s2;
	s9 =	sadd.s32 $0x68, s4  }
0x12: {  	s5 =	sadd.s32 $0x27000, s5;
	s23 =	sadd.s32 $0xD0, s4;
	s13 =	sadd.s32 $0x1A0, s4  }
0x13: {  	s19 =	sadd.s32 $0x138, s4;
	s4 =	sadd.s32 $0x208, s4;
	[dreg:$0x6] =	wrdreg s5  }
0x14: {  	s22 =	sshll.u32 s9, $0x6;
	s24 =	sshll.u32 s23, $0x6;
	s25 =	sshll.u32 s13, $0x6  }
0x15: {  	s5 =	sshrl.u32 s8, $0x3;
	s17 =	sshll.u32 s9, $0x7;
	s6 =	sshll.u32 s23, $0x7  }
0x16: {  	s21 =	sshll.u32 s19, $0x6;
	s23 =	sshll.u32 s19, $0x7;
	s8 =	simm.s32 $0x5  }
0x17: {  	s9 =	simm.s32 $0x6;
	s19 =	simm.s32 $0x0;
	s11 =	sadd.s32 s22, s3  }
0x18: {  	s12 =	sadd.s32 s24, s3;
	s14 =	sadd.s32 s25, s3;
	s5 =	sadd.s32 s2, s5  }
0x19: {  	s18 =	sor.u32 s0, s17;
	s6 =	sor.u32 s0, s6;
	s22 =	sadd.s32 s21, s3  }
0x1a: {  	s24 =	sshll.u32 s13, $0x7;
	s25 =	sshll.u32 s4, $0x7;
	s4 =	sshll.u32 s4, $0x6  }
0x1b: {  	s13 =	simm.s32 $0x7;
	s17 =	simm.s32 $0x13700;
	[dreg:$0xb] =	wrdreg s5  }
0x1c: {  	s5 =	sshrl.u32 s18, $0x3;
	s20 =	sshrl.u32 s6, $0x3;
	[dreg:$0xe] =	wrdreg s22  }
0x1d: {  	s6 =	sor.u32 s0, s24;
	s4 =	sadd.s32 s4, s3;
	s24 =	simm.s32 $0xDE80  }
0x1e: {  	s18 =	simm.s32 $0x9;
	s5 =	sadd.s32 s2, s5;
	[dreg:$0x11] =	wrdreg s4  }
0x1f: {  	s26 =	sshrl.u32 s6, $0x3;
	[dreg:$0xc] =	wrdreg s5;
	s5 =	sadd.s32 s2, s20  }
0x20: {  	s4 =	simm.s32 $0xFDC0;
	[dreg:$0xd] =	wrdreg s5;
	s5 =	sor.u32 s0, s23  }
0x21: {  	s6 =	simm.s32 $0x4;
	s0 =	sor.u32 s0, s25;
	s5 =	sshrl.u32 s5, $0x3  }
0x22: {  	s25 =	simm.s32 $0x11D00;
	s0 =	sshrl.u32 s0, $0x3;
	s5 =	sadd.s32 s2, s5  }
0x23: {  	s0 =	sadd.s32 s2, s0;
	[dreg:$0xf] =	wrdreg s5;
	s5 =	sadd.s32 s2, s26  }
0x24: {  	[dreg:$0x12] =	wrdreg s0;
	s26 =	simm.s32 $0xA;
	s2 =	simm.s32 $0x80  }
0x25: {  	v0 =	vimm.f32 $0.0e+00;
	s0 =	simm.s32 $0xBF40;
	[dreg:$0x10] =	wrdreg s5;
	s5 =	simm.s32 $0x3  }
.LBB2_1:
0x26: {  	s20 =	simm.s32 $0x0;
	s21 =	rddreg [dreg:$0x4]  }
0x27: {  	[tilespmem:s20], [sflag:$0x1] =	stream.linear.gather [hbm4b:s21+s20], $0x5000, $0x38;
	[tilespmem:$0x1ED40] =	vst v63  }
0x28: {  	s23 =	rddreg [dreg:$0x5];
	s7 =	simm.s32 $0x5000  }
0x29: {  	[tilespmem:s7], [sflag:$0x2] =	stream.linear.gather [hbm4b:s23+s20], $0x5000, $0x38;
	[tilespmem:$0x1ED40] =	vst v63  }
0x2a: {  	s21 =	simm.s32 $0x100;
	s20 =	simm.s32 $0x0  }
.LBB2_2:
0x2b: {  	p1 =	sne.s32 s21, $0x6700;
	[tilespmem:s20+$0x11D30] =	vst v0;
	s22 =	smov.u32 s21;
	s21 =	sadd.s32 $0x100, s21  }
.Ltmp0:
0x2c: {  	[tilespmem:s20+$0x11D20] =	vst v0;
	(pc) =	sbr.rel @p1 .LBB2_2-.Ltmp0, $3  }
0x2d: {  	[tilespmem:s20+$0x11D00] =	vst v0  }
0x2e: {  	[tilespmem:s20+$0x11D10] =	vst v0;
	_ =	sdelay $0x1  }
0x2f: {  	s20 =	sshra.s32 s22, $0x2  }
0x30: {  	[tilespmem:s20+$0x11D30] =	vst v0  }
0x31: {  	[tilespmem:s20+$0x11D20] =	vst v0  }
0x32: {  	[tilespmem:s20+$0x11D00] =	vst v0  }
0x33: {  	[tilespmem:s20+$0x11D10] =	vst v0  }
0x34: {  	[spmem:s10] =	stream.linear.scatter [tilespmem:s25], [sflag:$0xA], $0x1A00, $0x38;
	[tilespmem:$0x1ED40] =	vst v63  }
0x35: {  	_ =	swait.ge [sflag:s26], $0x1A00  }
0x36: {  	[sflag:s26] =	ssyncset.done $0x0  }
0x37: {  	[sflag:s26] =	ssyncadd.s32 $0xFFFFE600  }
0x38: {  	[spmem:s11] =	stream.linear.scatter [tilespmem:s25], [sflag:$0xA], $0x1A00, $0x38;
	[tilespmem:$0x1ED40] =	vst v63  }
0x39: {  	_ =	swait.ge [sflag:s26], $0x1A00  }
0x3a: {  	[sflag:s26] =	ssyncset.done $0x0  }
0x3b: {  	[sflag:s26] =	ssyncadd.s32 $0xFFFFE600  }
0x3c: {  	[spmem:s12] =	stream.linear.scatter [tilespmem:s25], [sflag:$0xA], $0x1A00, $0x38;
	[tilespmem:$0x1ED40] =	vst v63  }
0x3d: {  	_ =	swait.ge [sflag:s26], $0x1A00  }
0x3e: {  	[sflag:s26] =	ssyncset.done $0x0  }
0x3f: {  	s7 =	rddreg [dreg:$0x9];
	[sflag:s26] =	ssyncadd.s32 $0xFFFFE600  }
0x40: {  	[spmem:s7] =	stream.linear.scatter [tilespmem:s25], [sflag:$0xA], $0x1A00, $0x38;
	[tilespmem:$0x1ED40] =	vst v63  }
0x41: {  	_ =	swait.ge [sflag:s26], $0x1A00  }
0x42: {  	[sflag:s26] =	ssyncset.done $0x0  }
0x43: {  	[sflag:s26] =	ssyncadd.s32 $0xFFFFE600  }
0x44: {  	[spmem:s14] =	stream.linear.scatter [tilespmem:s25], [sflag:$0xA], $0x1A00, $0x38;
	[tilespmem:$0x1ED40] =	vst v63  }
0x45: {  	_ =	swait.ge [sflag:s26], $0x1A00  }
0x46: {  	[sflag:s26] =	ssyncset.done $0x0  }
0x47: {  	s21 =	rddreg [dreg:$0xa];
	[sflag:s26] =	ssyncadd.s32 $0xFFFFE600  }
0x48: {  	[spmem:s21] =	stream.linear.scatter [tilespmem:s25], [sflag:$0xA], $0x1A00, $0x38;
	[tilespmem:$0x1ED40] =	vst v63  }
0x49: {  	_ =	swait.ge [sflag:s26], $0x1A00  }
0x4a: {  	[sflag:s26] =	ssyncset.done $0x0  }
0x4b: {  	s20 =	simm.s32 @!p0 $0x11D00;
	s7 =	rddreg [dreg:$0x7];
	[sflag:s26] =	ssyncadd.s32 $0xFFFFE600  }
0x4c: {  	[spmem:s7] =	stream.linear.scatter @!p0 [tilespmem:s20], [sflag:$0xA], $0x400, $0x38;
	[tilespmem:$0x1ED40] =	vst v63  }
0x4d: {  	s20 =	simm.s32 @!p0 $0xA  }
0x4e: {  	_ =	swait.ge @!p0 [sflag:s20], $0x400  }
0x4f: {  	[sflag:s20] =	ssyncset.done @!p0 $0x0  }
0x50: {  	[sflag:s20] =	ssyncadd.s32 @!p0 $0xFFFFFC00  }
0x51: {  	_ =	swait.ge [sflag:s28], $0x5000  }
0x52: {  	[sflag:s28] =	ssyncset.done $0x0  }
0x53: {  	[sflag:s28] =	ssyncadd.s32 $0xFFFFB000  }
0x54: {  	_ =	swait.ge [sflag:s29], $0x5000  }
0x55: {  	[sflag:s29] =	ssyncset.done $0x0  }
0x56: {  	[sflag:s29] =	ssyncadd.s32 $0xFFFFB000  }
0x57: {  	s22 =	simm.s32 $0x0;
	[bflag:$0x0] =	sbarrier.arrive $0xFFFF  }
0x58: {  	[tilespmem:s31], [sflag:$0x1] =	stream.indirect.gather [hbm4b:s1+s30], $0x40, s22, s30, $0xb8;
	[tilespmem:$0x1ED40] =	vst v63  }
0x59: {  	_ = 	snop  }
0x5a: {  	[tilespmem:s0], [sflag:$0x2] =	stream.indirect.gather [hbm4b:s1+s30], $0x40, s2, s30, $0xb8;
	[tilespmem:$0x1ED40] =	vst v63  }
0x5b: {  	s23 =	simm.s32 $0x100  }
0x5c: {  	[tilespmem:s24], [sflag:$0x3] =	stream.indirect.gather [hbm4b:s1+s30], $0x40, s23, s30, $0xb8;
	[tilespmem:$0x1ED40] =	vst v63  }
0x5d: {  	s20 =	simm.s32 $0x180  }
0x5e: {  	[tilespmem:s4], [sflag:$0x4] =	stream.indirect.gather [hbm4b:s1+s30], $0x40, s20, s30, $0xb8;
	[tilespmem:$0x1ED40] =	vst v63  }
0x5f: {  	_ =	swait.ge [sflag:s28], $0x1F40  }
0x60: {  	[sflag:s28] =	ssyncset.done $0x0  }
0x61: {  	s21 =	simm.s32 $0x5000;
	[sflag:s28] =	ssyncadd.s32 $0xFFFFE0C0  }
0x62: {  	[spmem:s3] =	stream.indirect.scatter.add.f32 [tilespmem:s31], [sflag:$0x5], $0x40, s21, s30, $0xb8;
	[tilespmem:$0x1ED40] =	vst v63  }
0x63: {  	_ =	swait.ge [sflag:s29], $0x1F40  }
0x64: {  	[sflag:s29] =	ssyncset.done $0x0  }
0x65: {  	s22 =	simm.s32 $0x5080;
	[sflag:s29] =	ssyncadd.s32 $0xFFFFE0C0  }
0x66: {  	[spmem:s3] =	stream.indirect.scatter.add.f32 [tilespmem:s0], [sflag:$0x6], $0x40, s22, s30, $0xb8;
	[tilespmem:$0x1ED40] =	vst v63  }
0x67: {  	_ =	swait.ge [sflag:s5], $0x1F40  }
0x68: {  	[sflag:s5] =	ssyncset.done $0x0  }
0x69: {  	s23 =	simm.s32 $0x5100;
	[sflag:s5] =	ssyncadd.s32 $0xFFFFE0C0  }
0x6a: {  	[spmem:s3] =	stream.indirect.scatter.add.f32 [tilespmem:s24], [sflag:$0x7], $0x40, s23, s30, $0xb8;
	[tilespmem:$0x1ED40] =	vst v63  }
0x6b: {  	_ =	swait.ge [sflag:s6], $0x1F40  }
0x6c: {  	[sflag:s6] =	ssyncset.done $0x0  }
0x6d: {  	s7 =	simm.s32 $0x5180;
	[sflag:s6] =	ssyncadd.s32 $0xFFFFE0C0  }
0x6e: {  	[spmem:s3] =	stream.indirect.scatter.add.f32 [tilespmem:s4], [sflag:$0x8], $0x40, s7, s30, $0xb8;
	[tilespmem:$0x1ED40] =	vst v63  }
0x6f: {  	_ =	swait.ge [sflag:s8], $0x1F40  }
0x70: {  	[sflag:s8] =	ssyncset.done $0x0  }
0x71: {  	s21 =	simm.s32 $0x200;
	[sflag:s8] =	ssyncadd.s32 $0xFFFFE0C0  }
0x72: {  	[tilespmem:s31], [sflag:$0x1] =	stream.indirect.gather [hbm4b:s1+s30], $0x40, s21, s30, $0xb8;
	[tilespmem:$0x1ED40] =	vst v63  }
0x73: {  	_ =	swait.ge [sflag:s9], $0x1F40  }
0x74: {  	[sflag:s9] =	ssyncset.done $0x0  }
0x75: {  	s22 =	simm.s32 $0x280;
	[sflag:s9] =	ssyncadd.s32 $0xFFFFE0C0  }
0x76: {  	[tilespmem:s0], [sflag:$0x2] =	stream.indirect.gather [hbm4b:s1+s30], $0x40, s22, s30, $0xb8;
	[tilespmem:$0x1ED40] =	vst v63  }
0x77: {  	_ =	swait.ge [sflag:s13], $0x1F40  }
0x78: {  	[sflag:s13] =	ssyncset.done $0x0  }
0x79: {  	s23 =	simm.s32 $0x300;
	[sflag:s13] =	ssyncadd.s32 $0xFFFFE0C0  }
0x7a: {  	[tilespmem:s24], [sflag:$0x3] =	stream.indirect.gather [hbm4b:s1+s30], $0x40, s23, s30, $0xb8;
	[tilespmem:$0x1ED40] =	vst v63  }
0x7b: {  	_ =	swait.ge [sflag:s15], $0x1F40  }
0x7c: {  	[sflag:s15] =	ssyncset.done $0x0  }
0x7d: {  	s20 =	simm.s32 $0x800;
	s21 =	simm.s32 $0x380;
	[sflag:s15] =	ssyncadd.s32 $0xFFFFE0C0  }
.LBB2_4:
0x7e: {  	[tilespmem:s4], [sflag:$0x4] =	stream.indirect.gather [hbm4b:s1+s30], $0x40, s21, s30, $0xb8;
	[tilespmem:$0x1ED40] =	vst v63  }
0x7f: {  	s21 =	smov.u32 s20  }
0x80: {  	p1 =	sne.s32 s20, $0x13000;
	s20 =	sadd.s32 $0x800, s20;
	_ =	swait.ge [sflag:s28], $0x1F40  }
0x81: {  	s21 =	sshra.s32 s21, $0x2;
	[sflag:s28] =	ssyncset.done $0x0  }
0x82: {  	s22 =	sadd.s32 $0x5000, s21;
	[sflag:s28] =	ssyncadd.s32 $0xFFFFE0C0  }
0x83: {  	[spmem:s3] =	stream.indirect.scatter.add.f32 [tilespmem:s31], [sflag:$0x5], $0x40, s22, s30, $0xb8;
	[tilespmem:$0x1ED40] =	vst v63  }
0x84: {  	_ =	swait.ge [sflag:s29], $0x1F40  }
0x85: {  	[sflag:s29] =	ssyncset.done $0x0  }
0x86: {  	s22 =	sadd.s32 $0x5080, s21;
	[sflag:s29] =	ssyncadd.s32 $0xFFFFE0C0  }
0x87: {  	[spmem:s3] =	stream.indirect.scatter.add.f32 [tilespmem:s0], [sflag:$0x6], $0x40, s22, s30, $0xb8;
	[tilespmem:$0x1ED40] =	vst v63  }
0x88: {  	_ =	swait.ge [sflag:s5], $0x1F40  }
0x89: {  	[sflag:s5] =	ssyncset.done $0x0  }
0x8a: {  	s22 =	sadd.s32 $0x5100, s21;
	[sflag:s5] =	ssyncadd.s32 $0xFFFFE0C0  }
0x8b: {  	[spmem:s3] =	stream.indirect.scatter.add.f32 [tilespmem:s24], [sflag:$0x7], $0x40, s22, s30, $0xb8;
	[tilespmem:$0x1ED40] =	vst v63  }
0x8c: {  	_ =	swait.ge [sflag:s6], $0x1F40  }
0x8d: {  	[sflag:s6] =	ssyncset.done $0x0  }
0x8e: {  	s22 =	sadd.s32 $0x5180, s21;
	[sflag:s6] =	ssyncadd.s32 $0xFFFFE0C0  }
0x8f: {  	[spmem:s3] =	stream.indirect.scatter.add.f32 [tilespmem:s4], [sflag:$0x8], $0x40, s22, s30, $0xb8;
	[tilespmem:$0x1ED40] =	vst v63  }
0x90: {  	_ =	swait.ge [sflag:s8], $0x1F40  }
0x91: {  	[sflag:s8] =	ssyncset.done $0x0  }
0x92: {  	s22 =	sadd.s32 $0x200, s21;
	[sflag:s8] =	ssyncadd.s32 $0xFFFFE0C0  }
0x93: {  	[tilespmem:s31], [sflag:$0x1] =	stream.indirect.gather [hbm4b:s1+s30], $0x40, s22, s30, $0xb8;
	[tilespmem:$0x1ED40] =	vst v63  }
0x94: {  	_ =	swait.ge [sflag:s9], $0x1F40  }
0x95: {  	[sflag:s9] =	ssyncset.done $0x0  }
0x96: {  	s22 =	sadd.s32 $0x280, s21;
	[sflag:s9] =	ssyncadd.s32 $0xFFFFE0C0  }
0x97: {  	[tilespmem:s0], [sflag:$0x2] =	stream.indirect.gather [hbm4b:s1+s30], $0x40, s22, s30, $0xb8;
	[tilespmem:$0x1ED40] =	vst v63  }
0x98: {  	_ =	swait.ge [sflag:s13], $0x1F40  }
0x99: {  	[sflag:s13] =	ssyncset.done $0x0  }
.Ltmp1:
0x9a: {  	s22 =	sadd.s32 $0x300, s21;
	[sflag:s13] =	ssyncadd.s32 $0xFFFFE0C0;
	(pc) =	sbr.rel @p1 .LBB2_4-.Ltmp1, $4  }
0x9b: {  	[tilespmem:s24], [sflag:$0x3] =	stream.indirect.gather [hbm4b:s1+s30], $0x40, s22, s30, $0xb8;
	[tilespmem:$0x1ED40] =	vst v63  }
0x9c: {  	_ =	swait.ge [sflag:s15], $0x1F40  }
0x9d: {  	[sflag:s15] =	ssyncset.done $0x0  }
0x9e: {  	s21 =	sadd.s32 $0x380, s21;
	[sflag:s15] =	ssyncadd.s32 $0xFFFFE0C0  }
0x9f: {  	[tilespmem:s4], [sflag:$0x4] =	stream.indirect.gather [hbm4b:s1+s30], $0x40, s21, s30, $0xb8;
	[tilespmem:$0x1ED40] =	vst v63  }
0xa0: {  	_ =	swait.ge [sflag:s28], $0x1F40  }
0xa1: {  	[sflag:s28] =	ssyncset.done $0x0  }
0xa2: {  	s7 =	simm.s32 $0x9E00;
	[sflag:s28] =	ssyncadd.s32 $0xFFFFE0C0  }
0xa3: {  	[spmem:s3] =	stream.indirect.scatter.add.f32 [tilespmem:s31], [sflag:$0x5], $0x40, s7, s30, $0xb8;
	[tilespmem:$0x1ED40] =	vst v63  }
0xa4: {  	_ =	swait.ge [sflag:s29], $0x1F40  }
0xa5: {  	[sflag:s29] =	ssyncset.done $0x0  }
0xa6: {  	s20 =	simm.s32 $0x9E80;
	[sflag:s29] =	ssyncadd.s32 $0xFFFFE0C0  }
0xa7: {  	[spmem:s3] =	stream.indirect.scatter.add.f32 [tilespmem:s0], [sflag:$0x6], $0x40, s20, s30, $0xb8;
	[tilespmem:$0x1ED40] =	vst v63  }
0xa8: {  	_ =	swait.ge [sflag:s5], $0x1F40  }
0xa9: {  	[sflag:s5] =	ssyncset.done $0x0  }
0xaa: {  	s21 =	simm.s32 $0x9F00;
	[sflag:s5] =	ssyncadd.s32 $0xFFFFE0C0  }
0xab: {  	[spmem:s3] =	stream.indirect.scatter.add.f32 [tilespmem:s24], [sflag:$0x7], $0x40, s21, s30, $0xb8;
	[tilespmem:$0x1ED40] =	vst v63  }
0xac: {  	_ =	swait.ge [sflag:s6], $0x1F40  }
0xad: {  	[sflag:s6] =	ssyncset.done $0x0  }
0xae: {  	s22 =	simm.s32 $0x9F80;
	[sflag:s6] =	ssyncadd.s32 $0xFFFFE0C0  }
0xaf: {  	[spmem:s3] =	stream.indirect.scatter.add.f32 [tilespmem:s4], [sflag:$0x8], $0x40, s22, s30, $0xb8;
	[tilespmem:$0x1ED40] =	vst v63  }
0xb0: {  	_ =	swait.ge [sflag:s8], $0x1F40  }
0xb1: {  	[sflag:s8] =	ssyncset.done $0x0  }
0xb2: {  	[sflag:s8] =	ssyncadd.s32 $0xFFFFE0C0  }
0xb3: {  	_ =	swait.ge [sflag:s9], $0x1F40  }
0xb4: {  	[sflag:s9] =	ssyncset.done $0x0  }
0xb5: {  	[sflag:s9] =	ssyncadd.s32 $0xFFFFE0C0  }
0xb6: {  	_ =	swait.ge [sflag:s13], $0x1F40  }
0xb7: {  	[sflag:s13] =	ssyncset.done $0x0  }
0xb8: {  	[sflag:s13] =	ssyncadd.s32 $0xFFFFE0C0  }
0xb9: {  	_ =	swait.ge [sflag:s15], $0x1F40  }
0xba: {  	[sflag:s15] =	ssyncset.done $0x0  }
0xbb: {  	[sflag:s15] =	ssyncadd.s32 $0xFFFFE0C0  }
0xbc: {  	[bflag:$0x0] =	sbarrier.arrive $0xFFFF  }
0xbd: {  	[tilespmem:s25], [sflag:$0xA] =	stream.linear.gather [spmem:s10], $0x1A00, $0x38;
	[tilespmem:$0x1ED40] =	vst v63  }
0xbe: {  	_ =	swait.ge [sflag:s26], $0x1A00  }
0xbf: {  	[sflag:s26] =	ssyncset.done $0x0  }
0xc0: {  	s23 =	rddreg [dreg:$0xb];
	[sflag:s26] =	ssyncadd.s32 $0xFFFFE600  }
0xc1: {  	[hbm4b:s23+s16] =	stream.strided.scatter [tilespmem:s25], [sflag:$0x9], $0x1A00, s2, s16, $0x38;
	[tilespmem:$0x1ED40] =	vst v63  }
0xc2: {  	_ = 	snop  }
0xc3: {  	[tilespmem:s17], [sflag:$0xA] =	stream.linear.gather [spmem:s11], $0x1A00, $0x38;
	[tilespmem:$0x1ED40] =	vst v63  }
0xc4: {  	_ =	swait.ge [sflag:s26], $0x1A00  }
0xc5: {  	[sflag:s26] =	ssyncset.done $0x0  }
0xc6: {  	s20 =	rddreg [dreg:$0xc];
	[sflag:s26] =	ssyncadd.s32 $0xFFFFE600  }
0xc7: {  	[hbm4b:s20+s16] =	stream.strided.scatter [tilespmem:s17], [sflag:$0x9], $0x1A00, s2, s16, $0x38;
	[tilespmem:$0x1ED40] =	vst v63  }
0xc8: {  	_ =	swait.ge [sflag:s18], $0x1A00  }
0xc9: {  	[sflag:s18] =	ssyncset.done $0x0  }
0xca: {  	[sflag:s18] =	ssyncadd.s32 $0xFFFFE600  }
0xcb: {  	_ =	swait.ge [sflag:s18], $0x1A00  }
0xcc: {  	[sflag:s18] =	ssyncset.done $0x0  }
0xcd: {  	[sflag:s18] =	ssyncadd.s32 $0xFFFFE600  }
0xce: {  	[tilespmem:s25], [sflag:$0xA] =	stream.linear.gather [spmem:s12], $0x1A00, $0x38;
	[tilespmem:$0x1ED40] =	vst v63  }
0xcf: {  	_ =	swait.ge [sflag:s26], $0x1A00  }
0xd0: {  	[sflag:s26] =	ssyncset.done $0x0  }
0xd1: {  	s21 =	rddreg [dreg:$0xd];
	[sflag:s26] =	ssyncadd.s32 $0xFFFFE600  }
0xd2: {  	[hbm4b:s21+s16] =	stream.strided.scatter [tilespmem:s25], [sflag:$0x9], $0x1A00, s2, s16, $0x38;
	[tilespmem:$0x1ED40] =	vst v63  }
0xd3: {  	s22 =	rddreg [dreg:$0xe]  }
0xd4: {  	[tilespmem:s17], [sflag:$0xA] =	stream.linear.gather [spmem:s22], $0x1A00, $0x38;
	[tilespmem:$0x1ED40] =	vst v63  }
0xd5: {  	_ =	swait.ge [sflag:s26], $0x1A00  }
0xd6: {  	[sflag:s26] =	ssyncset.done $0x0  }
0xd7: {  	s23 =	rddreg [dreg:$0xf];
	[sflag:s26] =	ssyncadd.s32 $0xFFFFE600  }
0xd8: {  	[hbm4b:s23+s16] =	stream.strided.scatter [tilespmem:s17], [sflag:$0x9], $0x1A00, s2, s16, $0x38;
	[tilespmem:$0x1ED40] =	vst v63  }
0xd9: {  	_ =	swait.ge [sflag:s18], $0x1A00  }
0xda: {  	[sflag:s18] =	ssyncset.done $0x0  }
0xdb: {  	[sflag:s18] =	ssyncadd.s32 $0xFFFFE600  }
0xdc: {  	_ =	swait.ge [sflag:s18], $0x1A00  }
0xdd: {  	[sflag:s18] =	ssyncset.done $0x0  }
0xde: {  	[sflag:s18] =	ssyncadd.s32 $0xFFFFE600  }
0xdf: {  	[tilespmem:s25], [sflag:$0xA] =	stream.linear.gather [spmem:s14], $0x1A00, $0x38;
	[tilespmem:$0x1ED40] =	vst v63  }
0xe0: {  	_ =	swait.ge [sflag:s26], $0x1A00  }
0xe1: {  	[sflag:s26] =	ssyncset.done $0x0  }
0xe2: {  	s20 =	rddreg [dreg:$0x10];
	[sflag:s26] =	ssyncadd.s32 $0xFFFFE600  }
0xe3: {  	[hbm4b:s20+s16] =	stream.strided.scatter [tilespmem:s25], [sflag:$0x9], $0x1A00, s2, s16, $0x38;
	[tilespmem:$0x1ED40] =	vst v63  }
0xe4: {  	s21 =	rddreg [dreg:$0x11]  }
0xe5: {  	[tilespmem:s17], [sflag:$0xA] =	stream.linear.gather [spmem:s21], $0x1A00, $0x38;
	[tilespmem:$0x1ED40] =	vst v63  }
0xe6: {  	_ =	swait.ge [sflag:s26], $0x1A00  }
0xe7: {  	[sflag:s26] =	ssyncset.done $0x0  }
0xe8: {  	s22 =	rddreg [dreg:$0x12];
	[sflag:s26] =	ssyncadd.s32 $0xFFFFE600  }
0xe9: {  	[hbm4b:s22+s16] =	stream.strided.scatter [tilespmem:s17], [sflag:$0x9], $0x1A00, s2, s16, $0x38;
	[tilespmem:$0x1ED40] =	vst v63  }
0xea: {  	_ =	swait.ge [sflag:s18], $0x1A00  }
0xeb: {  	[sflag:s18] =	ssyncset.done $0x0  }
0xec: {  	[sflag:s18] =	ssyncadd.s32 $0xFFFFE600  }
0xed: {  	_ =	swait.ge [sflag:s18], $0x1A00  }
0xee: {  	s20 =	simm.s32 @!p0 $0x11D00;
	[sflag:s18] =	ssyncset.done $0x0  }
0xef: {  	s21 =	simm.s32 @!p0 $0xA;
	s7 =	rddreg [dreg:$0x7];
	[sflag:s18] =	ssyncadd.s32 $0xFFFFE600  }
0xf0: {  	[tilespmem:s20], [sflag:$0xA] =	stream.linear.gather @!p0 [spmem:s7], $0x400, $0x38;
	[tilespmem:$0x1ED40] =	vst v63  }
0xf1: {  	_ =	swait.ge @!p0 [sflag:s21], $0x400  }
0xf2: {  	s23 =	simm.s32 @!p0 $0x80;
	[sflag:s21] =	ssyncset.done @!p0 $0x0  }
0xf3: {  	s22 =	simm.s32 @!p0 $0x40;
	s7 =	rddreg [dreg:$0x6];
	[sflag:s21] =	ssyncadd.s32 @!p0 $0xFFFFFC00  }
0xf4: {  	[hbm4b:s7+s22] =	stream.strided.scatter @!p0 [tilespmem:s20], [sflag:$0xA], $0x400, s23, s22, $0x38;
	[tilespmem:$0x1ED40] =	vst v63  }
0xf5: {  	_ =	swait.ge @!p0 [sflag:s21], $0x400  }
0xf6: {  	s19 =	sadd.s32 $0x1, s19;
	s23 =	rddreg [dreg:$0x8]  }
0xf7: {  	p1 =	sne.s32 s19, s23  }
.Ltmp2:
0xf8: {  	_ = 	snop;
	(pc) =	sbr.rel @p1 .LBB2_1-.Ltmp2, $3  }
0xf9: {  	_ =	sdelay $0x1  }
0xfa: {  	[sflag:s21] =	ssyncset.done @!p0 $0x0  }
0xfb: {  	[sflag:s21] =	ssyncadd.s32 @!p0 $0xFFFFFC00  }
0xfc: {  	_ =	sfence.sel $0x180000  }
0xfd: {  	[bflag:$0x0] =	sbarrier.arrive $0xFFFF  }
0xfe: {  	_ =	strace $0x9000004D  }
0xff: {  	s0 =	stileid.u32;
	[bflag:$0x2] =	sbarrier.arrive $0xFFFF  }
0x100: {  	p0 =	sne.s32 s0, $0x0;
	s0 =	rddreg [dreg:$0x3]  }
0x101: {  	s0 =	sadd.s32 @!p0 $0x100000, s0  }
0x102: {  	[sflag:s0] =	ssyncadd.tile.s32 @!p0 $0x1;
	_ =	shalt  }
.Lfunc_end2:
_tile_overlayer_lowered:
.L_overlay_start_2:
0x103: {  	(tag) =	ssettag $0x2  }
0x104: {  	s0 =	rddreg [dreg:$0x0];
	s2 =	stileid.u32  }
0x105: {  	s1 =	rddreg [dreg:$0x1];
	p0 =	sne.s32 s2, $0x0  }
0x106: {  	s3 =	rddreg [dreg:$0x2];
	[bflag:$0x3] =	sbarrier.arrive $0xFFFF;
	s2 =	simm.s32 @!p0 $0x1C0A  }
0x107: {  	[timem:s3], [sflag:s2] =	dma.local @!p0 [hbm:s0], s1  }
0x108: {  	s0 =	simm.s32 @!p0 $0xA  }
0x109: {  	_ =	swait.ge @!p0 [sflag:s0], s1  }
0x10a: {  	s1 =	ssub.s32 @!p0 $0x0, s1;
	[sflag:s0] =	ssyncset.done @!p0 $0x0  }
0x10b: {  	[sflag:s0] =	ssyncadd.s32 @!p0 s1  }
0x10c: {  	[bflag:$0x3] =	sbarrier.arrive $0xFFFF  }
0x10d: {  	_ =	shalt  }

// kernel: kernel.8.cloned.1.call-start
scs
__scs_entry_jumppad:
0x0: {  	(pc) =	sbr.rel $0x88, $3  }
0x1: {  	(tag) =	ssettag $0x0;
	lr =	simm.s32 $0x1  }
0x2: {  	[smem:$0x3F9B] =	sst lr;
	_ =	strace $0xD0000000  }
0x3: {  	_ = 	snop  }
0x4: {  	_ = 	snop  }
0x5: {  	_ = 	snop  }
0x6: {  	_ = 	snop  }
0x7: {  	_ = 	snop  }
__scs_overlays_trampoline_lowered:
0x8: {  	[smem:$0x3FAA] =	sst s0  }
0x9: {  	[smem:$0x3FAB] =	sst s1  }
0xa: {  	[smem:$0x3FAC] =	sst s2  }
0xb: {  	[smem:$0x3FAD] =	sst s3  }
0xc: {  	[smem:$0x3FAE] =	sst s4  }
0xd: {  	[smem:$0x3FAF] =	sst s5  }
0xe: {  	[smem:$0x3FB0] =	sst s6  }
0xf: {  	[smem:$0x3FB1] =	sst s7  }
0x10: {  	[smem:$0x3FB2] =	sst s8  }
0x11: {  	[smem:$0x3FB3] =	sst s9;
	s0 =	simm.s32 @!p0 $0x0  }
0x12: {  	s1 =	sld [smem:$0x3F99];
	s0 =	simm.s32 @p0 $0x1  }
0x13: {  	[smem:$0x3FB4] =	sst s0;
	s0 =	simm.s32 @!p1 $0x0  }
0x14: {  	s2 =	sld [smem:$0x3F98];
	s0 =	simm.s32 @p1 $0x1  }
0x15: {  	[smem:$0x3FB5] =	sst s0;
	s0 =	simm.s32 @!p2 $0x0  }
0x16: {  	s3 =	sld [smem:$0x3FDB];
	s0 =	simm.s32 @p2 $0x1  }
0x17: {  	s4 =	simm.s32 $0x1BF5;
	[smem:$0x3FB7] =	sst s0  }
0x18: {  	s0 =	sld [smem:$0x3F9A];
	_ =	swait.ge [sflag:s4], $0x0  }
0x19: {  	s7 =	sld [smem:$0x3F9B]  }
0x1a: {  	s8 =	sadd.s32 $0xFFFFE003, lr  }
0x1b: {  	s9 =	sadd.s32 $0xFFFFFEF7, lr;
	s5 =	simm.s32 $0xFFFFFFFF;
	p2 =	slt.u32 s8, $0xFFFFF086  }
0x1c: {  	p1 =	slt.u32 s9, $0xF7A;
	s5 =	simm.s32 @!p2 $0x0  }
0x1d: {  	s5 =	simm.s32 @p1 $0x1;
	p0 =	seq.s32 s7, s2  }
0x1e: {  	s7 =	smul.u32 @!p0 $0xF7A, s2;
	p2 =	seq.s32 @!p0 s5, $0x0  }
0x1f: {  	s9 =	smul.u32 $0xF7A, s1;
	s8 =	simm.s32 @!p0 $0x1BF5;
	p2 =	por !p2, p0  }
0x20: {  	[sflag:s8] =	ssyncset.s32 @!p0 $0xFFFFF086;
	s6 =	sadd.s32 @!p0 s3, s7;
	s7 =	simm.s32 @!p0 $0x108  }
0x21: {  	s3 =	sadd.s32 s3, s9;
	s6 =	sadd.s32 @!p0 $0x88, s6;
	s7 =	simm.s32 @p2 $0x1082  }
0x22: {  	[simem:s7], [sflag:s8] =	dma.local @!p0 [hbm:s6], $0xF7A  }
0x23: {  	s9 =	sor.u32 $0xD0000000, s2;
	s6 =	simm.s32 $0x108;
	_ =	swait.ge @!p0 [sflag:s8], $0x0  }
0x24: {  	s3 =	sadd.s32 $0x88, s3;
	s6 =	simm.s32 @!p1 $0x1082;
	[sflag:s4] =	ssyncset.s32 $0xFFFFF086  }
0x25: {  	[simem:s6], [sflag:s4] =	dma.local [hbm:s3], $0xF7A  }
0x26: {  	[smem:$0x3F9B] =	sst s1;
	(tag) =	ssettag s2;
	_ =	strace s9  }
0x27: {  	s1 =	sld [smem:$0x3FAB]  }
0x28: {  	s2 =	sld [smem:$0x3FAC]  }
0x29: {  	s4 =	sld [smem:$0x3FAE]  }
0x2a: {  	p0 =	seq.s32 s5, $0x0;
	s5 =	sld [smem:$0x3FAF]  }
0x2b: {  	s6 =	sld [smem:$0x3FB0]  }
0x2c: {  	s7 =	sld [smem:$0x3FB1]  }
0x2d: {  	s3 =	simm.s32 $0x108;
	s8 =	sld [smem:$0x3FB2]  }
0x2e: {  	s3 =	simm.s32 @!p0 $0x1082;
	s9 =	sld [smem:$0x3FB3]  }
0x2f: {  	lr =	sadd.s32 s0, s3;
	s0 =	sld [smem:$0x3FAA]  }
0x30: {  	s3 =	sld [smem:$0x3FAD]  }
0x31: {  	[smem:$0x3FB6] =	sst s10  }
0x32: {  	s10 =	sld [smem:$0x3FB4];
	_ =	sdelay $0x3  }
0x33: {  	p0 =	seq.s32 s10, $0x1;
	s10 =	sld [smem:$0x3FB6];
	_ =	sdelay $0x3  }
0x34: {  	[smem:$0x3FB6] =	sst s10  }
0x35: {  	s10 =	sld [smem:$0x3FB5];
	_ =	sdelay $0x3  }
0x36: {  	p1 =	seq.s32 s10, $0x1;
	s10 =	sld [smem:$0x3FB6];
	_ =	sdelay $0x3  }
0x37: {  	[smem:$0x3FB6] =	sst s10  }
0x38: {  	s10 =	sld [smem:$0x3FB7]  }
0x39: {  	_ = 	snop;
	(pc) =	sbr.ind lr, $3  }
0x3a: {  	_ = 	snop  }
0x3b: {  	_ = 	snop  }
0x3c: {  	p2 =	seq.s32 s10, $0x1;
	s10 =	sld [smem:$0x3FB6]  }
0x3d: {  	_ =	shalt  }
0x3e: {  	_ =	shalt  }
0x3f: {  	_ =	shalt  }
0x40: {  	_ =	shalt  }
0x41: {  	_ =	shalt  }
0x42: {  	_ =	shalt  }
0x43: {  	_ =	shalt  }
0x44: {  	_ =	shalt  }
0x45: {  	_ =	shalt  }
0x46: {  	_ =	shalt  }
0x47: {  	_ =	shalt  }
0x48: {  	_ =	shalt  }
0x49: {  	_ =	shalt  }
0x4a: {  	_ =	shalt  }
0x4b: {  	_ =	shalt  }
0x4c: {  	_ =	shalt  }
0x4d: {  	_ =	shalt  }
0x4e: {  	_ =	shalt  }
0x4f: {  	_ =	shalt  }
0x50: {  	_ =	shalt  }
0x51: {  	_ =	shalt  }
0x52: {  	_ =	shalt  }
0x53: {  	_ =	shalt  }
0x54: {  	_ =	shalt  }
0x55: {  	_ =	shalt  }
0x56: {  	_ =	shalt  }
0x57: {  	_ =	shalt  }
0x58: {  	_ =	shalt  }
0x59: {  	_ =	shalt  }
0x5a: {  	_ =	shalt  }
0x5b: {  	_ =	shalt  }
0x5c: {  	_ =	shalt  }
0x5d: {  	_ =	shalt  }
0x5e: {  	_ =	shalt  }
0x5f: {  	_ =	shalt  }
0x60: {  	_ =	shalt  }
0x61: {  	_ =	shalt  }
0x62: {  	_ =	shalt  }
0x63: {  	_ =	shalt  }
0x64: {  	_ =	shalt  }
0x65: {  	_ =	shalt  }
0x66: {  	_ =	shalt  }
0x67: {  	_ =	shalt  }
0x68: {  	_ =	shalt  }
0x69: {  	_ =	shalt  }
0x6a: {  	_ =	shalt  }
0x6b: {  	_ =	shalt  }
0x6c: {  	_ =	shalt  }
0x6d: {  	_ =	shalt  }
0x6e: {  	_ =	shalt  }
0x6f: {  	_ =	shalt  }
0x70: {  	_ =	shalt  }
0x71: {  	_ =	shalt  }
0x72: {  	_ =	shalt  }
0x73: {  	_ =	shalt  }
0x74: {  	_ =	shalt  }
0x75: {  	_ =	shalt  }
0x76: {  	_ =	shalt  }
0x77: {  	_ =	shalt  }
0x78: {  	_ =	shalt  }
0x79: {  	_ =	shalt  }
0x7a: {  	_ =	shalt  }
0x7b: {  	_ =	shalt  }
0x7c: {  	_ =	shalt  }
0x7d: {  	_ =	shalt  }
0x7e: {  	_ =	shalt  }
0x7f: {  	_ =	shalt  }
0x80: {  	_ =	shalt  }
0x81: {  	_ =	shalt  }
0x82: {  	_ =	shalt  }
0x83: {  	_ =	shalt  }
0x84: {  	_ =	shalt  }
0x85: {  	_ =	shalt  }
0x86: {  	_ =	shalt  }
0x87: {  	_ =	shalt  }
.Lfunc_end0:
.L_simem_size_0:
called_computation_lowered:
.L_overlay_start_0:
0x88: {  	s2 =	sld [smem:$0x3FD9]  }
0x89: {  	s3 =	sld [smem:$0x3FFE];
	_ =	sdelay $0x1  }
0x8a: {  	s1 =	srdreg.scid  }
0x8b: {  	s0 =	sand.u32 $0x1, s1  }
0x8c: {  	s17 =	sshll.u32 s0, $0xA;
	s2 =	sadd.s32 s3, s2  }
0x8d: {  	s2 =	sadd.s32 s2, s17  }
0x8e: {  	[smem:$0x3FC2] =	sst s2  }
0x8f: {  	_ = 	snop  }
0x90: {  	s2 =	sld [smem:$0x3FD0];
	(tm) =	ssettm $0x1  }
0x91: {  	s18 =	sld [smem:$0x3FFB];
	_ =	sdelay $0x3  }
0x92: {  	_ =	strace s18  }
0x93: {  	s3 =	sld [smem:$0x3FFC];
	_ =	sdelay $0x3  }
0x94: {  	_ =	strace s3  }
0x95: {  	s3 =	sld [smem:$0x3FFD];
	_ =	sdelay $0x3  }
0x96: {  	_ =	strace s3  }
0x97: {  	_ =	strace $0x8FFFFFFF  }
0x98: {  	s19 =	sld [smem:$0x3FDB];
	_ =	sdelay $0x1  }
0x99: {  	s4 =	simm.s32 $_scs_section_size  }
0x9a: {  	s5 =	simm.s32 $_size__tile_overlayer_lowered;
	s6 =	simm.s32 $_tile_overlayer_lowered  }
0x9b: {  	s22 =	simm.s32 $0x1BFF;
	s21 =	sshll.u32 s6, $0x1;
	s3 =	sadd.s32 s4, s19  }
0x9c: {  	s7 =	simm.s32 $0x0;
	s20 =	sshll.u32 s5, $0x1;
	s5 =	sadd.s32 s21, s3  }
0x9d: {  	[timem:s7], [sflag:s22] =	dma.local [hbm:s5], s20  }
0x9e: {  	_ =	swait.ge [sflag:s22], s20  }
0x9f: {  	s4 =	ssub.s32 $0x0, s20;
	[sflag:s22] =	ssyncset.done $0x0  }
0xa0: {  	[sflag:s22] =	ssyncadd.s32 s4;
	_ =	sdelay $0x1  }
0xa1: {  	s23 =	simm.s32 $0x1B8B  }
0xa2: {  	_ =	swait.ge [sflag:s23], $0x1  }
0xa3: {  	[sflag:s23] =	ssyncset.done $0x0  }
0xa4: {  	s25 =	simm.s32 $0x1B8E;
	s24 =	sld [smem:$0x3FFE];
	[sflag:s23] =	ssyncadd.s32 $0xFFFFFFFF  }
0xa5: {  	s26 =	simm.s32 $execute0_lowered;
	[smem:$0x3FD2] =	sst s25  }
0xa6: {  	s5 =	sshll.u32 s26, $0x1;
	_ =	strace $0x80000046;
	[dreg:$0x1] =	wrdreg $0xFFFFFFFF  }
0xa7: {  	s28 =	simm.s32 $_size_execute0_lowered;
	s3 =	sadd.s32 s3, s5;
	[dreg:$0x0] =	wrdreg $0x0  }
0xa8: {  	s5 =	sshll.u32 s28, $0x1;
	[dreg:$0x2] =	wrdreg s3  }
0xa9: {  	[dreg:$0x3] =	wrdreg s5  }
0xaa: {  	[dreg:$0x4] =	wrdreg $0xC0  }
0xab: {  	_ =	task [dreg:s7], $0x5FFFF  }
0xac: {  	[dreg:$0x1] =	wrdreg $0xFFFFFFFF  }
0xad: {  	[dreg:$0x0] =	wrdreg $0x60  }
0xae: {  	[dreg:$0x2] =	wrdreg s2  }
0xaf: {  	[dreg:$0x3] =	wrdreg s24  }
0xb0: {  	[dreg:$0x4] =	wrdreg $0x53000  }
0xb1: {  	[dreg:$0x5] =	wrdreg $0x55780  }
0xb2: {  	[dreg:$0x6] =	wrdreg $0x9  }
0xb3: {  	_ =	task.clear_ibuf [dreg:s7], $0x7FFFF;
	_ =	strace $0x90000046  }
0xb4: {  	s29 =	simm.s32 $0x9;
	_ =	strace $0x80000048  }
0xb5: {  	_ =	swait.ge [sflag:s29], $0x1  }
0xb6: {  	[sflag:s29] =	ssyncadd.s32 $0xFFFFFFFF  }
0xb7: {  	_ =	strace $0x90000048  }
0xb8: {  	_ =	sfence  }
0xb9: {  	s30 =	sld [smem:$0x0];
	_ =	sdelay $0x2  }
0xba: {  	s31 =	sshll.u32 s1, $0xD;
	s1 =	sshrl.u32 s1, $0x2  }
0xbb: {  	s3 =	sand.u32 $0x4000, s31;
	s1 =	sadd.s32 s1, s30  }
0xbc: {  	s0 =	sor.u32 s3, s0;
	s1 =	sshll.u32 s1, $0x11  }
0xbd: {  	s0 =	sor.u32 s1, s0  }
0xbe: {  	s0 =	sadd.s32 $0x8F2B, s0  }
0xbf: {  	[sflag:s0] =	ssyncadd.remote.s32 $0x1  }
0xc0: {  	_ =	sfence.sel $0xFFFF  }
0xc1: {  	[dreg:$0x0] =	wrdreg $0xFFFFFFFF;
	(pc) =	sbr.abs _section_cstart, $3  }
0xc2: {  	[dreg:$0x1] =	wrdreg $0xFFFFFFFF  }
0xc3: {  	_ =	task.clear_ibuf [dreg:s7], $0x2FFFF;
	_ =	strace $0x9FFFFFFF  }
0xc4: {  	(tm) =	ssettm $0x7FFFFFFF  }
0xc5: {  	_ =	shalt  }
tec
execute0_lowered:
.L_overlay_start_1:
0x0: {  	(tag) =	ssettag $0x1  }
0x1: {  	s9 =	rddreg [dreg:$0x0]  }
0x2: {  	s1 =	srdreg.scid;
	s5 =	rddreg [dreg:$0x1]  }
0x3: {  	s0 =	stileid.u32;
	s2 =	rddreg [dreg:$0x2]  }
0x4: {  	s3 =	rddreg [dreg:$0x3];
	s4 =	simm.s32 $0x0;
	s17 =	simm.s32 $0x3  }
0x5: {  	s18 =	simm.s32 $0x2800;
	s19 =	simm.s32 $0x7D;
	s20 =	simm.s32 $0x5000  }
0x6: {  	s21 =	simm.s32 $0x1;
	s22 =	simm.s32 $0x2;
	s23 =	simm.s32 $0x0  }
0x7: {  	s6 =	sand.u32 $0x1, s1;
	s7 =	smul.u32 $0x5000, s0;
	s1 =	rddreg [dreg:$0x4]  }
0x8: {  	[smem:$0x7FF] =	sst s4;
	s13 =	sadd.s32 $0xBE00, s5;
	s12 =	smul.u32 $0x270, s0  }
0x9: {  	s14 =	sadd.s32 $0xC800, s5;
	p0 =	sne.s32 s0, $0xF;
	s8 =	smul.u32 $0x2800, s6  }
0xa: {  	_ =	strace $0x80000047;
	s30 =	ssub.s32 $0x2, s6;
	s16 =	smul.u32 $0x2710, s6  }
0xb: {  	s31 =	sshrl.u32 s30, $0x1;
	s6 =	sadd.s32 s12, s3;
	s7 =	sadd.s32 s8, s7  }
0xc: {  	s15 =	ssub.s32 s30, s31;
	s8 =	sadd.s32 $0x2700, s3;
	s10 =	sshrl.u32 s7, $0x3  }
0xd: {  	s7 =	sadd.s32 $0x2700, s2;
	s15 =	smax.u32 s15, $0x1;
	s11 =	sadd.s32 s10, s5  }
0xe: {  	s5 =	sadd.s32 s12, s2;
	s9 =	sadd.s32 s9, s10;
	s12 =	sadd.s32 s12, s16  }
0xf: {  	s16 =	sshrl.u32 s16, $0x3;
	s10 =	sadd.s32 $0x1E00, s11;
	s12 =	sshrl.u32 s12, $0x3  }
0x10: {  	s16 =	sadd.s32 $0x4E0, s16;
	s11 =	sadd.s32 s13, s12;
	s12 =	sadd.s32 s14, s12  }
0x11: {  	v0 =	vimm.f32 $0.0e+00;
	v1 =	vimm.f32 $1.000000000e+00;
	s13 =	sadd.s32 s13, s16;
	s14 =	sadd.s32 s14, s16;
	s16 =	simm.s32 $0x5080  }
.LBB2_1:
0x12: {  	[tilespmem:$0x5080] =	vst v0  }
0x13: {  	[tilespmem:$0x5090] =	vst v0  }
0x14: {  	[tilespmem:$0x50A0] =	vst v0  }
0x15: {  	[tilespmem:$0x50B0] =	vst v0  }
0x16: {  	[tilespmem:$0x50C0] =	vst v0  }
0x17: {  	[tilespmem:$0x50D0] =	vst v0  }
0x18: {  	[tilespmem:$0x50E0] =	vst v0  }
0x19: {  	[tilespmem:$0x50F0] =	vst v0  }
0x1a: {  	[tilespmem:$0x5100] =	vst v0  }
0x1b: {  	[tilespmem:$0x5110] =	vst v0  }
0x1c: {  	[tilespmem:$0x5120] =	vst v0  }
0x1d: {  	[tilespmem:$0x5130] =	vst v0  }
0x1e: {  	[tilespmem:$0x5140] =	vst v0  }
0x1f: {  	[tilespmem:$0x5150] =	vst v0  }
0x20: {  	[tilespmem:$0x5160] =	vst v0  }
0x21: {  	[tilespmem:$0x5170] =	vst v0  }
0x22: {  	[tilespmem:$0x5180] =	vst v0  }
0x23: {  	[tilespmem:$0x5190] =	vst v0  }
0x24: {  	[tilespmem:$0x51A0] =	vst v0  }
0x25: {  	[tilespmem:$0x51B0] =	vst v0  }
0x26: {  	[tilespmem:$0x51C0] =	vst v0  }
0x27: {  	[tilespmem:$0x51D0] =	vst v0  }
0x28: {  	[tilespmem:$0x51E0] =	vst v0  }
0x29: {  	[tilespmem:$0x51F0] =	vst v0  }
0x2a: {  	[tilespmem:$0x5200] =	vst v0  }
0x2b: {  	[tilespmem:$0x5210] =	vst v0  }
0x2c: {  	[tilespmem:$0x5220] =	vst v0  }
0x2d: {  	[tilespmem:$0x5230] =	vst v0  }
0x2e: {  	[tilespmem:$0x5240] =	vst v0  }
0x2f: {  	[tilespmem:$0x5250] =	vst v0  }
0x30: {  	[tilespmem:$0x5260] =	vst v0  }
0x31: {  	[tilespmem:$0x5270] =	vst v0  }
0x32: {  	[tilespmem:$0x5280] =	vst v0  }
0x33: {  	[tilespmem:$0x5290] =	vst v0  }
0x34: {  	[tilespmem:$0x52A0] =	vst v0  }
0x35: {  	[tilespmem:$0x52B0] =	vst v0  }
0x36: {  	[tilespmem:$0x52C0] =	vst v0  }
0x37: {  	[tilespmem:$0x52D0] =	vst v0  }
0x38: {  	[tilespmem:$0x52E0] =	vst v0  }
0x39: {  	[tilespmem:$0x52F0] =	vst v0  }
0x3a: {  	[tilespmem:$0x5000] =	vst v1  }
0x3b: {  	[tilespmem:$0x5010] =	vst v1  }
0x3c: {  	[tilespmem:$0x5020] =	vst v1  }
0x3d: {  	[tilespmem:$0x5030] =	vst v1  }
0x3e: {  	[tilespmem:$0x5040] =	vst v1  }
0x3f: {  	[tilespmem:$0x5050] =	vst v1  }
0x40: {  	[tilespmem:$0x5060] =	vst v1  }
0x41: {  	[tilespmem:$0x5070] =	vst v1  }
0x42: {  	[spmem:s5] =	stream.linear.scatter [tilespmem:s16], [sflag:$0x3], $0x270, $0x38;
	[tilespmem:$0x57F0] =	vst v63  }
0x43: {  	_ =	swait.ge [sflag:s17], $0x270  }
0x44: {  	[sflag:s17] =	ssyncset.done $0x0  }
0x45: {  	[sflag:s17] =	ssyncadd.s32 $0xFFFFFD90  }
0x46: {  	[spmem:s6] =	stream.linear.scatter [tilespmem:s16], [sflag:$0x3], $0x270, $0x38;
	[tilespmem:$0x57F0] =	vst v63  }
0x47: {  	_ =	swait.ge [sflag:s17], $0x270  }
0x48: {  	[sflag:s17] =	ssyncset.done $0x0  }
0x49: {  	s24 =	simm.s32 @!p0 $0x5080;
	s25 =	simm.s32 @!p0 $0x3;
	[sflag:s17] =	ssyncadd.s32 $0xFFFFFD90  }
0x4a: {  	[spmem:s7] =	stream.linear.scatter @!p0 [tilespmem:s24], [sflag:$0x3], $0x10, $0x38;
	[tilespmem:$0x57F0] =	vst v63  }
0x4b: {  	_ =	swait.ge @!p0 [sflag:s25], $0x10  }
0x4c: {  	[sflag:s25] =	ssyncset.done @!p0 $0x0  }
0x4d: {  	[sflag:s25] =	ssyncadd.s32 @!p0 $0xFFFFFFF0  }
0x4e: {  	[spmem:s8] =	stream.linear.scatter @!p0 [tilespmem:s24], [sflag:$0x3], $0x10, $0x38;
	[tilespmem:$0x57F0] =	vst v63  }
0x4f: {  	_ =	swait.ge @!p0 [sflag:s25], $0x10  }
0x50: {  	[sflag:s25] =	ssyncset.done @!p0 $0x0  }
0x51: {  	[sflag:s25] =	ssyncadd.s32 @!p0 $0xFFFFFFF0  }
0x52: {  	[bflag:$0x0] =	sbarrier.arrive $0xFFFF  }
0x53: {  	[tilespmem:s4], [sflag:$0x3] =	stream.linear.gather [hbm4b:s9+s4], $0x2800, $0x38;
	[tilespmem:$0x57F0] =	vst v63  }
0x54: {  	_ =	swait.ge [sflag:s17], $0x2800  }
0x55: {  	[sflag:s17] =	ssyncset.done $0x0  }
0x56: {  	[sflag:s17] =	ssyncadd.s32 $0xFFFFD800  }
0x57: {  	[tilespmem:s18], [sflag:$0x3] =	stream.linear.gather [hbm4b:s10+s4], $0x2800, $0x38;
	[tilespmem:$0x57F0] =	vst v63  }
0x58: {  	_ =	swait.ge [sflag:s17], $0x2800  }
0x59: {  	[sflag:s17] =	ssyncset.done $0x0  }
0x5a: {  	s31 =	simm.s32 $0x0;
	[sflag:s17] =	ssyncadd.s32 $0xFFFFD800  }
0x5b: {  	[spmem:s2] =	stream.indirect.scatter.add.f32 [tilespmem:s20], [sflag:$0x1], $0x1, s31, s19, $0xb8;
	[tilespmem:$0x57F0] =	vst v63  }
0x5c: {  	s25 =	simm.s32 $0x2800  }
0x5d: {  	[spmem:s3] =	stream.indirect.scatter.add.f32 [tilespmem:s20], [sflag:$0x2], $0x1, s25, s19, $0xb8;
	[tilespmem:$0x57F0] =	vst v63  }
0x5e: {  	s26 =	simm.s32 $0x80  }
0x5f: {  	[spmem:s2] =	stream.indirect.scatter.add.f32 [tilespmem:s20], [sflag:$0x1], $0x1, s26, s19, $0xb8;
	[tilespmem:$0x57F0] =	vst v63  }
0x60: {  	s29 =	simm.s32 $0x2880  }
0x61: {  	[spmem:s3] =	stream.indirect.scatter.add.f32 [tilespmem:s20], [sflag:$0x2], $0x1, s29, s19, $0xb8;
	[tilespmem:$0x57F0] =	vst v63  }
0x62: {  	s30 =	simm.s32 $0x100  }
0x63: {  	[spmem:s2] =	stream.indirect.scatter.add.f32 [tilespmem:s20], [sflag:$0x1], $0x1, s30, s19, $0xb8;
	[tilespmem:$0x57F0] =	vst v63  }
0x64: {  	s31 =	simm.s32 $0x2900  }
0x65: {  	[spmem:s3] =	stream.indirect.scatter.add.f32 [tilespmem:s20], [sflag:$0x2], $0x1, s31, s19, $0xb8;
	[tilespmem:$0x57F0] =	vst v63  }
0x66: {  	s25 =	simm.s32 $0x180  }
0x67: {  	[spmem:s2] =	stream.indirect.scatter.add.f32 [tilespmem:s20], [sflag:$0x1], $0x1, s25, s19, $0xb8;
	[tilespmem:$0x57F0] =	vst v63  }
0x68: {  	s26 =	simm.s32 $0x2980  }
0x69: {  	[spmem:s3] =	stream.indirect.scatter.add.f32 [tilespmem:s20], [sflag:$0x2], $0x1, s26, s19, $0xb8;
	[tilespmem:$0x57F0] =	vst v63  }
0x6a: {  	s29 =	simm.s32 $0x200  }
0x6b: {  	[spmem:s2] =	stream.indirect.scatter.add.f32 [tilespmem:s20], [sflag:$0x1], $0x1, s29, s19, $0xb8;
	[tilespmem:$0x57F0] =	vst v63  }
0x6c: {  	s30 =	simm.s32 $0x2A00  }
0x6d: {  	[spmem:s3] =	stream.indirect.scatter.add.f32 [tilespmem:s20], [sflag:$0x2], $0x1, s30, s19, $0xb8;
	[tilespmem:$0x57F0] =	vst v63  }
0x6e: {  	s31 =	simm.s32 $0x280  }
0x6f: {  	[spmem:s2] =	stream.indirect.scatter.add.f32 [tilespmem:s20], [sflag:$0x1], $0x1, s31, s19, $0xb8;
	[tilespmem:$0x57F0] =	vst v63  }
0x70: {  	s25 =	simm.s32 $0x2A80  }
0x71: {  	[spmem:s3] =	stream.indirect.scatter.add.f32 [tilespmem:s20], [sflag:$0x2], $0x1, s25, s19, $0xb8;
	[tilespmem:$0x57F0] =	vst v63  }
0x72: {  	s26 =	simm.s32 $0x300  }
0x73: {  	[spmem:s2] =	stream.indirect.scatter.add.f32 [tilespmem:s20], [sflag:$0x1], $0x1, s26, s19, $0xb8;
	[tilespmem:$0x57F0] =	vst v63  }
0x74: {  	s29 =	simm.s32 $0x2B00  }
0x75: {  	[spmem:s3] =	stream.indirect.scatter.add.f32 [tilespmem:s20], [sflag:$0x2], $0x1, s29, s19, $0xb8;
	[tilespmem:$0x57F0] =	vst v63  }
0x76: {  	s30 =	simm.s32 $0x380  }
0x77: {  	[spmem:s2] =	stream.indirect.scatter.add.f32 [tilespmem:s20], [sflag:$0x1], $0x1, s30, s19, $0xb8;
	[tilespmem:$0x57F0] =	vst v63  }
0x78: {  	s31 =	simm.s32 $0x2B80  }
0x79: {  	[spmem:s3] =	stream.indirect.scatter.add.f32 [tilespmem:s20], [sflag:$0x2], $0x1, s31, s19, $0xb8;
	[tilespmem:$0x57F0] =	vst v63  }
0x7a: {  	_ =	swait.ge [sflag:s21], $0x7D  }
0x7b: {  	[sflag:s21] =	ssyncset.done $0x0  }
0x7c: {  	[sflag:s21] =	ssyncadd.s32 $0xFFFFFF83  }
0x7d: {  	_ =	swait.ge [sflag:s22], $0x7D  }
0x7e: {  	[sflag:s22] =	ssyncset.done $0x0  }
0x7f: {  	[sflag:s22] =	ssyncadd.s32 $0xFFFFFF83  }
0x80: {  	_ =	swait.ge [sflag:s21], $0x7D  }
0x81: {  	[sflag:s21] =	ssyncset.done $0x0  }
0x82: {  	[sflag:s21] =	ssyncadd.s32 $0xFFFFFF83  }
0x83: {  	_ =	swait.ge [sflag:s22], $0x7D  }
0x84: {  	[sflag:s22] =	ssyncset.done $0x0  }
0x85: {  	[sflag:s22] =	ssyncadd.s32 $0xFFFFFF83  }
0x86: {  	_ =	swait.ge [sflag:s21], $0x7D  }
0x87: {  	[sflag:s21] =	ssyncset.done $0x0  }
0x88: {  	[sflag:s21] =	ssyncadd.s32 $0xFFFFFF83  }
0x89: {  	_ =	swait.ge [sflag:s22], $0x7D  }
0x8a: {  	[sflag:s22] =	ssyncset.done $0x0  }
0x8b: {  	[sflag:s22] =	ssyncadd.s32 $0xFFFFFF83  }
0x8c: {  	_ =	swait.ge [sflag:s21], $0x7D  }
0x8d: {  	[sflag:s21] =	ssyncset.done $0x0  }
0x8e: {  	[sflag:s21] =	ssyncadd.s32 $0xFFFFFF83  }
0x8f: {  	_ =	swait.ge [sflag:s22], $0x7D  }
0x90: {  	[sflag:s22] =	ssyncset.done $0x0  }
0x91: {  	[sflag:s22] =	ssyncadd.s32 $0xFFFFFF83  }
0x92: {  	_ =	swait.ge [sflag:s21], $0x7D  }
0x93: {  	[sflag:s21] =	ssyncset.done $0x0  }
0x94: {  	[sflag:s21] =	ssyncadd.s32 $0xFFFFFF83  }
0x95: {  	_ =	swait.ge [sflag:s22], $0x7D  }
0x96: {  	[sflag:s22] =	ssyncset.done $0x0  }
0x97: {  	[sflag:s22] =	ssyncadd.s32 $0xFFFFFF83  }
0x98: {  	_ =	swait.ge [sflag:s21], $0x7D  }
0x99: {  	[sflag:s21] =	ssyncset.done $0x0  }
0x9a: {  	[sflag:s21] =	ssyncadd.s32 $0xFFFFFF83  }
0x9b: {  	_ =	swait.ge [sflag:s22], $0x7D  }
0x9c: {  	[sflag:s22] =	ssyncset.done $0x0  }
0x9d: {  	[sflag:s22] =	ssyncadd.s32 $0xFFFFFF83  }
0x9e: {  	_ =	swait.ge [sflag:s21], $0x7D  }
0x9f: {  	[sflag:s21] =	ssyncset.done $0x0  }
0xa0: {  	[sflag:s21] =	ssyncadd.s32 $0xFFFFFF83  }
0xa1: {  	_ =	swait.ge [sflag:s22], $0x7D  }
0xa2: {  	[sflag:s22] =	ssyncset.done $0x0  }
0xa3: {  	[sflag:s22] =	ssyncadd.s32 $0xFFFFFF83  }
0xa4: {  	_ =	swait.ge [sflag:s21], $0x7D  }
0xa5: {  	[sflag:s21] =	ssyncset.done $0x0  }
0xa6: {  	[sflag:s21] =	ssyncadd.s32 $0xFFFFFF83  }
0xa7: {  	_ =	swait.ge [sflag:s22], $0x7D  }
0xa8: {  	s28 =	simm.s32 $0x2000;
	s24 =	simm.s32 $0x1000;
	[sflag:s22] =	ssyncset.done $0x0  }
.LBB2_2:
0xa9: {  	s26 =	sshra.s32 s24, $0x2  }
0xaa: {  	[sflag:s22] =	ssyncadd.s32 $0xFFFFFF83;
	s24 =	smov.u32 s28;
	s25 =	sadd.s32 $0x1000, s28  }
0xab: {  	[spmem:s2] =	stream.indirect.scatter.add.f32 [tilespmem:s20], [sflag:$0x1], $0x1, s26, s19, $0xb8;
	[tilespmem:$0x57F0] =	vst v63  }
0xac: {  	p1 =	sne.s32 s28, $0x9000;
	s28 =	sadd.s32 $0x2800, s26  }
0xad: {  	[spmem:s3] =	stream.indirect.scatter.add.f32 [tilespmem:s20], [sflag:$0x2], $0x1, s28, s19, $0xb8;
	[tilespmem:$0x57F0] =	vst v63  }
0xae: {  	s28 =	sadd.s32 $0x80, s26  }
0xaf: {  	[spmem:s2] =	stream.indirect.scatter.add.f32 [tilespmem:s20], [sflag:$0x1], $0x1, s28, s19, $0xb8;
	[tilespmem:$0x57F0] =	vst v63  }
0xb0: {  	s28 =	sadd.s32 $0x2880, s26  }
0xb1: {  	[spmem:s3] =	stream.indirect.scatter.add.f32 [tilespmem:s20], [sflag:$0x2], $0x1, s28, s19, $0xb8;
	[tilespmem:$0x57F0] =	vst v63  }
0xb2: {  	s28 =	sadd.s32 $0x100, s26  }
0xb3: {  	[spmem:s2] =	stream.indirect.scatter.add.f32 [tilespmem:s20], [sflag:$0x1], $0x1, s28, s19, $0xb8;
	[tilespmem:$0x57F0] =	vst v63  }
0xb4: {  	s28 =	sadd.s32 $0x2900, s26  }
0xb5: {  	[spmem:s3] =	stream.indirect.scatter.add.f32 [tilespmem:s20], [sflag:$0x2], $0x1, s28, s19, $0xb8;
	[tilespmem:$0x57F0] =	vst v63  }
0xb6: {  	s28 =	sadd.s32 $0x180, s26  }
0xb7: {  	[spmem:s2] =	stream.indirect.scatter.add.f32 [tilespmem:s20], [sflag:$0x1], $0x1, s28, s19, $0xb8;
	[tilespmem:$0x57F0] =	vst v63  }
0xb8: {  	s28 =	sadd.s32 $0x2980, s26  }
0xb9: {  	[spmem:s3] =	stream.indirect.scatter.add.f32 [tilespmem:s20], [sflag:$0x2], $0x1, s28, s19, $0xb8;
	[tilespmem:$0x57F0] =	vst v63  }
0xba: {  	s28 =	sadd.s32 $0x200, s26  }
0xbb: {  	[spmem:s2] =	stream.indirect.scatter.add.f32 [tilespmem:s20], [sflag:$0x1], $0x1, s28, s19, $0xb8;
	[tilespmem:$0x57F0] =	vst v63  }
0xbc: {  	s28 =	sadd.s32 $0x2A00, s26  }
0xbd: {  	[spmem:s3] =	stream.indirect.scatter.add.f32 [tilespmem:s20], [sflag:$0x2], $0x1, s28, s19, $0xb8;
	[tilespmem:$0x57F0] =	vst v63  }
0xbe: {  	s28 =	sadd.s32 $0x280, s26  }
0xbf: {  	[spmem:s2] =	stream.indirect.scatter.add.f32 [tilespmem:s20], [sflag:$0x1], $0x1, s28, s19, $0xb8;
	[tilespmem:$0x57F0] =	vst v63  }
0xc0: {  	s28 =	sadd.s32 $0x2A80, s26  }
0xc1: {  	[spmem:s3] =	stream.indirect.scatter.add.f32 [tilespmem:s20], [sflag:$0x2], $0x1, s28, s19, $0xb8;
	[tilespmem:$0x57F0] =	vst v63  }
0xc2: {  	s28 =	sadd.s32 $0x300, s26  }
0xc3: {  	[spmem:s2] =	stream.indirect.scatter.add.f32 [tilespmem:s20], [sflag:$0x1], $0x1, s28, s19, $0xb8;
	[tilespmem:$0x57F0] =	vst v63  }
0xc4: {  	s28 =	sadd.s32 $0x2B00, s26  }
0xc5: {  	[spmem:s3] =	stream.indirect.scatter.add.f32 [tilespmem:s20], [sflag:$0x2], $0x1, s28, s19, $0xb8;
	[tilespmem:$0x57F0] =	vst v63  }
0xc6: {  	s28 =	sadd.s32 $0x380, s26  }
0xc7: {  	[spmem:s2] =	stream.indirect.scatter.add.f32 [tilespmem:s20], [sflag:$0x1], $0x1, s28, s19, $0xb8;
	[tilespmem:$0x57F0] =	vst v63  }
0xc8: {  	s26 =	sadd.s32 $0x2B80, s26  }
0xc9: {  	[spmem:s3] =	stream.indirect.scatter.add.f32 [tilespmem:s20], [sflag:$0x2], $0x1, s26, s19, $0xb8;
	[tilespmem:$0x57F0] =	vst v63  }
0xca: {  	_ =	swait.ge [sflag:s21], $0x7D  }
0xcb: {  	[sflag:s21] =	ssyncset.done $0x0  }
0xcc: {  	[sflag:s21] =	ssyncadd.s32 $0xFFFFFF83  }
0xcd: {  	_ =	swait.ge [sflag:s22], $0x7D  }
0xce: {  	[sflag:s22] =	ssyncset.done $0x0  }
0xcf: {  	[sflag:s22] =	ssyncadd.s32 $0xFFFFFF83  }
0xd0: {  	_ =	swait.ge [sflag:s21], $0x7D  }
0xd1: {  	[sflag:s21] =	ssyncset.done $0x0  }
0xd2: {  	[sflag:s21] =	ssyncadd.s32 $0xFFFFFF83  }
0xd3: {  	_ =	swait.ge [sflag:s22], $0x7D  }
0xd4: {  	[sflag:s22] =	ssyncset.done $0x0  }
0xd5: {  	[sflag:s22] =	ssyncadd.s32 $0xFFFFFF83  }
0xd6: {  	_ =	swait.ge [sflag:s21], $0x7D  }
0xd7: {  	[sflag:s21] =	ssyncset.done $0x0  }
0xd8: {  	[sflag:s21] =	ssyncadd.s32 $0xFFFFFF83  }
0xd9: {  	_ =	swait.ge [sflag:s22], $0x7D  }
0xda: {  	[sflag:s22] =	ssyncset.done $0x0  }
0xdb: {  	[sflag:s22] =	ssyncadd.s32 $0xFFFFFF83  }
0xdc: {  	_ =	swait.ge [sflag:s21], $0x7D  }
0xdd: {  	[sflag:s21] =	ssyncset.done $0x0  }
0xde: {  	[sflag:s21] =	ssyncadd.s32 $0xFFFFFF83  }
0xdf: {  	_ =	swait.ge [sflag:s22], $0x7D  }
0xe0: {  	[sflag:s22] =	ssyncset.done $0x0  }
0xe1: {  	[sflag:s22] =	ssyncadd.s32 $0xFFFFFF83  }
0xe2: {  	_ =	swait.ge [sflag:s21], $0x7D  }
0xe3: {  	[sflag:s21] =	ssyncset.done $0x0  }
0xe4: {  	[sflag:s21] =	ssyncadd.s32 $0xFFFFFF83  }
0xe5: {  	_ =	swait.ge [sflag:s22], $0x7D  }
0xe6: {  	[sflag:s22] =	ssyncset.done $0x0  }
0xe7: {  	[sflag:s22] =	ssyncadd.s32 $0xFFFFFF83  }
0xe8: {  	_ =	swait.ge [sflag:s21], $0x7D  }
0xe9: {  	[sflag:s21] =	ssyncset.done $0x0  }
0xea: {  	[sflag:s21] =	ssyncadd.s32 $0xFFFFFF83  }
0xeb: {  	_ =	swait.ge [sflag:s22], $0x7D  }
0xec: {  	[sflag:s22] =	ssyncset.done $0x0  }
0xed: {  	[sflag:s22] =	ssyncadd.s32 $0xFFFFFF83  }
0xee: {  	_ =	swait.ge [sflag:s21], $0x7D  }
0xef: {  	[sflag:s21] =	ssyncset.done $0x0  }
0xf0: {  	[sflag:s21] =	ssyncadd.s32 $0xFFFFFF83  }
0xf1: {  	_ =	swait.ge [sflag:s22], $0x7D  }
0xf2: {  	[sflag:s22] =	ssyncset.done $0x0  }
0xf3: {  	[sflag:s22] =	ssyncadd.s32 $0xFFFFFF83  }
.Ltmp0:
0xf4: {  	_ =	swait.ge [sflag:s21], $0x7D;
	(pc) =	sbr.rel @p1 .LBB2_2-.Ltmp0, $4  }
0xf5: {  	[sflag:s21] =	ssyncset.done $0x0  }
0xf6: {  	[sflag:s21] =	ssyncadd.s32 $0xFFFFFF83  }
0xf7: {  	_ =	swait.ge [sflag:s22], $0x7D  }
0xf8: {  	s28 =	smov.u32 s25;
	[sflag:s22] =	ssyncset.done $0x0  }
0xf9: {  	s24 =	sshra.s32 s24, $0x2;
	[sflag:s22] =	ssyncadd.s32 $0xFFFFFF83  }
0xfa: {  	[spmem:s2] =	stream.indirect.scatter.add.f32 [tilespmem:s20], [sflag:$0x1], $0x1, s24, s19, $0xb8;
	[tilespmem:$0x57F0] =	vst v63  }
0xfb: {  	s25 =	sadd.s32 $0x2800, s24  }
0xfc: {  	[spmem:s3] =	stream.indirect.scatter.add.f32 [tilespmem:s20], [sflag:$0x2], $0x1, s25, s19, $0xb8;
	[tilespmem:$0x57F0] =	vst v63  }
0xfd: {  	s29 =	sadd.s32 $0x80, s24  }
0xfe: {  	[spmem:s2] =	stream.indirect.scatter.add.f32 [tilespmem:s20], [sflag:$0x1], $0x1, s29, s19, $0xb8;
	[tilespmem:$0x57F0] =	vst v63  }
0xff: {  	s30 =	sadd.s32 $0x2880, s24  }
0x100: {  	[spmem:s3] =	stream.indirect.scatter.add.f32 [tilespmem:s20], [sflag:$0x2], $0x1, s30, s19, $0xb8;
	[tilespmem:$0x57F0] =	vst v63  }
0x101: {  	s31 =	sadd.s32 $0x100, s24  }
0x102: {  	[spmem:s2] =	stream.indirect.scatter.add.f32 [tilespmem:s20], [sflag:$0x1], $0x1, s31, s19, $0xb8;
	[tilespmem:$0x57F0] =	vst v63  }
0x103: {  	s26 =	sadd.s32 $0x2900, s24  }
0x104: {  	[spmem:s3] =	stream.indirect.scatter.add.f32 [tilespmem:s20], [sflag:$0x2], $0x1, s26, s19, $0xb8;
	[tilespmem:$0x57F0] =	vst v63  }
0x105: {  	s28 =	sadd.s32 $0x180, s24  }
0x106: {  	[spmem:s2] =	stream.indirect.scatter.add.f32 [tilespmem:s20], [sflag:$0x1], $0x1, s28, s19, $0xb8;
	[tilespmem:$0x57F0] =	vst v63  }
0x107: {  	s29 =	sadd.s32 $0x2980, s24  }
0x108: {  	[spmem:s3] =	stream.indirect.scatter.add.f32 [tilespmem:s20], [sflag:$0x2], $0x1, s29, s19, $0xb8;
	[tilespmem:$0x57F0] =	vst v63  }
0x109: {  	s30 =	sadd.s32 $0x200, s24  }
0x10a: {  	[spmem:s2] =	stream.indirect.scatter.add.f32 [tilespmem:s20], [sflag:$0x1], $0x1, s30, s19, $0xb8;
	[tilespmem:$0x57F0] =	vst v63  }
0x10b: {  	s31 =	sadd.s32 $0x2A00, s24  }
0x10c: {  	[spmem:s3] =	stream.indirect.scatter.add.f32 [tilespmem:s20], [sflag:$0x2], $0x1, s31, s19, $0xb8;
	[tilespmem:$0x57F0] =	vst v63  }
0x10d: {  	s26 =	sadd.s32 $0x280, s24  }
0x10e: {  	[spmem:s2] =	stream.indirect.scatter.add.f32 [tilespmem:s20], [sflag:$0x1], $0x1, s26, s19, $0xb8;
	[tilespmem:$0x57F0] =	vst v63  }
0x10f: {  	s28 =	sadd.s32 $0x2A80, s24  }
0x110: {  	[spmem:s3] =	stream.indirect.scatter.add.f32 [tilespmem:s20], [sflag:$0x2], $0x1, s28, s19, $0xb8;
	[tilespmem:$0x57F0] =	vst v63  }
0x111: {  	s29 =	sadd.s32 $0x300, s24  }
0x112: {  	[spmem:s2] =	stream.indirect.scatter.add.f32 [tilespmem:s20], [sflag:$0x1], $0x1, s29, s19, $0xb8;
	[tilespmem:$0x57F0] =	vst v63  }
0x113: {  	s30 =	sadd.s32 $0x2B00, s24  }
0x114: {  	[spmem:s3] =	stream.indirect.scatter.add.f32 [tilespmem:s20], [sflag:$0x2], $0x1, s30, s19, $0xb8;
	[tilespmem:$0x57F0] =	vst v63  }
0x115: {  	s31 =	sadd.s32 $0x380, s24  }
0x116: {  	[spmem:s2] =	stream.indirect.scatter.add.f32 [tilespmem:s20], [sflag:$0x1], $0x1, s31, s19, $0xb8;
	[tilespmem:$0x57F0] =	vst v63  }
0x117: {  	s24 =	sadd.s32 $0x2B80, s24  }
0x118: {  	[spmem:s3] =	stream.indirect.scatter.add.f32 [tilespmem:s20], [sflag:$0x2], $0x1, s24, s19, $0xb8;
	[tilespmem:$0x57F0] =	vst v63  }
0x119: {  	_ =	swait.ge [sflag:s21], $0x7D  }
0x11a: {  	[sflag:s21] =	ssyncset.done $0x0  }
0x11b: {  	[sflag:s21] =	ssyncadd.s32 $0xFFFFFF83  }
0x11c: {  	_ =	swait.ge [sflag:s22], $0x7D  }
0x11d: {  	[sflag:s22] =	ssyncset.done $0x0  }
0x11e: {  	[sflag:s22] =	ssyncadd.s32 $0xFFFFFF83  }
0x11f: {  	_ =	swait.ge [sflag:s21], $0x7D  }
0x120: {  	[sflag:s21] =	ssyncset.done $0x0  }
0x121: {  	[sflag:s21] =	ssyncadd.s32 $0xFFFFFF83  }
0x122: {  	_ =	swait.ge [sflag:s22], $0x7D  }
0x123: {  	[sflag:s22] =	ssyncset.done $0x0  }
0x124: {  	[sflag:s22] =	ssyncadd.s32 $0xFFFFFF83  }
0x125: {  	_ =	swait.ge [sflag:s21], $0x7D  }
0x126: {  	[sflag:s21] =	ssyncset.done $0x0  }
0x127: {  	[sflag:s21] =	ssyncadd.s32 $0xFFFFFF83  }
0x128: {  	_ =	swait.ge [sflag:s22], $0x7D  }
0x129: {  	[sflag:s22] =	ssyncset.done $0x0  }
0x12a: {  	[sflag:s22] =	ssyncadd.s32 $0xFFFFFF83  }
0x12b: {  	_ =	swait.ge [sflag:s21], $0x7D  }
0x12c: {  	[sflag:s21] =	ssyncset.done $0x0  }
0x12d: {  	[sflag:s21] =	ssyncadd.s32 $0xFFFFFF83  }
0x12e: {  	_ =	swait.ge [sflag:s22], $0x7D  }
0x12f: {  	[sflag:s22] =	ssyncset.done $0x0  }
0x130: {  	[sflag:s22] =	ssyncadd.s32 $0xFFFFFF83  }
0x131: {  	_ =	swait.ge [sflag:s21], $0x7D  }
0x132: {  	[sflag:s21] =	ssyncset.done $0x0  }
0x133: {  	[sflag:s21] =	ssyncadd.s32 $0xFFFFFF83  }
0x134: {  	_ =	swait.ge [sflag:s22], $0x7D  }
0x135: {  	[sflag:s22] =	ssyncset.done $0x0  }
0x136: {  	[sflag:s22] =	ssyncadd.s32 $0xFFFFFF83  }
0x137: {  	_ =	swait.ge [sflag:s21], $0x7D  }
0x138: {  	[sflag:s21] =	ssyncset.done $0x0  }
0x139: {  	[sflag:s21] =	ssyncadd.s32 $0xFFFFFF83  }
0x13a: {  	_ =	swait.ge [sflag:s22], $0x7D  }
0x13b: {  	[sflag:s22] =	ssyncset.done $0x0  }
0x13c: {  	[sflag:s22] =	ssyncadd.s32 $0xFFFFFF83  }
0x13d: {  	_ =	swait.ge [sflag:s21], $0x7D  }
0x13e: {  	[sflag:s21] =	ssyncset.done $0x0  }
0x13f: {  	[sflag:s21] =	ssyncadd.s32 $0xFFFFFF83  }
0x140: {  	_ =	swait.ge [sflag:s22], $0x7D  }
0x141: {  	[sflag:s22] =	ssyncset.done $0x0  }
0x142: {  	[sflag:s22] =	ssyncadd.s32 $0xFFFFFF83  }
0x143: {  	_ =	swait.ge [sflag:s21], $0x7D  }
0x144: {  	[sflag:s21] =	ssyncset.done $0x0  }
0x145: {  	[sflag:s21] =	ssyncadd.s32 $0xFFFFFF83  }
0x146: {  	_ =	swait.ge [sflag:s22], $0x7D  }
0x147: {  	[sflag:s22] =	ssyncset.done $0x0  }
0x148: {  	[sflag:s22] =	ssyncadd.s32 $0xFFFFFF83  }
0x149: {  	[bflag:$0x0] =	sbarrier.arrive $0xFFFF  }
0x14a: {  	[tilespmem:s16], [sflag:$0x3] =	stream.linear.gather [spmem:s5], $0x270, $0x38;
	[tilespmem:$0x57F0] =	vst v63  }
0x14b: {  	_ =	swait.ge [sflag:s17], $0x270  }
0x14c: {  	[sflag:s17] =	ssyncset.done $0x0  }
0x14d: {  	[sflag:s17] =	ssyncadd.s32 $0xFFFFFD90  }
0x14e: {  	[hbm4b:s11+s4] =	stream.linear.scatter [tilespmem:s16], [sflag:$0x3], $0x270, $0x38;
	[tilespmem:$0x57F0] =	vst v63  }
0x14f: {  	_ =	swait.ge [sflag:s17], $0x270  }
0x150: {  	[sflag:s17] =	ssyncset.done $0x0  }
0x151: {  	[sflag:s17] =	ssyncadd.s32 $0xFFFFFD90  }
0x152: {  	[tilespmem:s16], [sflag:$0x3] =	stream.linear.gather [spmem:s6], $0x270, $0x38;
	[tilespmem:$0x57F0] =	vst v63  }
0x153: {  	_ =	swait.ge [sflag:s17], $0x270  }
0x154: {  	[sflag:s17] =	ssyncset.done $0x0  }
0x155: {  	[sflag:s17] =	ssyncadd.s32 $0xFFFFFD90  }
0x156: {  	[hbm4b:s12+s4] =	stream.linear.scatter [tilespmem:s16], [sflag:$0x3], $0x270, $0x38;
	[tilespmem:$0x57F0] =	vst v63  }
0x157: {  	_ =	swait.ge [sflag:s17], $0x270  }
0x158: {  	[sflag:s17] =	ssyncset.done $0x0  }
0x159: {  	s25 =	simm.s32 @!p0 $0x3;
	s24 =	simm.s32 @!p0 $0x5080;
	[sflag:s17] =	ssyncadd.s32 $0xFFFFFD90  }
0x15a: {  	[tilespmem:s24], [sflag:$0x3] =	stream.linear.gather @!p0 [spmem:s7], $0x10, $0x38;
	[tilespmem:$0x57F0] =	vst v63  }
0x15b: {  	_ =	swait.ge @!p0 [sflag:s25], $0x10  }
0x15c: {  	[sflag:s25] =	ssyncset.done @!p0 $0x0  }
0x15d: {  	s26 =	simm.s32 @!p0 $0x0;
	[sflag:s25] =	ssyncadd.s32 @!p0 $0xFFFFFFF0  }
0x15e: {  	[hbm4b:s13+s26] =	stream.linear.scatter @!p0 [tilespmem:s24], [sflag:$0x3], $0x10, $0x38;
	[tilespmem:$0x57F0] =	vst v63  }
0x15f: {  	_ =	swait.ge @!p0 [sflag:s25], $0x10  }
0x160: {  	[sflag:s25] =	ssyncset.done @!p0 $0x0  }
0x161: {  	[sflag:s25] =	ssyncadd.s32 @!p0 $0xFFFFFFF0  }
0x162: {  	[tilespmem:s24], [sflag:$0x3] =	stream.linear.gather @!p0 [spmem:s8], $0x10, $0x38;
	[tilespmem:$0x57F0] =	vst v63  }
0x163: {  	s23 =	sadd.s32 $0x1, s23;
	_ =	swait.ge @!p0 [sflag:s25], $0x10  }
0x164: {  	p1 =	sne.s32 s23, s15;
	[sflag:s25] =	ssyncset.done @!p0 $0x0  }
.Ltmp1:
0x165: {  	[sflag:s25] =	ssyncadd.s32 @!p0 $0xFFFFFFF0;
	(pc) =	sbr.rel @p1 .LBB2_1-.Ltmp1, $4  }
0x166: {  	[hbm4b:s14+s26] =	stream.linear.scatter @!p0 [tilespmem:s24], [sflag:$0x3], $0x10, $0x38;
	[tilespmem:$0x57F0] =	vst v63  }
0x167: {  	_ =	swait.ge @!p0 [sflag:s25], $0x10  }
0x168: {  	[sflag:s25] =	ssyncset.done @!p0 $0x0  }
0x169: {  	[sflag:s25] =	ssyncadd.s32 @!p0 $0xFFFFFFF0  }
0x16a: {  	_ =	sfence.sel $0x180000  }
0x16b: {  	[bflag:$0x0] =	sbarrier.arrive $0xFFFF  }
0x16c: {  	p0 =	sne.s32 s0, $0x0;
	_ =	strace $0x90000047  }
0x16d: {  	s0 =	sadd.s32 @!p0 $0x100000, s1;
	[bflag:$0x2] =	sbarrier.arrive $0xFFFF  }
0x16e: {  	[sflag:s0] =	ssyncadd.tile.s32 @!p0 $0x1;
	_ =	shalt  }
.Lfunc_end2:
_tile_overlayer_lowered:
.L_overlay_start_2:
0x16f: {  	(tag) =	ssettag $0x2  }
0x170: {  	s0 =	rddreg [dreg:$0x0];
	s2 =	stileid.u32  }
0x171: {  	s1 =	rddreg [dreg:$0x1];
	p0 =	sne.s32 s2, $0x0  }
0x172: {  	s3 =	rddreg [dreg:$0x2];
	[bflag:$0x3] =	sbarrier.arrive $0xFFFF;
	s2 =	simm.s32 @!p0 $0x1C03  }
0x173: {  	[timem:s3], [sflag:s2] =	dma.local @!p0 [hbm:s0], s1  }
0x174: {  	s0 =	simm.s32 @!p0 $0x3  }
0x175: {  	_ =	swait.ge @!p0 [sflag:s0], s1  }
0x176: {  	s1 =	ssub.s32 @!p0 $0x0, s1;
	[sflag:s0] =	ssyncset.done @!p0 $0x0  }
0x177: {  	[sflag:s0] =	ssyncadd.s32 @!p0 s1  }
0x178: {  	[bflag:$0x3] =	sbarrier.arrive $0xFFFF  }
0x179: {  	_ =	shalt  }

</sc_bundles>
